<compile_context>
chip_gen: v7x
topology: tpu7x:2x2x1
jax: 0.10.2.dev20260603
libtpu: 0.0.44.dev20260713+nightly
codegen_flags: <defaults>
</compile_context>

<pallas_src>
import functools

import jax
import jax.numpy as jnp
from jax import lax
from jax.experimental import pallas as pl
from jax.experimental.pallas import tpu as pltpu
from jax.experimental.pallas import tpu_sc as plsc

_B = 16384
_SES = 64
_RES = 128
_NC = 2
_NS = 16
_NW = _NC * _NS
_BPW = _B // _NW
_C = 16
_NR = _BPW // _C
_NB = 4
_L = 16

_C3 = -1.0 / 6.0
_C5 = 1.0 / 120.0
_C7 = -1.0 / 5040.0
_C9 = 1.0 / 362880.0

_DN = lax.GatherDimensionNumbers(
    offset_dims=(), collapsed_slice_dims=(0,), start_index_map=(0,))


def _bcast_lane(vec, jj):
    return lax.gather(vec, jj[:, None], _DN, slice_sizes=(1,),
                      mode=lax.GatherScatterMode.PROMISE_IN_BOUNDS)


def _hsum(x):
    lanes = lax.iota(jnp.int32, _L)
    for sh in (8, 4, 2, 1):
        x = x + _bcast_lane(x, lanes ^ sh)
    return x


def _sin(x):
    x2 = x * x
    p = _C9 * x2 + _C7
    p = p * x2 + _C5
    p = p * x2 + _C3
    p = p * x2 + 1.0
    return p * x


def _body(s_ref, o_ref, r_ref, d_ref, h_ref,
          e_ref, re_ref, fpd_ref, fph_ref, amp_ref,
          out_ref,
          sidx, oidx, ridx, dsv, hsv, outv,
          rings, revs, sems):
    wid = lax.axis_index("s") * _NC + lax.axis_index("c")
    base = wid * _BPW

    pltpu.sync_copy(s_ref.at[pl.ds(base, _BPW)], sidx)
    pltpu.sync_copy(o_ref.at[pl.ds(base, _BPW)], oidx)
    pltpu.sync_copy(r_ref.at[pl.ds(base, _BPW)], ridx)
    pltpu.sync_copy(d_ref.at[pl.ds(base, _BPW)], dsv)
    pltpu.sync_copy(h_ref.at[pl.ds(base, _BPW)], hsv)
    lanes = lax.iota(jnp.int32, _L)

    gathers = ((e_ref, 0), (e_ref, 1), (fpd_ref, 0), (fpd_ref, 1),
               (fph_ref, 0), (fph_ref, 1), (amp_ref, 0), (amp_ref, 1))

    def fire(c, b):
        isl = pl.ds(c * _C, _C)
        for k, (tab, oi) in enumerate(gathers):
            idx = oidx if oi else sidx
            pltpu.async_copy(tab.at[idx.at[isl]], rings[b][k], sems[b])
        pltpu.async_copy(re_ref.at[ridx.at[isl]], revs[b], sems[b])

    def wait(b):
        z = pl.ds(0, _C)
        for k, (tab, _) in enumerate(gathers):
            pltpu.make_async_copy(tab.at[sidx.at[z]], rings[b][k], sems[b]).wait()
        pltpu.make_async_copy(re_ref.at[ridx.at[z]], revs[b], sems[b]).wait()

    def compute(c, b):
        es, eo, fpds, fpdo, fphs, fpho, amps, ampo = rings[b]
        rev = revs[b]
        gb = c * _C
        dvec = dsv[pl.ds(gb, _L)]
        hvec = hsv[pl.ds(gb, _L)]

        def item(j, svec):
            jj = jnp.full((_L,), j, dtype=jnp.int32)
            dv = _bcast_lane(dvec, jj)
            hv = _bcast_lane(hvec, jj)
            acc = jnp.zeros((_L,), jnp.float32)
            for g in range(_SES // _L):
                sl = pl.ds(g * _L, _L)
                sl2 = pl.ds(_SES + g * _L, _L)
                ts = (amps[j, sl] * _sin(dv * fpds[j, sl] + fpds[j, sl2])
                      + amps[j, sl2] * _sin(hv * fphs[j, sl] + fphs[j, sl2]))
                to = (ampo[j, sl] * _sin(dv * fpdo[j, sl] + fpdo[j, sl2])
                      + ampo[j, sl2] * _sin(hv * fpho[j, sl] + fpho[j, sl2]))
                acc = acc + jnp.abs(es[j, sl] + rev[j, sl] - eo[j, sl])
                acc = acc + jnp.abs(ts + rev[j, sl2] - to)
            return jnp.where(lanes == j, -_hsum(acc), svec)

        svec = lax.fori_loop(0, _L, item, jnp.zeros((_L,), jnp.float32))
        outv[pl.ds(gb, _L)] = svec

    fire(0, 0)
    fire(1, 1)

    def quad(k, _):
        for m in range(_NB):
            r = _NB * k + m
            wait(m)

            @pl.when(r + 2 < _NR)
            def _(m=m, r=r):
                fire(r + 2, (m + 2) % _NB)

            compute(r, m)
        return 0

    lax.fori_loop(0, _NR // _NB, quad, 0)

    pltpu.sync_copy(outv, out_ref.at[pl.ds(base, _BPW)])


def kernel(s, o, r, t, e_embed, r_embed, d_frq, h_frq, d_phi, h_phi, d_amp, h_amp):
    tf = t.astype(jnp.float32)
    d, h = tf[:, 0], tf[:, 1]
    fpd = jnp.concatenate([d_frq, d_phi], axis=1)
    fph = jnp.concatenate([h_frq, h_phi], axis=1)
    amp = jnp.concatenate([d_amp, h_amp], axis=1)
    mesh = plsc.VectorSubcoreMesh(core_axis_name="c", subcore_axis_name="s")
    ring = ([pltpu.VMEM((_C, _SES), jnp.float32)] * 2
            + [pltpu.VMEM((_C, _RES), jnp.float32)] * 6)
    scratch = (
        [pltpu.VMEM((_BPW,), jnp.int32)] * 3
        + [pltpu.VMEM((_BPW,), jnp.float32)] * 2
        + [pltpu.VMEM((_BPW,), jnp.float32)]
        + [[ring] * _NB]
        + [[pltpu.VMEM((_C, _RES), jnp.float32)] * _NB]
        + [[pltpu.SemaphoreType.DMA] * _NB]
    )
    f = pl.kernel(
        _body,
        out_type=jax.ShapeDtypeStruct((_B,), jnp.float32),
        mesh=mesh,
        scratch_types=scratch,
        compiler_params=pltpu.CompilerParams(use_tc_tiling_on_sc=False),
    )
    return f(s, o, r, d, h, e_embed, r_embed, fpd, fph, amp)

# --- scband reference (transcript-rebuilt; emitter-appended) ---
"""Pipeline reference for scband-abstract-de-59047210386047 (READ-ONLY COPY).

The authoritative reference and input builder live on the scoring server;
editing this copy changes nothing except your own understanding.
"""

import jax, jax.numpy as jnp
import numpy as np

E_CNT = 100000
R_CNT = 500
B = 16384
EMBED = 128
S_ES = 64   # int(128 * 0.5), static entity embedding size
T_ES = 64   # 128 - 64, temporal embedding size
R_ES = 128  # relation embedding size


def _xavier_uniform(key, shape):
    fan_in, fan_out = shape[0], shape[1]
    limit = float(np.sqrt(6.0 / (fan_in + fan_out)))
    return jax.random.uniform(key, shape, dtype=jnp.float32, minval=-limit, maxval=limit)


def setup_inputs(seed: int = 0) -> dict:
    key = jax.random.key(seed)
    ks = jax.random.split(key, 12)
    s = jax.random.randint(ks[0], (B,), 0, E_CNT, dtype=jnp.int32)
    o = jax.random.randint(ks[1], (B,), 0, E_CNT, dtype=jnp.int32)
    r = jax.random.randint(ks[2], (B,), 0, R_CNT, dtype=jnp.int32)
    t = jax.random.randint(ks[3], (B, 2), 0, 32, dtype=jnp.int32)
    e_embed = _xavier_uniform(ks[4], (E_CNT, S_ES))
    r_embed = _xavier_uniform(ks[5], (R_CNT, R_ES))
    d_frq = _xavier_uniform(ks[6], (E_CNT, T_ES))
    h_frq = _xavier_uniform(ks[7], (E_CNT, T_ES))
    d_phi = _xavier_uniform(ks[8], (E_CNT, T_ES))
    h_phi = _xavier_uniform(ks[9], (E_CNT, T_ES))
    d_amp = _xavier_uniform(ks[10], (E_CNT, T_ES))
    h_amp = _xavier_uniform(ks[11], (E_CNT, T_ES))
    return {"s": s, "o": o, "r": r, "t": t,
            "e_embed": e_embed, "r_embed": r_embed,
            "d_frq": d_frq, "h_frq": h_frq,
            "d_phi": d_phi, "h_phi": h_phi,
            "d_amp": d_amp, "h_amp": h_amp}


def reference(s, o, r, t, e_embed, r_embed, d_frq, h_frq, d_phi, h_phi, d_amp, h_amp):
    d = t[:, 0].astype(jnp.float32)
    h = t[:, 1].astype(jnp.float32)

    def _t_embed(e):
        _d = jnp.take(d_amp, e, axis=0) * jnp.sin(
            d[:, None] * jnp.take(d_frq, e, axis=0) + jnp.take(d_phi, e, axis=0))
        _h = jnp.take(h_amp, e, axis=0) * jnp.sin(
            h[:, None] * jnp.take(h_frq, e, axis=0) + jnp.take(h_phi, e, axis=0))
        return _d + _h

    s_e = jnp.take(e_embed, s, axis=0)
    o_e = jnp.take(e_embed, o, axis=0)
    r_e = jnp.take(r_embed, r, axis=0)
    t_s = _t_embed(s)
    t_o = _t_embed(o)
    # double_entity_embedding_size = False path
    s_t = jnp.concatenate((s_e, t_s), axis=1)
    o_t = jnp.concatenate((o_e, t_o), axis=1)
    # _score: abstract in AbstractDE; concrete subclasses are TransE-style
    # (args.l1 flag). Implemented as L1 translational distance score.
    score = -jnp.sum(jnp.abs(s_t + r_e - o_t), axis=1)
    return score

if __name__ == "__main__":
    import jax
    _d = setup_inputs()
    print(jax.jit(kernel)(*tuple(_d.values())))

</pallas_src>

<mosaic_0001>
#map = affine_map<(d0, d1) -> (0)>
#map1 = affine_map<(d0, d1) -> (0, 0)>
module attributes {stable_mosaic.version = 14 : i64} {
  func.func @_body(%arg0: i32, %arg1: i32, %arg2: memref<16384xi32, #tpu.memory_space<hbm>>, %arg3: memref<16384xi32, #tpu.memory_space<hbm>>, %arg4: memref<16384xi32, #tpu.memory_space<hbm>>, %arg5: memref<16384xf32, #tpu.memory_space<hbm>>, %arg6: memref<16384xf32, #tpu.memory_space<hbm>>, %arg7: memref<100000x64xf32, #tpu.memory_space<hbm>>, %arg8: memref<500x128xf32, #tpu.memory_space<hbm>>, %arg9: memref<100000x128xf32, #tpu.memory_space<hbm>>, %arg10: memref<100000x128xf32, #tpu.memory_space<hbm>>, %arg11: memref<100000x128xf32, #tpu.memory_space<hbm>>, %arg12: memref<16384xf32, #tpu.memory_space<hbm>>, %arg13: memref<512xi32, #tpu.memory_space<vmem>>, %arg14: memref<512xi32, #tpu.memory_space<vmem>>, %arg15: memref<512xi32, #tpu.memory_space<vmem>>, %arg16: memref<512xf32, #tpu.memory_space<vmem>>, %arg17: memref<512xf32, #tpu.memory_space<vmem>>, %arg18: memref<512xf32, #tpu.memory_space<vmem>>, %arg19: memref<16x64xf32, #tpu.memory_space<vmem>>, %arg20: memref<16x64xf32, #tpu.memory_space<vmem>>, %arg21: memref<16x128xf32, #tpu.memory_space<vmem>>, %arg22: memref<16x128xf32, #tpu.memory_space<vmem>>, %arg23: memref<16x128xf32, #tpu.memory_space<vmem>>, %arg24: memref<16x128xf32, #tpu.memory_space<vmem>>, %arg25: memref<16x128xf32, #tpu.memory_space<vmem>>, %arg26: memref<16x128xf32, #tpu.memory_space<vmem>>, %arg27: memref<16x64xf32, #tpu.memory_space<vmem>>, %arg28: memref<16x64xf32, #tpu.memory_space<vmem>>, %arg29: memref<16x128xf32, #tpu.memory_space<vmem>>, %arg30: memref<16x128xf32, #tpu.memory_space<vmem>>, %arg31: memref<16x128xf32, #tpu.memory_space<vmem>>, %arg32: memref<16x128xf32, #tpu.memory_space<vmem>>, %arg33: memref<16x128xf32, #tpu.memory_space<vmem>>, %arg34: memref<16x128xf32, #tpu.memory_space<vmem>>, %arg35: memref<16x64xf32, #tpu.memory_space<vmem>>, %arg36: memref<16x64xf32, #tpu.memory_space<vmem>>, %arg37: memref<16x128xf32, #tpu.memory_space<vmem>>, %arg38: memref<16x128xf32, #tpu.memory_space<vmem>>, %arg39: memref<16x128xf32, #tpu.memory_space<vmem>>, %arg40: memref<16x128xf32, #tpu.memory_space<vmem>>, %arg41: memref<16x128xf32, #tpu.memory_space<vmem>>, %arg42: memref<16x128xf32, #tpu.memory_space<vmem>>, %arg43: memref<16x64xf32, #tpu.memory_space<vmem>>, %arg44: memref<16x64xf32, #tpu.memory_space<vmem>>, %arg45: memref<16x128xf32, #tpu.memory_space<vmem>>, %arg46: memref<16x128xf32, #tpu.memory_space<vmem>>, %arg47: memref<16x128xf32, #tpu.memory_space<vmem>>, %arg48: memref<16x128xf32, #tpu.memory_space<vmem>>, %arg49: memref<16x128xf32, #tpu.memory_space<vmem>>, %arg50: memref<16x128xf32, #tpu.memory_space<vmem>>, %arg51: memref<16x128xf32, #tpu.memory_space<vmem>>, %arg52: memref<16x128xf32, #tpu.memory_space<vmem>>, %arg53: memref<16x128xf32, #tpu.memory_space<vmem>>, %arg54: memref<16x128xf32, #tpu.memory_space<vmem>>, %arg55: memref<!tpu.dma_semaphore, #tpu.memory_space<semaphore_mem>>, %arg56: memref<!tpu.dma_semaphore, #tpu.memory_space<semaphore_mem>>, %arg57: memref<!tpu.dma_semaphore, #tpu.memory_space<semaphore_mem>>, %arg58: memref<!tpu.dma_semaphore, #tpu.memory_space<semaphore_mem>>) attributes {dimension_semantics = [#tpu.dimension_semantics<core_parallel>, #tpu.dimension_semantics<subcore_parallel>], iteration_bounds = array<i64: 2, 16>, scalar_prefetch = 0 : i64, scratch_operands = 46 : i64, tpu.core_type = #tpu.core_type<sc_vector_subcore>, window_params = [{transform_indices = #map}, {transform_indices = #map}, {transform_indices = #map}, {transform_indices = #map}, {transform_indices = #map}, {transform_indices = #map1}, {transform_indices = #map1}, {transform_indices = #map1}, {transform_indices = #map1}, {transform_indices = #map1}, {transform_indices = #map}]} {
    %mul3A = arith.constant 2 : i32
    %mul3A_0 = arith.muli %arg1, %mul3A : i32
    %add3A = arith.addi %mul3A_0, %arg0 : i32
    %mul3A_1 = arith.constant 512 : i32
    %mul3A_2 = arith.muli %add3A, %mul3A_1 : i32
    "tpu.region"() ({
      %run_scoped3A = tpu.sem_alloc : memref<!tpu.dma_semaphore, #tpu.memory_space<semaphore_mem>>
      %dma_start3A_98 = tpu.memref_slice %arg2[%mul3A_2] : memref<16384xi32, #tpu.memory_space<hbm>> -> memref<512xi32, #tpu.memory_space<hbm>>
      %dma_start3A_99 = tpu.memref_slice %arg2[%mul3A_2] : memref<16384xi32, #tpu.memory_space<hbm>> -> memref<512xi32, #tpu.memory_space<hbm>>
      tpu.enqueue_dma source(%dma_start3A_99 : memref<512xi32, #tpu.memory_space<hbm>>) target(%arg13 : memref<512xi32, #tpu.memory_space<vmem>>) target_semaphore(%run_scoped3A : memref<!tpu.dma_semaphore, #tpu.memory_space<semaphore_mem>>)
      %dma_wait3A = tpu.memref_slice %arg2[%mul3A_2] : memref<16384xi32, #tpu.memory_space<hbm>> -> memref<512xi32, #tpu.memory_space<hbm>>
      %dma_wait3A_100 = tpu.memref_slice %arg2[%mul3A_2] : memref<16384xi32, #tpu.memory_space<hbm>> -> memref<512xi32, #tpu.memory_space<hbm>>
      tpu.wait_dma2 semaphore(%run_scoped3A : memref<!tpu.dma_semaphore, #tpu.memory_space<semaphore_mem>>) src(%dma_wait3A_100 : memref<512xi32, #tpu.memory_space<hbm>>) dst(%arg13 : memref<512xi32, #tpu.memory_space<vmem>>)
      tpu.yield
    }) : () -> ()
    "tpu.region"() ({
      %run_scoped3A = tpu.sem_alloc : memref<!tpu.dma_semaphore, #tpu.memory_space<semaphore_mem>>
      %dma_start3A_98 = tpu.memref_slice %arg3[%mul3A_2] : memref<16384xi32, #tpu.memory_space<hbm>> -> memref<512xi32, #tpu.memory_space<hbm>>
      %dma_start3A_99 = tpu.memref_slice %arg3[%mul3A_2] : memref<16384xi32, #tpu.memory_space<hbm>> -> memref<512xi32, #tpu.memory_space<hbm>>
      tpu.enqueue_dma source(%dma_start3A_99 : memref<512xi32, #tpu.memory_space<hbm>>) target(%arg14 : memref<512xi32, #tpu.memory_space<vmem>>) target_semaphore(%run_scoped3A : memref<!tpu.dma_semaphore, #tpu.memory_space<semaphore_mem>>)
      %dma_wait3A = tpu.memref_slice %arg3[%mul3A_2] : memref<16384xi32, #tpu.memory_space<hbm>> -> memref<512xi32, #tpu.memory_space<hbm>>
      %dma_wait3A_100 = tpu.memref_slice %arg3[%mul3A_2] : memref<16384xi32, #tpu.memory_space<hbm>> -> memref<512xi32, #tpu.memory_space<hbm>>
      tpu.wait_dma2 semaphore(%run_scoped3A : memref<!tpu.dma_semaphore, #tpu.memory_space<semaphore_mem>>) src(%dma_wait3A_100 : memref<512xi32, #tpu.memory_space<hbm>>) dst(%arg14 : memref<512xi32, #tpu.memory_space<vmem>>)
      tpu.yield
    }) : () -> ()
    "tpu.region"() ({
      %run_scoped3A = tpu.sem_alloc : memref<!tpu.dma_semaphore, #tpu.memory_space<semaphore_mem>>
      %dma_start3A_98 = tpu.memref_slice %arg4[%mul3A_2] : memref<16384xi32, #tpu.memory_space<hbm>> -> memref<512xi32, #tpu.memory_space<hbm>>
      %dma_start3A_99 = tpu.memref_slice %arg4[%mul3A_2] : memref<16384xi32, #tpu.memory_space<hbm>> -> memref<512xi32, #tpu.memory_space<hbm>>
      tpu.enqueue_dma source(%dma_start3A_99 : memref<512xi32, #tpu.memory_space<hbm>>) target(%arg15 : memref<512xi32, #tpu.memory_space<vmem>>) target_semaphore(%run_scoped3A : memref<!tpu.dma_semaphore, #tpu.memory_space<semaphore_mem>>)
      %dma_wait3A = tpu.memref_slice %arg4[%mul3A_2] : memref<16384xi32, #tpu.memory_space<hbm>> -> memref<512xi32, #tpu.memory_space<hbm>>
      %dma_wait3A_100 = tpu.memref_slice %arg4[%mul3A_2] : memref<16384xi32, #tpu.memory_space<hbm>> -> memref<512xi32, #tpu.memory_space<hbm>>
      tpu.wait_dma2 semaphore(%run_scoped3A : memref<!tpu.dma_semaphore, #tpu.memory_space<semaphore_mem>>) src(%dma_wait3A_100 : memref<512xi32, #tpu.memory_space<hbm>>) dst(%arg15 : memref<512xi32, #tpu.memory_space<vmem>>)
      tpu.yield
    }) : () -> ()
    "tpu.region"() ({
      %run_scoped3A = tpu.sem_alloc : memref<!tpu.dma_semaphore, #tpu.memory_space<semaphore_mem>>
      %dma_start3A_98 = tpu.memref_slice %arg5[%mul3A_2] : memref<16384xf32, #tpu.memory_space<hbm>> -> memref<512xf32, #tpu.memory_space<hbm>>
      %dma_start3A_99 = tpu.memref_slice %arg5[%mul3A_2] : memref<16384xf32, #tpu.memory_space<hbm>> -> memref<512xf32, #tpu.memory_space<hbm>>
      tpu.enqueue_dma source(%dma_start3A_99 : memref<512xf32, #tpu.memory_space<hbm>>) target(%arg16 : memref<512xf32, #tpu.memory_space<vmem>>) target_semaphore(%run_scoped3A : memref<!tpu.dma_semaphore, #tpu.memory_space<semaphore_mem>>)
      %dma_wait3A = tpu.memref_slice %arg5[%mul3A_2] : memref<16384xf32, #tpu.memory_space<hbm>> -> memref<512xf32, #tpu.memory_space<hbm>>
      %dma_wait3A_100 = tpu.memref_slice %arg5[%mul3A_2] : memref<16384xf32, #tpu.memory_space<hbm>> -> memref<512xf32, #tpu.memory_space<hbm>>
      tpu.wait_dma2 semaphore(%run_scoped3A : memref<!tpu.dma_semaphore, #tpu.memory_space<semaphore_mem>>) src(%dma_wait3A_100 : memref<512xf32, #tpu.memory_space<hbm>>) dst(%arg16 : memref<512xf32, #tpu.memory_space<vmem>>)
      tpu.yield
    }) : () -> ()
    "tpu.region"() ({
      %run_scoped3A = tpu.sem_alloc : memref<!tpu.dma_semaphore, #tpu.memory_space<semaphore_mem>>
      %dma_start3A_98 = tpu.memref_slice %arg6[%mul3A_2] : memref<16384xf32, #tpu.memory_space<hbm>> -> memref<512xf32, #tpu.memory_space<hbm>>
      %dma_start3A_99 = tpu.memref_slice %arg6[%mul3A_2] : memref<16384xf32, #tpu.memory_space<hbm>> -> memref<512xf32, #tpu.memory_space<hbm>>
      tpu.enqueue_dma source(%dma_start3A_99 : memref<512xf32, #tpu.memory_space<hbm>>) target(%arg17 : memref<512xf32, #tpu.memory_space<vmem>>) target_semaphore(%run_scoped3A : memref<!tpu.dma_semaphore, #tpu.memory_space<semaphore_mem>>)
      %dma_wait3A = tpu.memref_slice %arg6[%mul3A_2] : memref<16384xf32, #tpu.memory_space<hbm>> -> memref<512xf32, #tpu.memory_space<hbm>>
      %dma_wait3A_100 = tpu.memref_slice %arg6[%mul3A_2] : memref<16384xf32, #tpu.memory_space<hbm>> -> memref<512xf32, #tpu.memory_space<hbm>>
      tpu.wait_dma2 semaphore(%run_scoped3A : memref<!tpu.dma_semaphore, #tpu.memory_space<semaphore_mem>>) src(%dma_wait3A_100 : memref<512xf32, #tpu.memory_space<hbm>>) dst(%arg17 : memref<512xf32, #tpu.memory_space<vmem>>)
      tpu.yield
    }) : () -> ()
    %iota3A = tpu.iota {dimensions = array<i32: 0>} : vector<16xi32>
    %dma_start3A = arith.constant 0 : i32
    %dma_start3A_3 = tpu.memref_slice %arg13[%dma_start3A] : memref<512xi32, #tpu.memory_space<vmem>> -> memref<16xi32, #tpu.memory_space<vmem>>
    %dma_start3A_4 = arith.constant 0 : i32
    %dma_start3A_5 = arith.constant 0 : i32
    %dma_start3A_6 = tpu.memref_slice %arg7[%dma_start3A_4, %dma_start3A_5] : memref<100000x64xf32, #tpu.memory_space<hbm>> -> memref<100000x64xf32, #tpu.memory_space<hbm>>
    tpu.enqueue_indirect_dma source(%dma_start3A_6 : memref<100000x64xf32, #tpu.memory_space<hbm>>) target(%arg19 : memref<16x64xf32, #tpu.memory_space<vmem>>) offsets(%dma_start3A_3 : memref<16xi32, #tpu.memory_space<vmem>>) semaphore(%arg55 : memref<!tpu.dma_semaphore, #tpu.memory_space<semaphore_mem>>)
    %dma_start3A_7 = arith.constant 0 : i32
    %dma_start3A_8 = tpu.memref_slice %arg14[%dma_start3A_7] : memref<512xi32, #tpu.memory_space<vmem>> -> memref<16xi32, #tpu.memory_space<vmem>>
    %dma_start3A_9 = arith.constant 0 : i32
    %dma_start3A_10 = arith.constant 0 : i32
    %dma_start3A_11 = tpu.memref_slice %arg7[%dma_start3A_9, %dma_start3A_10] : memref<100000x64xf32, #tpu.memory_space<hbm>> -> memref<100000x64xf32, #tpu.memory_space<hbm>>
    tpu.enqueue_indirect_dma source(%dma_start3A_11 : memref<100000x64xf32, #tpu.memory_space<hbm>>) target(%arg20 : memref<16x64xf32, #tpu.memory_space<vmem>>) offsets(%dma_start3A_8 : memref<16xi32, #tpu.memory_space<vmem>>) semaphore(%arg55 : memref<!tpu.dma_semaphore, #tpu.memory_space<semaphore_mem>>)
    %dma_start3A_12 = arith.constant 0 : i32
    %dma_start3A_13 = tpu.memref_slice %arg13[%dma_start3A_12] : memref<512xi32, #tpu.memory_space<vmem>> -> memref<16xi32, #tpu.memory_space<vmem>>
    %dma_start3A_14 = arith.constant 0 : i32
    %dma_start3A_15 = arith.constant 0 : i32
    %dma_start3A_16 = tpu.memref_slice %arg9[%dma_start3A_14, %dma_start3A_15] : memref<100000x128xf32, #tpu.memory_space<hbm>> -> memref<100000x128xf32, #tpu.memory_space<hbm>>
    tpu.enqueue_indirect_dma source(%dma_start3A_16 : memref<100000x128xf32, #tpu.memory_space<hbm>>) target(%arg21 : memref<16x128xf32, #tpu.memory_space<vmem>>) offsets(%dma_start3A_13 : memref<16xi32, #tpu.memory_space<vmem>>) semaphore(%arg55 : memref<!tpu.dma_semaphore, #tpu.memory_space<semaphore_mem>>)
    %dma_start3A_17 = arith.constant 0 : i32
    %dma_start3A_18 = tpu.memref_slice %arg14[%dma_start3A_17] : memref<512xi32, #tpu.memory_space<vmem>> -> memref<16xi32, #tpu.memory_space<vmem>>
    %dma_start3A_19 = arith.constant 0 : i32
    %dma_start3A_20 = arith.constant 0 : i32
    %dma_start3A_21 = tpu.memref_slice %arg9[%dma_start3A_19, %dma_start3A_20] : memref<100000x128xf32, #tpu.memory_space<hbm>> -> memref<100000x128xf32, #tpu.memory_space<hbm>>
    tpu.enqueue_indirect_dma source(%dma_start3A_21 : memref<100000x128xf32, #tpu.memory_space<hbm>>) target(%arg22 : memref<16x128xf32, #tpu.memory_space<vmem>>) offsets(%dma_start3A_18 : memref<16xi32, #tpu.memory_space<vmem>>) semaphore(%arg55 : memref<!tpu.dma_semaphore, #tpu.memory_space<semaphore_mem>>)
    %dma_start3A_22 = arith.constant 0 : i32
    %dma_start3A_23 = tpu.memref_slice %arg13[%dma_start3A_22] : memref<512xi32, #tpu.memory_space<vmem>> -> memref<16xi32, #tpu.memory_space<vmem>>
    %dma_start3A_24 = arith.constant 0 : i32
    %dma_start3A_25 = arith.constant 0 : i32
    %dma_start3A_26 = tpu.memref_slice %arg10[%dma_start3A_24, %dma_start3A_25] : memref<100000x128xf32, #tpu.memory_space<hbm>> -> memref<100000x128xf32, #tpu.memory_space<hbm>>
    tpu.enqueue_indirect_dma source(%dma_start3A_26 : memref<100000x128xf32, #tpu.memory_space<hbm>>) target(%arg23 : memref<16x128xf32, #tpu.memory_space<vmem>>) offsets(%dma_start3A_23 : memref<16xi32, #tpu.memory_space<vmem>>) semaphore(%arg55 : memref<!tpu.dma_semaphore, #tpu.memory_space<semaphore_mem>>)
    %dma_start3A_27 = arith.constant 0 : i32
    %dma_start3A_28 = tpu.memref_slice %arg14[%dma_start3A_27] : memref<512xi32, #tpu.memory_space<vmem>> -> memref<16xi32, #tpu.memory_space<vmem>>
    %dma_start3A_29 = arith.constant 0 : i32
    %dma_start3A_30 = arith.constant 0 : i32
    %dma_start3A_31 = tpu.memref_slice %arg10[%dma_start3A_29, %dma_start3A_30] : memref<100000x128xf32, #tpu.memory_space<hbm>> -> memref<100000x128xf32, #tpu.memory_space<hbm>>
    tpu.enqueue_indirect_dma source(%dma_start3A_31 : memref<100000x128xf32, #tpu.memory_space<hbm>>) target(%arg24 : memref<16x128xf32, #tpu.memory_space<vmem>>) offsets(%dma_start3A_28 : memref<16xi32, #tpu.memory_space<vmem>>) semaphore(%arg55 : memref<!tpu.dma_semaphore, #tpu.memory_space<semaphore_mem>>)
    %dma_start3A_32 = arith.constant 0 : i32
    %dma_start3A_33 = tpu.memref_slice %arg13[%dma_start3A_32] : memref<512xi32, #tpu.memory_space<vmem>> -> memref<16xi32, #tpu.memory_space<vmem>>
    %dma_start3A_34 = arith.constant 0 : i32
    %dma_start3A_35 = arith.constant 0 : i32
    %dma_start3A_36 = tpu.memref_slice %arg11[%dma_start3A_34, %dma_start3A_35] : memref<100000x128xf32, #tpu.memory_space<hbm>> -> memref<100000x128xf32, #tpu.memory_space<hbm>>
    tpu.enqueue_indirect_dma source(%dma_start3A_36 : memref<100000x128xf32, #tpu.memory_space<hbm>>) target(%arg25 : memref<16x128xf32, #tpu.memory_space<vmem>>) offsets(%dma_start3A_33 : memref<16xi32, #tpu.memory_space<vmem>>) semaphore(%arg55 : memref<!tpu.dma_semaphore, #tpu.memory_space<semaphore_mem>>)
    %dma_start3A_37 = arith.constant 0 : i32
    %dma_start3A_38 = tpu.memref_slice %arg14[%dma_start3A_37] : memref<512xi32, #tpu.memory_space<vmem>> -> memref<16xi32, #tpu.memory_space<vmem>>
    %dma_start3A_39 = arith.constant 0 : i32
    %dma_start3A_40 = arith.constant 0 : i32
    %dma_start3A_41 = tpu.memref_slice %arg11[%dma_start3A_39, %dma_start3A_40] : memref<100000x128xf32, #tpu.memory_space<hbm>> -> memref<100000x128xf32, #tpu.memory_space<hbm>>
    tpu.enqueue_indirect_dma source(%dma_start3A_41 : memref<100000x128xf32, #tpu.memory_space<hbm>>) target(%arg26 : memref<16x128xf32, #tpu.memory_space<vmem>>) offsets(%dma_start3A_38 : memref<16xi32, #tpu.memory_space<vmem>>) semaphore(%arg55 : memref<!tpu.dma_semaphore, #tpu.memory_space<semaphore_mem>>)
    %dma_start3A_42 = arith.constant 0 : i32
    %dma_start3A_43 = tpu.memref_slice %arg15[%dma_start3A_42] : memref<512xi32, #tpu.memory_space<vmem>> -> memref<16xi32, #tpu.memory_space<vmem>>
    %dma_start3A_44 = arith.constant 0 : i32
    %dma_start3A_45 = arith.constant 0 : i32
    %dma_start3A_46 = tpu.memref_slice %arg8[%dma_start3A_44, %dma_start3A_45] : memref<500x128xf32, #tpu.memory_space<hbm>> -> memref<500x128xf32, #tpu.memory_space<hbm>>
    tpu.enqueue_indirect_dma source(%dma_start3A_46 : memref<500x128xf32, #tpu.memory_space<hbm>>) target(%arg51 : memref<16x128xf32, #tpu.memory_space<vmem>>) offsets(%dma_start3A_43 : memref<16xi32, #tpu.memory_space<vmem>>) semaphore(%arg55 : memref<!tpu.dma_semaphore, #tpu.memory_space<semaphore_mem>>)
    %dma_start3A_47 = arith.constant 16 : i32
    %dma_start3A_48 = tpu.memref_slice %arg13[%dma_start3A_47] : memref<512xi32, #tpu.memory_space<vmem>> -> memref<16xi32, #tpu.memory_space<vmem>>
    %dma_start3A_49 = arith.constant 0 : i32
    %dma_start3A_50 = arith.constant 0 : i32
    %dma_start3A_51 = tpu.memref_slice %arg7[%dma_start3A_49, %dma_start3A_50] : memref<100000x64xf32, #tpu.memory_space<hbm>> -> memref<100000x64xf32, #tpu.memory_space<hbm>>
    tpu.enqueue_indirect_dma source(%dma_start3A_51 : memref<100000x64xf32, #tpu.memory_space<hbm>>) target(%arg27 : memref<16x64xf32, #tpu.memory_space<vmem>>) offsets(%dma_start3A_48 : memref<16xi32, #tpu.memory_space<vmem>>) semaphore(%arg56 : memref<!tpu.dma_semaphore, #tpu.memory_space<semaphore_mem>>)
    %dma_start3A_52 = arith.constant 16 : i32
    %dma_start3A_53 = tpu.memref_slice %arg14[%dma_start3A_52] : memref<512xi32, #tpu.memory_space<vmem>> -> memref<16xi32, #tpu.memory_space<vmem>>
    %dma_start3A_54 = arith.constant 0 : i32
    %dma_start3A_55 = arith.constant 0 : i32
    %dma_start3A_56 = tpu.memref_slice %arg7[%dma_start3A_54, %dma_start3A_55] : memref<100000x64xf32, #tpu.memory_space<hbm>> -> memref<100000x64xf32, #tpu.memory_space<hbm>>
    tpu.enqueue_indirect_dma source(%dma_start3A_56 : memref<100000x64xf32, #tpu.memory_space<hbm>>) target(%arg28 : memref<16x64xf32, #tpu.memory_space<vmem>>) offsets(%dma_start3A_53 : memref<16xi32, #tpu.memory_space<vmem>>) semaphore(%arg56 : memref<!tpu.dma_semaphore, #tpu.memory_space<semaphore_mem>>)
    %dma_start3A_57 = arith.constant 16 : i32
    %dma_start3A_58 = tpu.memref_slice %arg13[%dma_start3A_57] : memref<512xi32, #tpu.memory_space<vmem>> -> memref<16xi32, #tpu.memory_space<vmem>>
    %dma_start3A_59 = arith.constant 0 : i32
    %dma_start3A_60 = arith.constant 0 : i32
    %dma_start3A_61 = tpu.memref_slice %arg9[%dma_start3A_59, %dma_start3A_60] : memref<100000x128xf32, #tpu.memory_space<hbm>> -> memref<100000x128xf32, #tpu.memory_space<hbm>>
    tpu.enqueue_indirect_dma source(%dma_start3A_61 : memref<100000x128xf32, #tpu.memory_space<hbm>>) target(%arg29 : memref<16x128xf32, #tpu.memory_space<vmem>>) offsets(%dma_start3A_58 : memref<16xi32, #tpu.memory_space<vmem>>) semaphore(%arg56 : memref<!tpu.dma_semaphore, #tpu.memory_space<semaphore_mem>>)
    %dma_start3A_62 = arith.constant 16 : i32
    %dma_start3A_63 = tpu.memref_slice %arg14[%dma_start3A_62] : memref<512xi32, #tpu.memory_space<vmem>> -> memref<16xi32, #tpu.memory_space<vmem>>
    %dma_start3A_64 = arith.constant 0 : i32
    %dma_start3A_65 = arith.constant 0 : i32
    %dma_start3A_66 = tpu.memref_slice %arg9[%dma_start3A_64, %dma_start3A_65] : memref<100000x128xf32, #tpu.memory_space<hbm>> -> memref<100000x128xf32, #tpu.memory_space<hbm>>
    tpu.enqueue_indirect_dma source(%dma_start3A_66 : memref<100000x128xf32, #tpu.memory_space<hbm>>) target(%arg30 : memref<16x128xf32, #tpu.memory_space<vmem>>) offsets(%dma_start3A_63 : memref<16xi32, #tpu.memory_space<vmem>>) semaphore(%arg56 : memref<!tpu.dma_semaphore, #tpu.memory_space<semaphore_mem>>)
    %dma_start3A_67 = arith.constant 16 : i32
    %dma_start3A_68 = tpu.memref_slice %arg13[%dma_start3A_67] : memref<512xi32, #tpu.memory_space<vmem>> -> memref<16xi32, #tpu.memory_space<vmem>>
    %dma_start3A_69 = arith.constant 0 : i32
    %dma_start3A_70 = arith.constant 0 : i32
    %dma_start3A_71 = tpu.memref_slice %arg10[%dma_start3A_69, %dma_start3A_70] : memref<100000x128xf32, #tpu.memory_space<hbm>> -> memref<100000x128xf32, #tpu.memory_space<hbm>>
    tpu.enqueue_indirect_dma source(%dma_start3A_71 : memref<100000x128xf32, #tpu.memory_space<hbm>>) target(%arg31 : memref<16x128xf32, #tpu.memory_space<vmem>>) offsets(%dma_start3A_68 : memref<16xi32, #tpu.memory_space<vmem>>) semaphore(%arg56 : memref<!tpu.dma_semaphore, #tpu.memory_space<semaphore_mem>>)
    %dma_start3A_72 = arith.constant 16 : i32
    %dma_start3A_73 = tpu.memref_slice %arg14[%dma_start3A_72] : memref<512xi32, #tpu.memory_space<vmem>> -> memref<16xi32, #tpu.memory_space<vmem>>
    %dma_start3A_74 = arith.constant 0 : i32
    %dma_start3A_75 = arith.constant 0 : i32
    %dma_start3A_76 = tpu.memref_slice %arg10[%dma_start3A_74, %dma_start3A_75] : memref<100000x128xf32, #tpu.memory_space<hbm>> -> memref<100000x128xf32, #tpu.memory_space<hbm>>
    tpu.enqueue_indirect_dma source(%dma_start3A_76 : memref<100000x128xf32, #tpu.memory_space<hbm>>) target(%arg32 : memref<16x128xf32, #tpu.memory_space<vmem>>) offsets(%dma_start3A_73 : memref<16xi32, #tpu.memory_space<vmem>>) semaphore(%arg56 : memref<!tpu.dma_semaphore, #tpu.memory_space<semaphore_mem>>)
    %dma_start3A_77 = arith.constant 16 : i32
    %dma_start3A_78 = tpu.memref_slice %arg13[%dma_start3A_77] : memref<512xi32, #tpu.memory_space<vmem>> -> memref<16xi32, #tpu.memory_space<vmem>>
    %dma_start3A_79 = arith.constant 0 : i32
    %dma_start3A_80 = arith.constant 0 : i32
    %dma_start3A_81 = tpu.memref_slice %arg11[%dma_start3A_79, %dma_start3A_80] : memref<100000x128xf32, #tpu.memory_space<hbm>> -> memref<100000x128xf32, #tpu.memory_space<hbm>>
    tpu.enqueue_indirect_dma source(%dma_start3A_81 : memref<100000x128xf32, #tpu.memory_space<hbm>>) target(%arg33 : memref<16x128xf32, #tpu.memory_space<vmem>>) offsets(%dma_start3A_78 : memref<16xi32, #tpu.memory_space<vmem>>) semaphore(%arg56 : memref<!tpu.dma_semaphore, #tpu.memory_space<semaphore_mem>>)
    %dma_start3A_82 = arith.constant 16 : i32
    %dma_start3A_83 = tpu.memref_slice %arg14[%dma_start3A_82] : memref<512xi32, #tpu.memory_space<vmem>> -> memref<16xi32, #tpu.memory_space<vmem>>
    %dma_start3A_84 = arith.constant 0 : i32
    %dma_start3A_85 = arith.constant 0 : i32
    %dma_start3A_86 = tpu.memref_slice %arg11[%dma_start3A_84, %dma_start3A_85] : memref<100000x128xf32, #tpu.memory_space<hbm>> -> memref<100000x128xf32, #tpu.memory_space<hbm>>
    tpu.enqueue_indirect_dma source(%dma_start3A_86 : memref<100000x128xf32, #tpu.memory_space<hbm>>) target(%arg34 : memref<16x128xf32, #tpu.memory_space<vmem>>) offsets(%dma_start3A_83 : memref<16xi32, #tpu.memory_space<vmem>>) semaphore(%arg56 : memref<!tpu.dma_semaphore, #tpu.memory_space<semaphore_mem>>)
    %dma_start3A_87 = arith.constant 16 : i32
    %dma_start3A_88 = tpu.memref_slice %arg15[%dma_start3A_87] : memref<512xi32, #tpu.memory_space<vmem>> -> memref<16xi32, #tpu.memory_space<vmem>>
    %dma_start3A_89 = arith.constant 0 : i32
    %dma_start3A_90 = arith.constant 0 : i32
    %dma_start3A_91 = tpu.memref_slice %arg8[%dma_start3A_89, %dma_start3A_90] : memref<500x128xf32, #tpu.memory_space<hbm>> -> memref<500x128xf32, #tpu.memory_space<hbm>>
    tpu.enqueue_indirect_dma source(%dma_start3A_91 : memref<500x128xf32, #tpu.memory_space<hbm>>) target(%arg52 : memref<16x128xf32, #tpu.memory_space<vmem>>) offsets(%dma_start3A_88 : memref<16xi32, #tpu.memory_space<vmem>>) semaphore(%arg56 : memref<!tpu.dma_semaphore, #tpu.memory_space<semaphore_mem>>)
    %scan3A = arith.constant 0 : i32
    %scan3A_92 = arith.constant 0 : i32
    %scan3A_93 = arith.constant 8 : i32
    %scan3A_94 = arith.addi %scan3A_92, %scan3A_93 : i32
    %scan3A_95 = arith.constant 1 : i32
    %scan3A_96 = scf.for %scan3A_98 = %scan3A_92 to %scan3A_94 step %scan3A_95 iter_args(%scan3A_99 = %scan3A) -> (i32)  : i32 {
      %mul3A_100 = arith.constant 4 : i32
      %mul3A_101 = arith.muli %mul3A_100, %scan3A_98 : i32
      %add3A_102 = arith.constant 0 : i32
      %add3A_103 = arith.addi %mul3A_101, %add3A_102 : i32
      %dma_wait3A = arith.constant 0 : i32
      %dma_wait3A_104 = tpu.memref_slice %arg13[%dma_wait3A] : memref<512xi32, #tpu.memory_space<vmem>> -> memref<16xi32, #tpu.memory_space<vmem>>
      %dma_wait3A_105 = arith.constant 0 : i32
      %dma_wait3A_106 = arith.constant 0 : i32
      %dma_wait3A_107 = tpu.memref_slice %arg7[%dma_wait3A_105, %dma_wait3A_106] : memref<100000x64xf32, #tpu.memory_space<hbm>> -> memref<100000x64xf32, #tpu.memory_space<hbm>>
      tpu.wait_indirect_dma semaphore(%arg55 : memref<!tpu.dma_semaphore, #tpu.memory_space<semaphore_mem>>) src(%dma_wait3A_107 : memref<100000x64xf32, #tpu.memory_space<hbm>>) dst(%arg19 : memref<16x64xf32, #tpu.memory_space<vmem>>)
      %dma_wait3A_108 = arith.constant 0 : i32
      %dma_wait3A_109 = tpu.memref_slice %arg13[%dma_wait3A_108] : memref<512xi32, #tpu.memory_space<vmem>> -> memref<16xi32, #tpu.memory_space<vmem>>
      %dma_wait3A_110 = arith.constant 0 : i32
      %dma_wait3A_111 = arith.constant 0 : i32
      %dma_wait3A_112 = tpu.memref_slice %arg7[%dma_wait3A_110, %dma_wait3A_111] : memref<100000x64xf32, #tpu.memory_space<hbm>> -> memref<100000x64xf32, #tpu.memory_space<hbm>>
      tpu.wait_indirect_dma semaphore(%arg55 : memref<!tpu.dma_semaphore, #tpu.memory_space<semaphore_mem>>) src(%dma_wait3A_112 : memref<100000x64xf32, #tpu.memory_space<hbm>>) dst(%arg20 : memref<16x64xf32, #tpu.memory_space<vmem>>)
      %dma_wait3A_113 = arith.constant 0 : i32
      %dma_wait3A_114 = tpu.memref_slice %arg13[%dma_wait3A_113] : memref<512xi32, #tpu.memory_space<vmem>> -> memref<16xi32, #tpu.memory_space<vmem>>
      %dma_wait3A_115 = arith.constant 0 : i32
      %dma_wait3A_116 = arith.constant 0 : i32
      %dma_wait3A_117 = tpu.memref_slice %arg9[%dma_wait3A_115, %dma_wait3A_116] : memref<100000x128xf32, #tpu.memory_space<hbm>> -> memref<100000x128xf32, #tpu.memory_space<hbm>>
      tpu.wait_indirect_dma semaphore(%arg55 : memref<!tpu.dma_semaphore, #tpu.memory_space<semaphore_mem>>) src(%dma_wait3A_117 : memref<100000x128xf32, #tpu.memory_space<hbm>>) dst(%arg21 : memref<16x128xf32, #tpu.memory_space<vmem>>)
      %dma_wait3A_118 = arith.constant 0 : i32
      %dma_wait3A_119 = tpu.memref_slice %arg13[%dma_wait3A_118] : memref<512xi32, #tpu.memory_space<vmem>> -> memref<16xi32, #tpu.memory_space<vmem>>
      %dma_wait3A_120 = arith.constant 0 : i32
      %dma_wait3A_121 = arith.constant 0 : i32
      %dma_wait3A_122 = tpu.memref_slice %arg9[%dma_wait3A_120, %dma_wait3A_121] : memref<100000x128xf32, #tpu.memory_space<hbm>> -> memref<100000x128xf32, #tpu.memory_space<hbm>>
      tpu.wait_indirect_dma semaphore(%arg55 : memref<!tpu.dma_semaphore, #tpu.memory_space<semaphore_mem>>) src(%dma_wait3A_122 : memref<100000x128xf32, #tpu.memory_space<hbm>>) dst(%arg22 : memref<16x128xf32, #tpu.memory_space<vmem>>)
      %dma_wait3A_123 = arith.constant 0 : i32
      %dma_wait3A_124 = tpu.memref_slice %arg13[%dma_wait3A_123] : memref<512xi32, #tpu.memory_space<vmem>> -> memref<16xi32, #tpu.memory_space<vmem>>
      %dma_wait3A_125 = arith.constant 0 : i32
      %dma_wait3A_126 = arith.constant 0 : i32
      %dma_wait3A_127 = tpu.memref_slice %arg10[%dma_wait3A_125, %dma_wait3A_126] : memref<100000x128xf32, #tpu.memory_space<hbm>> -> memref<100000x128xf32, #tpu.memory_space<hbm>>
      tpu.wait_indirect_dma semaphore(%arg55 : memref<!tpu.dma_semaphore, #tpu.memory_space<semaphore_mem>>) src(%dma_wait3A_127 : memref<100000x128xf32, #tpu.memory_space<hbm>>) dst(%arg23 : memref<16x128xf32, #tpu.memory_space<vmem>>)
      %dma_wait3A_128 = arith.constant 0 : i32
      %dma_wait3A_129 = tpu.memref_slice %arg13[%dma_wait3A_128] : memref<512xi32, #tpu.memory_space<vmem>> -> memref<16xi32, #tpu.memory_space<vmem>>
      %dma_wait3A_130 = arith.constant 0 : i32
      %dma_wait3A_131 = arith.constant 0 : i32
      %dma_wait3A_132 = tpu.memref_slice %arg10[%dma_wait3A_130, %dma_wait3A_131] : memref<100000x128xf32, #tpu.memory_space<hbm>> -> memref<100000x128xf32, #tpu.memory_space<hbm>>
      tpu.wait_indirect_dma semaphore(%arg55 : memref<!tpu.dma_semaphore, #tpu.memory_space<semaphore_mem>>) src(%dma_wait3A_132 : memref<100000x128xf32, #tpu.memory_space<hbm>>) dst(%arg24 : memref<16x128xf32, #tpu.memory_space<vmem>>)
      %dma_wait3A_133 = arith.constant 0 : i32
      %dma_wait3A_134 = tpu.memref_slice %arg13[%dma_wait3A_133] : memref<512xi32, #tpu.memory_space<vmem>> -> memref<16xi32, #tpu.memory_space<vmem>>
      %dma_wait3A_135 = arith.constant 0 : i32
      %dma_wait3A_136 = arith.constant 0 : i32
      %dma_wait3A_137 = tpu.memref_slice %arg11[%dma_wait3A_135, %dma_wait3A_136] : memref<100000x128xf32, #tpu.memory_space<hbm>> -> memref<100000x128xf32, #tpu.memory_space<hbm>>
      tpu.wait_indirect_dma semaphore(%arg55 : memref<!tpu.dma_semaphore, #tpu.memory_space<semaphore_mem>>) src(%dma_wait3A_137 : memref<100000x128xf32, #tpu.memory_space<hbm>>) dst(%arg25 : memref<16x128xf32, #tpu.memory_space<vmem>>)
      %dma_wait3A_138 = arith.constant 0 : i32
      %dma_wait3A_139 = tpu.memref_slice %arg13[%dma_wait3A_138] : memref<512xi32, #tpu.memory_space<vmem>> -> memref<16xi32, #tpu.memory_space<vmem>>
      %dma_wait3A_140 = arith.constant 0 : i32
      %dma_wait3A_141 = arith.constant 0 : i32
      %dma_wait3A_142 = tpu.memref_slice %arg11[%dma_wait3A_140, %dma_wait3A_141] : memref<100000x128xf32, #tpu.memory_space<hbm>> -> memref<100000x128xf32, #tpu.memory_space<hbm>>
      tpu.wait_indirect_dma semaphore(%arg55 : memref<!tpu.dma_semaphore, #tpu.memory_space<semaphore_mem>>) src(%dma_wait3A_142 : memref<100000x128xf32, #tpu.memory_space<hbm>>) dst(%arg26 : memref<16x128xf32, #tpu.memory_space<vmem>>)
      %dma_wait3A_143 = arith.constant 0 : i32
      %dma_wait3A_144 = tpu.memref_slice %arg15[%dma_wait3A_143] : memref<512xi32, #tpu.memory_space<vmem>> -> memref<16xi32, #tpu.memory_space<vmem>>
      %dma_wait3A_145 = arith.constant 0 : i32
      %dma_wait3A_146 = arith.constant 0 : i32
      %dma_wait3A_147 = tpu.memref_slice %arg8[%dma_wait3A_145, %dma_wait3A_146] : memref<500x128xf32, #tpu.memory_space<hbm>> -> memref<500x128xf32, #tpu.memory_space<hbm>>
      tpu.wait_indirect_dma semaphore(%arg55 : memref<!tpu.dma_semaphore, #tpu.memory_space<semaphore_mem>>) src(%dma_wait3A_147 : memref<500x128xf32, #tpu.memory_space<hbm>>) dst(%arg51 : memref<16x128xf32, #tpu.memory_space<vmem>>)
      %add3A_148 = arith.constant 2 : i32
      %add3A_149 = arith.addi %add3A_103, %add3A_148 : i32
      %lt3A = arith.constant 32 : i32
      %lt3A_150 = arith.cmpi slt, %add3A_149, %lt3A : i32
      %convert_element_type3A = arith.extui %lt3A_150 : i1 to i32
      %cond3A = arith.constant 0 : i32
      %cond3A_151 = arith.cmpi ne, %convert_element_type3A, %cond3A : i32
      scf.if %cond3A_151 {
        %add3A_398 = arith.constant 2 : i32
        %add3A_399 = arith.addi %add3A_103, %add3A_398 : i32
        %mul3A_400 = arith.constant 16 : i32
        %mul3A_401 = arith.muli %add3A_399, %mul3A_400 : i32
        %dma_start3A_402 = tpu.memref_slice %arg13[%mul3A_401] : memref<512xi32, #tpu.memory_space<vmem>> -> memref<16xi32, #tpu.memory_space<vmem>>
        %dma_start3A_403 = arith.constant 0 : i32
        %dma_start3A_404 = arith.constant 0 : i32
        %dma_start3A_405 = tpu.memref_slice %arg7[%dma_start3A_403, %dma_start3A_404] : memref<100000x64xf32, #tpu.memory_space<hbm>> -> memref<100000x64xf32, #tpu.memory_space<hbm>>
        tpu.enqueue_indirect_dma source(%dma_start3A_405 : memref<100000x64xf32, #tpu.memory_space<hbm>>) target(%arg35 : memref<16x64xf32, #tpu.memory_space<vmem>>) offsets(%dma_start3A_402 : memref<16xi32, #tpu.memory_space<vmem>>) semaphore(%arg57 : memref<!tpu.dma_semaphore, #tpu.memory_space<semaphore_mem>>)
        %dma_start3A_406 = tpu.memref_slice %arg14[%mul3A_401] : memref<512xi32, #tpu.memory_space<vmem>> -> memref<16xi32, #tpu.memory_space<vmem>>
        %dma_start3A_407 = arith.constant 0 : i32
        %dma_start3A_408 = arith.constant 0 : i32
        %dma_start3A_409 = tpu.memref_slice %arg7[%dma_start3A_407, %dma_start3A_408] : memref<100000x64xf32, #tpu.memory_space<hbm>> -> memref<100000x64xf32, #tpu.memory_space<hbm>>
        tpu.enqueue_indirect_dma source(%dma_start3A_409 : memref<100000x64xf32, #tpu.memory_space<hbm>>) target(%arg36 : memref<16x64xf32, #tpu.memory_space<vmem>>) offsets(%dma_start3A_406 : memref<16xi32, #tpu.memory_space<vmem>>) semaphore(%arg57 : memref<!tpu.dma_semaphore, #tpu.memory_space<semaphore_mem>>)
        %dma_start3A_410 = tpu.memref_slice %arg13[%mul3A_401] : memref<512xi32, #tpu.memory_space<vmem>> -> memref<16xi32, #tpu.memory_space<vmem>>
        %dma_start3A_411 = arith.constant 0 : i32
        %dma_start3A_412 = arith.constant 0 : i32
        %dma_start3A_413 = tpu.memref_slice %arg9[%dma_start3A_411, %dma_start3A_412] : memref<100000x128xf32, #tpu.memory_space<hbm>> -> memref<100000x128xf32, #tpu.memory_space<hbm>>
        tpu.enqueue_indirect_dma source(%dma_start3A_413 : memref<100000x128xf32, #tpu.memory_space<hbm>>) target(%arg37 : memref<16x128xf32, #tpu.memory_space<vmem>>) offsets(%dma_start3A_410 : memref<16xi32, #tpu.memory_space<vmem>>) semaphore(%arg57 : memref<!tpu.dma_semaphore, #tpu.memory_space<semaphore_mem>>)
        %dma_start3A_414 = tpu.memref_slice %arg14[%mul3A_401] : memref<512xi32, #tpu.memory_space<vmem>> -> memref<16xi32, #tpu.memory_space<vmem>>
        %dma_start3A_415 = arith.constant 0 : i32
        %dma_start3A_416 = arith.constant 0 : i32
        %dma_start3A_417 = tpu.memref_slice %arg9[%dma_start3A_415, %dma_start3A_416] : memref<100000x128xf32, #tpu.memory_space<hbm>> -> memref<100000x128xf32, #tpu.memory_space<hbm>>
        tpu.enqueue_indirect_dma source(%dma_start3A_417 : memref<100000x128xf32, #tpu.memory_space<hbm>>) target(%arg38 : memref<16x128xf32, #tpu.memory_space<vmem>>) offsets(%dma_start3A_414 : memref<16xi32, #tpu.memory_space<vmem>>) semaphore(%arg57 : memref<!tpu.dma_semaphore, #tpu.memory_space<semaphore_mem>>)
        %dma_start3A_418 = tpu.memref_slice %arg13[%mul3A_401] : memref<512xi32, #tpu.memory_space<vmem>> -> memref<16xi32, #tpu.memory_space<vmem>>
        %dma_start3A_419 = arith.constant 0 : i32
        %dma_start3A_420 = arith.constant 0 : i32
        %dma_start3A_421 = tpu.memref_slice %arg10[%dma_start3A_419, %dma_start3A_420] : memref<100000x128xf32, #tpu.memory_space<hbm>> -> memref<100000x128xf32, #tpu.memory_space<hbm>>
        tpu.enqueue_indirect_dma source(%dma_start3A_421 : memref<100000x128xf32, #tpu.memory_space<hbm>>) target(%arg39 : memref<16x128xf32, #tpu.memory_space<vmem>>) offsets(%dma_start3A_418 : memref<16xi32, #tpu.memory_space<vmem>>) semaphore(%arg57 : memref<!tpu.dma_semaphore, #tpu.memory_space<semaphore_mem>>)
        %dma_start3A_422 = tpu.memref_slice %arg14[%mul3A_401] : memref<512xi32, #tpu.memory_space<vmem>> -> memref<16xi32, #tpu.memory_space<vmem>>
        %dma_start3A_423 = arith.constant 0 : i32
        %dma_start3A_424 = arith.constant 0 : i32
        %dma_start3A_425 = tpu.memref_slice %arg10[%dma_start3A_423, %dma_start3A_424] : memref<100000x128xf32, #tpu.memory_space<hbm>> -> memref<100000x128xf32, #tpu.memory_space<hbm>>
        tpu.enqueue_indirect_dma source(%dma_start3A_425 : memref<100000x128xf32, #tpu.memory_space<hbm>>) target(%arg40 : memref<16x128xf32, #tpu.memory_space<vmem>>) offsets(%dma_start3A_422 : memref<16xi32, #tpu.memory_space<vmem>>) semaphore(%arg57 : memref<!tpu.dma_semaphore, #tpu.memory_space<semaphore_mem>>)
        %dma_start3A_426 = tpu.memref_slice %arg13[%mul3A_401] : memref<512xi32, #tpu.memory_space<vmem>> -> memref<16xi32, #tpu.memory_space<vmem>>
        %dma_start3A_427 = arith.constant 0 : i32
        %dma_start3A_428 = arith.constant 0 : i32
        %dma_start3A_429 = tpu.memref_slice %arg11[%dma_start3A_427, %dma_start3A_428] : memref<100000x128xf32, #tpu.memory_space<hbm>> -> memref<100000x128xf32, #tpu.memory_space<hbm>>
        tpu.enqueue_indirect_dma source(%dma_start3A_429 : memref<100000x128xf32, #tpu.memory_space<hbm>>) target(%arg41 : memref<16x128xf32, #tpu.memory_space<vmem>>) offsets(%dma_start3A_426 : memref<16xi32, #tpu.memory_space<vmem>>) semaphore(%arg57 : memref<!tpu.dma_semaphore, #tpu.memory_space<semaphore_mem>>)
        %dma_start3A_430 = tpu.memref_slice %arg14[%mul3A_401] : memref<512xi32, #tpu.memory_space<vmem>> -> memref<16xi32, #tpu.memory_space<vmem>>
        %dma_start3A_431 = arith.constant 0 : i32
        %dma_start3A_432 = arith.constant 0 : i32
        %dma_start3A_433 = tpu.memref_slice %arg11[%dma_start3A_431, %dma_start3A_432] : memref<100000x128xf32, #tpu.memory_space<hbm>> -> memref<100000x128xf32, #tpu.memory_space<hbm>>
        tpu.enqueue_indirect_dma source(%dma_start3A_433 : memref<100000x128xf32, #tpu.memory_space<hbm>>) target(%arg42 : memref<16x128xf32, #tpu.memory_space<vmem>>) offsets(%dma_start3A_430 : memref<16xi32, #tpu.memory_space<vmem>>) semaphore(%arg57 : memref<!tpu.dma_semaphore, #tpu.memory_space<semaphore_mem>>)
        %dma_start3A_434 = tpu.memref_slice %arg15[%mul3A_401] : memref<512xi32, #tpu.memory_space<vmem>> -> memref<16xi32, #tpu.memory_space<vmem>>
        %dma_start3A_435 = arith.constant 0 : i32
        %dma_start3A_436 = arith.constant 0 : i32
        %dma_start3A_437 = tpu.memref_slice %arg8[%dma_start3A_435, %dma_start3A_436] : memref<500x128xf32, #tpu.memory_space<hbm>> -> memref<500x128xf32, #tpu.memory_space<hbm>>
        tpu.enqueue_indirect_dma source(%dma_start3A_437 : memref<500x128xf32, #tpu.memory_space<hbm>>) target(%arg53 : memref<16x128xf32, #tpu.memory_space<vmem>>) offsets(%dma_start3A_434 : memref<16xi32, #tpu.memory_space<vmem>>) semaphore(%arg57 : memref<!tpu.dma_semaphore, #tpu.memory_space<semaphore_mem>>)
      } else {
      }
      %mul3A_152 = arith.constant 16 : i32
      %mul3A_153 = arith.muli %add3A_103, %mul3A_152 : i32
      %get3A = arith.index_cast %mul3A_153 : i32 to index
      %get3A_154 = tpu.vector_load %arg16[%get3A] {strides = array<i32>} : memref<512xf32, #tpu.memory_space<vmem>>, vector<16xf32>,
      %get3A_155 = vector.shape_cast %get3A_154 : vector<16xf32> to vector<16xf32>
      %get3A_156 = arith.index_cast %mul3A_153 : i32 to index
      %get3A_157 = tpu.vector_load %arg17[%get3A_156] {strides = array<i32>} : memref<512xf32, #tpu.memory_space<vmem>>, vector<16xf32>,
      %get3A_158 = vector.shape_cast %get3A_157 : vector<16xf32> to vector<16xf32>
      %broadcast_in_dim3A = arith.constant 0.000000e+00 : f32
      %broadcast_in_dim3A_159 = vector.broadcast %broadcast_in_dim3A : f32 to vector<16xf32>
      %scan3A_160 = arith.constant 0 : i32
      %scan3A_161 = arith.constant 16 : i32
      %scan3A_162 = arith.addi %scan3A_160, %scan3A_161 : i32
      %scan3A_163 = arith.constant 1 : i32
      %scan3A_164 = scf.for %scan3A_398 = %scan3A_160 to %scan3A_162 step %scan3A_163 iter_args(%scan3A_399 = %broadcast_in_dim3A_159) -> (vector<16xf32>)  : i32 {
        %broadcast_in_dim3A_400 = vector.broadcast %scan3A_398 : i32 to vector<16xi32>
        %broadcast_in_dim3A_401 = vector.shape_cast %broadcast_in_dim3A_400 : vector<16xi32> to vector<16x1xi32>
        %gather3A = vector.shape_cast %broadcast_in_dim3A_401 : vector<16x1xi32> to vector<16xi32>
        %gather3A_402 = tpu.dynamic_gather %get3A_155[%gather3A] in [0] : vector<16xf32>, vector<16xi32> -> vector<16xf32>
        %broadcast_in_dim3A_403 = vector.shape_cast %broadcast_in_dim3A_400 : vector<16xi32> to vector<16x1xi32>
        %gather3A_404 = vector.shape_cast %broadcast_in_dim3A_403 : vector<16x1xi32> to vector<16xi32>
        %gather3A_405 = tpu.dynamic_gather %get3A_158[%gather3A_404] in [0] : vector<16xf32>, vector<16xi32> -> vector<16xf32>
        %broadcast_in_dim3A_406 = arith.constant 0.000000e+00 : f32
        %broadcast_in_dim3A_407 = vector.broadcast %broadcast_in_dim3A_406 : f32 to vector<16xf32>
        %get3A_408 = arith.index_cast %scan3A_398 : i32 to index
        %get3A_409 = arith.constant 0 : index
        %get3A_410 = tpu.vector_load %arg25[%get3A_408, %get3A_409] {strides = array<i32>} : memref<16x128xf32, #tpu.memory_space<vmem>>, vector<1x16xf32>,
        %get3A_411 = vector.shape_cast %get3A_410 : vector<1x16xf32> to vector<16xf32>
        %get3A_412 = arith.index_cast %scan3A_398 : i32 to index
        %get3A_413 = arith.constant 0 : index
        %get3A_414 = tpu.vector_load %arg21[%get3A_412, %get3A_413] {strides = array<i32>} : memref<16x128xf32, #tpu.memory_space<vmem>>, vector<1x16xf32>,
        %get3A_415 = vector.shape_cast %get3A_414 : vector<1x16xf32> to vector<16xf32>
        %mul3A_416 = arith.mulf %gather3A_402, %get3A_415 : vector<16xf32>
        %get3A_417 = arith.index_cast %scan3A_398 : i32 to index
        %get3A_418 = arith.constant 64 : index
        %get3A_419 = tpu.vector_load %arg21[%get3A_417, %get3A_418] {strides = array<i32>} : memref<16x128xf32, #tpu.memory_space<vmem>>, vector<1x16xf32>,
        %get3A_420 = vector.shape_cast %get3A_419 : vector<1x16xf32> to vector<16xf32>
        %add3A_421 = arith.addf %mul3A_416, %get3A_420 : vector<16xf32>
        %mul3A_422 = arith.mulf %add3A_421, %add3A_421 : vector<16xf32>
        %mul3A_423 = arith.constant 2.75573188E-6 : f32
        %mul3A_424 = vector.broadcast %mul3A_423 : f32 to vector<16xf32>
        %mul3A_425 = arith.mulf %mul3A_424, %mul3A_422 : vector<16xf32>
        %add3A_426 = arith.constant -1.98412701E-4 : f32
        %add3A_427 = vector.broadcast %add3A_426 : f32 to vector<16xf32>
        %add3A_428 = arith.addf %mul3A_425, %add3A_427 : vector<16xf32>
        %mul3A_429 = arith.mulf %add3A_428, %mul3A_422 : vector<16xf32>
        %add3A_430 = arith.constant 0.00833333377 : f32
        %add3A_431 = vector.broadcast %add3A_430 : f32 to vector<16xf32>
        %add3A_432 = arith.addf %mul3A_429, %add3A_431 : vector<16xf32>
        %mul3A_433 = arith.mulf %add3A_432, %mul3A_422 : vector<16xf32>
        %add3A_434 = arith.constant -0.166666672 : f32
        %add3A_435 = vector.broadcast %add3A_434 : f32 to vector<16xf32>
        %add3A_436 = arith.addf %mul3A_433, %add3A_435 : vector<16xf32>
        %mul3A_437 = arith.mulf %add3A_436, %mul3A_422 : vector<16xf32>
        %add3A_438 = arith.constant 1.000000e+00 : f32
        %add3A_439 = vector.broadcast %add3A_438 : f32 to vector<16xf32>
        %add3A_440 = arith.addf %mul3A_437, %add3A_439 : vector<16xf32>
        %mul3A_441 = arith.mulf %add3A_440, %add3A_421 : vector<16xf32>
        %mul3A_442 = arith.mulf %get3A_411, %mul3A_441 : vector<16xf32>
        %get3A_443 = arith.index_cast %scan3A_398 : i32 to index
        %get3A_444 = arith.constant 64 : index
        %get3A_445 = tpu.vector_load %arg25[%get3A_443, %get3A_444] {strides = array<i32>} : memref<16x128xf32, #tpu.memory_space<vmem>>, vector<1x16xf32>,
        %get3A_446 = vector.shape_cast %get3A_445 : vector<1x16xf32> to vector<16xf32>
        %get3A_447 = arith.index_cast %scan3A_398 : i32 to index
        %get3A_448 = arith.constant 0 : index
        %get3A_449 = tpu.vector_load %arg23[%get3A_447, %get3A_448] {strides = array<i32>} : memref<16x128xf32, #tpu.memory_space<vmem>>, vector<1x16xf32>,
        %get3A_450 = vector.shape_cast %get3A_449 : vector<1x16xf32> to vector<16xf32>
        %mul3A_451 = arith.mulf %gather3A_405, %get3A_450 : vector<16xf32>
        %get3A_452 = arith.index_cast %scan3A_398 : i32 to index
        %get3A_453 = arith.constant 64 : index
        %get3A_454 = tpu.vector_load %arg23[%get3A_452, %get3A_453] {strides = array<i32>} : memref<16x128xf32, #tpu.memory_space<vmem>>, vector<1x16xf32>,
        %get3A_455 = vector.shape_cast %get3A_454 : vector<1x16xf32> to vector<16xf32>
        %add3A_456 = arith.addf %mul3A_451, %get3A_455 : vector<16xf32>
        %mul3A_457 = arith.mulf %add3A_456, %add3A_456 : vector<16xf32>
        %mul3A_458 = arith.constant 2.75573188E-6 : f32
        %mul3A_459 = vector.broadcast %mul3A_458 : f32 to vector<16xf32>
        %mul3A_460 = arith.mulf %mul3A_459, %mul3A_457 : vector<16xf32>
        %add3A_461 = arith.constant -1.98412701E-4 : f32
        %add3A_462 = vector.broadcast %add3A_461 : f32 to vector<16xf32>
        %add3A_463 = arith.addf %mul3A_460, %add3A_462 : vector<16xf32>
        %mul3A_464 = arith.mulf %add3A_463, %mul3A_457 : vector<16xf32>
        %add3A_465 = arith.constant 0.00833333377 : f32
        %add3A_466 = vector.broadcast %add3A_465 : f32 to vector<16xf32>
        %add3A_467 = arith.addf %mul3A_464, %add3A_466 : vector<16xf32>
        %mul3A_468 = arith.mulf %add3A_467, %mul3A_457 : vector<16xf32>
        %add3A_469 = arith.constant -0.166666672 : f32
        %add3A_470 = vector.broadcast %add3A_469 : f32 to vector<16xf32>
        %add3A_471 = arith.addf %mul3A_468, %add3A_470 : vector<16xf32>
        %mul3A_472 = arith.mulf %add3A_471, %mul3A_457 : vector<16xf32>
        %add3A_473 = arith.constant 1.000000e+00 : f32
        %add3A_474 = vector.broadcast %add3A_473 : f32 to vector<16xf32>
        %add3A_475 = arith.addf %mul3A_472, %add3A_474 : vector<16xf32>
        %mul3A_476 = arith.mulf %add3A_475, %add3A_456 : vector<16xf32>
        %mul3A_477 = arith.mulf %get3A_446, %mul3A_476 : vector<16xf32>
        %add3A_478 = arith.addf %mul3A_442, %mul3A_477 : vector<16xf32>
        %get3A_479 = arith.index_cast %scan3A_398 : i32 to index
        %get3A_480 = arith.constant 0 : index
        %get3A_481 = tpu.vector_load %arg26[%get3A_479, %get3A_480] {strides = array<i32>} : memref<16x128xf32, #tpu.memory_space<vmem>>, vector<1x16xf32>,
        %get3A_482 = vector.shape_cast %get3A_481 : vector<1x16xf32> to vector<16xf32>
        %get3A_483 = arith.index_cast %scan3A_398 : i32 to index
        %get3A_484 = arith.constant 0 : index
        %get3A_485 = tpu.vector_load %arg22[%get3A_483, %get3A_484] {strides = array<i32>} : memref<16x128xf32, #tpu.memory_space<vmem>>, vector<1x16xf32>,
        %get3A_486 = vector.shape_cast %get3A_485 : vector<1x16xf32> to vector<16xf32>
        %mul3A_487 = arith.mulf %gather3A_402, %get3A_486 : vector<16xf32>
        %get3A_488 = arith.index_cast %scan3A_398 : i32 to index
        %get3A_489 = arith.constant 64 : index
        %get3A_490 = tpu.vector_load %arg22[%get3A_488, %get3A_489] {strides = array<i32>} : memref<16x128xf32, #tpu.memory_space<vmem>>, vector<1x16xf32>,
        %get3A_491 = vector.shape_cast %get3A_490 : vector<1x16xf32> to vector<16xf32>
        %add3A_492 = arith.addf %mul3A_487, %get3A_491 : vector<16xf32>
        %mul3A_493 = arith.mulf %add3A_492, %add3A_492 : vector<16xf32>
        %mul3A_494 = arith.constant 2.75573188E-6 : f32
        %mul3A_495 = vector.broadcast %mul3A_494 : f32 to vector<16xf32>
        %mul3A_496 = arith.mulf %mul3A_495, %mul3A_493 : vector<16xf32>
        %add3A_497 = arith.constant -1.98412701E-4 : f32
        %add3A_498 = vector.broadcast %add3A_497 : f32 to vector<16xf32>
        %add3A_499 = arith.addf %mul3A_496, %add3A_498 : vector<16xf32>
        %mul3A_500 = arith.mulf %add3A_499, %mul3A_493 : vector<16xf32>
        %add3A_501 = arith.constant 0.00833333377 : f32
        %add3A_502 = vector.broadcast %add3A_501 : f32 to vector<16xf32>
        %add3A_503 = arith.addf %mul3A_500, %add3A_502 : vector<16xf32>
        %mul3A_504 = arith.mulf %add3A_503, %mul3A_493 : vector<16xf32>
        %add3A_505 = arith.constant -0.166666672 : f32
        %add3A_506 = vector.broadcast %add3A_505 : f32 to vector<16xf32>
        %add3A_507 = arith.addf %mul3A_504, %add3A_506 : vector<16xf32>
        %mul3A_508 = arith.mulf %add3A_507, %mul3A_493 : vector<16xf32>
        %add3A_509 = arith.constant 1.000000e+00 : f32
        %add3A_510 = vector.broadcast %add3A_509 : f32 to vector<16xf32>
        %add3A_511 = arith.addf %mul3A_508, %add3A_510 : vector<16xf32>
        %mul3A_512 = arith.mulf %add3A_511, %add3A_492 : vector<16xf32>
        %mul3A_513 = arith.mulf %get3A_482, %mul3A_512 : vector<16xf32>
        %get3A_514 = arith.index_cast %scan3A_398 : i32 to index
        %get3A_515 = arith.constant 64 : index
        %get3A_516 = tpu.vector_load %arg26[%get3A_514, %get3A_515] {strides = array<i32>} : memref<16x128xf32, #tpu.memory_space<vmem>>, vector<1x16xf32>,
        %get3A_517 = vector.shape_cast %get3A_516 : vector<1x16xf32> to vector<16xf32>
        %get3A_518 = arith.index_cast %scan3A_398 : i32 to index
        %get3A_519 = arith.constant 0 : index
        %get3A_520 = tpu.vector_load %arg24[%get3A_518, %get3A_519] {strides = array<i32>} : memref<16x128xf32, #tpu.memory_space<vmem>>, vector<1x16xf32>,
        %get3A_521 = vector.shape_cast %get3A_520 : vector<1x16xf32> to vector<16xf32>
        %mul3A_522 = arith.mulf %gather3A_405, %get3A_521 : vector<16xf32>
        %get3A_523 = arith.index_cast %scan3A_398 : i32 to index
        %get3A_524 = arith.constant 64 : index
        %get3A_525 = tpu.vector_load %arg24[%get3A_523, %get3A_524] {strides = array<i32>} : memref<16x128xf32, #tpu.memory_space<vmem>>, vector<1x16xf32>,
        %get3A_526 = vector.shape_cast %get3A_525 : vector<1x16xf32> to vector<16xf32>
        %add3A_527 = arith.addf %mul3A_522, %get3A_526 : vector<16xf32>
        %mul3A_528 = arith.mulf %add3A_527, %add3A_527 : vector<16xf32>
        %mul3A_529 = arith.constant 2.75573188E-6 : f32
        %mul3A_530 = vector.broadcast %mul3A_529 : f32 to vector<16xf32>
        %mul3A_531 = arith.mulf %mul3A_530, %mul3A_528 : vector<16xf32>
        %add3A_532 = arith.constant -1.98412701E-4 : f32
        %add3A_533 = vector.broadcast %add3A_532 : f32 to vector<16xf32>
        %add3A_534 = arith.addf %mul3A_531, %add3A_533 : vector<16xf32>
        %mul3A_535 = arith.mulf %add3A_534, %mul3A_528 : vector<16xf32>
        %add3A_536 = arith.constant 0.00833333377 : f32
        %add3A_537 = vector.broadcast %add3A_536 : f32 to vector<16xf32>
        %add3A_538 = arith.addf %mul3A_535, %add3A_537 : vector<16xf32>
        %mul3A_539 = arith.mulf %add3A_538, %mul3A_528 : vector<16xf32>
        %add3A_540 = arith.constant -0.166666672 : f32
        %add3A_541 = vector.broadcast %add3A_540 : f32 to vector<16xf32>
        %add3A_542 = arith.addf %mul3A_539, %add3A_541 : vector<16xf32>
        %mul3A_543 = arith.mulf %add3A_542, %mul3A_528 : vector<16xf32>
        %add3A_544 = arith.constant 1.000000e+00 : f32
        %add3A_545 = vector.broadcast %add3A_544 : f32 to vector<16xf32>
        %add3A_546 = arith.addf %mul3A_543, %add3A_545 : vector<16xf32>
        %mul3A_547 = arith.mulf %add3A_546, %add3A_527 : vector<16xf32>
        %mul3A_548 = arith.mulf %get3A_517, %mul3A_547 : vector<16xf32>
        %add3A_549 = arith.addf %mul3A_513, %mul3A_548 : vector<16xf32>
        %get3A_550 = arith.index_cast %scan3A_398 : i32 to index
        %get3A_551 = arith.constant 0 : index
        %get3A_552 = tpu.vector_load %arg19[%get3A_550, %get3A_551] {strides = array<i32>} : memref<16x64xf32, #tpu.memory_space<vmem>>, vector<1x16xf32>,
        %get3A_553 = vector.shape_cast %get3A_552 : vector<1x16xf32> to vector<16xf32>
        %get3A_554 = arith.index_cast %scan3A_398 : i32 to index
        %get3A_555 = arith.constant 0 : index
        %get3A_556 = tpu.vector_load %arg51[%get3A_554, %get3A_555] {strides = array<i32>} : memref<16x128xf32, #tpu.memory_space<vmem>>, vector<1x16xf32>,
        %get3A_557 = vector.shape_cast %get3A_556 : vector<1x16xf32> to vector<16xf32>
        %add3A_558 = arith.addf %get3A_553, %get3A_557 : vector<16xf32>
        %get3A_559 = arith.index_cast %scan3A_398 : i32 to index
        %get3A_560 = arith.constant 0 : index
        %get3A_561 = tpu.vector_load %arg20[%get3A_559, %get3A_560] {strides = array<i32>} : memref<16x64xf32, #tpu.memory_space<vmem>>, vector<1x16xf32>,
        %get3A_562 = vector.shape_cast %get3A_561 : vector<1x16xf32> to vector<16xf32>
        %sub3A = arith.subf %add3A_558, %get3A_562 : vector<16xf32>
        %abs3A = math.absf %sub3A : vector<16xf32>
        %add3A_563 = arith.addf %broadcast_in_dim3A_407, %abs3A : vector<16xf32>
        %get3A_564 = arith.index_cast %scan3A_398 : i32 to index
        %get3A_565 = arith.constant 64 : index
        %get3A_566 = tpu.vector_load %arg51[%get3A_564, %get3A_565] {strides = array<i32>} : memref<16x128xf32, #tpu.memory_space<vmem>>, vector<1x16xf32>,
        %get3A_567 = vector.shape_cast %get3A_566 : vector<1x16xf32> to vector<16xf32>
        %add3A_568 = arith.addf %add3A_478, %get3A_567 : vector<16xf32>
        %sub3A_569 = arith.subf %add3A_568, %add3A_549 : vector<16xf32>
        %abs3A_570 = math.absf %sub3A_569 : vector<16xf32>
        %add3A_571 = arith.addf %add3A_563, %abs3A_570 : vector<16xf32>
        %get3A_572 = arith.index_cast %scan3A_398 : i32 to index
        %get3A_573 = arith.constant 16 : index
        %get3A_574 = tpu.vector_load %arg25[%get3A_572, %get3A_573] {strides = array<i32>} : memref<16x128xf32, #tpu.memory_space<vmem>>, vector<1x16xf32>,
        %get3A_575 = vector.shape_cast %get3A_574 : vector<1x16xf32> to vector<16xf32>
        %get3A_576 = arith.index_cast %scan3A_398 : i32 to index
        %get3A_577 = arith.constant 16 : index
        %get3A_578 = tpu.vector_load %arg21[%get3A_576, %get3A_577] {strides = array<i32>} : memref<16x128xf32, #tpu.memory_space<vmem>>, vector<1x16xf32>,
        %get3A_579 = vector.shape_cast %get3A_578 : vector<1x16xf32> to vector<16xf32>
        %mul3A_580 = arith.mulf %gather3A_402, %get3A_579 : vector<16xf32>
        %get3A_581 = arith.index_cast %scan3A_398 : i32 to index
        %get3A_582 = arith.constant 80 : index
        %get3A_583 = tpu.vector_load %arg21[%get3A_581, %get3A_582] {strides = array<i32>} : memref<16x128xf32, #tpu.memory_space<vmem>>, vector<1x16xf32>,
        %get3A_584 = vector.shape_cast %get3A_583 : vector<1x16xf32> to vector<16xf32>
        %add3A_585 = arith.addf %mul3A_580, %get3A_584 : vector<16xf32>
        %mul3A_586 = arith.mulf %add3A_585, %add3A_585 : vector<16xf32>
        %mul3A_587 = arith.constant 2.75573188E-6 : f32
        %mul3A_588 = vector.broadcast %mul3A_587 : f32 to vector<16xf32>
        %mul3A_589 = arith.mulf %mul3A_588, %mul3A_586 : vector<16xf32>
        %add3A_590 = arith.constant -1.98412701E-4 : f32
        %add3A_591 = vector.broadcast %add3A_590 : f32 to vector<16xf32>
        %add3A_592 = arith.addf %mul3A_589, %add3A_591 : vector<16xf32>
        %mul3A_593 = arith.mulf %add3A_592, %mul3A_586 : vector<16xf32>
        %add3A_594 = arith.constant 0.00833333377 : f32
        %add3A_595 = vector.broadcast %add3A_594 : f32 to vector<16xf32>
        %add3A_596 = arith.addf %mul3A_593, %add3A_595 : vector<16xf32>
        %mul3A_597 = arith.mulf %add3A_596, %mul3A_586 : vector<16xf32>
        %add3A_598 = arith.constant -0.166666672 : f32
        %add3A_599 = vector.broadcast %add3A_598 : f32 to vector<16xf32>
        %add3A_600 = arith.addf %mul3A_597, %add3A_599 : vector<16xf32>
        %mul3A_601 = arith.mulf %add3A_600, %mul3A_586 : vector<16xf32>
        %add3A_602 = arith.constant 1.000000e+00 : f32
        %add3A_603 = vector.broadcast %add3A_602 : f32 to vector<16xf32>
        %add3A_604 = arith.addf %mul3A_601, %add3A_603 : vector<16xf32>
        %mul3A_605 = arith.mulf %add3A_604, %add3A_585 : vector<16xf32>
        %mul3A_606 = arith.mulf %get3A_575, %mul3A_605 : vector<16xf32>
        %get3A_607 = arith.index_cast %scan3A_398 : i32 to index
        %get3A_608 = arith.constant 80 : index
        %get3A_609 = tpu.vector_load %arg25[%get3A_607, %get3A_608] {strides = array<i32>} : memref<16x128xf32, #tpu.memory_space<vmem>>, vector<1x16xf32>,
        %get3A_610 = vector.shape_cast %get3A_609 : vector<1x16xf32> to vector<16xf32>
        %get3A_611 = arith.index_cast %scan3A_398 : i32 to index
        %get3A_612 = arith.constant 16 : index
        %get3A_613 = tpu.vector_load %arg23[%get3A_611, %get3A_612] {strides = array<i32>} : memref<16x128xf32, #tpu.memory_space<vmem>>, vector<1x16xf32>,
        %get3A_614 = vector.shape_cast %get3A_613 : vector<1x16xf32> to vector<16xf32>
        %mul3A_615 = arith.mulf %gather3A_405, %get3A_614 : vector<16xf32>
        %get3A_616 = arith.index_cast %scan3A_398 : i32 to index
        %get3A_617 = arith.constant 80 : index
        %get3A_618 = tpu.vector_load %arg23[%get3A_616, %get3A_617] {strides = array<i32>} : memref<16x128xf32, #tpu.memory_space<vmem>>, vector<1x16xf32>,
        %get3A_619 = vector.shape_cast %get3A_618 : vector<1x16xf32> to vector<16xf32>
        %add3A_620 = arith.addf %mul3A_615, %get3A_619 : vector<16xf32>
        %mul3A_621 = arith.mulf %add3A_620, %add3A_620 : vector<16xf32>
        %mul3A_622 = arith.constant 2.75573188E-6 : f32
        %mul3A_623 = vector.broadcast %mul3A_622 : f32 to vector<16xf32>
        %mul3A_624 = arith.mulf %mul3A_623, %mul3A_621 : vector<16xf32>
        %add3A_625 = arith.constant -1.98412701E-4 : f32
        %add3A_626 = vector.broadcast %add3A_625 : f32 to vector<16xf32>
        %add3A_627 = arith.addf %mul3A_624, %add3A_626 : vector<16xf32>
        %mul3A_628 = arith.mulf %add3A_627, %mul3A_621 : vector<16xf32>
        %add3A_629 = arith.constant 0.00833333377 : f32
        %add3A_630 = vector.broadcast %add3A_629 : f32 to vector<16xf32>
        %add3A_631 = arith.addf %mul3A_628, %add3A_630 : vector<16xf32>
        %mul3A_632 = arith.mulf %add3A_631, %mul3A_621 : vector<16xf32>
        %add3A_633 = arith.constant -0.166666672 : f32
        %add3A_634 = vector.broadcast %add3A_633 : f32 to vector<16xf32>
        %add3A_635 = arith.addf %mul3A_632, %add3A_634 : vector<16xf32>
        %mul3A_636 = arith.mulf %add3A_635, %mul3A_621 : vector<16xf32>
        %add3A_637 = arith.constant 1.000000e+00 : f32
        %add3A_638 = vector.broadcast %add3A_637 : f32 to vector<16xf32>
        %add3A_639 = arith.addf %mul3A_636, %add3A_638 : vector<16xf32>
        %mul3A_640 = arith.mulf %add3A_639, %add3A_620 : vector<16xf32>
        %mul3A_641 = arith.mulf %get3A_610, %mul3A_640 : vector<16xf32>
        %add3A_642 = arith.addf %mul3A_606, %mul3A_641 : vector<16xf32>
        %get3A_643 = arith.index_cast %scan3A_398 : i32 to index
        %get3A_644 = arith.constant 16 : index
        %get3A_645 = tpu.vector_load %arg26[%get3A_643, %get3A_644] {strides = array<i32>} : memref<16x128xf32, #tpu.memory_space<vmem>>, vector<1x16xf32>,
        %get3A_646 = vector.shape_cast %get3A_645 : vector<1x16xf32> to vector<16xf32>
        %get3A_647 = arith.index_cast %scan3A_398 : i32 to index
        %get3A_648 = arith.constant 16 : index
        %get3A_649 = tpu.vector_load %arg22[%get3A_647, %get3A_648] {strides = array<i32>} : memref<16x128xf32, #tpu.memory_space<vmem>>, vector<1x16xf32>,
        %get3A_650 = vector.shape_cast %get3A_649 : vector<1x16xf32> to vector<16xf32>
        %mul3A_651 = arith.mulf %gather3A_402, %get3A_650 : vector<16xf32>
        %get3A_652 = arith.index_cast %scan3A_398 : i32 to index
        %get3A_653 = arith.constant 80 : index
        %get3A_654 = tpu.vector_load %arg22[%get3A_652, %get3A_653] {strides = array<i32>} : memref<16x128xf32, #tpu.memory_space<vmem>>, vector<1x16xf32>,
        %get3A_655 = vector.shape_cast %get3A_654 : vector<1x16xf32> to vector<16xf32>
        %add3A_656 = arith.addf %mul3A_651, %get3A_655 : vector<16xf32>
        %mul3A_657 = arith.mulf %add3A_656, %add3A_656 : vector<16xf32>
        %mul3A_658 = arith.constant 2.75573188E-6 : f32
        %mul3A_659 = vector.broadcast %mul3A_658 : f32 to vector<16xf32>
        %mul3A_660 = arith.mulf %mul3A_659, %mul3A_657 : vector<16xf32>
        %add3A_661 = arith.constant -1.98412701E-4 : f32
        %add3A_662 = vector.broadcast %add3A_661 : f32 to vector<16xf32>
        %add3A_663 = arith.addf %mul3A_660, %add3A_662 : vector<16xf32>
        %mul3A_664 = arith.mulf %add3A_663, %mul3A_657 : vector<16xf32>
        %add3A_665 = arith.constant 0.00833333377 : f32
        %add3A_666 = vector.broadcast %add3A_665 : f32 to vector<16xf32>
        %add3A_667 = arith.addf %mul3A_664, %add3A_666 : vector<16xf32>
        %mul3A_668 = arith.mulf %add3A_667, %mul3A_657 : vector<16xf32>
        %add3A_669 = arith.constant -0.166666672 : f32
        %add3A_670 = vector.broadcast %add3A_669 : f32 to vector<16xf32>
        %add3A_671 = arith.addf %mul3A_668, %add3A_670 : vector<16xf32>
        %mul3A_672 = arith.mulf %add3A_671, %mul3A_657 : vector<16xf32>
        %add3A_673 = arith.constant 1.000000e+00 : f32
        %add3A_674 = vector.broadcast %add3A_673 : f32 to vector<16xf32>
        %add3A_675 = arith.addf %mul3A_672, %add3A_674 : vector<16xf32>
        %mul3A_676 = arith.mulf %add3A_675, %add3A_656 : vector<16xf32>
        %mul3A_677 = arith.mulf %get3A_646, %mul3A_676 : vector<16xf32>
        %get3A_678 = arith.index_cast %scan3A_398 : i32 to index
        %get3A_679 = arith.constant 80 : index
        %get3A_680 = tpu.vector_load %arg26[%get3A_678, %get3A_679] {strides = array<i32>} : memref<16x128xf32, #tpu.memory_space<vmem>>, vector<1x16xf32>,
        %get3A_681 = vector.shape_cast %get3A_680 : vector<1x16xf32> to vector<16xf32>
        %get3A_682 = arith.index_cast %scan3A_398 : i32 to index
        %get3A_683 = arith.constant 16 : index
        %get3A_684 = tpu.vector_load %arg24[%get3A_682, %get3A_683] {strides = array<i32>} : memref<16x128xf32, #tpu.memory_space<vmem>>, vector<1x16xf32>,
        %get3A_685 = vector.shape_cast %get3A_684 : vector<1x16xf32> to vector<16xf32>
        %mul3A_686 = arith.mulf %gather3A_405, %get3A_685 : vector<16xf32>
        %get3A_687 = arith.index_cast %scan3A_398 : i32 to index
        %get3A_688 = arith.constant 80 : index
        %get3A_689 = tpu.vector_load %arg24[%get3A_687, %get3A_688] {strides = array<i32>} : memref<16x128xf32, #tpu.memory_space<vmem>>, vector<1x16xf32>,
        %get3A_690 = vector.shape_cast %get3A_689 : vector<1x16xf32> to vector<16xf32>
        %add3A_691 = arith.addf %mul3A_686, %get3A_690 : vector<16xf32>
        %mul3A_692 = arith.mulf %add3A_691, %add3A_691 : vector<16xf32>
        %mul3A_693 = arith.constant 2.75573188E-6 : f32
        %mul3A_694 = vector.broadcast %mul3A_693 : f32 to vector<16xf32>
        %mul3A_695 = arith.mulf %mul3A_694, %mul3A_692 : vector<16xf32>
        %add3A_696 = arith.constant -1.98412701E-4 : f32
        %add3A_697 = vector.broadcast %add3A_696 : f32 to vector<16xf32>
        %add3A_698 = arith.addf %mul3A_695, %add3A_697 : vector<16xf32>
        %mul3A_699 = arith.mulf %add3A_698, %mul3A_692 : vector<16xf32>
        %add3A_700 = arith.constant 0.00833333377 : f32
        %add3A_701 = vector.broadcast %add3A_700 : f32 to vector<16xf32>
        %add3A_702 = arith.addf %mul3A_699, %add3A_701 : vector<16xf32>
        %mul3A_703 = arith.mulf %add3A_702, %mul3A_692 : vector<16xf32>
        %add3A_704 = arith.constant -0.166666672 : f32
        %add3A_705 = vector.broadcast %add3A_704 : f32 to vector<16xf32>
        %add3A_706 = arith.addf %mul3A_703, %add3A_705 : vector<16xf32>
        %mul3A_707 = arith.mulf %add3A_706, %mul3A_692 : vector<16xf32>
        %add3A_708 = arith.constant 1.000000e+00 : f32
        %add3A_709 = vector.broadcast %add3A_708 : f32 to vector<16xf32>
        %add3A_710 = arith.addf %mul3A_707, %add3A_709 : vector<16xf32>
        %mul3A_711 = arith.mulf %add3A_710, %add3A_691 : vector<16xf32>
        %mul3A_712 = arith.mulf %get3A_681, %mul3A_711 : vector<16xf32>
        %add3A_713 = arith.addf %mul3A_677, %mul3A_712 : vector<16xf32>
        %get3A_714 = arith.index_cast %scan3A_398 : i32 to index
        %get3A_715 = arith.constant 16 : index
        %get3A_716 = tpu.vector_load %arg19[%get3A_714, %get3A_715] {strides = array<i32>} : memref<16x64xf32, #tpu.memory_space<vmem>>, vector<1x16xf32>,
        %get3A_717 = vector.shape_cast %get3A_716 : vector<1x16xf32> to vector<16xf32>
        %get3A_718 = arith.index_cast %scan3A_398 : i32 to index
        %get3A_719 = arith.constant 16 : index
        %get3A_720 = tpu.vector_load %arg51[%get3A_718, %get3A_719] {strides = array<i32>} : memref<16x128xf32, #tpu.memory_space<vmem>>, vector<1x16xf32>,
        %get3A_721 = vector.shape_cast %get3A_720 : vector<1x16xf32> to vector<16xf32>
        %add3A_722 = arith.addf %get3A_717, %get3A_721 : vector<16xf32>
        %get3A_723 = arith.index_cast %scan3A_398 : i32 to index
        %get3A_724 = arith.constant 16 : index
        %get3A_725 = tpu.vector_load %arg20[%get3A_723, %get3A_724] {strides = array<i32>} : memref<16x64xf32, #tpu.memory_space<vmem>>, vector<1x16xf32>,
        %get3A_726 = vector.shape_cast %get3A_725 : vector<1x16xf32> to vector<16xf32>
        %sub3A_727 = arith.subf %add3A_722, %get3A_726 : vector<16xf32>
        %abs3A_728 = math.absf %sub3A_727 : vector<16xf32>
        %add3A_729 = arith.addf %add3A_571, %abs3A_728 : vector<16xf32>
        %get3A_730 = arith.index_cast %scan3A_398 : i32 to index
        %get3A_731 = arith.constant 80 : index
        %get3A_732 = tpu.vector_load %arg51[%get3A_730, %get3A_731] {strides = array<i32>} : memref<16x128xf32, #tpu.memory_space<vmem>>, vector<1x16xf32>,
        %get3A_733 = vector.shape_cast %get3A_732 : vector<1x16xf32> to vector<16xf32>
        %add3A_734 = arith.addf %add3A_642, %get3A_733 : vector<16xf32>
        %sub3A_735 = arith.subf %add3A_734, %add3A_713 : vector<16xf32>
        %abs3A_736 = math.absf %sub3A_735 : vector<16xf32>
        %add3A_737 = arith.addf %add3A_729, %abs3A_736 : vector<16xf32>
        %get3A_738 = arith.index_cast %scan3A_398 : i32 to index
        %get3A_739 = arith.constant 32 : index
        %get3A_740 = tpu.vector_load %arg25[%get3A_738, %get3A_739] {strides = array<i32>} : memref<16x128xf32, #tpu.memory_space<vmem>>, vector<1x16xf32>,
        %get3A_741 = vector.shape_cast %get3A_740 : vector<1x16xf32> to vector<16xf32>
        %get3A_742 = arith.index_cast %scan3A_398 : i32 to index
        %get3A_743 = arith.constant 32 : index
        %get3A_744 = tpu.vector_load %arg21[%get3A_742, %get3A_743] {strides = array<i32>} : memref<16x128xf32, #tpu.memory_space<vmem>>, vector<1x16xf32>,
        %get3A_745 = vector.shape_cast %get3A_744 : vector<1x16xf32> to vector<16xf32>
        %mul3A_746 = arith.mulf %gather3A_402, %get3A_745 : vector<16xf32>
        %get3A_747 = arith.index_cast %scan3A_398 : i32 to index
        %get3A_748 = arith.constant 96 : index
        %get3A_749 = tpu.vector_load %arg21[%get3A_747, %get3A_748] {strides = array<i32>} : memref<16x128xf32, #tpu.memory_space<vmem>>, vector<1x16xf32>,
        %get3A_750 = vector.shape_cast %get3A_749 : vector<1x16xf32> to vector<16xf32>
        %add3A_751 = arith.addf %mul3A_746, %get3A_750 : vector<16xf32>
        %mul3A_752 = arith.mulf %add3A_751, %add3A_751 : vector<16xf32>
        %mul3A_753 = arith.constant 2.75573188E-6 : f32
        %mul3A_754 = vector.broadcast %mul3A_753 : f32 to vector<16xf32>
        %mul3A_755 = arith.mulf %mul3A_754, %mul3A_752 : vector<16xf32>
        %add3A_756 = arith.constant -1.98412701E-4 : f32
        %add3A_757 = vector.broadcast %add3A_756 : f32 to vector<16xf32>
        %add3A_758 = arith.addf %mul3A_755, %add3A_757 : vector<16xf32>
        %mul3A_759 = arith.mulf %add3A_758, %mul3A_752 : vector<16xf32>
        %add3A_760 = arith.constant 0.00833333377 : f32
        %add3A_761 = vector.broadcast %add3A_760 : f32 to vector<16xf32>
        %add3A_762 = arith.addf %mul3A_759, %add3A_761 : vector<16xf32>
        %mul3A_763 = arith.mulf %add3A_762, %mul3A_752 : vector<16xf32>
        %add3A_764 = arith.constant -0.166666672 : f32
        %add3A_765 = vector.broadcast %add3A_764 : f32 to vector<16xf32>
        %add3A_766 = arith.addf %mul3A_763, %add3A_765 : vector<16xf32>
        %mul3A_767 = arith.mulf %add3A_766, %mul3A_752 : vector<16xf32>
        %add3A_768 = arith.constant 1.000000e+00 : f32
        %add3A_769 = vector.broadcast %add3A_768 : f32 to vector<16xf32>
        %add3A_770 = arith.addf %mul3A_767, %add3A_769 : vector<16xf32>
        %mul3A_771 = arith.mulf %add3A_770, %add3A_751 : vector<16xf32>
        %mul3A_772 = arith.mulf %get3A_741, %mul3A_771 : vector<16xf32>
        %get3A_773 = arith.index_cast %scan3A_398 : i32 to index
        %get3A_774 = arith.constant 96 : index
        %get3A_775 = tpu.vector_load %arg25[%get3A_773, %get3A_774] {strides = array<i32>} : memref<16x128xf32, #tpu.memory_space<vmem>>, vector<1x16xf32>,
        %get3A_776 = vector.shape_cast %get3A_775 : vector<1x16xf32> to vector<16xf32>
        %get3A_777 = arith.index_cast %scan3A_398 : i32 to index
        %get3A_778 = arith.constant 32 : index
        %get3A_779 = tpu.vector_load %arg23[%get3A_777, %get3A_778] {strides = array<i32>} : memref<16x128xf32, #tpu.memory_space<vmem>>, vector<1x16xf32>,
        %get3A_780 = vector.shape_cast %get3A_779 : vector<1x16xf32> to vector<16xf32>
        %mul3A_781 = arith.mulf %gather3A_405, %get3A_780 : vector<16xf32>
        %get3A_782 = arith.index_cast %scan3A_398 : i32 to index
        %get3A_783 = arith.constant 96 : index
        %get3A_784 = tpu.vector_load %arg23[%get3A_782, %get3A_783] {strides = array<i32>} : memref<16x128xf32, #tpu.memory_space<vmem>>, vector<1x16xf32>,
        %get3A_785 = vector.shape_cast %get3A_784 : vector<1x16xf32> to vector<16xf32>
        %add3A_786 = arith.addf %mul3A_781, %get3A_785 : vector<16xf32>
        %mul3A_787 = arith.mulf %add3A_786, %add3A_786 : vector<16xf32>
        %mul3A_788 = arith.constant 2.75573188E-6 : f32
        %mul3A_789 = vector.broadcast %mul3A_788 : f32 to vector<16xf32>
        %mul3A_790 = arith.mulf %mul3A_789, %mul3A_787 : vector<16xf32>
        %add3A_791 = arith.constant -1.98412701E-4 : f32
        %add3A_792 = vector.broadcast %add3A_791 : f32 to vector<16xf32>
        %add3A_793 = arith.addf %mul3A_790, %add3A_792 : vector<16xf32>
        %mul3A_794 = arith.mulf %add3A_793, %mul3A_787 : vector<16xf32>
        %add3A_795 = arith.constant 0.00833333377 : f32
        %add3A_796 = vector.broadcast %add3A_795 : f32 to vector<16xf32>
        %add3A_797 = arith.addf %mul3A_794, %add3A_796 : vector<16xf32>
        %mul3A_798 = arith.mulf %add3A_797, %mul3A_787 : vector<16xf32>
        %add3A_799 = arith.constant -0.166666672 : f32
        %add3A_800 = vector.broadcast %add3A_799 : f32 to vector<16xf32>
        %add3A_801 = arith.addf %mul3A_798, %add3A_800 : vector<16xf32>
        %mul3A_802 = arith.mulf %add3A_801, %mul3A_787 : vector<16xf32>
        %add3A_803 = arith.constant 1.000000e+00 : f32
        %add3A_804 = vector.broadcast %add3A_803 : f32 to vector<16xf32>
        %add3A_805 = arith.addf %mul3A_802, %add3A_804 : vector<16xf32>
        %mul3A_806 = arith.mulf %add3A_805, %add3A_786 : vector<16xf32>
        %mul3A_807 = arith.mulf %get3A_776, %mul3A_806 : vector<16xf32>
        %add3A_808 = arith.addf %mul3A_772, %mul3A_807 : vector<16xf32>
        %get3A_809 = arith.index_cast %scan3A_398 : i32 to index
        %get3A_810 = arith.constant 32 : index
        %get3A_811 = tpu.vector_load %arg26[%get3A_809, %get3A_810] {strides = array<i32>} : memref<16x128xf32, #tpu.memory_space<vmem>>, vector<1x16xf32>,
        %get3A_812 = vector.shape_cast %get3A_811 : vector<1x16xf32> to vector<16xf32>
        %get3A_813 = arith.index_cast %scan3A_398 : i32 to index
        %get3A_814 = arith.constant 32 : index
        %get3A_815 = tpu.vector_load %arg22[%get3A_813, %get3A_814] {strides = array<i32>} : memref<16x128xf32, #tpu.memory_space<vmem>>, vector<1x16xf32>,
        %get3A_816 = vector.shape_cast %get3A_815 : vector<1x16xf32> to vector<16xf32>
        %mul3A_817 = arith.mulf %gather3A_402, %get3A_816 : vector<16xf32>
        %get3A_818 = arith.index_cast %scan3A_398 : i32 to index
        %get3A_819 = arith.constant 96 : index
        %get3A_820 = tpu.vector_load %arg22[%get3A_818, %get3A_819] {strides = array<i32>} : memref<16x128xf32, #tpu.memory_space<vmem>>, vector<1x16xf32>,
        %get3A_821 = vector.shape_cast %get3A_820 : vector<1x16xf32> to vector<16xf32>
        %add3A_822 = arith.addf %mul3A_817, %get3A_821 : vector<16xf32>
        %mul3A_823 = arith.mulf %add3A_822, %add3A_822 : vector<16xf32>
        %mul3A_824 = arith.constant 2.75573188E-6 : f32
        %mul3A_825 = vector.broadcast %mul3A_824 : f32 to vector<16xf32>
        %mul3A_826 = arith.mulf %mul3A_825, %mul3A_823 : vector<16xf32>
        %add3A_827 = arith.constant -1.98412701E-4 : f32
        %add3A_828 = vector.broadcast %add3A_827 : f32 to vector<16xf32>
        %add3A_829 = arith.addf %mul3A_826, %add3A_828 : vector<16xf32>
        %mul3A_830 = arith.mulf %add3A_829, %mul3A_823 : vector<16xf32>
        %add3A_831 = arith.constant 0.00833333377 : f32
        %add3A_832 = vector.broadcast %add3A_831 : f32 to vector<16xf32>
        %add3A_833 = arith.addf %mul3A_830, %add3A_832 : vector<16xf32>
        %mul3A_834 = arith.mulf %add3A_833, %mul3A_823 : vector<16xf32>
        %add3A_835 = arith.constant -0.166666672 : f32
        %add3A_836 = vector.broadcast %add3A_835 : f32 to vector<16xf32>
        %add3A_837 = arith.addf %mul3A_834, %add3A_836 : vector<16xf32>
        %mul3A_838 = arith.mulf %add3A_837, %mul3A_823 : vector<16xf32>
        %add3A_839 = arith.constant 1.000000e+00 : f32
        %add3A_840 = vector.broadcast %add3A_839 : f32 to vector<16xf32>
        %add3A_841 = arith.addf %mul3A_838, %add3A_840 : vector<16xf32>
        %mul3A_842 = arith.mulf %add3A_841, %add3A_822 : vector<16xf32>
        %mul3A_843 = arith.mulf %get3A_812, %mul3A_842 : vector<16xf32>
        %get3A_844 = arith.index_cast %scan3A_398 : i32 to index
        %get3A_845 = arith.constant 96 : index
        %get3A_846 = tpu.vector_load %arg26[%get3A_844, %get3A_845] {strides = array<i32>} : memref<16x128xf32, #tpu.memory_space<vmem>>, vector<1x16xf32>,
        %get3A_847 = vector.shape_cast %get3A_846 : vector<1x16xf32> to vector<16xf32>
        %get3A_848 = arith.index_cast %scan3A_398 : i32 to index
        %get3A_849 = arith.constant 32 : index
        %get3A_850 = tpu.vector_load %arg24[%get3A_848, %get3A_849] {strides = array<i32>} : memref<16x128xf32, #tpu.memory_space<vmem>>, vector<1x16xf32>,
        %get3A_851 = vector.shape_cast %get3A_850 : vector<1x16xf32> to vector<16xf32>
        %mul3A_852 = arith.mulf %gather3A_405, %get3A_851 : vector<16xf32>
        %get3A_853 = arith.index_cast %scan3A_398 : i32 to index
        %get3A_854 = arith.constant 96 : index
        %get3A_855 = tpu.vector_load %arg24[%get3A_853, %get3A_854] {strides = array<i32>} : memref<16x128xf32, #tpu.memory_space<vmem>>, vector<1x16xf32>,
        %get3A_856 = vector.shape_cast %get3A_855 : vector<1x16xf32> to vector<16xf32>
        %add3A_857 = arith.addf %mul3A_852, %get3A_856 : vector<16xf32>
        %mul3A_858 = arith.mulf %add3A_857, %add3A_857 : vector<16xf32>
        %mul3A_859 = arith.constant 2.75573188E-6 : f32
        %mul3A_860 = vector.broadcast %mul3A_859 : f32 to vector<16xf32>
        %mul3A_861 = arith.mulf %mul3A_860, %mul3A_858 : vector<16xf32>
        %add3A_862 = arith.constant -1.98412701E-4 : f32
        %add3A_863 = vector.broadcast %add3A_862 : f32 to vector<16xf32>
        %add3A_864 = arith.addf %mul3A_861, %add3A_863 : vector<16xf32>
        %mul3A_865 = arith.mulf %add3A_864, %mul3A_858 : vector<16xf32>
        %add3A_866 = arith.constant 0.00833333377 : f32
        %add3A_867 = vector.broadcast %add3A_866 : f32 to vector<16xf32>
        %add3A_868 = arith.addf %mul3A_865, %add3A_867 : vector<16xf32>
        %mul3A_869 = arith.mulf %add3A_868, %mul3A_858 : vector<16xf32>
        %add3A_870 = arith.constant -0.166666672 : f32
        %add3A_871 = vector.broadcast %add3A_870 : f32 to vector<16xf32>
        %add3A_872 = arith.addf %mul3A_869, %add3A_871 : vector<16xf32>
        %mul3A_873 = arith.mulf %add3A_872, %mul3A_858 : vector<16xf32>
        %add3A_874 = arith.constant 1.000000e+00 : f32
        %add3A_875 = vector.broadcast %add3A_874 : f32 to vector<16xf32>
        %add3A_876 = arith.addf %mul3A_873, %add3A_875 : vector<16xf32>
        %mul3A_877 = arith.mulf %add3A_876, %add3A_857 : vector<16xf32>
        %mul3A_878 = arith.mulf %get3A_847, %mul3A_877 : vector<16xf32>
        %add3A_879 = arith.addf %mul3A_843, %mul3A_878 : vector<16xf32>
        %get3A_880 = arith.index_cast %scan3A_398 : i32 to index
        %get3A_881 = arith.constant 32 : index
        %get3A_882 = tpu.vector_load %arg19[%get3A_880, %get3A_881] {strides = array<i32>} : memref<16x64xf32, #tpu.memory_space<vmem>>, vector<1x16xf32>,
        %get3A_883 = vector.shape_cast %get3A_882 : vector<1x16xf32> to vector<16xf32>
        %get3A_884 = arith.index_cast %scan3A_398 : i32 to index
        %get3A_885 = arith.constant 32 : index
        %get3A_886 = tpu.vector_load %arg51[%get3A_884, %get3A_885] {strides = array<i32>} : memref<16x128xf32, #tpu.memory_space<vmem>>, vector<1x16xf32>,
        %get3A_887 = vector.shape_cast %get3A_886 : vector<1x16xf32> to vector<16xf32>
        %add3A_888 = arith.addf %get3A_883, %get3A_887 : vector<16xf32>
        %get3A_889 = arith.index_cast %scan3A_398 : i32 to index
        %get3A_890 = arith.constant 32 : index
        %get3A_891 = tpu.vector_load %arg20[%get3A_889, %get3A_890] {strides = array<i32>} : memref<16x64xf32, #tpu.memory_space<vmem>>, vector<1x16xf32>,
        %get3A_892 = vector.shape_cast %get3A_891 : vector<1x16xf32> to vector<16xf32>
        %sub3A_893 = arith.subf %add3A_888, %get3A_892 : vector<16xf32>
        %abs3A_894 = math.absf %sub3A_893 : vector<16xf32>
        %add3A_895 = arith.addf %add3A_737, %abs3A_894 : vector<16xf32>
        %get3A_896 = arith.index_cast %scan3A_398 : i32 to index
        %get3A_897 = arith.constant 96 : index
        %get3A_898 = tpu.vector_load %arg51[%get3A_896, %get3A_897] {strides = array<i32>} : memref<16x128xf32, #tpu.memory_space<vmem>>, vector<1x16xf32>,
        %get3A_899 = vector.shape_cast %get3A_898 : vector<1x16xf32> to vector<16xf32>
        %add3A_900 = arith.addf %add3A_808, %get3A_899 : vector<16xf32>
        %sub3A_901 = arith.subf %add3A_900, %add3A_879 : vector<16xf32>
        %abs3A_902 = math.absf %sub3A_901 : vector<16xf32>
        %add3A_903 = arith.addf %add3A_895, %abs3A_902 : vector<16xf32>
        %get3A_904 = arith.index_cast %scan3A_398 : i32 to index
        %get3A_905 = arith.constant 48 : index
        %get3A_906 = tpu.vector_load %arg25[%get3A_904, %get3A_905] {strides = array<i32>} : memref<16x128xf32, #tpu.memory_space<vmem>>, vector<1x16xf32>,
        %get3A_907 = vector.shape_cast %get3A_906 : vector<1x16xf32> to vector<16xf32>
        %get3A_908 = arith.index_cast %scan3A_398 : i32 to index
        %get3A_909 = arith.constant 48 : index
        %get3A_910 = tpu.vector_load %arg21[%get3A_908, %get3A_909] {strides = array<i32>} : memref<16x128xf32, #tpu.memory_space<vmem>>, vector<1x16xf32>,
        %get3A_911 = vector.shape_cast %get3A_910 : vector<1x16xf32> to vector<16xf32>
        %mul3A_912 = arith.mulf %gather3A_402, %get3A_911 : vector<16xf32>
        %get3A_913 = arith.index_cast %scan3A_398 : i32 to index
        %get3A_914 = arith.constant 112 : index
        %get3A_915 = tpu.vector_load %arg21[%get3A_913, %get3A_914] {strides = array<i32>} : memref<16x128xf32, #tpu.memory_space<vmem>>, vector<1x16xf32>,
        %get3A_916 = vector.shape_cast %get3A_915 : vector<1x16xf32> to vector<16xf32>
        %add3A_917 = arith.addf %mul3A_912, %get3A_916 : vector<16xf32>
        %mul3A_918 = arith.mulf %add3A_917, %add3A_917 : vector<16xf32>
        %mul3A_919 = arith.constant 2.75573188E-6 : f32
        %mul3A_920 = vector.broadcast %mul3A_919 : f32 to vector<16xf32>
        %mul3A_921 = arith.mulf %mul3A_920, %mul3A_918 : vector<16xf32>
        %add3A_922 = arith.constant -1.98412701E-4 : f32
        %add3A_923 = vector.broadcast %add3A_922 : f32 to vector<16xf32>
        %add3A_924 = arith.addf %mul3A_921, %add3A_923 : vector<16xf32>
        %mul3A_925 = arith.mulf %add3A_924, %mul3A_918 : vector<16xf32>
        %add3A_926 = arith.constant 0.00833333377 : f32
        %add3A_927 = vector.broadcast %add3A_926 : f32 to vector<16xf32>
        %add3A_928 = arith.addf %mul3A_925, %add3A_927 : vector<16xf32>
        %mul3A_929 = arith.mulf %add3A_928, %mul3A_918 : vector<16xf32>
        %add3A_930 = arith.constant -0.166666672 : f32
        %add3A_931 = vector.broadcast %add3A_930 : f32 to vector<16xf32>
        %add3A_932 = arith.addf %mul3A_929, %add3A_931 : vector<16xf32>
        %mul3A_933 = arith.mulf %add3A_932, %mul3A_918 : vector<16xf32>
        %add3A_934 = arith.constant 1.000000e+00 : f32
        %add3A_935 = vector.broadcast %add3A_934 : f32 to vector<16xf32>
        %add3A_936 = arith.addf %mul3A_933, %add3A_935 : vector<16xf32>
        %mul3A_937 = arith.mulf %add3A_936, %add3A_917 : vector<16xf32>
        %mul3A_938 = arith.mulf %get3A_907, %mul3A_937 : vector<16xf32>
        %get3A_939 = arith.index_cast %scan3A_398 : i32 to index
        %get3A_940 = arith.constant 112 : index
        %get3A_941 = tpu.vector_load %arg25[%get3A_939, %get3A_940] {strides = array<i32>} : memref<16x128xf32, #tpu.memory_space<vmem>>, vector<1x16xf32>,
        %get3A_942 = vector.shape_cast %get3A_941 : vector<1x16xf32> to vector<16xf32>
        %get3A_943 = arith.index_cast %scan3A_398 : i32 to index
        %get3A_944 = arith.constant 48 : index
        %get3A_945 = tpu.vector_load %arg23[%get3A_943, %get3A_944] {strides = array<i32>} : memref<16x128xf32, #tpu.memory_space<vmem>>, vector<1x16xf32>,
        %get3A_946 = vector.shape_cast %get3A_945 : vector<1x16xf32> to vector<16xf32>
        %mul3A_947 = arith.mulf %gather3A_405, %get3A_946 : vector<16xf32>
        %get3A_948 = arith.index_cast %scan3A_398 : i32 to index
        %get3A_949 = arith.constant 112 : index
        %get3A_950 = tpu.vector_load %arg23[%get3A_948, %get3A_949] {strides = array<i32>} : memref<16x128xf32, #tpu.memory_space<vmem>>, vector<1x16xf32>,
        %get3A_951 = vector.shape_cast %get3A_950 : vector<1x16xf32> to vector<16xf32>
        %add3A_952 = arith.addf %mul3A_947, %get3A_951 : vector<16xf32>
        %mul3A_953 = arith.mulf %add3A_952, %add3A_952 : vector<16xf32>
        %mul3A_954 = arith.constant 2.75573188E-6 : f32
        %mul3A_955 = vector.broadcast %mul3A_954 : f32 to vector<16xf32>
        %mul3A_956 = arith.mulf %mul3A_955, %mul3A_953 : vector<16xf32>
        %add3A_957 = arith.constant -1.98412701E-4 : f32
        %add3A_958 = vector.broadcast %add3A_957 : f32 to vector<16xf32>
        %add3A_959 = arith.addf %mul3A_956, %add3A_958 : vector<16xf32>
        %mul3A_960 = arith.mulf %add3A_959, %mul3A_953 : vector<16xf32>
        %add3A_961 = arith.constant 0.00833333377 : f32
        %add3A_962 = vector.broadcast %add3A_961 : f32 to vector<16xf32>
        %add3A_963 = arith.addf %mul3A_960, %add3A_962 : vector<16xf32>
        %mul3A_964 = arith.mulf %add3A_963, %mul3A_953 : vector<16xf32>
        %add3A_965 = arith.constant -0.166666672 : f32
        %add3A_966 = vector.broadcast %add3A_965 : f32 to vector<16xf32>
        %add3A_967 = arith.addf %mul3A_964, %add3A_966 : vector<16xf32>
        %mul3A_968 = arith.mulf %add3A_967, %mul3A_953 : vector<16xf32>
        %add3A_969 = arith.constant 1.000000e+00 : f32
        %add3A_970 = vector.broadcast %add3A_969 : f32 to vector<16xf32>
        %add3A_971 = arith.addf %mul3A_968, %add3A_970 : vector<16xf32>
        %mul3A_972 = arith.mulf %add3A_971, %add3A_952 : vector<16xf32>
        %mul3A_973 = arith.mulf %get3A_942, %mul3A_972 : vector<16xf32>
        %add3A_974 = arith.addf %mul3A_938, %mul3A_973 : vector<16xf32>
        %get3A_975 = arith.index_cast %scan3A_398 : i32 to index
        %get3A_976 = arith.constant 48 : index
        %get3A_977 = tpu.vector_load %arg26[%get3A_975, %get3A_976] {strides = array<i32>} : memref<16x128xf32, #tpu.memory_space<vmem>>, vector<1x16xf32>,
        %get3A_978 = vector.shape_cast %get3A_977 : vector<1x16xf32> to vector<16xf32>
        %get3A_979 = arith.index_cast %scan3A_398 : i32 to index
        %get3A_980 = arith.constant 48 : index
        %get3A_981 = tpu.vector_load %arg22[%get3A_979, %get3A_980] {strides = array<i32>} : memref<16x128xf32, #tpu.memory_space<vmem>>, vector<1x16xf32>,
        %get3A_982 = vector.shape_cast %get3A_981 : vector<1x16xf32> to vector<16xf32>
        %mul3A_983 = arith.mulf %gather3A_402, %get3A_982 : vector<16xf32>
        %get3A_984 = arith.index_cast %scan3A_398 : i32 to index
        %get3A_985 = arith.constant 112 : index
        %get3A_986 = tpu.vector_load %arg22[%get3A_984, %get3A_985] {strides = array<i32>} : memref<16x128xf32, #tpu.memory_space<vmem>>, vector<1x16xf32>,
        %get3A_987 = vector.shape_cast %get3A_986 : vector<1x16xf32> to vector<16xf32>
        %add3A_988 = arith.addf %mul3A_983, %get3A_987 : vector<16xf32>
        %mul3A_989 = arith.mulf %add3A_988, %add3A_988 : vector<16xf32>
        %mul3A_990 = arith.constant 2.75573188E-6 : f32
        %mul3A_991 = vector.broadcast %mul3A_990 : f32 to vector<16xf32>
        %mul3A_992 = arith.mulf %mul3A_991, %mul3A_989 : vector<16xf32>
        %add3A_993 = arith.constant -1.98412701E-4 : f32
        %add3A_994 = vector.broadcast %add3A_993 : f32 to vector<16xf32>
        %add3A_995 = arith.addf %mul3A_992, %add3A_994 : vector<16xf32>
        %mul3A_996 = arith.mulf %add3A_995, %mul3A_989 : vector<16xf32>
        %add3A_997 = arith.constant 0.00833333377 : f32
        %add3A_998 = vector.broadcast %add3A_997 : f32 to vector<16xf32>
        %add3A_999 = arith.addf %mul3A_996, %add3A_998 : vector<16xf32>
        %mul3A_1000 = arith.mulf %add3A_999, %mul3A_989 : vector<16xf32>
        %add3A_1001 = arith.constant -0.166666672 : f32
        %add3A_1002 = vector.broadcast %add3A_1001 : f32 to vector<16xf32>
        %add3A_1003 = arith.addf %mul3A_1000, %add3A_1002 : vector<16xf32>
        %mul3A_1004 = arith.mulf %add3A_1003, %mul3A_989 : vector<16xf32>
        %add3A_1005 = arith.constant 1.000000e+00 : f32
        %add3A_1006 = vector.broadcast %add3A_1005 : f32 to vector<16xf32>
        %add3A_1007 = arith.addf %mul3A_1004, %add3A_1006 : vector<16xf32>
        %mul3A_1008 = arith.mulf %add3A_1007, %add3A_988 : vector<16xf32>
        %mul3A_1009 = arith.mulf %get3A_978, %mul3A_1008 : vector<16xf32>
        %get3A_1010 = arith.index_cast %scan3A_398 : i32 to index
        %get3A_1011 = arith.constant 112 : index
        %get3A_1012 = tpu.vector_load %arg26[%get3A_1010, %get3A_1011] {strides = array<i32>} : memref<16x128xf32, #tpu.memory_space<vmem>>, vector<1x16xf32>,
        %get3A_1013 = vector.shape_cast %get3A_1012 : vector<1x16xf32> to vector<16xf32>
        %get3A_1014 = arith.index_cast %scan3A_398 : i32 to index
        %get3A_1015 = arith.constant 48 : index
        %get3A_1016 = tpu.vector_load %arg24[%get3A_1014, %get3A_1015] {strides = array<i32>} : memref<16x128xf32, #tpu.memory_space<vmem>>, vector<1x16xf32>,
        %get3A_1017 = vector.shape_cast %get3A_1016 : vector<1x16xf32> to vector<16xf32>
        %mul3A_1018 = arith.mulf %gather3A_405, %get3A_1017 : vector<16xf32>
        %get3A_1019 = arith.index_cast %scan3A_398 : i32 to index
        %get3A_1020 = arith.constant 112 : index
        %get3A_1021 = tpu.vector_load %arg24[%get3A_1019, %get3A_1020] {strides = array<i32>} : memref<16x128xf32, #tpu.memory_space<vmem>>, vector<1x16xf32>,
        %get3A_1022 = vector.shape_cast %get3A_1021 : vector<1x16xf32> to vector<16xf32>
        %add3A_1023 = arith.addf %mul3A_1018, %get3A_1022 : vector<16xf32>
        %mul3A_1024 = arith.mulf %add3A_1023, %add3A_1023 : vector<16xf32>
        %mul3A_1025 = arith.constant 2.75573188E-6 : f32
        %mul3A_1026 = vector.broadcast %mul3A_1025 : f32 to vector<16xf32>
        %mul3A_1027 = arith.mulf %mul3A_1026, %mul3A_1024 : vector<16xf32>
        %add3A_1028 = arith.constant -1.98412701E-4 : f32
        %add3A_1029 = vector.broadcast %add3A_1028 : f32 to vector<16xf32>
        %add3A_1030 = arith.addf %mul3A_1027, %add3A_1029 : vector<16xf32>
        %mul3A_1031 = arith.mulf %add3A_1030, %mul3A_1024 : vector<16xf32>
        %add3A_1032 = arith.constant 0.00833333377 : f32
        %add3A_1033 = vector.broadcast %add3A_1032 : f32 to vector<16xf32>
        %add3A_1034 = arith.addf %mul3A_1031, %add3A_1033 : vector<16xf32>
        %mul3A_1035 = arith.mulf %add3A_1034, %mul3A_1024 : vector<16xf32>
        %add3A_1036 = arith.constant -0.166666672 : f32
        %add3A_1037 = vector.broadcast %add3A_1036 : f32 to vector<16xf32>
        %add3A_1038 = arith.addf %mul3A_1035, %add3A_1037 : vector<16xf32>
        %mul3A_1039 = arith.mulf %add3A_1038, %mul3A_1024 : vector<16xf32>
        %add3A_1040 = arith.constant 1.000000e+00 : f32
        %add3A_1041 = vector.broadcast %add3A_1040 : f32 to vector<16xf32>
        %add3A_1042 = arith.addf %mul3A_1039, %add3A_1041 : vector<16xf32>
        %mul3A_1043 = arith.mulf %add3A_1042, %add3A_1023 : vector<16xf32>
        %mul3A_1044 = arith.mulf %get3A_1013, %mul3A_1043 : vector<16xf32>
        %add3A_1045 = arith.addf %mul3A_1009, %mul3A_1044 : vector<16xf32>
        %get3A_1046 = arith.index_cast %scan3A_398 : i32 to index
        %get3A_1047 = arith.constant 48 : index
        %get3A_1048 = tpu.vector_load %arg19[%get3A_1046, %get3A_1047] {strides = array<i32>} : memref<16x64xf32, #tpu.memory_space<vmem>>, vector<1x16xf32>,
        %get3A_1049 = vector.shape_cast %get3A_1048 : vector<1x16xf32> to vector<16xf32>
        %get3A_1050 = arith.index_cast %scan3A_398 : i32 to index
        %get3A_1051 = arith.constant 48 : index
        %get3A_1052 = tpu.vector_load %arg51[%get3A_1050, %get3A_1051] {strides = array<i32>} : memref<16x128xf32, #tpu.memory_space<vmem>>, vector<1x16xf32>,
        %get3A_1053 = vector.shape_cast %get3A_1052 : vector<1x16xf32> to vector<16xf32>
        %add3A_1054 = arith.addf %get3A_1049, %get3A_1053 : vector<16xf32>
        %get3A_1055 = arith.index_cast %scan3A_398 : i32 to index
        %get3A_1056 = arith.constant 48 : index
        %get3A_1057 = tpu.vector_load %arg20[%get3A_1055, %get3A_1056] {strides = array<i32>} : memref<16x64xf32, #tpu.memory_space<vmem>>, vector<1x16xf32>,
        %get3A_1058 = vector.shape_cast %get3A_1057 : vector<1x16xf32> to vector<16xf32>
        %sub3A_1059 = arith.subf %add3A_1054, %get3A_1058 : vector<16xf32>
        %abs3A_1060 = math.absf %sub3A_1059 : vector<16xf32>
        %add3A_1061 = arith.addf %add3A_903, %abs3A_1060 : vector<16xf32>
        %get3A_1062 = arith.index_cast %scan3A_398 : i32 to index
        %get3A_1063 = arith.constant 112 : index
        %get3A_1064 = tpu.vector_load %arg51[%get3A_1062, %get3A_1063] {strides = array<i32>} : memref<16x128xf32, #tpu.memory_space<vmem>>, vector<1x16xf32>,
        %get3A_1065 = vector.shape_cast %get3A_1064 : vector<1x16xf32> to vector<16xf32>
        %add3A_1066 = arith.addf %add3A_974, %get3A_1065 : vector<16xf32>
        %sub3A_1067 = arith.subf %add3A_1066, %add3A_1045 : vector<16xf32>
        %abs3A_1068 = math.absf %sub3A_1067 : vector<16xf32>
        %add3A_1069 = arith.addf %add3A_1061, %abs3A_1068 : vector<16xf32>
        %eq3A = vector.broadcast %scan3A_398 : i32 to vector<16xi32>
        %eq3A_1070 = arith.cmpi eq, %iota3A, %eq3A : vector<16xi32>
        %iota3A_1071 = tpu.iota {dimensions = array<i32: 0>} : vector<16xi32>
        %xor3A = arith.constant 8 : i32
        %xor3A_1072 = vector.broadcast %xor3A : i32 to vector<16xi32>
        %xor3A_1073 = arith.xori %iota3A_1071, %xor3A_1072 : vector<16xi32>
        %broadcast_in_dim3A_1074 = vector.shape_cast %xor3A_1073 : vector<16xi32> to vector<16x1xi32>
        %gather3A_1075 = vector.shape_cast %broadcast_in_dim3A_1074 : vector<16x1xi32> to vector<16xi32>
        %gather3A_1076 = tpu.dynamic_gather %add3A_1069[%gather3A_1075] in [0] : vector<16xf32>, vector<16xi32> -> vector<16xf32>
        %add3A_1077 = arith.addf %add3A_1069, %gather3A_1076 : vector<16xf32>
        %xor3A_1078 = arith.constant 4 : i32
        %xor3A_1079 = vector.broadcast %xor3A_1078 : i32 to vector<16xi32>
        %xor3A_1080 = arith.xori %iota3A_1071, %xor3A_1079 : vector<16xi32>
        %broadcast_in_dim3A_1081 = vector.shape_cast %xor3A_1080 : vector<16xi32> to vector<16x1xi32>
        %gather3A_1082 = vector.shape_cast %broadcast_in_dim3A_1081 : vector<16x1xi32> to vector<16xi32>
        %gather3A_1083 = tpu.dynamic_gather %add3A_1077[%gather3A_1082] in [0] : vector<16xf32>, vector<16xi32> -> vector<16xf32>
        %add3A_1084 = arith.addf %add3A_1077, %gather3A_1083 : vector<16xf32>
        %xor3A_1085 = arith.constant 2 : i32
        %xor3A_1086 = vector.broadcast %xor3A_1085 : i32 to vector<16xi32>
        %xor3A_1087 = arith.xori %iota3A_1071, %xor3A_1086 : vector<16xi32>
        %broadcast_in_dim3A_1088 = vector.shape_cast %xor3A_1087 : vector<16xi32> to vector<16x1xi32>
        %gather3A_1089 = vector.shape_cast %broadcast_in_dim3A_1088 : vector<16x1xi32> to vector<16xi32>
        %gather3A_1090 = tpu.dynamic_gather %add3A_1084[%gather3A_1089] in [0] : vector<16xf32>, vector<16xi32> -> vector<16xf32>
        %add3A_1091 = arith.addf %add3A_1084, %gather3A_1090 : vector<16xf32>
        %xor3A_1092 = arith.constant 1 : i32
        %xor3A_1093 = vector.broadcast %xor3A_1092 : i32 to vector<16xi32>
        %xor3A_1094 = arith.xori %iota3A_1071, %xor3A_1093 : vector<16xi32>
        %broadcast_in_dim3A_1095 = vector.shape_cast %xor3A_1094 : vector<16xi32> to vector<16x1xi32>
        %gather3A_1096 = vector.shape_cast %broadcast_in_dim3A_1095 : vector<16x1xi32> to vector<16xi32>
        %gather3A_1097 = tpu.dynamic_gather %add3A_1091[%gather3A_1096] in [0] : vector<16xf32>, vector<16xi32> -> vector<16xf32>
        %add3A_1098 = arith.addf %add3A_1091, %gather3A_1097 : vector<16xf32>
        %neg3A = arith.constant 0.000000e+00 : f32
        %neg3A_1099 = vector.broadcast %neg3A : f32 to vector<16xf32>
        %neg3A_1100 = arith.subf %neg3A_1099, %add3A_1098 : vector<16xf32>
        %select_n3A = arith.select %eq3A_1070, %neg3A_1100, %scan3A_399 : vector<16xi1>, vector<16xf32>
        scf.yield %select_n3A : vector<16xf32>
      }
      %scan3A_165 = arith.constant 16 : i32
      %swap3A = arith.index_cast %mul3A_153 : i32 to index
      %swap3A_166 = tpu.vector_load %arg18[%swap3A] {strides = array<i32>} : memref<512xf32, #tpu.memory_space<vmem>>, vector<16xf32>,
      %swap3A_167 = vector.shape_cast %swap3A_166 : vector<16xf32> to vector<16xf32>
      %swap3A_168 = vector.shape_cast %scan3A_164 : vector<16xf32> to vector<16xf32>
      tpu.vector_store %arg18[%swap3A], %swap3A_168 {strides = array<i32>} : memref<512xf32, #tpu.memory_space<vmem>>, vector<16xf32>,
      %mul3A_169 = arith.constant 4 : i32
      %mul3A_170 = arith.muli %mul3A_169, %scan3A_98 : i32
      %add3A_171 = arith.constant 1 : i32
      %add3A_172 = arith.addi %mul3A_170, %add3A_171 : i32
      %dma_wait3A_173 = arith.constant 0 : i32
      %dma_wait3A_174 = tpu.memref_slice %arg13[%dma_wait3A_173] : memref<512xi32, #tpu.memory_space<vmem>> -> memref<16xi32, #tpu.memory_space<vmem>>
      %dma_wait3A_175 = arith.constant 0 : i32
      %dma_wait3A_176 = arith.constant 0 : i32
      %dma_wait3A_177 = tpu.memref_slice %arg7[%dma_wait3A_175, %dma_wait3A_176] : memref<100000x64xf32, #tpu.memory_space<hbm>> -> memref<100000x64xf32, #tpu.memory_space<hbm>>
      tpu.wait_indirect_dma semaphore(%arg56 : memref<!tpu.dma_semaphore, #tpu.memory_space<semaphore_mem>>) src(%dma_wait3A_177 : memref<100000x64xf32, #tpu.memory_space<hbm>>) dst(%arg27 : memref<16x64xf32, #tpu.memory_space<vmem>>)
      %dma_wait3A_178 = arith.constant 0 : i32
      %dma_wait3A_179 = tpu.memref_slice %arg13[%dma_wait3A_178] : memref<512xi32, #tpu.memory_space<vmem>> -> memref<16xi32, #tpu.memory_space<vmem>>
      %dma_wait3A_180 = arith.constant 0 : i32
      %dma_wait3A_181 = arith.constant 0 : i32
      %dma_wait3A_182 = tpu.memref_slice %arg7[%dma_wait3A_180, %dma_wait3A_181] : memref<100000x64xf32, #tpu.memory_space<hbm>> -> memref<100000x64xf32, #tpu.memory_space<hbm>>
      tpu.wait_indirect_dma semaphore(%arg56 : memref<!tpu.dma_semaphore, #tpu.memory_space<semaphore_mem>>) src(%dma_wait3A_182 : memref<100000x64xf32, #tpu.memory_space<hbm>>) dst(%arg28 : memref<16x64xf32, #tpu.memory_space<vmem>>)
      %dma_wait3A_183 = arith.constant 0 : i32
      %dma_wait3A_184 = tpu.memref_slice %arg13[%dma_wait3A_183] : memref<512xi32, #tpu.memory_space<vmem>> -> memref<16xi32, #tpu.memory_space<vmem>>
      %dma_wait3A_185 = arith.constant 0 : i32
      %dma_wait3A_186 = arith.constant 0 : i32
      %dma_wait3A_187 = tpu.memref_slice %arg9[%dma_wait3A_185, %dma_wait3A_186] : memref<100000x128xf32, #tpu.memory_space<hbm>> -> memref<100000x128xf32, #tpu.memory_space<hbm>>
      tpu.wait_indirect_dma semaphore(%arg56 : memref<!tpu.dma_semaphore, #tpu.memory_space<semaphore_mem>>) src(%dma_wait3A_187 : memref<100000x128xf32, #tpu.memory_space<hbm>>) dst(%arg29 : memref<16x128xf32, #tpu.memory_space<vmem>>)
      %dma_wait3A_188 = arith.constant 0 : i32
      %dma_wait3A_189 = tpu.memref_slice %arg13[%dma_wait3A_188] : memref<512xi32, #tpu.memory_space<vmem>> -> memref<16xi32, #tpu.memory_space<vmem>>
      %dma_wait3A_190 = arith.constant 0 : i32
      %dma_wait3A_191 = arith.constant 0 : i32
      %dma_wait3A_192 = tpu.memref_slice %arg9[%dma_wait3A_190, %dma_wait3A_191] : memref<100000x128xf32, #tpu.memory_space<hbm>> -> memref<100000x128xf32, #tpu.memory_space<hbm>>
      tpu.wait_indirect_dma semaphore(%arg56 : memref<!tpu.dma_semaphore, #tpu.memory_space<semaphore_mem>>) src(%dma_wait3A_192 : memref<100000x128xf32, #tpu.memory_space<hbm>>) dst(%arg30 : memref<16x128xf32, #tpu.memory_space<vmem>>)
      %dma_wait3A_193 = arith.constant 0 : i32
      %dma_wait3A_194 = tpu.memref_slice %arg13[%dma_wait3A_193] : memref<512xi32, #tpu.memory_space<vmem>> -> memref<16xi32, #tpu.memory_space<vmem>>
      %dma_wait3A_195 = arith.constant 0 : i32
      %dma_wait3A_196 = arith.constant 0 : i32
      %dma_wait3A_197 = tpu.memref_slice %arg10[%dma_wait3A_195, %dma_wait3A_196] : memref<100000x128xf32, #tpu.memory_space<hbm>> -> memref<100000x128xf32, #tpu.memory_space<hbm>>
      tpu.wait_indirect_dma semaphore(%arg56 : memref<!tpu.dma_semaphore, #tpu.memory_space<semaphore_mem>>) src(%dma_wait3A_197 : memref<100000x128xf32, #tpu.memory_space<hbm>>) dst(%arg31 : memref<16x128xf32, #tpu.memory_space<vmem>>)
      %dma_wait3A_198 = arith.constant 0 : i32
      %dma_wait3A_199 = tpu.memref_slice %arg13[%dma_wait3A_198] : memref<512xi32, #tpu.memory_space<vmem>> -> memref<16xi32, #tpu.memory_space<vmem>>
      %dma_wait3A_200 = arith.constant 0 : i32
      %dma_wait3A_201 = arith.constant 0 : i32
      %dma_wait3A_202 = tpu.memref_slice %arg10[%dma_wait3A_200, %dma_wait3A_201] : memref<100000x128xf32, #tpu.memory_space<hbm>> -> memref<100000x128xf32, #tpu.memory_space<hbm>>
      tpu.wait_indirect_dma semaphore(%arg56 : memref<!tpu.dma_semaphore, #tpu.memory_space<semaphore_mem>>) src(%dma_wait3A_202 : memref<100000x128xf32, #tpu.memory_space<hbm>>) dst(%arg32 : memref<16x128xf32, #tpu.memory_space<vmem>>)
      %dma_wait3A_203 = arith.constant 0 : i32
      %dma_wait3A_204 = tpu.memref_slice %arg13[%dma_wait3A_203] : memref<512xi32, #tpu.memory_space<vmem>> -> memref<16xi32, #tpu.memory_space<vmem>>
      %dma_wait3A_205 = arith.constant 0 : i32
      %dma_wait3A_206 = arith.constant 0 : i32
      %dma_wait3A_207 = tpu.memref_slice %arg11[%dma_wait3A_205, %dma_wait3A_206] : memref<100000x128xf32, #tpu.memory_space<hbm>> -> memref<100000x128xf32, #tpu.memory_space<hbm>>
      tpu.wait_indirect_dma semaphore(%arg56 : memref<!tpu.dma_semaphore, #tpu.memory_space<semaphore_mem>>) src(%dma_wait3A_207 : memref<100000x128xf32, #tpu.memory_space<hbm>>) dst(%arg33 : memref<16x128xf32, #tpu.memory_space<vmem>>)
      %dma_wait3A_208 = arith.constant 0 : i32
      %dma_wait3A_209 = tpu.memref_slice %arg13[%dma_wait3A_208] : memref<512xi32, #tpu.memory_space<vmem>> -> memref<16xi32, #tpu.memory_space<vmem>>
      %dma_wait3A_210 = arith.constant 0 : i32
      %dma_wait3A_211 = arith.constant 0 : i32
      %dma_wait3A_212 = tpu.memref_slice %arg11[%dma_wait3A_210, %dma_wait3A_211] : memref<100000x128xf32, #tpu.memory_space<hbm>> -> memref<100000x128xf32, #tpu.memory_space<hbm>>
      tpu.wait_indirect_dma semaphore(%arg56 : memref<!tpu.dma_semaphore, #tpu.memory_space<semaphore_mem>>) src(%dma_wait3A_212 : memref<100000x128xf32, #tpu.memory_space<hbm>>) dst(%arg34 : memref<16x128xf32, #tpu.memory_space<vmem>>)
      %dma_wait3A_213 = arith.constant 0 : i32
      %dma_wait3A_214 = tpu.memref_slice %arg15[%dma_wait3A_213] : memref<512xi32, #tpu.memory_space<vmem>> -> memref<16xi32, #tpu.memory_space<vmem>>
      %dma_wait3A_215 = arith.constant 0 : i32
      %dma_wait3A_216 = arith.constant 0 : i32
      %dma_wait3A_217 = tpu.memref_slice %arg8[%dma_wait3A_215, %dma_wait3A_216] : memref<500x128xf32, #tpu.memory_space<hbm>> -> memref<500x128xf32, #tpu.memory_space<hbm>>
      tpu.wait_indirect_dma semaphore(%arg56 : memref<!tpu.dma_semaphore, #tpu.memory_space<semaphore_mem>>) src(%dma_wait3A_217 : memref<500x128xf32, #tpu.memory_space<hbm>>) dst(%arg52 : memref<16x128xf32, #tpu.memory_space<vmem>>)
      %add3A_218 = arith.constant 2 : i32
      %add3A_219 = arith.addi %add3A_172, %add3A_218 : i32
      %lt3A_220 = arith.constant 32 : i32
      %lt3A_221 = arith.cmpi slt, %add3A_219, %lt3A_220 : i32
      %convert_element_type3A_222 = arith.extui %lt3A_221 : i1 to i32
      %cond3A_223 = arith.constant 0 : i32
      %cond3A_224 = arith.cmpi ne, %convert_element_type3A_222, %cond3A_223 : i32
      scf.if %cond3A_224 {
        %add3A_398 = arith.constant 2 : i32
        %add3A_399 = arith.addi %add3A_172, %add3A_398 : i32
        %mul3A_400 = arith.constant 16 : i32
        %mul3A_401 = arith.muli %add3A_399, %mul3A_400 : i32
        %dma_start3A_402 = tpu.memref_slice %arg13[%mul3A_401] : memref<512xi32, #tpu.memory_space<vmem>> -> memref<16xi32, #tpu.memory_space<vmem>>
        %dma_start3A_403 = arith.constant 0 : i32
        %dma_start3A_404 = arith.constant 0 : i32
        %dma_start3A_405 = tpu.memref_slice %arg7[%dma_start3A_403, %dma_start3A_404] : memref<100000x64xf32, #tpu.memory_space<hbm>> -> memref<100000x64xf32, #tpu.memory_space<hbm>>
        tpu.enqueue_indirect_dma source(%dma_start3A_405 : memref<100000x64xf32, #tpu.memory_space<hbm>>) target(%arg43 : memref<16x64xf32, #tpu.memory_space<vmem>>) offsets(%dma_start3A_402 : memref<16xi32, #tpu.memory_space<vmem>>) semaphore(%arg58 : memref<!tpu.dma_semaphore, #tpu.memory_space<semaphore_mem>>)
        %dma_start3A_406 = tpu.memref_slice %arg14[%mul3A_401] : memref<512xi32, #tpu.memory_space<vmem>> -> memref<16xi32, #tpu.memory_space<vmem>>
        %dma_start3A_407 = arith.constant 0 : i32
        %dma_start3A_408 = arith.constant 0 : i32
        %dma_start3A_409 = tpu.memref_slice %arg7[%dma_start3A_407, %dma_start3A_408] : memref<100000x64xf32, #tpu.memory_space<hbm>> -> memref<100000x64xf32, #tpu.memory_space<hbm>>
        tpu.enqueue_indirect_dma source(%dma_start3A_409 : memref<100000x64xf32, #tpu.memory_space<hbm>>) target(%arg44 : memref<16x64xf32, #tpu.memory_space<vmem>>) offsets(%dma_start3A_406 : memref<16xi32, #tpu.memory_space<vmem>>) semaphore(%arg58 : memref<!tpu.dma_semaphore, #tpu.memory_space<semaphore_mem>>)
        %dma_start3A_410 = tpu.memref_slice %arg13[%mul3A_401] : memref<512xi32, #tpu.memory_space<vmem>> -> memref<16xi32, #tpu.memory_space<vmem>>
        %dma_start3A_411 = arith.constant 0 : i32
        %dma_start3A_412 = arith.constant 0 : i32
        %dma_start3A_413 = tpu.memref_slice %arg9[%dma_start3A_411, %dma_start3A_412] : memref<100000x128xf32, #tpu.memory_space<hbm>> -> memref<100000x128xf32, #tpu.memory_space<hbm>>
        tpu.enqueue_indirect_dma source(%dma_start3A_413 : memref<100000x128xf32, #tpu.memory_space<hbm>>) target(%arg45 : memref<16x128xf32, #tpu.memory_space<vmem>>) offsets(%dma_start3A_410 : memref<16xi32, #tpu.memory_space<vmem>>) semaphore(%arg58 : memref<!tpu.dma_semaphore, #tpu.memory_space<semaphore_mem>>)
        %dma_start3A_414 = tpu.memref_slice %arg14[%mul3A_401] : memref<512xi32, #tpu.memory_space<vmem>> -> memref<16xi32, #tpu.memory_space<vmem>>
        %dma_start3A_415 = arith.constant 0 : i32
        %dma_start3A_416 = arith.constant 0 : i32
        %dma_start3A_417 = tpu.memref_slice %arg9[%dma_start3A_415, %dma_start3A_416] : memref<100000x128xf32, #tpu.memory_space<hbm>> -> memref<100000x128xf32, #tpu.memory_space<hbm>>
        tpu.enqueue_indirect_dma source(%dma_start3A_417 : memref<100000x128xf32, #tpu.memory_space<hbm>>) target(%arg46 : memref<16x128xf32, #tpu.memory_space<vmem>>) offsets(%dma_start3A_414 : memref<16xi32, #tpu.memory_space<vmem>>) semaphore(%arg58 : memref<!tpu.dma_semaphore, #tpu.memory_space<semaphore_mem>>)
        %dma_start3A_418 = tpu.memref_slice %arg13[%mul3A_401] : memref<512xi32, #tpu.memory_space<vmem>> -> memref<16xi32, #tpu.memory_space<vmem>>
        %dma_start3A_419 = arith.constant 0 : i32
        %dma_start3A_420 = arith.constant 0 : i32
        %dma_start3A_421 = tpu.memref_slice %arg10[%dma_start3A_419, %dma_start3A_420] : memref<100000x128xf32, #tpu.memory_space<hbm>> -> memref<100000x128xf32, #tpu.memory_space<hbm>>
        tpu.enqueue_indirect_dma source(%dma_start3A_421 : memref<100000x128xf32, #tpu.memory_space<hbm>>) target(%arg47 : memref<16x128xf32, #tpu.memory_space<vmem>>) offsets(%dma_start3A_418 : memref<16xi32, #tpu.memory_space<vmem>>) semaphore(%arg58 : memref<!tpu.dma_semaphore, #tpu.memory_space<semaphore_mem>>)
        %dma_start3A_422 = tpu.memref_slice %arg14[%mul3A_401] : memref<512xi32, #tpu.memory_space<vmem>> -> memref<16xi32, #tpu.memory_space<vmem>>
        %dma_start3A_423 = arith.constant 0 : i32
        %dma_start3A_424 = arith.constant 0 : i32
        %dma_start3A_425 = tpu.memref_slice %arg10[%dma_start3A_423, %dma_start3A_424] : memref<100000x128xf32, #tpu.memory_space<hbm>> -> memref<100000x128xf32, #tpu.memory_space<hbm>>
        tpu.enqueue_indirect_dma source(%dma_start3A_425 : memref<100000x128xf32, #tpu.memory_space<hbm>>) target(%arg48 : memref<16x128xf32, #tpu.memory_space<vmem>>) offsets(%dma_start3A_422 : memref<16xi32, #tpu.memory_space<vmem>>) semaphore(%arg58 : memref<!tpu.dma_semaphore, #tpu.memory_space<semaphore_mem>>)
        %dma_start3A_426 = tpu.memref_slice %arg13[%mul3A_401] : memref<512xi32, #tpu.memory_space<vmem>> -> memref<16xi32, #tpu.memory_space<vmem>>
        %dma_start3A_427 = arith.constant 0 : i32
        %dma_start3A_428 = arith.constant 0 : i32
        %dma_start3A_429 = tpu.memref_slice %arg11[%dma_start3A_427, %dma_start3A_428] : memref<100000x128xf32, #tpu.memory_space<hbm>> -> memref<100000x128xf32, #tpu.memory_space<hbm>>
        tpu.enqueue_indirect_dma source(%dma_start3A_429 : memref<100000x128xf32, #tpu.memory_space<hbm>>) target(%arg49 : memref<16x128xf32, #tpu.memory_space<vmem>>) offsets(%dma_start3A_426 : memref<16xi32, #tpu.memory_space<vmem>>) semaphore(%arg58 : memref<!tpu.dma_semaphore, #tpu.memory_space<semaphore_mem>>)
        %dma_start3A_430 = tpu.memref_slice %arg14[%mul3A_401] : memref<512xi32, #tpu.memory_space<vmem>> -> memref<16xi32, #tpu.memory_space<vmem>>
        %dma_start3A_431 = arith.constant 0 : i32
        %dma_start3A_432 = arith.constant 0 : i32
        %dma_start3A_433 = tpu.memref_slice %arg11[%dma_start3A_431, %dma_start3A_432] : memref<100000x128xf32, #tpu.memory_space<hbm>> -> memref<100000x128xf32, #tpu.memory_space<hbm>>
        tpu.enqueue_indirect_dma source(%dma_start3A_433 : memref<100000x128xf32, #tpu.memory_space<hbm>>) target(%arg50 : memref<16x128xf32, #tpu.memory_space<vmem>>) offsets(%dma_start3A_430 : memref<16xi32, #tpu.memory_space<vmem>>) semaphore(%arg58 : memref<!tpu.dma_semaphore, #tpu.memory_space<semaphore_mem>>)
        %dma_start3A_434 = tpu.memref_slice %arg15[%mul3A_401] : memref<512xi32, #tpu.memory_space<vmem>> -> memref<16xi32, #tpu.memory_space<vmem>>
        %dma_start3A_435 = arith.constant 0 : i32
        %dma_start3A_436 = arith.constant 0 : i32
        %dma_start3A_437 = tpu.memref_slice %arg8[%dma_start3A_435, %dma_start3A_436] : memref<500x128xf32, #tpu.memory_space<hbm>> -> memref<500x128xf32, #tpu.memory_space<hbm>>
        tpu.enqueue_indirect_dma source(%dma_start3A_437 : memref<500x128xf32, #tpu.memory_space<hbm>>) target(%arg54 : memref<16x128xf32, #tpu.memory_space<vmem>>) offsets(%dma_start3A_434 : memref<16xi32, #tpu.memory_space<vmem>>) semaphore(%arg58 : memref<!tpu.dma_semaphore, #tpu.memory_space<semaphore_mem>>)
      } else {
      }
      %mul3A_225 = arith.constant 16 : i32
      %mul3A_226 = arith.muli %add3A_172, %mul3A_225 : i32
      %get3A_227 = arith.index_cast %mul3A_226 : i32 to index
      %get3A_228 = tpu.vector_load %arg16[%get3A_227] {strides = array<i32>} : memref<512xf32, #tpu.memory_space<vmem>>, vector<16xf32>,
      %get3A_229 = vector.shape_cast %get3A_228 : vector<16xf32> to vector<16xf32>
      %get3A_230 = arith.index_cast %mul3A_226 : i32 to index
      %get3A_231 = tpu.vector_load %arg17[%get3A_230] {strides = array<i32>} : memref<512xf32, #tpu.memory_space<vmem>>, vector<16xf32>,
      %get3A_232 = vector.shape_cast %get3A_231 : vector<16xf32> to vector<16xf32>
      %broadcast_in_dim3A_233 = arith.constant 0.000000e+00 : f32
      %broadcast_in_dim3A_234 = vector.broadcast %broadcast_in_dim3A_233 : f32 to vector<16xf32>
      %scan3A_235 = arith.constant 0 : i32
      %scan3A_236 = arith.constant 16 : i32
      %scan3A_237 = arith.addi %scan3A_235, %scan3A_236 : i32
      %scan3A_238 = arith.constant 1 : i32
      %scan3A_239 = scf.for %scan3A_398 = %scan3A_235 to %scan3A_237 step %scan3A_238 iter_args(%scan3A_399 = %broadcast_in_dim3A_234) -> (vector<16xf32>)  : i32 {
        %broadcast_in_dim3A_400 = vector.broadcast %scan3A_398 : i32 to vector<16xi32>
        %broadcast_in_dim3A_401 = vector.shape_cast %broadcast_in_dim3A_400 : vector<16xi32> to vector<16x1xi32>
        %gather3A = vector.shape_cast %broadcast_in_dim3A_401 : vector<16x1xi32> to vector<16xi32>
        %gather3A_402 = tpu.dynamic_gather %get3A_229[%gather3A] in [0] : vector<16xf32>, vector<16xi32> -> vector<16xf32>
        %broadcast_in_dim3A_403 = vector.shape_cast %broadcast_in_dim3A_400 : vector<16xi32> to vector<16x1xi32>
        %gather3A_404 = vector.shape_cast %broadcast_in_dim3A_403 : vector<16x1xi32> to vector<16xi32>
        %gather3A_405 = tpu.dynamic_gather %get3A_232[%gather3A_404] in [0] : vector<16xf32>, vector<16xi32> -> vector<16xf32>
        %broadcast_in_dim3A_406 = arith.constant 0.000000e+00 : f32
        %broadcast_in_dim3A_407 = vector.broadcast %broadcast_in_dim3A_406 : f32 to vector<16xf32>
        %get3A_408 = arith.index_cast %scan3A_398 : i32 to index
        %get3A_409 = arith.constant 0 : index
        %get3A_410 = tpu.vector_load %arg33[%get3A_408, %get3A_409] {strides = array<i32>} : memref<16x128xf32, #tpu.memory_space<vmem>>, vector<1x16xf32>,
        %get3A_411 = vector.shape_cast %get3A_410 : vector<1x16xf32> to vector<16xf32>
        %get3A_412 = arith.index_cast %scan3A_398 : i32 to index
        %get3A_413 = arith.constant 0 : index
        %get3A_414 = tpu.vector_load %arg29[%get3A_412, %get3A_413] {strides = array<i32>} : memref<16x128xf32, #tpu.memory_space<vmem>>, vector<1x16xf32>,
        %get3A_415 = vector.shape_cast %get3A_414 : vector<1x16xf32> to vector<16xf32>
        %mul3A_416 = arith.mulf %gather3A_402, %get3A_415 : vector<16xf32>
        %get3A_417 = arith.index_cast %scan3A_398 : i32 to index
        %get3A_418 = arith.constant 64 : index
        %get3A_419 = tpu.vector_load %arg29[%get3A_417, %get3A_418] {strides = array<i32>} : memref<16x128xf32, #tpu.memory_space<vmem>>, vector<1x16xf32>,
        %get3A_420 = vector.shape_cast %get3A_419 : vector<1x16xf32> to vector<16xf32>
        %add3A_421 = arith.addf %mul3A_416, %get3A_420 : vector<16xf32>
        %mul3A_422 = arith.mulf %add3A_421, %add3A_421 : vector<16xf32>
        %mul3A_423 = arith.constant 2.75573188E-6 : f32
        %mul3A_424 = vector.broadcast %mul3A_423 : f32 to vector<16xf32>
        %mul3A_425 = arith.mulf %mul3A_424, %mul3A_422 : vector<16xf32>
        %add3A_426 = arith.constant -1.98412701E-4 : f32
        %add3A_427 = vector.broadcast %add3A_426 : f32 to vector<16xf32>
        %add3A_428 = arith.addf %mul3A_425, %add3A_427 : vector<16xf32>
        %mul3A_429 = arith.mulf %add3A_428, %mul3A_422 : vector<16xf32>
        %add3A_430 = arith.constant 0.00833333377 : f32
        %add3A_431 = vector.broadcast %add3A_430 : f32 to vector<16xf32>
        %add3A_432 = arith.addf %mul3A_429, %add3A_431 : vector<16xf32>
        %mul3A_433 = arith.mulf %add3A_432, %mul3A_422 : vector<16xf32>
        %add3A_434 = arith.constant -0.166666672 : f32
        %add3A_435 = vector.broadcast %add3A_434 : f32 to vector<16xf32>
        %add3A_436 = arith.addf %mul3A_433, %add3A_435 : vector<16xf32>
        %mul3A_437 = arith.mulf %add3A_436, %mul3A_422 : vector<16xf32>
        %add3A_438 = arith.constant 1.000000e+00 : f32
        %add3A_439 = vector.broadcast %add3A_438 : f32 to vector<16xf32>
        %add3A_440 = arith.addf %mul3A_437, %add3A_439 : vector<16xf32>
        %mul3A_441 = arith.mulf %add3A_440, %add3A_421 : vector<16xf32>
        %mul3A_442 = arith.mulf %get3A_411, %mul3A_441 : vector<16xf32>
        %get3A_443 = arith.index_cast %scan3A_398 : i32 to index
        %get3A_444 = arith.constant 64 : index
        %get3A_445 = tpu.vector_load %arg33[%get3A_443, %get3A_444] {strides = array<i32>} : memref<16x128xf32, #tpu.memory_space<vmem>>, vector<1x16xf32>,
        %get3A_446 = vector.shape_cast %get3A_445 : vector<1x16xf32> to vector<16xf32>
        %get3A_447 = arith.index_cast %scan3A_398 : i32 to index
        %get3A_448 = arith.constant 0 : index
        %get3A_449 = tpu.vector_load %arg31[%get3A_447, %get3A_448] {strides = array<i32>} : memref<16x128xf32, #tpu.memory_space<vmem>>, vector<1x16xf32>,
        %get3A_450 = vector.shape_cast %get3A_449 : vector<1x16xf32> to vector<16xf32>
        %mul3A_451 = arith.mulf %gather3A_405, %get3A_450 : vector<16xf32>
        %get3A_452 = arith.index_cast %scan3A_398 : i32 to index
        %get3A_453 = arith.constant 64 : index
        %get3A_454 = tpu.vector_load %arg31[%get3A_452, %get3A_453] {strides = array<i32>} : memref<16x128xf32, #tpu.memory_space<vmem>>, vector<1x16xf32>,
        %get3A_455 = vector.shape_cast %get3A_454 : vector<1x16xf32> to vector<16xf32>
        %add3A_456 = arith.addf %mul3A_451, %get3A_455 : vector<16xf32>
        %mul3A_457 = arith.mulf %add3A_456, %add3A_456 : vector<16xf32>
        %mul3A_458 = arith.constant 2.75573188E-6 : f32
        %mul3A_459 = vector.broadcast %mul3A_458 : f32 to vector<16xf32>
        %mul3A_460 = arith.mulf %mul3A_459, %mul3A_457 : vector<16xf32>
        %add3A_461 = arith.constant -1.98412701E-4 : f32
        %add3A_462 = vector.broadcast %add3A_461 : f32 to vector<16xf32>
        %add3A_463 = arith.addf %mul3A_460, %add3A_462 : vector<16xf32>
        %mul3A_464 = arith.mulf %add3A_463, %mul3A_457 : vector<16xf32>
        %add3A_465 = arith.constant 0.00833333377 : f32
        %add3A_466 = vector.broadcast %add3A_465 : f32 to vector<16xf32>
        %add3A_467 = arith.addf %mul3A_464, %add3A_466 : vector<16xf32>
        %mul3A_468 = arith.mulf %add3A_467, %mul3A_457 : vector<16xf32>
        %add3A_469 = arith.constant -0.166666672 : f32
        %add3A_470 = vector.broadcast %add3A_469 : f32 to vector<16xf32>
        %add3A_471 = arith.addf %mul3A_468, %add3A_470 : vector<16xf32>
        %mul3A_472 = arith.mulf %add3A_471, %mul3A_457 : vector<16xf32>
        %add3A_473 = arith.constant 1.000000e+00 : f32
        %add3A_474 = vector.broadcast %add3A_473 : f32 to vector<16xf32>
        %add3A_475 = arith.addf %mul3A_472, %add3A_474 : vector<16xf32>
        %mul3A_476 = arith.mulf %add3A_475, %add3A_456 : vector<16xf32>
        %mul3A_477 = arith.mulf %get3A_446, %mul3A_476 : vector<16xf32>
        %add3A_478 = arith.addf %mul3A_442, %mul3A_477 : vector<16xf32>
        %get3A_479 = arith.index_cast %scan3A_398 : i32 to index
        %get3A_480 = arith.constant 0 : index
        %get3A_481 = tpu.vector_load %arg34[%get3A_479, %get3A_480] {strides = array<i32>} : memref<16x128xf32, #tpu.memory_space<vmem>>, vector<1x16xf32>,
        %get3A_482 = vector.shape_cast %get3A_481 : vector<1x16xf32> to vector<16xf32>
        %get3A_483 = arith.index_cast %scan3A_398 : i32 to index
        %get3A_484 = arith.constant 0 : index
        %get3A_485 = tpu.vector_load %arg30[%get3A_483, %get3A_484] {strides = array<i32>} : memref<16x128xf32, #tpu.memory_space<vmem>>, vector<1x16xf32>,
        %get3A_486 = vector.shape_cast %get3A_485 : vector<1x16xf32> to vector<16xf32>
        %mul3A_487 = arith.mulf %gather3A_402, %get3A_486 : vector<16xf32>
        %get3A_488 = arith.index_cast %scan3A_398 : i32 to index
        %get3A_489 = arith.constant 64 : index
        %get3A_490 = tpu.vector_load %arg30[%get3A_488, %get3A_489] {strides = array<i32>} : memref<16x128xf32, #tpu.memory_space<vmem>>, vector<1x16xf32>,
        %get3A_491 = vector.shape_cast %get3A_490 : vector<1x16xf32> to vector<16xf32>
        %add3A_492 = arith.addf %mul3A_487, %get3A_491 : vector<16xf32>
        %mul3A_493 = arith.mulf %add3A_492, %add3A_492 : vector<16xf32>
        %mul3A_494 = arith.constant 2.75573188E-6 : f32
        %mul3A_495 = vector.broadcast %mul3A_494 : f32 to vector<16xf32>
        %mul3A_496 = arith.mulf %mul3A_495, %mul3A_493 : vector<16xf32>
        %add3A_497 = arith.constant -1.98412701E-4 : f32
        %add3A_498 = vector.broadcast %add3A_497 : f32 to vector<16xf32>
        %add3A_499 = arith.addf %mul3A_496, %add3A_498 : vector<16xf32>
        %mul3A_500 = arith.mulf %add3A_499, %mul3A_493 : vector<16xf32>
        %add3A_501 = arith.constant 0.00833333377 : f32
        %add3A_502 = vector.broadcast %add3A_501 : f32 to vector<16xf32>
        %add3A_503 = arith.addf %mul3A_500, %add3A_502 : vector<16xf32>
        %mul3A_504 = arith.mulf %add3A_503, %mul3A_493 : vector<16xf32>
        %add3A_505 = arith.constant -0.166666672 : f32
        %add3A_506 = vector.broadcast %add3A_505 : f32 to vector<16xf32>
        %add3A_507 = arith.addf %mul3A_504, %add3A_506 : vector<16xf32>
        %mul3A_508 = arith.mulf %add3A_507, %mul3A_493 : vector<16xf32>
        %add3A_509 = arith.constant 1.000000e+00 : f32
        %add3A_510 = vector.broadcast %add3A_509 : f32 to vector<16xf32>
        %add3A_511 = arith.addf %mul3A_508, %add3A_510 : vector<16xf32>
        %mul3A_512 = arith.mulf %add3A_511, %add3A_492 : vector<16xf32>
        %mul3A_513 = arith.mulf %get3A_482, %mul3A_512 : vector<16xf32>
        %get3A_514 = arith.index_cast %scan3A_398 : i32 to index
        %get3A_515 = arith.constant 64 : index
        %get3A_516 = tpu.vector_load %arg34[%get3A_514, %get3A_515] {strides = array<i32>} : memref<16x128xf32, #tpu.memory_space<vmem>>, vector<1x16xf32>,
        %get3A_517 = vector.shape_cast %get3A_516 : vector<1x16xf32> to vector<16xf32>
        %get3A_518 = arith.index_cast %scan3A_398 : i32 to index
        %get3A_519 = arith.constant 0 : index
        %get3A_520 = tpu.vector_load %arg32[%get3A_518, %get3A_519] {strides = array<i32>} : memref<16x128xf32, #tpu.memory_space<vmem>>, vector<1x16xf32>,
        %get3A_521 = vector.shape_cast %get3A_520 : vector<1x16xf32> to vector<16xf32>
        %mul3A_522 = arith.mulf %gather3A_405, %get3A_521 : vector<16xf32>
        %get3A_523 = arith.index_cast %scan3A_398 : i32 to index
        %get3A_524 = arith.constant 64 : index
        %get3A_525 = tpu.vector_load %arg32[%get3A_523, %get3A_524] {strides = array<i32>} : memref<16x128xf32, #tpu.memory_space<vmem>>, vector<1x16xf32>,
        %get3A_526 = vector.shape_cast %get3A_525 : vector<1x16xf32> to vector<16xf32>
        %add3A_527 = arith.addf %mul3A_522, %get3A_526 : vector<16xf32>
        %mul3A_528 = arith.mulf %add3A_527, %add3A_527 : vector<16xf32>
        %mul3A_529 = arith.constant 2.75573188E-6 : f32
        %mul3A_530 = vector.broadcast %mul3A_529 : f32 to vector<16xf32>
        %mul3A_531 = arith.mulf %mul3A_530, %mul3A_528 : vector<16xf32>
        %add3A_532 = arith.constant -1.98412701E-4 : f32
        %add3A_533 = vector.broadcast %add3A_532 : f32 to vector<16xf32>
        %add3A_534 = arith.addf %mul3A_531, %add3A_533 : vector<16xf32>
        %mul3A_535 = arith.mulf %add3A_534, %mul3A_528 : vector<16xf32>
        %add3A_536 = arith.constant 0.00833333377 : f32
        %add3A_537 = vector.broadcast %add3A_536 : f32 to vector<16xf32>
        %add3A_538 = arith.addf %mul3A_535, %add3A_537 : vector<16xf32>
        %mul3A_539 = arith.mulf %add3A_538, %mul3A_528 : vector<16xf32>
        %add3A_540 = arith.constant -0.166666672 : f32
        %add3A_541 = vector.broadcast %add3A_540 : f32 to vector<16xf32>
        %add3A_542 = arith.addf %mul3A_539, %add3A_541 : vector<16xf32>
        %mul3A_543 = arith.mulf %add3A_542, %mul3A_528 : vector<16xf32>
        %add3A_544 = arith.constant 1.000000e+00 : f32
        %add3A_545 = vector.broadcast %add3A_544 : f32 to vector<16xf32>
        %add3A_546 = arith.addf %mul3A_543, %add3A_545 : vector<16xf32>
        %mul3A_547 = arith.mulf %add3A_546, %add3A_527 : vector<16xf32>
        %mul3A_548 = arith.mulf %get3A_517, %mul3A_547 : vector<16xf32>
        %add3A_549 = arith.addf %mul3A_513, %mul3A_548 : vector<16xf32>
        %get3A_550 = arith.index_cast %scan3A_398 : i32 to index
        %get3A_551 = arith.constant 0 : index
        %get3A_552 = tpu.vector_load %arg27[%get3A_550, %get3A_551] {strides = array<i32>} : memref<16x64xf32, #tpu.memory_space<vmem>>, vector<1x16xf32>,
        %get3A_553 = vector.shape_cast %get3A_552 : vector<1x16xf32> to vector<16xf32>
        %get3A_554 = arith.index_cast %scan3A_398 : i32 to index
        %get3A_555 = arith.constant 0 : index
        %get3A_556 = tpu.vector_load %arg52[%get3A_554, %get3A_555] {strides = array<i32>} : memref<16x128xf32, #tpu.memory_space<vmem>>, vector<1x16xf32>,
        %get3A_557 = vector.shape_cast %get3A_556 : vector<1x16xf32> to vector<16xf32>
        %add3A_558 = arith.addf %get3A_553, %get3A_557 : vector<16xf32>
        %get3A_559 = arith.index_cast %scan3A_398 : i32 to index
        %get3A_560 = arith.constant 0 : index
        %get3A_561 = tpu.vector_load %arg28[%get3A_559, %get3A_560] {strides = array<i32>} : memref<16x64xf32, #tpu.memory_space<vmem>>, vector<1x16xf32>,
        %get3A_562 = vector.shape_cast %get3A_561 : vector<1x16xf32> to vector<16xf32>
        %sub3A = arith.subf %add3A_558, %get3A_562 : vector<16xf32>
        %abs3A = math.absf %sub3A : vector<16xf32>
        %add3A_563 = arith.addf %broadcast_in_dim3A_407, %abs3A : vector<16xf32>
        %get3A_564 = arith.index_cast %scan3A_398 : i32 to index
        %get3A_565 = arith.constant 64 : index
        %get3A_566 = tpu.vector_load %arg52[%get3A_564, %get3A_565] {strides = array<i32>} : memref<16x128xf32, #tpu.memory_space<vmem>>, vector<1x16xf32>,
        %get3A_567 = vector.shape_cast %get3A_566 : vector<1x16xf32> to vector<16xf32>
        %add3A_568 = arith.addf %add3A_478, %get3A_567 : vector<16xf32>
        %sub3A_569 = arith.subf %add3A_568, %add3A_549 : vector<16xf32>
        %abs3A_570 = math.absf %sub3A_569 : vector<16xf32>
        %add3A_571 = arith.addf %add3A_563, %abs3A_570 : vector<16xf32>
        %get3A_572 = arith.index_cast %scan3A_398 : i32 to index
        %get3A_573 = arith.constant 16 : index
        %get3A_574 = tpu.vector_load %arg33[%get3A_572, %get3A_573] {strides = array<i32>} : memref<16x128xf32, #tpu.memory_space<vmem>>, vector<1x16xf32>,
        %get3A_575 = vector.shape_cast %get3A_574 : vector<1x16xf32> to vector<16xf32>
        %get3A_576 = arith.index_cast %scan3A_398 : i32 to index
        %get3A_577 = arith.constant 16 : index
        %get3A_578 = tpu.vector_load %arg29[%get3A_576, %get3A_577] {strides = array<i32>} : memref<16x128xf32, #tpu.memory_space<vmem>>, vector<1x16xf32>,
        %get3A_579 = vector.shape_cast %get3A_578 : vector<1x16xf32> to vector<16xf32>
        %mul3A_580 = arith.mulf %gather3A_402, %get3A_579 : vector<16xf32>
        %get3A_581 = arith.index_cast %scan3A_398 : i32 to index
        %get3A_582 = arith.constant 80 : index
        %get3A_583 = tpu.vector_load %arg29[%get3A_581, %get3A_582] {strides = array<i32>} : memref<16x128xf32, #tpu.memory_space<vmem>>, vector<1x16xf32>,
        %get3A_584 = vector.shape_cast %get3A_583 : vector<1x16xf32> to vector<16xf32>
        %add3A_585 = arith.addf %mul3A_580, %get3A_584 : vector<16xf32>
        %mul3A_586 = arith.mulf %add3A_585, %add3A_585 : vector<16xf32>
        %mul3A_587 = arith.constant 2.75573188E-6 : f32
        %mul3A_588 = vector.broadcast %mul3A_587 : f32 to vector<16xf32>
        %mul3A_589 = arith.mulf %mul3A_588, %mul3A_586 : vector<16xf32>
        %add3A_590 = arith.constant -1.98412701E-4 : f32
        %add3A_591 = vector.broadcast %add3A_590 : f32 to vector<16xf32>
        %add3A_592 = arith.addf %mul3A_589, %add3A_591 : vector<16xf32>
        %mul3A_593 = arith.mulf %add3A_592, %mul3A_586 : vector<16xf32>
        %add3A_594 = arith.constant 0.00833333377 : f32
        %add3A_595 = vector.broadcast %add3A_594 : f32 to vector<16xf32>
        %add3A_596 = arith.addf %mul3A_593, %add3A_595 : vector<16xf32>
        %mul3A_597 = arith.mulf %add3A_596, %mul3A_586 : vector<16xf32>
        %add3A_598 = arith.constant -0.166666672 : f32
        %add3A_599 = vector.broadcast %add3A_598 : f32 to vector<16xf32>
        %add3A_600 = arith.addf %mul3A_597, %add3A_599 : vector<16xf32>
        %mul3A_601 = arith.mulf %add3A_600, %mul3A_586 : vector<16xf32>
        %add3A_602 = arith.constant 1.000000e+00 : f32
        %add3A_603 = vector.broadcast %add3A_602 : f32 to vector<16xf32>
        %add3A_604 = arith.addf %mul3A_601, %add3A_603 : vector<16xf32>
        %mul3A_605 = arith.mulf %add3A_604, %add3A_585 : vector<16xf32>
        %mul3A_606 = arith.mulf %get3A_575, %mul3A_605 : vector<16xf32>
        %get3A_607 = arith.index_cast %scan3A_398 : i32 to index
        %get3A_608 = arith.constant 80 : index
        %get3A_609 = tpu.vector_load %arg33[%get3A_607, %get3A_608] {strides = array<i32>} : memref<16x128xf32, #tpu.memory_space<vmem>>, vector<1x16xf32>,
        %get3A_610 = vector.shape_cast %get3A_609 : vector<1x16xf32> to vector<16xf32>
        %get3A_611 = arith.index_cast %scan3A_398 : i32 to index
        %get3A_612 = arith.constant 16 : index
        %get3A_613 = tpu.vector_load %arg31[%get3A_611, %get3A_612] {strides = array<i32>} : memref<16x128xf32, #tpu.memory_space<vmem>>, vector<1x16xf32>,
        %get3A_614 = vector.shape_cast %get3A_613 : vector<1x16xf32> to vector<16xf32>
        %mul3A_615 = arith.mulf %gather3A_405, %get3A_614 : vector<16xf32>
        %get3A_616 = arith.index_cast %scan3A_398 : i32 to index
        %get3A_617 = arith.constant 80 : index
        %get3A_618 = tpu.vector_load %arg31[%get3A_616, %get3A_617] {strides = array<i32>} : memref<16x128xf32, #tpu.memory_space<vmem>>, vector<1x16xf32>,
        %get3A_619 = vector.shape_cast %get3A_618 : vector<1x16xf32> to vector<16xf32>
        %add3A_620 = arith.addf %mul3A_615, %get3A_619 : vector<16xf32>
        %mul3A_621 = arith.mulf %add3A_620, %add3A_620 : vector<16xf32>
        %mul3A_622 = arith.constant 2.75573188E-6 : f32
        %mul3A_623 = vector.broadcast %mul3A_622 : f32 to vector<16xf32>
        %mul3A_624 = arith.mulf %mul3A_623, %mul3A_621 : vector<16xf32>
        %add3A_625 = arith.constant -1.98412701E-4 : f32
        %add3A_626 = vector.broadcast %add3A_625 : f32 to vector<16xf32>
        %add3A_627 = arith.addf %mul3A_624, %add3A_626 : vector<16xf32>
        %mul3A_628 = arith.mulf %add3A_627, %mul3A_621 : vector<16xf32>
        %add3A_629 = arith.constant 0.00833333377 : f32
        %add3A_630 = vector.broadcast %add3A_629 : f32 to vector<16xf32>
        %add3A_631 = arith.addf %mul3A_628, %add3A_630 : vector<16xf32>
        %mul3A_632 = arith.mulf %add3A_631, %mul3A_621 : vector<16xf32>
        %add3A_633 = arith.constant -0.166666672 : f32
        %add3A_634 = vector.broadcast %add3A_633 : f32 to vector<16xf32>
        %add3A_635 = arith.addf %mul3A_632, %add3A_634 : vector<16xf32>
        %mul3A_636 = arith.mulf %add3A_635, %mul3A_621 : vector<16xf32>
        %add3A_637 = arith.constant 1.000000e+00 : f32
        %add3A_638 = vector.broadcast %add3A_637 : f32 to vector<16xf32>
        %add3A_639 = arith.addf %mul3A_636, %add3A_638 : vector<16xf32>
        %mul3A_640 = arith.mulf %add3A_639, %add3A_620 : vector<16xf32>
        %mul3A_641 = arith.mulf %get3A_610, %mul3A_640 : vector<16xf32>
        %add3A_642 = arith.addf %mul3A_606, %mul3A_641 : vector<16xf32>
        %get3A_643 = arith.index_cast %scan3A_398 : i32 to index
        %get3A_644 = arith.constant 16 : index
        %get3A_645 = tpu.vector_load %arg34[%get3A_643, %get3A_644] {strides = array<i32>} : memref<16x128xf32, #tpu.memory_space<vmem>>, vector<1x16xf32>,
        %get3A_646 = vector.shape_cast %get3A_645 : vector<1x16xf32> to vector<16xf32>
        %get3A_647 = arith.index_cast %scan3A_398 : i32 to index
        %get3A_648 = arith.constant 16 : index
        %get3A_649 = tpu.vector_load %arg30[%get3A_647, %get3A_648] {strides = array<i32>} : memref<16x128xf32, #tpu.memory_space<vmem>>, vector<1x16xf32>,
        %get3A_650 = vector.shape_cast %get3A_649 : vector<1x16xf32> to vector<16xf32>
        %mul3A_651 = arith.mulf %gather3A_402, %get3A_650 : vector<16xf32>
        %get3A_652 = arith.index_cast %scan3A_398 : i32 to index
        %get3A_653 = arith.constant 80 : index
        %get3A_654 = tpu.vector_load %arg30[%get3A_652, %get3A_653] {strides = array<i32>} : memref<16x128xf32, #tpu.memory_space<vmem>>, vector<1x16xf32>,
        %get3A_655 = vector.shape_cast %get3A_654 : vector<1x16xf32> to vector<16xf32>
        %add3A_656 = arith.addf %mul3A_651, %get3A_655 : vector<16xf32>
        %mul3A_657 = arith.mulf %add3A_656, %add3A_656 : vector<16xf32>
        %mul3A_658 = arith.constant 2.75573188E-6 : f32
        %mul3A_659 = vector.broadcast %mul3A_658 : f32 to vector<16xf32>
        %mul3A_660 = arith.mulf %mul3A_659, %mul3A_657 : vector<16xf32>
        %add3A_661 = arith.constant -1.98412701E-4 : f32
        %add3A_662 = vector.broadcast %add3A_661 : f32 to vector<16xf32>
        %add3A_663 = arith.addf %mul3A_660, %add3A_662 : vector<16xf32>
        %mul3A_664 = arith.mulf %add3A_663, %mul3A_657 : vector<16xf32>
        %add3A_665 = arith.constant 0.00833333377 : f32
        %add3A_666 = vector.broadcast %add3A_665 : f32 to vector<16xf32>
        %add3A_667 = arith.addf %mul3A_664, %add3A_666 : vector<16xf32>
        %mul3A_668 = arith.mulf %add3A_667, %mul3A_657 : vector<16xf32>
        %add3A_669 = arith.constant -0.166666672 : f32
        %add3A_670 = vector.broadcast %add3A_669 : f32 to vector<16xf32>
        %add3A_671 = arith.addf %mul3A_668, %add3A_670 : vector<16xf32>
        %mul3A_672 = arith.mulf %add3A_671, %mul3A_657 : vector<16xf32>
        %add3A_673 = arith.constant 1.000000e+00 : f32
        %add3A_674 = vector.broadcast %add3A_673 : f32 to vector<16xf32>
        %add3A_675 = arith.addf %mul3A_672, %add3A_674 : vector<16xf32>
        %mul3A_676 = arith.mulf %add3A_675, %add3A_656 : vector<16xf32>
        %mul3A_677 = arith.mulf %get3A_646, %mul3A_676 : vector<16xf32>
        %get3A_678 = arith.index_cast %scan3A_398 : i32 to index
        %get3A_679 = arith.constant 80 : index
        %get3A_680 = tpu.vector_load %arg34[%get3A_678, %get3A_679] {strides = array<i32>} : memref<16x128xf32, #tpu.memory_space<vmem>>, vector<1x16xf32>,
        %get3A_681 = vector.shape_cast %get3A_680 : vector<1x16xf32> to vector<16xf32>
        %get3A_682 = arith.index_cast %scan3A_398 : i32 to index
        %get3A_683 = arith.constant 16 : index
        %get3A_684 = tpu.vector_load %arg32[%get3A_682, %get3A_683] {strides = array<i32>} : memref<16x128xf32, #tpu.memory_space<vmem>>, vector<1x16xf32>,
        %get3A_685 = vector.shape_cast %get3A_684 : vector<1x16xf32> to vector<16xf32>
        %mul3A_686 = arith.mulf %gather3A_405, %get3A_685 : vector<16xf32>
        %get3A_687 = arith.index_cast %scan3A_398 : i32 to index
        %get3A_688 = arith.constant 80 : index
        %get3A_689 = tpu.vector_load %arg32[%get3A_687, %get3A_688] {strides = array<i32>} : memref<16x128xf32, #tpu.memory_space<vmem>>, vector<1x16xf32>,
        %get3A_690 = vector.shape_cast %get3A_689 : vector<1x16xf32> to vector<16xf32>
        %add3A_691 = arith.addf %mul3A_686, %get3A_690 : vector<16xf32>
        %mul3A_692 = arith.mulf %add3A_691, %add3A_691 : vector<16xf32>
        %mul3A_693 = arith.constant 2.75573188E-6 : f32
        %mul3A_694 = vector.broadcast %mul3A_693 : f32 to vector<16xf32>
        %mul3A_695 = arith.mulf %mul3A_694, %mul3A_692 : vector<16xf32>
        %add3A_696 = arith.constant -1.98412701E-4 : f32
        %add3A_697 = vector.broadcast %add3A_696 : f32 to vector<16xf32>
        %add3A_698 = arith.addf %mul3A_695, %add3A_697 : vector<16xf32>
        %mul3A_699 = arith.mulf %add3A_698, %mul3A_692 : vector<16xf32>
        %add3A_700 = arith.constant 0.00833333377 : f32
        %add3A_701 = vector.broadcast %add3A_700 : f32 to vector<16xf32>
        %add3A_702 = arith.addf %mul3A_699, %add3A_701 : vector<16xf32>
        %mul3A_703 = arith.mulf %add3A_702, %mul3A_692 : vector<16xf32>
        %add3A_704 = arith.constant -0.166666672 : f32
        %add3A_705 = vector.broadcast %add3A_704 : f32 to vector<16xf32>
        %add3A_706 = arith.addf %mul3A_703, %add3A_705 : vector<16xf32>
        %mul3A_707 = arith.mulf %add3A_706, %mul3A_692 : vector<16xf32>
        %add3A_708 = arith.constant 1.000000e+00 : f32
        %add3A_709 = vector.broadcast %add3A_708 : f32 to vector<16xf32>
        %add3A_710 = arith.addf %mul3A_707, %add3A_709 : vector<16xf32>
        %mul3A_711 = arith.mulf %add3A_710, %add3A_691 : vector<16xf32>
        %mul3A_712 = arith.mulf %get3A_681, %mul3A_711 : vector<16xf32>
        %add3A_713 = arith.addf %mul3A_677, %mul3A_712 : vector<16xf32>
        %get3A_714 = arith.index_cast %scan3A_398 : i32 to index
        %get3A_715 = arith.constant 16 : index
        %get3A_716 = tpu.vector_load %arg27[%get3A_714, %get3A_715] {strides = array<i32>} : memref<16x64xf32, #tpu.memory_space<vmem>>, vector<1x16xf32>,
        %get3A_717 = vector.shape_cast %get3A_716 : vector<1x16xf32> to vector<16xf32>
        %get3A_718 = arith.index_cast %scan3A_398 : i32 to index
        %get3A_719 = arith.constant 16 : index
        %get3A_720 = tpu.vector_load %arg52[%get3A_718, %get3A_719] {strides = array<i32>} : memref<16x128xf32, #tpu.memory_space<vmem>>, vector<1x16xf32>,
        %get3A_721 = vector.shape_cast %get3A_720 : vector<1x16xf32> to vector<16xf32>
        %add3A_722 = arith.addf %get3A_717, %get3A_721 : vector<16xf32>
        %get3A_723 = arith.index_cast %scan3A_398 : i32 to index
        %get3A_724 = arith.constant 16 : index
        %get3A_725 = tpu.vector_load %arg28[%get3A_723, %get3A_724] {strides = array<i32>} : memref<16x64xf32, #tpu.memory_space<vmem>>, vector<1x16xf32>,
        %get3A_726 = vector.shape_cast %get3A_725 : vector<1x16xf32> to vector<16xf32>
        %sub3A_727 = arith.subf %add3A_722, %get3A_726 : vector<16xf32>
        %abs3A_728 = math.absf %sub3A_727 : vector<16xf32>
        %add3A_729 = arith.addf %add3A_571, %abs3A_728 : vector<16xf32>
        %get3A_730 = arith.index_cast %scan3A_398 : i32 to index
        %get3A_731 = arith.constant 80 : index
        %get3A_732 = tpu.vector_load %arg52[%get3A_730, %get3A_731] {strides = array<i32>} : memref<16x128xf32, #tpu.memory_space<vmem>>, vector<1x16xf32>,
        %get3A_733 = vector.shape_cast %get3A_732 : vector<1x16xf32> to vector<16xf32>
        %add3A_734 = arith.addf %add3A_642, %get3A_733 : vector<16xf32>
        %sub3A_735 = arith.subf %add3A_734, %add3A_713 : vector<16xf32>
        %abs3A_736 = math.absf %sub3A_735 : vector<16xf32>
        %add3A_737 = arith.addf %add3A_729, %abs3A_736 : vector<16xf32>
        %get3A_738 = arith.index_cast %scan3A_398 : i32 to index
        %get3A_739 = arith.constant 32 : index
        %get3A_740 = tpu.vector_load %arg33[%get3A_738, %get3A_739] {strides = array<i32>} : memref<16x128xf32, #tpu.memory_space<vmem>>, vector<1x16xf32>,
        %get3A_741 = vector.shape_cast %get3A_740 : vector<1x16xf32> to vector<16xf32>
        %get3A_742 = arith.index_cast %scan3A_398 : i32 to index
        %get3A_743 = arith.constant 32 : index
        %get3A_744 = tpu.vector_load %arg29[%get3A_742, %get3A_743] {strides = array<i32>} : memref<16x128xf32, #tpu.memory_space<vmem>>, vector<1x16xf32>,
        %get3A_745 = vector.shape_cast %get3A_744 : vector<1x16xf32> to vector<16xf32>
        %mul3A_746 = arith.mulf %gather3A_402, %get3A_745 : vector<16xf32>
        %get3A_747 = arith.index_cast %scan3A_398 : i32 to index
        %get3A_748 = arith.constant 96 : index
        %get3A_749 = tpu.vector_load %arg29[%get3A_747, %get3A_748] {strides = array<i32>} : memref<16x128xf32, #tpu.memory_space<vmem>>, vector<1x16xf32>,
        %get3A_750 = vector.shape_cast %get3A_749 : vector<1x16xf32> to vector<16xf32>
        %add3A_751 = arith.addf %mul3A_746, %get3A_750 : vector<16xf32>
        %mul3A_752 = arith.mulf %add3A_751, %add3A_751 : vector<16xf32>
        %mul3A_753 = arith.constant 2.75573188E-6 : f32
        %mul3A_754 = vector.broadcast %mul3A_753 : f32 to vector<16xf32>
        %mul3A_755 = arith.mulf %mul3A_754, %mul3A_752 : vector<16xf32>
        %add3A_756 = arith.constant -1.98412701E-4 : f32
        %add3A_757 = vector.broadcast %add3A_756 : f32 to vector<16xf32>
        %add3A_758 = arith.addf %mul3A_755, %add3A_757 : vector<16xf32>
        %mul3A_759 = arith.mulf %add3A_758, %mul3A_752 : vector<16xf32>
        %add3A_760 = arith.constant 0.00833333377 : f32
        %add3A_761 = vector.broadcast %add3A_760 : f32 to vector<16xf32>
        %add3A_762 = arith.addf %mul3A_759, %add3A_761 : vector<16xf32>
        %mul3A_763 = arith.mulf %add3A_762, %mul3A_752 : vector<16xf32>
        %add3A_764 = arith.constant -0.166666672 : f32
        %add3A_765 = vector.broadcast %add3A_764 : f32 to vector<16xf32>
        %add3A_766 = arith.addf %mul3A_763, %add3A_765 : vector<16xf32>
        %mul3A_767 = arith.mulf %add3A_766, %mul3A_752 : vector<16xf32>
        %add3A_768 = arith.constant 1.000000e+00 : f32
        %add3A_769 = vector.broadcast %add3A_768 : f32 to vector<16xf32>
        %add3A_770 = arith.addf %mul3A_767, %add3A_769 : vector<16xf32>
        %mul3A_771 = arith.mulf %add3A_770, %add3A_751 : vector<16xf32>
        %mul3A_772 = arith.mulf %get3A_741, %mul3A_771 : vector<16xf32>
        %get3A_773 = arith.index_cast %scan3A_398 : i32 to index
        %get3A_774 = arith.constant 96 : index
        %get3A_775 = tpu.vector_load %arg33[%get3A_773, %get3A_774] {strides = array<i32>} : memref<16x128xf32, #tpu.memory_space<vmem>>, vector<1x16xf32>,
        %get3A_776 = vector.shape_cast %get3A_775 : vector<1x16xf32> to vector<16xf32>
        %get3A_777 = arith.index_cast %scan3A_398 : i32 to index
        %get3A_778 = arith.constant 32 : index
        %get3A_779 = tpu.vector_load %arg31[%get3A_777, %get3A_778] {strides = array<i32>} : memref<16x128xf32, #tpu.memory_space<vmem>>, vector<1x16xf32>,
        %get3A_780 = vector.shape_cast %get3A_779 : vector<1x16xf32> to vector<16xf32>
        %mul3A_781 = arith.mulf %gather3A_405, %get3A_780 : vector<16xf32>
        %get3A_782 = arith.index_cast %scan3A_398 : i32 to index
        %get3A_783 = arith.constant 96 : index
        %get3A_784 = tpu.vector_load %arg31[%get3A_782, %get3A_783] {strides = array<i32>} : memref<16x128xf32, #tpu.memory_space<vmem>>, vector<1x16xf32>,
        %get3A_785 = vector.shape_cast %get3A_784 : vector<1x16xf32> to vector<16xf32>
        %add3A_786 = arith.addf %mul3A_781, %get3A_785 : vector<16xf32>
        %mul3A_787 = arith.mulf %add3A_786, %add3A_786 : vector<16xf32>
        %mul3A_788 = arith.constant 2.75573188E-6 : f32
        %mul3A_789 = vector.broadcast %mul3A_788 : f32 to vector<16xf32>
        %mul3A_790 = arith.mulf %mul3A_789, %mul3A_787 : vector<16xf32>
        %add3A_791 = arith.constant -1.98412701E-4 : f32
        %add3A_792 = vector.broadcast %add3A_791 : f32 to vector<16xf32>
        %add3A_793 = arith.addf %mul3A_790, %add3A_792 : vector<16xf32>
        %mul3A_794 = arith.mulf %add3A_793, %mul3A_787 : vector<16xf32>
        %add3A_795 = arith.constant 0.00833333377 : f32
        %add3A_796 = vector.broadcast %add3A_795 : f32 to vector<16xf32>
        %add3A_797 = arith.addf %mul3A_794, %add3A_796 : vector<16xf32>
        %mul3A_798 = arith.mulf %add3A_797, %mul3A_787 : vector<16xf32>
        %add3A_799 = arith.constant -0.166666672 : f32
        %add3A_800 = vector.broadcast %add3A_799 : f32 to vector<16xf32>
        %add3A_801 = arith.addf %mul3A_798, %add3A_800 : vector<16xf32>
        %mul3A_802 = arith.mulf %add3A_801, %mul3A_787 : vector<16xf32>
        %add3A_803 = arith.constant 1.000000e+00 : f32
        %add3A_804 = vector.broadcast %add3A_803 : f32 to vector<16xf32>
        %add3A_805 = arith.addf %mul3A_802, %add3A_804 : vector<16xf32>
        %mul3A_806 = arith.mulf %add3A_805, %add3A_786 : vector<16xf32>
        %mul3A_807 = arith.mulf %get3A_776, %mul3A_806 : vector<16xf32>
        %add3A_808 = arith.addf %mul3A_772, %mul3A_807 : vector<16xf32>
        %get3A_809 = arith.index_cast %scan3A_398 : i32 to index
        %get3A_810 = arith.constant 32 : index
        %get3A_811 = tpu.vector_load %arg34[%get3A_809, %get3A_810] {strides = array<i32>} : memref<16x128xf32, #tpu.memory_space<vmem>>, vector<1x16xf32>,
        %get3A_812 = vector.shape_cast %get3A_811 : vector<1x16xf32> to vector<16xf32>
        %get3A_813 = arith.index_cast %scan3A_398 : i32 to index
        %get3A_814 = arith.constant 32 : index
        %get3A_815 = tpu.vector_load %arg30[%get3A_813, %get3A_814] {strides = array<i32>} : memref<16x128xf32, #tpu.memory_space<vmem>>, vector<1x16xf32>,
        %get3A_816 = vector.shape_cast %get3A_815 : vector<1x16xf32> to vector<16xf32>
        %mul3A_817 = arith.mulf %gather3A_402, %get3A_816 : vector<16xf32>
        %get3A_818 = arith.index_cast %scan3A_398 : i32 to index
        %get3A_819 = arith.constant 96 : index
        %get3A_820 = tpu.vector_load %arg30[%get3A_818, %get3A_819] {strides = array<i32>} : memref<16x128xf32, #tpu.memory_space<vmem>>, vector<1x16xf32>,
        %get3A_821 = vector.shape_cast %get3A_820 : vector<1x16xf32> to vector<16xf32>
        %add3A_822 = arith.addf %mul3A_817, %get3A_821 : vector<16xf32>
        %mul3A_823 = arith.mulf %add3A_822, %add3A_822 : vector<16xf32>
        %mul3A_824 = arith.constant 2.75573188E-6 : f32
        %mul3A_825 = vector.broadcast %mul3A_824 : f32 to vector<16xf32>
        %mul3A_826 = arith.mulf %mul3A_825, %mul3A_823 : vector<16xf32>
        %add3A_827 = arith.constant -1.98412701E-4 : f32
        %add3A_828 = vector.broadcast %add3A_827 : f32 to vector<16xf32>
        %add3A_829 = arith.addf %mul3A_826, %add3A_828 : vector<16xf32>
        %mul3A_830 = arith.mulf %add3A_829, %mul3A_823 : vector<16xf32>
        %add3A_831 = arith.constant 0.00833333377 : f32
        %add3A_832 = vector.broadcast %add3A_831 : f32 to vector<16xf32>
        %add3A_833 = arith.addf %mul3A_830, %add3A_832 : vector<16xf32>
        %mul3A_834 = arith.mulf %add3A_833, %mul3A_823 : vector<16xf32>
        %add3A_835 = arith.constant -0.166666672 : f32
        %add3A_836 = vector.broadcast %add3A_835 : f32 to vector<16xf32>
        %add3A_837 = arith.addf %mul3A_834, %add3A_836 : vector<16xf32>
        %mul3A_838 = arith.mulf %add3A_837, %mul3A_823 : vector<16xf32>
        %add3A_839 = arith.constant 1.000000e+00 : f32
        %add3A_840 = vector.broadcast %add3A_839 : f32 to vector<16xf32>
        %add3A_841 = arith.addf %mul3A_838, %add3A_840 : vector<16xf32>
        %mul3A_842 = arith.mulf %add3A_841, %add3A_822 : vector<16xf32>
        %mul3A_843 = arith.mulf %get3A_812, %mul3A_842 : vector<16xf32>
        %get3A_844 = arith.index_cast %scan3A_398 : i32 to index
        %get3A_845 = arith.constant 96 : index
        %get3A_846 = tpu.vector_load %arg34[%get3A_844, %get3A_845] {strides = array<i32>} : memref<16x128xf32, #tpu.memory_space<vmem>>, vector<1x16xf32>,
        %get3A_847 = vector.shape_cast %get3A_846 : vector<1x16xf32> to vector<16xf32>
        %get3A_848 = arith.index_cast %scan3A_398 : i32 to index
        %get3A_849 = arith.constant 32 : index
        %get3A_850 = tpu.vector_load %arg32[%get3A_848, %get3A_849] {strides = array<i32>} : memref<16x128xf32, #tpu.memory_space<vmem>>, vector<1x16xf32>,
        %get3A_851 = vector.shape_cast %get3A_850 : vector<1x16xf32> to vector<16xf32>
        %mul3A_852 = arith.mulf %gather3A_405, %get3A_851 : vector<16xf32>
        %get3A_853 = arith.index_cast %scan3A_398 : i32 to index
        %get3A_854 = arith.constant 96 : index
        %get3A_855 = tpu.vector_load %arg32[%get3A_853, %get3A_854] {strides = array<i32>} : memref<16x128xf32, #tpu.memory_space<vmem>>, vector<1x16xf32>,
        %get3A_856 = vector.shape_cast %get3A_855 : vector<1x16xf32> to vector<16xf32>
        %add3A_857 = arith.addf %mul3A_852, %get3A_856 : vector<16xf32>
        %mul3A_858 = arith.mulf %add3A_857, %add3A_857 : vector<16xf32>
        %mul3A_859 = arith.constant 2.75573188E-6 : f32
        %mul3A_860 = vector.broadcast %mul3A_859 : f32 to vector<16xf32>
        %mul3A_861 = arith.mulf %mul3A_860, %mul3A_858 : vector<16xf32>
        %add3A_862 = arith.constant -1.98412701E-4 : f32
        %add3A_863 = vector.broadcast %add3A_862 : f32 to vector<16xf32>
        %add3A_864 = arith.addf %mul3A_861, %add3A_863 : vector<16xf32>
        %mul3A_865 = arith.mulf %add3A_864, %mul3A_858 : vector<16xf32>
        %add3A_866 = arith.constant 0.00833333377 : f32
        %add3A_867 = vector.broadcast %add3A_866 : f32 to vector<16xf32>
        %add3A_868 = arith.addf %mul3A_865, %add3A_867 : vector<16xf32>
        %mul3A_869 = arith.mulf %add3A_868, %mul3A_858 : vector<16xf32>
        %add3A_870 = arith.constant -0.166666672 : f32
        %add3A_871 = vector.broadcast %add3A_870 : f32 to vector<16xf32>
        %add3A_872 = arith.addf %mul3A_869, %add3A_871 : vector<16xf32>
        %mul3A_873 = arith.mulf %add3A_872, %mul3A_858 : vector<16xf32>
        %add3A_874 = arith.constant 1.000000e+00 : f32
        %add3A_875 = vector.broadcast %add3A_874 : f32 to vector<16xf32>
        %add3A_876 = arith.addf %mul3A_873, %add3A_875 : vector<16xf32>
        %mul3A_877 = arith.mulf %add3A_876, %add3A_857 : vector<16xf32>
        %mul3A_878 = arith.mulf %get3A_847, %mul3A_877 : vector<16xf32>
        %add3A_879 = arith.addf %mul3A_843, %mul3A_878 : vector<16xf32>
        %get3A_880 = arith.index_cast %scan3A_398 : i32 to index
        %get3A_881 = arith.constant 32 : index
        %get3A_882 = tpu.vector_load %arg27[%get3A_880, %get3A_881] {strides = array<i32>} : memref<16x64xf32, #tpu.memory_space<vmem>>, vector<1x16xf32>,
        %get3A_883 = vector.shape_cast %get3A_882 : vector<1x16xf32> to vector<16xf32>
        %get3A_884 = arith.index_cast %scan3A_398 : i32 to index
        %get3A_885 = arith.constant 32 : index
        %get3A_886 = tpu.vector_load %arg52[%get3A_884, %get3A_885] {strides = array<i32>} : memref<16x128xf32, #tpu.memory_space<vmem>>, vector<1x16xf32>,
        %get3A_887 = vector.shape_cast %get3A_886 : vector<1x16xf32> to vector<16xf32>
        %add3A_888 = arith.addf %get3A_883, %get3A_887 : vector<16xf32>
        %get3A_889 = arith.index_cast %scan3A_398 : i32 to index
        %get3A_890 = arith.constant 32 : index
        %get3A_891 = tpu.vector_load %arg28[%get3A_889, %get3A_890] {strides = array<i32>} : memref<16x64xf32, #tpu.memory_space<vmem>>, vector<1x16xf32>,
        %get3A_892 = vector.shape_cast %get3A_891 : vector<1x16xf32> to vector<16xf32>
        %sub3A_893 = arith.subf %add3A_888, %get3A_892 : vector<16xf32>
        %abs3A_894 = math.absf %sub3A_893 : vector<16xf32>
        %add3A_895 = arith.addf %add3A_737, %abs3A_894 : vector<16xf32>
        %get3A_896 = arith.index_cast %scan3A_398 : i32 to index
        %get3A_897 = arith.constant 96 : index
        %get3A_898 = tpu.vector_load %arg52[%get3A_896, %get3A_897] {strides = array<i32>} : memref<16x128xf32, #tpu.memory_space<vmem>>, vector<1x16xf32>,
        %get3A_899 = vector.shape_cast %get3A_898 : vector<1x16xf32> to vector<16xf32>
        %add3A_900 = arith.addf %add3A_808, %get3A_899 : vector<16xf32>
        %sub3A_901 = arith.subf %add3A_900, %add3A_879 : vector<16xf32>
        %abs3A_902 = math.absf %sub3A_901 : vector<16xf32>
        %add3A_903 = arith.addf %add3A_895, %abs3A_902 : vector<16xf32>
        %get3A_904 = arith.index_cast %scan3A_398 : i32 to index
        %get3A_905 = arith.constant 48 : index
        %get3A_906 = tpu.vector_load %arg33[%get3A_904, %get3A_905] {strides = array<i32>} : memref<16x128xf32, #tpu.memory_space<vmem>>, vector<1x16xf32>,
        %get3A_907 = vector.shape_cast %get3A_906 : vector<1x16xf32> to vector<16xf32>
        %get3A_908 = arith.index_cast %scan3A_398 : i32 to index
        %get3A_909 = arith.constant 48 : index
        %get3A_910 = tpu.vector_load %arg29[%get3A_908, %get3A_909] {strides = array<i32>} : memref<16x128xf32, #tpu.memory_space<vmem>>, vector<1x16xf32>,
        %get3A_911 = vector.shape_cast %get3A_910 : vector<1x16xf32> to vector<16xf32>
        %mul3A_912 = arith.mulf %gather3A_402, %get3A_911 : vector<16xf32>
        %get3A_913 = arith.index_cast %scan3A_398 : i32 to index
        %get3A_914 = arith.constant 112 : index
        %get3A_915 = tpu.vector_load %arg29[%get3A_913, %get3A_914] {strides = array<i32>} : memref<16x128xf32, #tpu.memory_space<vmem>>, vector<1x16xf32>,
        %get3A_916 = vector.shape_cast %get3A_915 : vector<1x16xf32> to vector<16xf32>
        %add3A_917 = arith.addf %mul3A_912, %get3A_916 : vector<16xf32>
        %mul3A_918 = arith.mulf %add3A_917, %add3A_917 : vector<16xf32>
        %mul3A_919 = arith.constant 2.75573188E-6 : f32
        %mul3A_920 = vector.broadcast %mul3A_919 : f32 to vector<16xf32>
        %mul3A_921 = arith.mulf %mul3A_920, %mul3A_918 : vector<16xf32>
        %add3A_922 = arith.constant -1.98412701E-4 : f32
        %add3A_923 = vector.broadcast %add3A_922 : f32 to vector<16xf32>
        %add3A_924 = arith.addf %mul3A_921, %add3A_923 : vector<16xf32>
        %mul3A_925 = arith.mulf %add3A_924, %mul3A_918 : vector<16xf32>
        %add3A_926 = arith.constant 0.00833333377 : f32
        %add3A_927 = vector.broadcast %add3A_926 : f32 to vector<16xf32>
        %add3A_928 = arith.addf %mul3A_925, %add3A_927 : vector<16xf32>
        %mul3A_929 = arith.mulf %add3A_928, %mul3A_918 : vector<16xf32>
        %add3A_930 = arith.constant -0.166666672 : f32
        %add3A_931 = vector.broadcast %add3A_930 : f32 to vector<16xf32>
        %add3A_932 = arith.addf %mul3A_929, %add3A_931 : vector<16xf32>
        %mul3A_933 = arith.mulf %add3A_932, %mul3A_918 : vector<16xf32>
        %add3A_934 = arith.constant 1.000000e+00 : f32
        %add3A_935 = vector.broadcast %add3A_934 : f32 to vector<16xf32>
        %add3A_936 = arith.addf %mul3A_933, %add3A_935 : vector<16xf32>
        %mul3A_937 = arith.mulf %add3A_936, %add3A_917 : vector<16xf32>
        %mul3A_938 = arith.mulf %get3A_907, %mul3A_937 : vector<16xf32>
        %get3A_939 = arith.index_cast %scan3A_398 : i32 to index
        %get3A_940 = arith.constant 112 : index
        %get3A_941 = tpu.vector_load %arg33[%get3A_939, %get3A_940] {strides = array<i32>} : memref<16x128xf32, #tpu.memory_space<vmem>>, vector<1x16xf32>,
        %get3A_942 = vector.shape_cast %get3A_941 : vector<1x16xf32> to vector<16xf32>
        %get3A_943 = arith.index_cast %scan3A_398 : i32 to index
        %get3A_944 = arith.constant 48 : index
        %get3A_945 = tpu.vector_load %arg31[%get3A_943, %get3A_944] {strides = array<i32>} : memref<16x128xf32, #tpu.memory_space<vmem>>, vector<1x16xf32>,
        %get3A_946 = vector.shape_cast %get3A_945 : vector<1x16xf32> to vector<16xf32>
        %mul3A_947 = arith.mulf %gather3A_405, %get3A_946 : vector<16xf32>
        %get3A_948 = arith.index_cast %scan3A_398 : i32 to index
        %get3A_949 = arith.constant 112 : index
        %get3A_950 = tpu.vector_load %arg31[%get3A_948, %get3A_949] {strides = array<i32>} : memref<16x128xf32, #tpu.memory_space<vmem>>, vector<1x16xf32>,
        %get3A_951 = vector.shape_cast %get3A_950 : vector<1x16xf32> to vector<16xf32>
        %add3A_952 = arith.addf %mul3A_947, %get3A_951 : vector<16xf32>
        %mul3A_953 = arith.mulf %add3A_952, %add3A_952 : vector<16xf32>
        %mul3A_954 = arith.constant 2.75573188E-6 : f32
        %mul3A_955 = vector.broadcast %mul3A_954 : f32 to vector<16xf32>
        %mul3A_956 = arith.mulf %mul3A_955, %mul3A_953 : vector<16xf32>
        %add3A_957 = arith.constant -1.98412701E-4 : f32
        %add3A_958 = vector.broadcast %add3A_957 : f32 to vector<16xf32>
        %add3A_959 = arith.addf %mul3A_956, %add3A_958 : vector<16xf32>
        %mul3A_960 = arith.mulf %add3A_959, %mul3A_953 : vector<16xf32>
        %add3A_961 = arith.constant 0.00833333377 : f32
        %add3A_962 = vector.broadcast %add3A_961 : f32 to vector<16xf32>
        %add3A_963 = arith.addf %mul3A_960, %add3A_962 : vector<16xf32>
        %mul3A_964 = arith.mulf %add3A_963, %mul3A_953 : vector<16xf32>
        %add3A_965 = arith.constant -0.166666672 : f32
        %add3A_966 = vector.broadcast %add3A_965 : f32 to vector<16xf32>
        %add3A_967 = arith.addf %mul3A_964, %add3A_966 : vector<16xf32>
        %mul3A_968 = arith.mulf %add3A_967, %mul3A_953 : vector<16xf32>
        %add3A_969 = arith.constant 1.000000e+00 : f32
        %add3A_970 = vector.broadcast %add3A_969 : f32 to vector<16xf32>
        %add3A_971 = arith.addf %mul3A_968, %add3A_970 : vector<16xf32>
        %mul3A_972 = arith.mulf %add3A_971, %add3A_952 : vector<16xf32>
        %mul3A_973 = arith.mulf %get3A_942, %mul3A_972 : vector<16xf32>
        %add3A_974 = arith.addf %mul3A_938, %mul3A_973 : vector<16xf32>
        %get3A_975 = arith.index_cast %scan3A_398 : i32 to index
        %get3A_976 = arith.constant 48 : index
        %get3A_977 = tpu.vector_load %arg34[%get3A_975, %get3A_976] {strides = array<i32>} : memref<16x128xf32, #tpu.memory_space<vmem>>, vector<1x16xf32>,
        %get3A_978 = vector.shape_cast %get3A_977 : vector<1x16xf32> to vector<16xf32>
        %get3A_979 = arith.index_cast %scan3A_398 : i32 to index
        %get3A_980 = arith.constant 48 : index
        %get3A_981 = tpu.vector_load %arg30[%get3A_979, %get3A_980] {strides = array<i32>} : memref<16x128xf32, #tpu.memory_space<vmem>>, vector<1x16xf32>,
        %get3A_982 = vector.shape_cast %get3A_981 : vector<1x16xf32> to vector<16xf32>
        %mul3A_983 = arith.mulf %gather3A_402, %get3A_982 : vector<16xf32>
        %get3A_984 = arith.index_cast %scan3A_398 : i32 to index
        %get3A_985 = arith.constant 112 : index
        %get3A_986 = tpu.vector_load %arg30[%get3A_984, %get3A_985] {strides = array<i32>} : memref<16x128xf32, #tpu.memory_space<vmem>>, vector<1x16xf32>,
        %get3A_987 = vector.shape_cast %get3A_986 : vector<1x16xf32> to vector<16xf32>
        %add3A_988 = arith.addf %mul3A_983, %get3A_987 : vector<16xf32>
        %mul3A_989 = arith.mulf %add3A_988, %add3A_988 : vector<16xf32>
        %mul3A_990 = arith.constant 2.75573188E-6 : f32
        %mul3A_991 = vector.broadcast %mul3A_990 : f32 to vector<16xf32>
        %mul3A_992 = arith.mulf %mul3A_991, %mul3A_989 : vector<16xf32>
        %add3A_993 = arith.constant -1.98412701E-4 : f32
        %add3A_994 = vector.broadcast %add3A_993 : f32 to vector<16xf32>
        %add3A_995 = arith.addf %mul3A_992, %add3A_994 : vector<16xf32>
        %mul3A_996 = arith.mulf %add3A_995, %mul3A_989 : vector<16xf32>
        %add3A_997 = arith.constant 0.00833333377 : f32
        %add3A_998 = vector.broadcast %add3A_997 : f32 to vector<16xf32>
        %add3A_999 = arith.addf %mul3A_996, %add3A_998 : vector<16xf32>
        %mul3A_1000 = arith.mulf %add3A_999, %mul3A_989 : vector<16xf32>
        %add3A_1001 = arith.constant -0.166666672 : f32
        %add3A_1002 = vector.broadcast %add3A_1001 : f32 to vector<16xf32>
        %add3A_1003 = arith.addf %mul3A_1000, %add3A_1002 : vector<16xf32>
        %mul3A_1004 = arith.mulf %add3A_1003, %mul3A_989 : vector<16xf32>
        %add3A_1005 = arith.constant 1.000000e+00 : f32
        %add3A_1006 = vector.broadcast %add3A_1005 : f32 to vector<16xf32>
        %add3A_1007 = arith.addf %mul3A_1004, %add3A_1006 : vector<16xf32>
        %mul3A_1008 = arith.mulf %add3A_1007, %add3A_988 : vector<16xf32>
        %mul3A_1009 = arith.mulf %get3A_978, %mul3A_1008 : vector<16xf32>
        %get3A_1010 = arith.index_cast %scan3A_398 : i32 to index
        %get3A_1011 = arith.constant 112 : index
        %get3A_1012 = tpu.vector_load %arg34[%get3A_1010, %get3A_1011] {strides = array<i32>} : memref<16x128xf32, #tpu.memory_space<vmem>>, vector<1x16xf32>,
        %get3A_1013 = vector.shape_cast %get3A_1012 : vector<1x16xf32> to vector<16xf32>
        %get3A_1014 = arith.index_cast %scan3A_398 : i32 to index
        %get3A_1015 = arith.constant 48 : index
        %get3A_1016 = tpu.vector_load %arg32[%get3A_1014, %get3A_1015] {strides = array<i32>} : memref<16x128xf32, #tpu.memory_space<vmem>>, vector<1x16xf32>,
        %get3A_1017 = vector.shape_cast %get3A_1016 : vector<1x16xf32> to vector<16xf32>
        %mul3A_1018 = arith.mulf %gather3A_405, %get3A_1017 : vector<16xf32>
        %get3A_1019 = arith.index_cast %scan3A_398 : i32 to index
        %get3A_1020 = arith.constant 112 : index
        %get3A_1021 = tpu.vector_load %arg32[%get3A_1019, %get3A_1020] {strides = array<i32>} : memref<16x128xf32, #tpu.memory_space<vmem>>, vector<1x16xf32>,
        %get3A_1022 = vector.shape_cast %get3A_1021 : vector<1x16xf32> to vector<16xf32>
        %add3A_1023 = arith.addf %mul3A_1018, %get3A_1022 : vector<16xf32>
        %mul3A_1024 = arith.mulf %add3A_1023, %add3A_1023 : vector<16xf32>
        %mul3A_1025 = arith.constant 2.75573188E-6 : f32
        %mul3A_1026 = vector.broadcast %mul3A_1025 : f32 to vector<16xf32>
        %mul3A_1027 = arith.mulf %mul3A_1026, %mul3A_1024 : vector<16xf32>
        %add3A_1028 = arith.constant -1.98412701E-4 : f32
        %add3A_1029 = vector.broadcast %add3A_1028 : f32 to vector<16xf32>
        %add3A_1030 = arith.addf %mul3A_1027, %add3A_1029 : vector<16xf32>
        %mul3A_1031 = arith.mulf %add3A_1030, %mul3A_1024 : vector<16xf32>
        %add3A_1032 = arith.constant 0.00833333377 : f32
        %add3A_1033 = vector.broadcast %add3A_1032 : f32 to vector<16xf32>
        %add3A_1034 = arith.addf %mul3A_1031, %add3A_1033 : vector<16xf32>
        %mul3A_1035 = arith.mulf %add3A_1034, %mul3A_1024 : vector<16xf32>
        %add3A_1036 = arith.constant -0.166666672 : f32
        %add3A_1037 = vector.broadcast %add3A_1036 : f32 to vector<16xf32>
        %add3A_1038 = arith.addf %mul3A_1035, %add3A_1037 : vector<16xf32>
        %mul3A_1039 = arith.mulf %add3A_1038, %mul3A_1024 : vector<16xf32>
        %add3A_1040 = arith.constant 1.000000e+00 : f32
        %add3A_1041 = vector.broadcast %add3A_1040 : f32 to vector<16xf32>
        %add3A_1042 = arith.addf %mul3A_1039, %add3A_1041 : vector<16xf32>
        %mul3A_1043 = arith.mulf %add3A_1042, %add3A_1023 : vector<16xf32>
        %mul3A_1044 = arith.mulf %get3A_1013, %mul3A_1043 : vector<16xf32>
        %add3A_1045 = arith.addf %mul3A_1009, %mul3A_1044 : vector<16xf32>
        %get3A_1046 = arith.index_cast %scan3A_398 : i32 to index
        %get3A_1047 = arith.constant 48 : index
        %get3A_1048 = tpu.vector_load %arg27[%get3A_1046, %get3A_1047] {strides = array<i32>} : memref<16x64xf32, #tpu.memory_space<vmem>>, vector<1x16xf32>,
        %get3A_1049 = vector.shape_cast %get3A_1048 : vector<1x16xf32> to vector<16xf32>
        %get3A_1050 = arith.index_cast %scan3A_398 : i32 to index
        %get3A_1051 = arith.constant 48 : index
        %get3A_1052 = tpu.vector_load %arg52[%get3A_1050, %get3A_1051] {strides = array<i32>} : memref<16x128xf32, #tpu.memory_space<vmem>>, vector<1x16xf32>,
        %get3A_1053 = vector.shape_cast %get3A_1052 : vector<1x16xf32> to vector<16xf32>
        %add3A_1054 = arith.addf %get3A_1049, %get3A_1053 : vector<16xf32>
        %get3A_1055 = arith.index_cast %scan3A_398 : i32 to index
        %get3A_1056 = arith.constant 48 : index
        %get3A_1057 = tpu.vector_load %arg28[%get3A_1055, %get3A_1056] {strides = array<i32>} : memref<16x64xf32, #tpu.memory_space<vmem>>, vector<1x16xf32>,
        %get3A_1058 = vector.shape_cast %get3A_1057 : vector<1x16xf32> to vector<16xf32>
        %sub3A_1059 = arith.subf %add3A_1054, %get3A_1058 : vector<16xf32>
        %abs3A_1060 = math.absf %sub3A_1059 : vector<16xf32>
        %add3A_1061 = arith.addf %add3A_903, %abs3A_1060 : vector<16xf32>
        %get3A_1062 = arith.index_cast %scan3A_398 : i32 to index
        %get3A_1063 = arith.constant 112 : index
        %get3A_1064 = tpu.vector_load %arg52[%get3A_1062, %get3A_1063] {strides = array<i32>} : memref<16x128xf32, #tpu.memory_space<vmem>>, vector<1x16xf32>,
        %get3A_1065 = vector.shape_cast %get3A_1064 : vector<1x16xf32> to vector<16xf32>
        %add3A_1066 = arith.addf %add3A_974, %get3A_1065 : vector<16xf32>
        %sub3A_1067 = arith.subf %add3A_1066, %add3A_1045 : vector<16xf32>
        %abs3A_1068 = math.absf %sub3A_1067 : vector<16xf32>
        %add3A_1069 = arith.addf %add3A_1061, %abs3A_1068 : vector<16xf32>
        %eq3A = vector.broadcast %scan3A_398 : i32 to vector<16xi32>
        %eq3A_1070 = arith.cmpi eq, %iota3A, %eq3A : vector<16xi32>
        %iota3A_1071 = tpu.iota {dimensions = array<i32: 0>} : vector<16xi32>
        %xor3A = arith.constant 8 : i32
        %xor3A_1072 = vector.broadcast %xor3A : i32 to vector<16xi32>
        %xor3A_1073 = arith.xori %iota3A_1071, %xor3A_1072 : vector<16xi32>
        %broadcast_in_dim3A_1074 = vector.shape_cast %xor3A_1073 : vector<16xi32> to vector<16x1xi32>
        %gather3A_1075 = vector.shape_cast %broadcast_in_dim3A_1074 : vector<16x1xi32> to vector<16xi32>
        %gather3A_1076 = tpu.dynamic_gather %add3A_1069[%gather3A_1075] in [0] : vector<16xf32>, vector<16xi32> -> vector<16xf32>
        %add3A_1077 = arith.addf %add3A_1069, %gather3A_1076 : vector<16xf32>
        %xor3A_1078 = arith.constant 4 : i32
        %xor3A_1079 = vector.broadcast %xor3A_1078 : i32 to vector<16xi32>
        %xor3A_1080 = arith.xori %iota3A_1071, %xor3A_1079 : vector<16xi32>
        %broadcast_in_dim3A_1081 = vector.shape_cast %xor3A_1080 : vector<16xi32> to vector<16x1xi32>
        %gather3A_1082 = vector.shape_cast %broadcast_in_dim3A_1081 : vector<16x1xi32> to vector<16xi32>
        %gather3A_1083 = tpu.dynamic_gather %add3A_1077[%gather3A_1082] in [0] : vector<16xf32>, vector<16xi32> -> vector<16xf32>
        %add3A_1084 = arith.addf %add3A_1077, %gather3A_1083 : vector<16xf32>
        %xor3A_1085 = arith.constant 2 : i32
        %xor3A_1086 = vector.broadcast %xor3A_1085 : i32 to vector<16xi32>
        %xor3A_1087 = arith.xori %iota3A_1071, %xor3A_1086 : vector<16xi32>
        %broadcast_in_dim3A_1088 = vector.shape_cast %xor3A_1087 : vector<16xi32> to vector<16x1xi32>
        %gather3A_1089 = vector.shape_cast %broadcast_in_dim3A_1088 : vector<16x1xi32> to vector<16xi32>
        %gather3A_1090 = tpu.dynamic_gather %add3A_1084[%gather3A_1089] in [0] : vector<16xf32>, vector<16xi32> -> vector<16xf32>
        %add3A_1091 = arith.addf %add3A_1084, %gather3A_1090 : vector<16xf32>
        %xor3A_1092 = arith.constant 1 : i32
        %xor3A_1093 = vector.broadcast %xor3A_1092 : i32 to vector<16xi32>
        %xor3A_1094 = arith.xori %iota3A_1071, %xor3A_1093 : vector<16xi32>
        %broadcast_in_dim3A_1095 = vector.shape_cast %xor3A_1094 : vector<16xi32> to vector<16x1xi32>
        %gather3A_1096 = vector.shape_cast %broadcast_in_dim3A_1095 : vector<16x1xi32> to vector<16xi32>
        %gather3A_1097 = tpu.dynamic_gather %add3A_1091[%gather3A_1096] in [0] : vector<16xf32>, vector<16xi32> -> vector<16xf32>
        %add3A_1098 = arith.addf %add3A_1091, %gather3A_1097 : vector<16xf32>
        %neg3A = arith.constant 0.000000e+00 : f32
        %neg3A_1099 = vector.broadcast %neg3A : f32 to vector<16xf32>
        %neg3A_1100 = arith.subf %neg3A_1099, %add3A_1098 : vector<16xf32>
        %select_n3A = arith.select %eq3A_1070, %neg3A_1100, %scan3A_399 : vector<16xi1>, vector<16xf32>
        scf.yield %select_n3A : vector<16xf32>
      }
      %scan3A_240 = arith.constant 16 : i32
      %swap3A_241 = arith.index_cast %mul3A_226 : i32 to index
      %swap3A_242 = tpu.vector_load %arg18[%swap3A_241] {strides = array<i32>} : memref<512xf32, #tpu.memory_space<vmem>>, vector<16xf32>,
      %swap3A_243 = vector.shape_cast %swap3A_242 : vector<16xf32> to vector<16xf32>
      %swap3A_244 = vector.shape_cast %scan3A_239 : vector<16xf32> to vector<16xf32>
      tpu.vector_store %arg18[%swap3A_241], %swap3A_244 {strides = array<i32>} : memref<512xf32, #tpu.memory_space<vmem>>, vector<16xf32>,
      %mul3A_245 = arith.constant 4 : i32
      %mul3A_246 = arith.muli %mul3A_245, %scan3A_98 : i32
      %add3A_247 = arith.constant 2 : i32
      %add3A_248 = arith.addi %mul3A_246, %add3A_247 : i32
      %dma_wait3A_249 = arith.constant 0 : i32
      %dma_wait3A_250 = tpu.memref_slice %arg13[%dma_wait3A_249] : memref<512xi32, #tpu.memory_space<vmem>> -> memref<16xi32, #tpu.memory_space<vmem>>
      %dma_wait3A_251 = arith.constant 0 : i32
      %dma_wait3A_252 = arith.constant 0 : i32
      %dma_wait3A_253 = tpu.memref_slice %arg7[%dma_wait3A_251, %dma_wait3A_252] : memref<100000x64xf32, #tpu.memory_space<hbm>> -> memref<100000x64xf32, #tpu.memory_space<hbm>>
      tpu.wait_indirect_dma semaphore(%arg57 : memref<!tpu.dma_semaphore, #tpu.memory_space<semaphore_mem>>) src(%dma_wait3A_253 : memref<100000x64xf32, #tpu.memory_space<hbm>>) dst(%arg35 : memref<16x64xf32, #tpu.memory_space<vmem>>)
      %dma_wait3A_254 = arith.constant 0 : i32
      %dma_wait3A_255 = tpu.memref_slice %arg13[%dma_wait3A_254] : memref<512xi32, #tpu.memory_space<vmem>> -> memref<16xi32, #tpu.memory_space<vmem>>
      %dma_wait3A_256 = arith.constant 0 : i32
      %dma_wait3A_257 = arith.constant 0 : i32
      %dma_wait3A_258 = tpu.memref_slice %arg7[%dma_wait3A_256, %dma_wait3A_257] : memref<100000x64xf32, #tpu.memory_space<hbm>> -> memref<100000x64xf32, #tpu.memory_space<hbm>>
      tpu.wait_indirect_dma semaphore(%arg57 : memref<!tpu.dma_semaphore, #tpu.memory_space<semaphore_mem>>) src(%dma_wait3A_258 : memref<100000x64xf32, #tpu.memory_space<hbm>>) dst(%arg36 : memref<16x64xf32, #tpu.memory_space<vmem>>)
      %dma_wait3A_259 = arith.constant 0 : i32
      %dma_wait3A_260 = tpu.memref_slice %arg13[%dma_wait3A_259] : memref<512xi32, #tpu.memory_space<vmem>> -> memref<16xi32, #tpu.memory_space<vmem>>
      %dma_wait3A_261 = arith.constant 0 : i32
      %dma_wait3A_262 = arith.constant 0 : i32
      %dma_wait3A_263 = tpu.memref_slice %arg9[%dma_wait3A_261, %dma_wait3A_262] : memref<100000x128xf32, #tpu.memory_space<hbm>> -> memref<100000x128xf32, #tpu.memory_space<hbm>>
      tpu.wait_indirect_dma semaphore(%arg57 : memref<!tpu.dma_semaphore, #tpu.memory_space<semaphore_mem>>) src(%dma_wait3A_263 : memref<100000x128xf32, #tpu.memory_space<hbm>>) dst(%arg37 : memref<16x128xf32, #tpu.memory_space<vmem>>)
      %dma_wait3A_264 = arith.constant 0 : i32
      %dma_wait3A_265 = tpu.memref_slice %arg13[%dma_wait3A_264] : memref<512xi32, #tpu.memory_space<vmem>> -> memref<16xi32, #tpu.memory_space<vmem>>
      %dma_wait3A_266 = arith.constant 0 : i32
      %dma_wait3A_267 = arith.constant 0 : i32
      %dma_wait3A_268 = tpu.memref_slice %arg9[%dma_wait3A_266, %dma_wait3A_267] : memref<100000x128xf32, #tpu.memory_space<hbm>> -> memref<100000x128xf32, #tpu.memory_space<hbm>>
      tpu.wait_indirect_dma semaphore(%arg57 : memref<!tpu.dma_semaphore, #tpu.memory_space<semaphore_mem>>) src(%dma_wait3A_268 : memref<100000x128xf32, #tpu.memory_space<hbm>>) dst(%arg38 : memref<16x128xf32, #tpu.memory_space<vmem>>)
      %dma_wait3A_269 = arith.constant 0 : i32
      %dma_wait3A_270 = tpu.memref_slice %arg13[%dma_wait3A_269] : memref<512xi32, #tpu.memory_space<vmem>> -> memref<16xi32, #tpu.memory_space<vmem>>
      %dma_wait3A_271 = arith.constant 0 : i32
      %dma_wait3A_272 = arith.constant 0 : i32
      %dma_wait3A_273 = tpu.memref_slice %arg10[%dma_wait3A_271, %dma_wait3A_272] : memref<100000x128xf32, #tpu.memory_space<hbm>> -> memref<100000x128xf32, #tpu.memory_space<hbm>>
      tpu.wait_indirect_dma semaphore(%arg57 : memref<!tpu.dma_semaphore, #tpu.memory_space<semaphore_mem>>) src(%dma_wait3A_273 : memref<100000x128xf32, #tpu.memory_space<hbm>>) dst(%arg39 : memref<16x128xf32, #tpu.memory_space<vmem>>)
      %dma_wait3A_274 = arith.constant 0 : i32
      %dma_wait3A_275 = tpu.memref_slice %arg13[%dma_wait3A_274] : memref<512xi32, #tpu.memory_space<vmem>> -> memref<16xi32, #tpu.memory_space<vmem>>
      %dma_wait3A_276 = arith.constant 0 : i32
      %dma_wait3A_277 = arith.constant 0 : i32
      %dma_wait3A_278 = tpu.memref_slice %arg10[%dma_wait3A_276, %dma_wait3A_277] : memref<100000x128xf32, #tpu.memory_space<hbm>> -> memref<100000x128xf32, #tpu.memory_space<hbm>>
      tpu.wait_indirect_dma semaphore(%arg57 : memref<!tpu.dma_semaphore, #tpu.memory_space<semaphore_mem>>) src(%dma_wait3A_278 : memref<100000x128xf32, #tpu.memory_space<hbm>>) dst(%arg40 : memref<16x128xf32, #tpu.memory_space<vmem>>)
      %dma_wait3A_279 = arith.constant 0 : i32
      %dma_wait3A_280 = tpu.memref_slice %arg13[%dma_wait3A_279] : memref<512xi32, #tpu.memory_space<vmem>> -> memref<16xi32, #tpu.memory_space<vmem>>
      %dma_wait3A_281 = arith.constant 0 : i32
      %dma_wait3A_282 = arith.constant 0 : i32
      %dma_wait3A_283 = tpu.memref_slice %arg11[%dma_wait3A_281, %dma_wait3A_282] : memref<100000x128xf32, #tpu.memory_space<hbm>> -> memref<100000x128xf32, #tpu.memory_space<hbm>>
      tpu.wait_indirect_dma semaphore(%arg57 : memref<!tpu.dma_semaphore, #tpu.memory_space<semaphore_mem>>) src(%dma_wait3A_283 : memref<100000x128xf32, #tpu.memory_space<hbm>>) dst(%arg41 : memref<16x128xf32, #tpu.memory_space<vmem>>)
      %dma_wait3A_284 = arith.constant 0 : i32
      %dma_wait3A_285 = tpu.memref_slice %arg13[%dma_wait3A_284] : memref<512xi32, #tpu.memory_space<vmem>> -> memref<16xi32, #tpu.memory_space<vmem>>
      %dma_wait3A_286 = arith.constant 0 : i32
      %dma_wait3A_287 = arith.constant 0 : i32
      %dma_wait3A_288 = tpu.memref_slice %arg11[%dma_wait3A_286, %dma_wait3A_287] : memref<100000x128xf32, #tpu.memory_space<hbm>> -> memref<100000x128xf32, #tpu.memory_space<hbm>>
      tpu.wait_indirect_dma semaphore(%arg57 : memref<!tpu.dma_semaphore, #tpu.memory_space<semaphore_mem>>) src(%dma_wait3A_288 : memref<100000x128xf32, #tpu.memory_space<hbm>>) dst(%arg42 : memref<16x128xf32, #tpu.memory_space<vmem>>)
      %dma_wait3A_289 = arith.constant 0 : i32
      %dma_wait3A_290 = tpu.memref_slice %arg15[%dma_wait3A_289] : memref<512xi32, #tpu.memory_space<vmem>> -> memref<16xi32, #tpu.memory_space<vmem>>
      %dma_wait3A_291 = arith.constant 0 : i32
      %dma_wait3A_292 = arith.constant 0 : i32
      %dma_wait3A_293 = tpu.memref_slice %arg8[%dma_wait3A_291, %dma_wait3A_292] : memref<500x128xf32, #tpu.memory_space<hbm>> -> memref<500x128xf32, #tpu.memory_space<hbm>>
      tpu.wait_indirect_dma semaphore(%arg57 : memref<!tpu.dma_semaphore, #tpu.memory_space<semaphore_mem>>) src(%dma_wait3A_293 : memref<500x128xf32, #tpu.memory_space<hbm>>) dst(%arg53 : memref<16x128xf32, #tpu.memory_space<vmem>>)
      %add3A_294 = arith.constant 2 : i32
      %add3A_295 = arith.addi %add3A_248, %add3A_294 : i32
      %lt3A_296 = arith.constant 32 : i32
      %lt3A_297 = arith.cmpi slt, %add3A_295, %lt3A_296 : i32
      %convert_element_type3A_298 = arith.extui %lt3A_297 : i1 to i32
      %cond3A_299 = arith.constant 0 : i32
      %cond3A_300 = arith.cmpi ne, %convert_element_type3A_298, %cond3A_299 : i32
      scf.if %cond3A_300 {
        %add3A_398 = arith.constant 2 : i32
        %add3A_399 = arith.addi %add3A_248, %add3A_398 : i32
        %mul3A_400 = arith.constant 16 : i32
        %mul3A_401 = arith.muli %add3A_399, %mul3A_400 : i32
        %dma_start3A_402 = tpu.memref_slice %arg13[%mul3A_401] : memref<512xi32, #tpu.memory_space<vmem>> -> memref<16xi32, #tpu.memory_space<vmem>>
        %dma_start3A_403 = arith.constant 0 : i32
        %dma_start3A_404 = arith.constant 0 : i32
        %dma_start3A_405 = tpu.memref_slice %arg7[%dma_start3A_403, %dma_start3A_404] : memref<100000x64xf32, #tpu.memory_space<hbm>> -> memref<100000x64xf32, #tpu.memory_space<hbm>>
        tpu.enqueue_indirect_dma source(%dma_start3A_405 : memref<100000x64xf32, #tpu.memory_space<hbm>>) target(%arg19 : memref<16x64xf32, #tpu.memory_space<vmem>>) offsets(%dma_start3A_402 : memref<16xi32, #tpu.memory_space<vmem>>) semaphore(%arg55 : memref<!tpu.dma_semaphore, #tpu.memory_space<semaphore_mem>>)
        %dma_start3A_406 = tpu.memref_slice %arg14[%mul3A_401] : memref<512xi32, #tpu.memory_space<vmem>> -> memref<16xi32, #tpu.memory_space<vmem>>
        %dma_start3A_407 = arith.constant 0 : i32
        %dma_start3A_408 = arith.constant 0 : i32
        %dma_start3A_409 = tpu.memref_slice %arg7[%dma_start3A_407, %dma_start3A_408] : memref<100000x64xf32, #tpu.memory_space<hbm>> -> memref<100000x64xf32, #tpu.memory_space<hbm>>
        tpu.enqueue_indirect_dma source(%dma_start3A_409 : memref<100000x64xf32, #tpu.memory_space<hbm>>) target(%arg20 : memref<16x64xf32, #tpu.memory_space<vmem>>) offsets(%dma_start3A_406 : memref<16xi32, #tpu.memory_space<vmem>>) semaphore(%arg55 : memref<!tpu.dma_semaphore, #tpu.memory_space<semaphore_mem>>)
        %dma_start3A_410 = tpu.memref_slice %arg13[%mul3A_401] : memref<512xi32, #tpu.memory_space<vmem>> -> memref<16xi32, #tpu.memory_space<vmem>>
        %dma_start3A_411 = arith.constant 0 : i32
        %dma_start3A_412 = arith.constant 0 : i32
        %dma_start3A_413 = tpu.memref_slice %arg9[%dma_start3A_411, %dma_start3A_412] : memref<100000x128xf32, #tpu.memory_space<hbm>> -> memref<100000x128xf32, #tpu.memory_space<hbm>>
        tpu.enqueue_indirect_dma source(%dma_start3A_413 : memref<100000x128xf32, #tpu.memory_space<hbm>>) target(%arg21 : memref<16x128xf32, #tpu.memory_space<vmem>>) offsets(%dma_start3A_410 : memref<16xi32, #tpu.memory_space<vmem>>) semaphore(%arg55 : memref<!tpu.dma_semaphore, #tpu.memory_space<semaphore_mem>>)
        %dma_start3A_414 = tpu.memref_slice %arg14[%mul3A_401] : memref<512xi32, #tpu.memory_space<vmem>> -> memref<16xi32, #tpu.memory_space<vmem>>
        %dma_start3A_415 = arith.constant 0 : i32
        %dma_start3A_416 = arith.constant 0 : i32
        %dma_start3A_417 = tpu.memref_slice %arg9[%dma_start3A_415, %dma_start3A_416] : memref<100000x128xf32, #tpu.memory_space<hbm>> -> memref<100000x128xf32, #tpu.memory_space<hbm>>
        tpu.enqueue_indirect_dma source(%dma_start3A_417 : memref<100000x128xf32, #tpu.memory_space<hbm>>) target(%arg22 : memref<16x128xf32, #tpu.memory_space<vmem>>) offsets(%dma_start3A_414 : memref<16xi32, #tpu.memory_space<vmem>>) semaphore(%arg55 : memref<!tpu.dma_semaphore, #tpu.memory_space<semaphore_mem>>)
        %dma_start3A_418 = tpu.memref_slice %arg13[%mul3A_401] : memref<512xi32, #tpu.memory_space<vmem>> -> memref<16xi32, #tpu.memory_space<vmem>>
        %dma_start3A_419 = arith.constant 0 : i32
        %dma_start3A_420 = arith.constant 0 : i32
        %dma_start3A_421 = tpu.memref_slice %arg10[%dma_start3A_419, %dma_start3A_420] : memref<100000x128xf32, #tpu.memory_space<hbm>> -> memref<100000x128xf32, #tpu.memory_space<hbm>>
        tpu.enqueue_indirect_dma source(%dma_start3A_421 : memref<100000x128xf32, #tpu.memory_space<hbm>>) target(%arg23 : memref<16x128xf32, #tpu.memory_space<vmem>>) offsets(%dma_start3A_418 : memref<16xi32, #tpu.memory_space<vmem>>) semaphore(%arg55 : memref<!tpu.dma_semaphore, #tpu.memory_space<semaphore_mem>>)
        %dma_start3A_422 = tpu.memref_slice %arg14[%mul3A_401] : memref<512xi32, #tpu.memory_space<vmem>> -> memref<16xi32, #tpu.memory_space<vmem>>
        %dma_start3A_423 = arith.constant 0 : i32
        %dma_start3A_424 = arith.constant 0 : i32
        %dma_start3A_425 = tpu.memref_slice %arg10[%dma_start3A_423, %dma_start3A_424] : memref<100000x128xf32, #tpu.memory_space<hbm>> -> memref<100000x128xf32, #tpu.memory_space<hbm>>
        tpu.enqueue_indirect_dma source(%dma_start3A_425 : memref<100000x128xf32, #tpu.memory_space<hbm>>) target(%arg24 : memref<16x128xf32, #tpu.memory_space<vmem>>) offsets(%dma_start3A_422 : memref<16xi32, #tpu.memory_space<vmem>>) semaphore(%arg55 : memref<!tpu.dma_semaphore, #tpu.memory_space<semaphore_mem>>)
        %dma_start3A_426 = tpu.memref_slice %arg13[%mul3A_401] : memref<512xi32, #tpu.memory_space<vmem>> -> memref<16xi32, #tpu.memory_space<vmem>>
        %dma_start3A_427 = arith.constant 0 : i32
        %dma_start3A_428 = arith.constant 0 : i32
        %dma_start3A_429 = tpu.memref_slice %arg11[%dma_start3A_427, %dma_start3A_428] : memref<100000x128xf32, #tpu.memory_space<hbm>> -> memref<100000x128xf32, #tpu.memory_space<hbm>>
        tpu.enqueue_indirect_dma source(%dma_start3A_429 : memref<100000x128xf32, #tpu.memory_space<hbm>>) target(%arg25 : memref<16x128xf32, #tpu.memory_space<vmem>>) offsets(%dma_start3A_426 : memref<16xi32, #tpu.memory_space<vmem>>) semaphore(%arg55 : memref<!tpu.dma_semaphore, #tpu.memory_space<semaphore_mem>>)
        %dma_start3A_430 = tpu.memref_slice %arg14[%mul3A_401] : memref<512xi32, #tpu.memory_space<vmem>> -> memref<16xi32, #tpu.memory_space<vmem>>
        %dma_start3A_431 = arith.constant 0 : i32
        %dma_start3A_432 = arith.constant 0 : i32
        %dma_start3A_433 = tpu.memref_slice %arg11[%dma_start3A_431, %dma_start3A_432] : memref<100000x128xf32, #tpu.memory_space<hbm>> -> memref<100000x128xf32, #tpu.memory_space<hbm>>
        tpu.enqueue_indirect_dma source(%dma_start3A_433 : memref<100000x128xf32, #tpu.memory_space<hbm>>) target(%arg26 : memref<16x128xf32, #tpu.memory_space<vmem>>) offsets(%dma_start3A_430 : memref<16xi32, #tpu.memory_space<vmem>>) semaphore(%arg55 : memref<!tpu.dma_semaphore, #tpu.memory_space<semaphore_mem>>)
        %dma_start3A_434 = tpu.memref_slice %arg15[%mul3A_401] : memref<512xi32, #tpu.memory_space<vmem>> -> memref<16xi32, #tpu.memory_space<vmem>>
        %dma_start3A_435 = arith.constant 0 : i32
        %dma_start3A_436 = arith.constant 0 : i32
        %dma_start3A_437 = tpu.memref_slice %arg8[%dma_start3A_435, %dma_start3A_436] : memref<500x128xf32, #tpu.memory_space<hbm>> -> memref<500x128xf32, #tpu.memory_space<hbm>>
        tpu.enqueue_indirect_dma source(%dma_start3A_437 : memref<500x128xf32, #tpu.memory_space<hbm>>) target(%arg51 : memref<16x128xf32, #tpu.memory_space<vmem>>) offsets(%dma_start3A_434 : memref<16xi32, #tpu.memory_space<vmem>>) semaphore(%arg55 : memref<!tpu.dma_semaphore, #tpu.memory_space<semaphore_mem>>)
      } else {
      }
      %mul3A_301 = arith.constant 16 : i32
      %mul3A_302 = arith.muli %add3A_248, %mul3A_301 : i32
      %get3A_303 = arith.index_cast %mul3A_302 : i32 to index
      %get3A_304 = tpu.vector_load %arg16[%get3A_303] {strides = array<i32>} : memref<512xf32, #tpu.memory_space<vmem>>, vector<16xf32>,
      %get3A_305 = vector.shape_cast %get3A_304 : vector<16xf32> to vector<16xf32>
      %get3A_306 = arith.index_cast %mul3A_302 : i32 to index
      %get3A_307 = tpu.vector_load %arg17[%get3A_306] {strides = array<i32>} : memref<512xf32, #tpu.memory_space<vmem>>, vector<16xf32>,
      %get3A_308 = vector.shape_cast %get3A_307 : vector<16xf32> to vector<16xf32>
      %broadcast_in_dim3A_309 = arith.constant 0.000000e+00 : f32
      %broadcast_in_dim3A_310 = vector.broadcast %broadcast_in_dim3A_309 : f32 to vector<16xf32>
      %scan3A_311 = arith.constant 0 : i32
      %scan3A_312 = arith.constant 16 : i32
      %scan3A_313 = arith.addi %scan3A_311, %scan3A_312 : i32
      %scan3A_314 = arith.constant 1 : i32
      %scan3A_315 = scf.for %scan3A_398 = %scan3A_311 to %scan3A_313 step %scan3A_314 iter_args(%scan3A_399 = %broadcast_in_dim3A_310) -> (vector<16xf32>)  : i32 {
        %broadcast_in_dim3A_400 = vector.broadcast %scan3A_398 : i32 to vector<16xi32>
        %broadcast_in_dim3A_401 = vector.shape_cast %broadcast_in_dim3A_400 : vector<16xi32> to vector<16x1xi32>
        %gather3A = vector.shape_cast %broadcast_in_dim3A_401 : vector<16x1xi32> to vector<16xi32>
        %gather3A_402 = tpu.dynamic_gather %get3A_305[%gather3A] in [0] : vector<16xf32>, vector<16xi32> -> vector<16xf32>
        %broadcast_in_dim3A_403 = vector.shape_cast %broadcast_in_dim3A_400 : vector<16xi32> to vector<16x1xi32>
        %gather3A_404 = vector.shape_cast %broadcast_in_dim3A_403 : vector<16x1xi32> to vector<16xi32>
        %gather3A_405 = tpu.dynamic_gather %get3A_308[%gather3A_404] in [0] : vector<16xf32>, vector<16xi32> -> vector<16xf32>
        %broadcast_in_dim3A_406 = arith.constant 0.000000e+00 : f32
        %broadcast_in_dim3A_407 = vector.broadcast %broadcast_in_dim3A_406 : f32 to vector<16xf32>
        %get3A_408 = arith.index_cast %scan3A_398 : i32 to index
        %get3A_409 = arith.constant 0 : index
        %get3A_410 = tpu.vector_load %arg41[%get3A_408, %get3A_409] {strides = array<i32>} : memref<16x128xf32, #tpu.memory_space<vmem>>, vector<1x16xf32>,
        %get3A_411 = vector.shape_cast %get3A_410 : vector<1x16xf32> to vector<16xf32>
        %get3A_412 = arith.index_cast %scan3A_398 : i32 to index
        %get3A_413 = arith.constant 0 : index
        %get3A_414 = tpu.vector_load %arg37[%get3A_412, %get3A_413] {strides = array<i32>} : memref<16x128xf32, #tpu.memory_space<vmem>>, vector<1x16xf32>,
        %get3A_415 = vector.shape_cast %get3A_414 : vector<1x16xf32> to vector<16xf32>
        %mul3A_416 = arith.mulf %gather3A_402, %get3A_415 : vector<16xf32>
        %get3A_417 = arith.index_cast %scan3A_398 : i32 to index
        %get3A_418 = arith.constant 64 : index
        %get3A_419 = tpu.vector_load %arg37[%get3A_417, %get3A_418] {strides = array<i32>} : memref<16x128xf32, #tpu.memory_space<vmem>>, vector<1x16xf32>,
        %get3A_420 = vector.shape_cast %get3A_419 : vector<1x16xf32> to vector<16xf32>
        %add3A_421 = arith.addf %mul3A_416, %get3A_420 : vector<16xf32>
        %mul3A_422 = arith.mulf %add3A_421, %add3A_421 : vector<16xf32>
        %mul3A_423 = arith.constant 2.75573188E-6 : f32
        %mul3A_424 = vector.broadcast %mul3A_423 : f32 to vector<16xf32>
        %mul3A_425 = arith.mulf %mul3A_424, %mul3A_422 : vector<16xf32>
        %add3A_426 = arith.constant -1.98412701E-4 : f32
        %add3A_427 = vector.broadcast %add3A_426 : f32 to vector<16xf32>
        %add3A_428 = arith.addf %mul3A_425, %add3A_427 : vector<16xf32>
        %mul3A_429 = arith.mulf %add3A_428, %mul3A_422 : vector<16xf32>
        %add3A_430 = arith.constant 0.00833333377 : f32
        %add3A_431 = vector.broadcast %add3A_430 : f32 to vector<16xf32>
        %add3A_432 = arith.addf %mul3A_429, %add3A_431 : vector<16xf32>
        %mul3A_433 = arith.mulf %add3A_432, %mul3A_422 : vector<16xf32>
        %add3A_434 = arith.constant -0.166666672 : f32
        %add3A_435 = vector.broadcast %add3A_434 : f32 to vector<16xf32>
        %add3A_436 = arith.addf %mul3A_433, %add3A_435 : vector<16xf32>
        %mul3A_437 = arith.mulf %add3A_436, %mul3A_422 : vector<16xf32>
        %add3A_438 = arith.constant 1.000000e+00 : f32
        %add3A_439 = vector.broadcast %add3A_438 : f32 to vector<16xf32>
        %add3A_440 = arith.addf %mul3A_437, %add3A_439 : vector<16xf32>
        %mul3A_441 = arith.mulf %add3A_440, %add3A_421 : vector<16xf32>
        %mul3A_442 = arith.mulf %get3A_411, %mul3A_441 : vector<16xf32>
        %get3A_443 = arith.index_cast %scan3A_398 : i32 to index
        %get3A_444 = arith.constant 64 : index
        %get3A_445 = tpu.vector_load %arg41[%get3A_443, %get3A_444] {strides = array<i32>} : memref<16x128xf32, #tpu.memory_space<vmem>>, vector<1x16xf32>,
        %get3A_446 = vector.shape_cast %get3A_445 : vector<1x16xf32> to vector<16xf32>
        %get3A_447 = arith.index_cast %scan3A_398 : i32 to index
        %get3A_448 = arith.constant 0 : index
        %get3A_449 = tpu.vector_load %arg39[%get3A_447, %get3A_448] {strides = array<i32>} : memref<16x128xf32, #tpu.memory_space<vmem>>, vector<1x16xf32>,
        %get3A_450 = vector.shape_cast %get3A_449 : vector<1x16xf32> to vector<16xf32>
        %mul3A_451 = arith.mulf %gather3A_405, %get3A_450 : vector<16xf32>
        %get3A_452 = arith.index_cast %scan3A_398 : i32 to index
        %get3A_453 = arith.constant 64 : index
        %get3A_454 = tpu.vector_load %arg39[%get3A_452, %get3A_453] {strides = array<i32>} : memref<16x128xf32, #tpu.memory_space<vmem>>, vector<1x16xf32>,
        %get3A_455 = vector.shape_cast %get3A_454 : vector<1x16xf32> to vector<16xf32>
        %add3A_456 = arith.addf %mul3A_451, %get3A_455 : vector<16xf32>
        %mul3A_457 = arith.mulf %add3A_456, %add3A_456 : vector<16xf32>
        %mul3A_458 = arith.constant 2.75573188E-6 : f32
        %mul3A_459 = vector.broadcast %mul3A_458 : f32 to vector<16xf32>
        %mul3A_460 = arith.mulf %mul3A_459, %mul3A_457 : vector<16xf32>
        %add3A_461 = arith.constant -1.98412701E-4 : f32
        %add3A_462 = vector.broadcast %add3A_461 : f32 to vector<16xf32>
        %add3A_463 = arith.addf %mul3A_460, %add3A_462 : vector<16xf32>
        %mul3A_464 = arith.mulf %add3A_463, %mul3A_457 : vector<16xf32>
        %add3A_465 = arith.constant 0.00833333377 : f32
        %add3A_466 = vector.broadcast %add3A_465 : f32 to vector<16xf32>
        %add3A_467 = arith.addf %mul3A_464, %add3A_466 : vector<16xf32>
        %mul3A_468 = arith.mulf %add3A_467, %mul3A_457 : vector<16xf32>
        %add3A_469 = arith.constant -0.166666672 : f32
        %add3A_470 = vector.broadcast %add3A_469 : f32 to vector<16xf32>
        %add3A_471 = arith.addf %mul3A_468, %add3A_470 : vector<16xf32>
        %mul3A_472 = arith.mulf %add3A_471, %mul3A_457 : vector<16xf32>
        %add3A_473 = arith.constant 1.000000e+00 : f32
        %add3A_474 = vector.broadcast %add3A_473 : f32 to vector<16xf32>
        %add3A_475 = arith.addf %mul3A_472, %add3A_474 : vector<16xf32>
        %mul3A_476 = arith.mulf %add3A_475, %add3A_456 : vector<16xf32>
        %mul3A_477 = arith.mulf %get3A_446, %mul3A_476 : vector<16xf32>
        %add3A_478 = arith.addf %mul3A_442, %mul3A_477 : vector<16xf32>
        %get3A_479 = arith.index_cast %scan3A_398 : i32 to index
        %get3A_480 = arith.constant 0 : index
        %get3A_481 = tpu.vector_load %arg42[%get3A_479, %get3A_480] {strides = array<i32>} : memref<16x128xf32, #tpu.memory_space<vmem>>, vector<1x16xf32>,
        %get3A_482 = vector.shape_cast %get3A_481 : vector<1x16xf32> to vector<16xf32>
        %get3A_483 = arith.index_cast %scan3A_398 : i32 to index
        %get3A_484 = arith.constant 0 : index
        %get3A_485 = tpu.vector_load %arg38[%get3A_483, %get3A_484] {strides = array<i32>} : memref<16x128xf32, #tpu.memory_space<vmem>>, vector<1x16xf32>,
        %get3A_486 = vector.shape_cast %get3A_485 : vector<1x16xf32> to vector<16xf32>
        %mul3A_487 = arith.mulf %gather3A_402, %get3A_486 : vector<16xf32>
        %get3A_488 = arith.index_cast %scan3A_398 : i32 to index
        %get3A_489 = arith.constant 64 : index
        %get3A_490 = tpu.vector_load %arg38[%get3A_488, %get3A_489] {strides = array<i32>} : memref<16x128xf32, #tpu.memory_space<vmem>>, vector<1x16xf32>,
        %get3A_491 = vector.shape_cast %get3A_490 : vector<1x16xf32> to vector<16xf32>
        %add3A_492 = arith.addf %mul3A_487, %get3A_491 : vector<16xf32>
        %mul3A_493 = arith.mulf %add3A_492, %add3A_492 : vector<16xf32>
        %mul3A_494 = arith.constant 2.75573188E-6 : f32
        %mul3A_495 = vector.broadcast %mul3A_494 : f32 to vector<16xf32>
        %mul3A_496 = arith.mulf %mul3A_495, %mul3A_493 : vector<16xf32>
        %add3A_497 = arith.constant -1.98412701E-4 : f32
        %add3A_498 = vector.broadcast %add3A_497 : f32 to vector<16xf32>
        %add3A_499 = arith.addf %mul3A_496, %add3A_498 : vector<16xf32>
        %mul3A_500 = arith.mulf %add3A_499, %mul3A_493 : vector<16xf32>
        %add3A_501 = arith.constant 0.00833333377 : f32
        %add3A_502 = vector.broadcast %add3A_501 : f32 to vector<16xf32>
        %add3A_503 = arith.addf %mul3A_500, %add3A_502 : vector<16xf32>
        %mul3A_504 = arith.mulf %add3A_503, %mul3A_493 : vector<16xf32>
        %add3A_505 = arith.constant -0.166666672 : f32
        %add3A_506 = vector.broadcast %add3A_505 : f32 to vector<16xf32>
        %add3A_507 = arith.addf %mul3A_504, %add3A_506 : vector<16xf32>
        %mul3A_508 = arith.mulf %add3A_507, %mul3A_493 : vector<16xf32>
        %add3A_509 = arith.constant 1.000000e+00 : f32
        %add3A_510 = vector.broadcast %add3A_509 : f32 to vector<16xf32>
        %add3A_511 = arith.addf %mul3A_508, %add3A_510 : vector<16xf32>
        %mul3A_512 = arith.mulf %add3A_511, %add3A_492 : vector<16xf32>
        %mul3A_513 = arith.mulf %get3A_482, %mul3A_512 : vector<16xf32>
        %get3A_514 = arith.index_cast %scan3A_398 : i32 to index
        %get3A_515 = arith.constant 64 : index
        %get3A_516 = tpu.vector_load %arg42[%get3A_514, %get3A_515] {strides = array<i32>} : memref<16x128xf32, #tpu.memory_space<vmem>>, vector<1x16xf32>,
        %get3A_517 = vector.shape_cast %get3A_516 : vector<1x16xf32> to vector<16xf32>
        %get3A_518 = arith.index_cast %scan3A_398 : i32 to index
        %get3A_519 = arith.constant 0 : index
        %get3A_520 = tpu.vector_load %arg40[%get3A_518, %get3A_519] {strides = array<i32>} : memref<16x128xf32, #tpu.memory_space<vmem>>, vector<1x16xf32>,
        %get3A_521 = vector.shape_cast %get3A_520 : vector<1x16xf32> to vector<16xf32>
        %mul3A_522 = arith.mulf %gather3A_405, %get3A_521 : vector<16xf32>
        %get3A_523 = arith.index_cast %scan3A_398 : i32 to index
        %get3A_524 = arith.constant 64 : index
        %get3A_525 = tpu.vector_load %arg40[%get3A_523, %get3A_524] {strides = array<i32>} : memref<16x128xf32, #tpu.memory_space<vmem>>, vector<1x16xf32>,
        %get3A_526 = vector.shape_cast %get3A_525 : vector<1x16xf32> to vector<16xf32>
        %add3A_527 = arith.addf %mul3A_522, %get3A_526 : vector<16xf32>
        %mul3A_528 = arith.mulf %add3A_527, %add3A_527 : vector<16xf32>
        %mul3A_529 = arith.constant 2.75573188E-6 : f32
        %mul3A_530 = vector.broadcast %mul3A_529 : f32 to vector<16xf32>
        %mul3A_531 = arith.mulf %mul3A_530, %mul3A_528 : vector<16xf32>
        %add3A_532 = arith.constant -1.98412701E-4 : f32
        %add3A_533 = vector.broadcast %add3A_532 : f32 to vector<16xf32>
        %add3A_534 = arith.addf %mul3A_531, %add3A_533 : vector<16xf32>
        %mul3A_535 = arith.mulf %add3A_534, %mul3A_528 : vector<16xf32>
        %add3A_536 = arith.constant 0.00833333377 : f32
        %add3A_537 = vector.broadcast %add3A_536 : f32 to vector<16xf32>
        %add3A_538 = arith.addf %mul3A_535, %add3A_537 : vector<16xf32>
        %mul3A_539 = arith.mulf %add3A_538, %mul3A_528 : vector<16xf32>
        %add3A_540 = arith.constant -0.166666672 : f32
        %add3A_541 = vector.broadcast %add3A_540 : f32 to vector<16xf32>
        %add3A_542 = arith.addf %mul3A_539, %add3A_541 : vector<16xf32>
        %mul3A_543 = arith.mulf %add3A_542, %mul3A_528 : vector<16xf32>
        %add3A_544 = arith.constant 1.000000e+00 : f32
        %add3A_545 = vector.broadcast %add3A_544 : f32 to vector<16xf32>
        %add3A_546 = arith.addf %mul3A_543, %add3A_545 : vector<16xf32>
        %mul3A_547 = arith.mulf %add3A_546, %add3A_527 : vector<16xf32>
        %mul3A_548 = arith.mulf %get3A_517, %mul3A_547 : vector<16xf32>
        %add3A_549 = arith.addf %mul3A_513, %mul3A_548 : vector<16xf32>
        %get3A_550 = arith.index_cast %scan3A_398 : i32 to index
        %get3A_551 = arith.constant 0 : index
        %get3A_552 = tpu.vector_load %arg35[%get3A_550, %get3A_551] {strides = array<i32>} : memref<16x64xf32, #tpu.memory_space<vmem>>, vector<1x16xf32>,
        %get3A_553 = vector.shape_cast %get3A_552 : vector<1x16xf32> to vector<16xf32>
        %get3A_554 = arith.index_cast %scan3A_398 : i32 to index
        %get3A_555 = arith.constant 0 : index
        %get3A_556 = tpu.vector_load %arg53[%get3A_554, %get3A_555] {strides = array<i32>} : memref<16x128xf32, #tpu.memory_space<vmem>>, vector<1x16xf32>,
        %get3A_557 = vector.shape_cast %get3A_556 : vector<1x16xf32> to vector<16xf32>
        %add3A_558 = arith.addf %get3A_553, %get3A_557 : vector<16xf32>
        %get3A_559 = arith.index_cast %scan3A_398 : i32 to index
        %get3A_560 = arith.constant 0 : index
        %get3A_561 = tpu.vector_load %arg36[%get3A_559, %get3A_560] {strides = array<i32>} : memref<16x64xf32, #tpu.memory_space<vmem>>, vector<1x16xf32>,
        %get3A_562 = vector.shape_cast %get3A_561 : vector<1x16xf32> to vector<16xf32>
        %sub3A = arith.subf %add3A_558, %get3A_562 : vector<16xf32>
        %abs3A = math.absf %sub3A : vector<16xf32>
        %add3A_563 = arith.addf %broadcast_in_dim3A_407, %abs3A : vector<16xf32>
        %get3A_564 = arith.index_cast %scan3A_398 : i32 to index
        %get3A_565 = arith.constant 64 : index
        %get3A_566 = tpu.vector_load %arg53[%get3A_564, %get3A_565] {strides = array<i32>} : memref<16x128xf32, #tpu.memory_space<vmem>>, vector<1x16xf32>,
        %get3A_567 = vector.shape_cast %get3A_566 : vector<1x16xf32> to vector<16xf32>
        %add3A_568 = arith.addf %add3A_478, %get3A_567 : vector<16xf32>
        %sub3A_569 = arith.subf %add3A_568, %add3A_549 : vector<16xf32>
        %abs3A_570 = math.absf %sub3A_569 : vector<16xf32>
        %add3A_571 = arith.addf %add3A_563, %abs3A_570 : vector<16xf32>
        %get3A_572 = arith.index_cast %scan3A_398 : i32 to index
        %get3A_573 = arith.constant 16 : index
        %get3A_574 = tpu.vector_load %arg41[%get3A_572, %get3A_573] {strides = array<i32>} : memref<16x128xf32, #tpu.memory_space<vmem>>, vector<1x16xf32>,
        %get3A_575 = vector.shape_cast %get3A_574 : vector<1x16xf32> to vector<16xf32>
        %get3A_576 = arith.index_cast %scan3A_398 : i32 to index
        %get3A_577 = arith.constant 16 : index
        %get3A_578 = tpu.vector_load %arg37[%get3A_576, %get3A_577] {strides = array<i32>} : memref<16x128xf32, #tpu.memory_space<vmem>>, vector<1x16xf32>,
        %get3A_579 = vector.shape_cast %get3A_578 : vector<1x16xf32> to vector<16xf32>
        %mul3A_580 = arith.mulf %gather3A_402, %get3A_579 : vector<16xf32>
        %get3A_581 = arith.index_cast %scan3A_398 : i32 to index
        %get3A_582 = arith.constant 80 : index
        %get3A_583 = tpu.vector_load %arg37[%get3A_581, %get3A_582] {strides = array<i32>} : memref<16x128xf32, #tpu.memory_space<vmem>>, vector<1x16xf32>,
        %get3A_584 = vector.shape_cast %get3A_583 : vector<1x16xf32> to vector<16xf32>
        %add3A_585 = arith.addf %mul3A_580, %get3A_584 : vector<16xf32>
        %mul3A_586 = arith.mulf %add3A_585, %add3A_585 : vector<16xf32>
        %mul3A_587 = arith.constant 2.75573188E-6 : f32
        %mul3A_588 = vector.broadcast %mul3A_587 : f32 to vector<16xf32>
        %mul3A_589 = arith.mulf %mul3A_588, %mul3A_586 : vector<16xf32>
        %add3A_590 = arith.constant -1.98412701E-4 : f32
        %add3A_591 = vector.broadcast %add3A_590 : f32 to vector<16xf32>
        %add3A_592 = arith.addf %mul3A_589, %add3A_591 : vector<16xf32>
        %mul3A_593 = arith.mulf %add3A_592, %mul3A_586 : vector<16xf32>
        %add3A_594 = arith.constant 0.00833333377 : f32
        %add3A_595 = vector.broadcast %add3A_594 : f32 to vector<16xf32>
        %add3A_596 = arith.addf %mul3A_593, %add3A_595 : vector<16xf32>
        %mul3A_597 = arith.mulf %add3A_596, %mul3A_586 : vector<16xf32>
        %add3A_598 = arith.constant -0.166666672 : f32
        %add3A_599 = vector.broadcast %add3A_598 : f32 to vector<16xf32>
        %add3A_600 = arith.addf %mul3A_597, %add3A_599 : vector<16xf32>
        %mul3A_601 = arith.mulf %add3A_600, %mul3A_586 : vector<16xf32>
        %add3A_602 = arith.constant 1.000000e+00 : f32
        %add3A_603 = vector.broadcast %add3A_602 : f32 to vector<16xf32>
        %add3A_604 = arith.addf %mul3A_601, %add3A_603 : vector<16xf32>
        %mul3A_605 = arith.mulf %add3A_604, %add3A_585 : vector<16xf32>
        %mul3A_606 = arith.mulf %get3A_575, %mul3A_605 : vector<16xf32>
        %get3A_607 = arith.index_cast %scan3A_398 : i32 to index
        %get3A_608 = arith.constant 80 : index
        %get3A_609 = tpu.vector_load %arg41[%get3A_607, %get3A_608] {strides = array<i32>} : memref<16x128xf32, #tpu.memory_space<vmem>>, vector<1x16xf32>,
        %get3A_610 = vector.shape_cast %get3A_609 : vector<1x16xf32> to vector<16xf32>
        %get3A_611 = arith.index_cast %scan3A_398 : i32 to index
        %get3A_612 = arith.constant 16 : index
        %get3A_613 = tpu.vector_load %arg39[%get3A_611, %get3A_612] {strides = array<i32>} : memref<16x128xf32, #tpu.memory_space<vmem>>, vector<1x16xf32>,
        %get3A_614 = vector.shape_cast %get3A_613 : vector<1x16xf32> to vector<16xf32>
        %mul3A_615 = arith.mulf %gather3A_405, %get3A_614 : vector<16xf32>
        %get3A_616 = arith.index_cast %scan3A_398 : i32 to index
        %get3A_617 = arith.constant 80 : index
        %get3A_618 = tpu.vector_load %arg39[%get3A_616, %get3A_617] {strides = array<i32>} : memref<16x128xf32, #tpu.memory_space<vmem>>, vector<1x16xf32>,
        %get3A_619 = vector.shape_cast %get3A_618 : vector<1x16xf32> to vector<16xf32>
        %add3A_620 = arith.addf %mul3A_615, %get3A_619 : vector<16xf32>
        %mul3A_621 = arith.mulf %add3A_620, %add3A_620 : vector<16xf32>
        %mul3A_622 = arith.constant 2.75573188E-6 : f32
        %mul3A_623 = vector.broadcast %mul3A_622 : f32 to vector<16xf32>
        %mul3A_624 = arith.mulf %mul3A_623, %mul3A_621 : vector<16xf32>
        %add3A_625 = arith.constant -1.98412701E-4 : f32
        %add3A_626 = vector.broadcast %add3A_625 : f32 to vector<16xf32>
        %add3A_627 = arith.addf %mul3A_624, %add3A_626 : vector<16xf32>
        %mul3A_628 = arith.mulf %add3A_627, %mul3A_621 : vector<16xf32>
        %add3A_629 = arith.constant 0.00833333377 : f32
        %add3A_630 = vector.broadcast %add3A_629 : f32 to vector<16xf32>
        %add3A_631 = arith.addf %mul3A_628, %add3A_630 : vector<16xf32>
        %mul3A_632 = arith.mulf %add3A_631, %mul3A_621 : vector<16xf32>
        %add3A_633 = arith.constant -0.166666672 : f32
        %add3A_634 = vector.broadcast %add3A_633 : f32 to vector<16xf32>
        %add3A_635 = arith.addf %mul3A_632, %add3A_634 : vector<16xf32>
        %mul3A_636 = arith.mulf %add3A_635, %mul3A_621 : vector<16xf32>
        %add3A_637 = arith.constant 1.000000e+00 : f32
        %add3A_638 = vector.broadcast %add3A_637 : f32 to vector<16xf32>
        %add3A_639 = arith.addf %mul3A_636, %add3A_638 : vector<16xf32>
        %mul3A_640 = arith.mulf %add3A_639, %add3A_620 : vector<16xf32>
        %mul3A_641 = arith.mulf %get3A_610, %mul3A_640 : vector<16xf32>
        %add3A_642 = arith.addf %mul3A_606, %mul3A_641 : vector<16xf32>
        %get3A_643 = arith.index_cast %scan3A_398 : i32 to index
        %get3A_644 = arith.constant 16 : index
        %get3A_645 = tpu.vector_load %arg42[%get3A_643, %get3A_644] {strides = array<i32>} : memref<16x128xf32, #tpu.memory_space<vmem>>, vector<1x16xf32>,
        %get3A_646 = vector.shape_cast %get3A_645 : vector<1x16xf32> to vector<16xf32>
        %get3A_647 = arith.index_cast %scan3A_398 : i32 to index
        %get3A_648 = arith.constant 16 : index
        %get3A_649 = tpu.vector_load %arg38[%get3A_647, %get3A_648] {strides = array<i32>} : memref<16x128xf32, #tpu.memory_space<vmem>>, vector<1x16xf32>,
        %get3A_650 = vector.shape_cast %get3A_649 : vector<1x16xf32> to vector<16xf32>
        %mul3A_651 = arith.mulf %gather3A_402, %get3A_650 : vector<16xf32>
        %get3A_652 = arith.index_cast %scan3A_398 : i32 to index
        %get3A_653 = arith.constant 80 : index
        %get3A_654 = tpu.vector_load %arg38[%get3A_652, %get3A_653] {strides = array<i32>} : memref<16x128xf32, #tpu.memory_space<vmem>>, vector<1x16xf32>,
        %get3A_655 = vector.shape_cast %get3A_654 : vector<1x16xf32> to vector<16xf32>
        %add3A_656 = arith.addf %mul3A_651, %get3A_655 : vector<16xf32>
        %mul3A_657 = arith.mulf %add3A_656, %add3A_656 : vector<16xf32>
        %mul3A_658 = arith.constant 2.75573188E-6 : f32
        %mul3A_659 = vector.broadcast %mul3A_658 : f32 to vector<16xf32>
        %mul3A_660 = arith.mulf %mul3A_659, %mul3A_657 : vector<16xf32>
        %add3A_661 = arith.constant -1.98412701E-4 : f32
        %add3A_662 = vector.broadcast %add3A_661 : f32 to vector<16xf32>
        %add3A_663 = arith.addf %mul3A_660, %add3A_662 : vector<16xf32>
        %mul3A_664 = arith.mulf %add3A_663, %mul3A_657 : vector<16xf32>
        %add3A_665 = arith.constant 0.00833333377 : f32
        %add3A_666 = vector.broadcast %add3A_665 : f32 to vector<16xf32>
        %add3A_667 = arith.addf %mul3A_664, %add3A_666 : vector<16xf32>
        %mul3A_668 = arith.mulf %add3A_667, %mul3A_657 : vector<16xf32>
        %add3A_669 = arith.constant -0.166666672 : f32
        %add3A_670 = vector.broadcast %add3A_669 : f32 to vector<16xf32>
        %add3A_671 = arith.addf %mul3A_668, %add3A_670 : vector<16xf32>
        %mul3A_672 = arith.mulf %add3A_671, %mul3A_657 : vector<16xf32>
        %add3A_673 = arith.constant 1.000000e+00 : f32
        %add3A_674 = vector.broadcast %add3A_673 : f32 to vector<16xf32>
        %add3A_675 = arith.addf %mul3A_672, %add3A_674 : vector<16xf32>
        %mul3A_676 = arith.mulf %add3A_675, %add3A_656 : vector<16xf32>
        %mul3A_677 = arith.mulf %get3A_646, %mul3A_676 : vector<16xf32>
        %get3A_678 = arith.index_cast %scan3A_398 : i32 to index
        %get3A_679 = arith.constant 80 : index
        %get3A_680 = tpu.vector_load %arg42[%get3A_678, %get3A_679] {strides = array<i32>} : memref<16x128xf32, #tpu.memory_space<vmem>>, vector<1x16xf32>,
        %get3A_681 = vector.shape_cast %get3A_680 : vector<1x16xf32> to vector<16xf32>
        %get3A_682 = arith.index_cast %scan3A_398 : i32 to index
        %get3A_683 = arith.constant 16 : index
        %get3A_684 = tpu.vector_load %arg40[%get3A_682, %get3A_683] {strides = array<i32>} : memref<16x128xf32, #tpu.memory_space<vmem>>, vector<1x16xf32>,
        %get3A_685 = vector.shape_cast %get3A_684 : vector<1x16xf32> to vector<16xf32>
        %mul3A_686 = arith.mulf %gather3A_405, %get3A_685 : vector<16xf32>
        %get3A_687 = arith.index_cast %scan3A_398 : i32 to index
        %get3A_688 = arith.constant 80 : index
        %get3A_689 = tpu.vector_load %arg40[%get3A_687, %get3A_688] {strides = array<i32>} : memref<16x128xf32, #tpu.memory_space<vmem>>, vector<1x16xf32>,
        %get3A_690 = vector.shape_cast %get3A_689 : vector<1x16xf32> to vector<16xf32>
        %add3A_691 = arith.addf %mul3A_686, %get3A_690 : vector<16xf32>
        %mul3A_692 = arith.mulf %add3A_691, %add3A_691 : vector<16xf32>
        %mul3A_693 = arith.constant 2.75573188E-6 : f32
        %mul3A_694 = vector.broadcast %mul3A_693 : f32 to vector<16xf32>
        %mul3A_695 = arith.mulf %mul3A_694, %mul3A_692 : vector<16xf32>
        %add3A_696 = arith.constant -1.98412701E-4 : f32
        %add3A_697 = vector.broadcast %add3A_696 : f32 to vector<16xf32>
        %add3A_698 = arith.addf %mul3A_695, %add3A_697 : vector<16xf32>
        %mul3A_699 = arith.mulf %add3A_698, %mul3A_692 : vector<16xf32>
        %add3A_700 = arith.constant 0.00833333377 : f32
        %add3A_701 = vector.broadcast %add3A_700 : f32 to vector<16xf32>
        %add3A_702 = arith.addf %mul3A_699, %add3A_701 : vector<16xf32>
        %mul3A_703 = arith.mulf %add3A_702, %mul3A_692 : vector<16xf32>
        %add3A_704 = arith.constant -0.166666672 : f32
        %add3A_705 = vector.broadcast %add3A_704 : f32 to vector<16xf32>
        %add3A_706 = arith.addf %mul3A_703, %add3A_705 : vector<16xf32>
        %mul3A_707 = arith.mulf %add3A_706, %mul3A_692 : vector<16xf32>
        %add3A_708 = arith.constant 1.000000e+00 : f32
        %add3A_709 = vector.broadcast %add3A_708 : f32 to vector<16xf32>
        %add3A_710 = arith.addf %mul3A_707, %add3A_709 : vector<16xf32>
        %mul3A_711 = arith.mulf %add3A_710, %add3A_691 : vector<16xf32>
        %mul3A_712 = arith.mulf %get3A_681, %mul3A_711 : vector<16xf32>
        %add3A_713 = arith.addf %mul3A_677, %mul3A_712 : vector<16xf32>
        %get3A_714 = arith.index_cast %scan3A_398 : i32 to index
        %get3A_715 = arith.constant 16 : index
        %get3A_716 = tpu.vector_load %arg35[%get3A_714, %get3A_715] {strides = array<i32>} : memref<16x64xf32, #tpu.memory_space<vmem>>, vector<1x16xf32>,
        %get3A_717 = vector.shape_cast %get3A_716 : vector<1x16xf32> to vector<16xf32>
        %get3A_718 = arith.index_cast %scan3A_398 : i32 to index
        %get3A_719 = arith.constant 16 : index
        %get3A_720 = tpu.vector_load %arg53[%get3A_718, %get3A_719] {strides = array<i32>} : memref<16x128xf32, #tpu.memory_space<vmem>>, vector<1x16xf32>,
        %get3A_721 = vector.shape_cast %get3A_720 : vector<1x16xf32> to vector<16xf32>
        %add3A_722 = arith.addf %get3A_717, %get3A_721 : vector<16xf32>
        %get3A_723 = arith.index_cast %scan3A_398 : i32 to index
        %get3A_724 = arith.constant 16 : index
        %get3A_725 = tpu.vector_load %arg36[%get3A_723, %get3A_724] {strides = array<i32>} : memref<16x64xf32, #tpu.memory_space<vmem>>, vector<1x16xf32>,
        %get3A_726 = vector.shape_cast %get3A_725 : vector<1x16xf32> to vector<16xf32>
        %sub3A_727 = arith.subf %add3A_722, %get3A_726 : vector<16xf32>
        %abs3A_728 = math.absf %sub3A_727 : vector<16xf32>
        %add3A_729 = arith.addf %add3A_571, %abs3A_728 : vector<16xf32>
        %get3A_730 = arith.index_cast %scan3A_398 : i32 to index
        %get3A_731 = arith.constant 80 : index
        %get3A_732 = tpu.vector_load %arg53[%get3A_730, %get3A_731] {strides = array<i32>} : memref<16x128xf32, #tpu.memory_space<vmem>>, vector<1x16xf32>,
        %get3A_733 = vector.shape_cast %get3A_732 : vector<1x16xf32> to vector<16xf32>
        %add3A_734 = arith.addf %add3A_642, %get3A_733 : vector<16xf32>
        %sub3A_735 = arith.subf %add3A_734, %add3A_713 : vector<16xf32>
        %abs3A_736 = math.absf %sub3A_735 : vector<16xf32>
        %add3A_737 = arith.addf %add3A_729, %abs3A_736 : vector<16xf32>
        %get3A_738 = arith.index_cast %scan3A_398 : i32 to index
        %get3A_739 = arith.constant 32 : index
        %get3A_740 = tpu.vector_load %arg41[%get3A_738, %get3A_739] {strides = array<i32>} : memref<16x128xf32, #tpu.memory_space<vmem>>, vector<1x16xf32>,
        %get3A_741 = vector.shape_cast %get3A_740 : vector<1x16xf32> to vector<16xf32>
        %get3A_742 = arith.index_cast %scan3A_398 : i32 to index
        %get3A_743 = arith.constant 32 : index
        %get3A_744 = tpu.vector_load %arg37[%get3A_742, %get3A_743] {strides = array<i32>} : memref<16x128xf32, #tpu.memory_space<vmem>>, vector<1x16xf32>,
        %get3A_745 = vector.shape_cast %get3A_744 : vector<1x16xf32> to vector<16xf32>
        %mul3A_746 = arith.mulf %gather3A_402, %get3A_745 : vector<16xf32>
        %get3A_747 = arith.index_cast %scan3A_398 : i32 to index
        %get3A_748 = arith.constant 96 : index
        %get3A_749 = tpu.vector_load %arg37[%get3A_747, %get3A_748] {strides = array<i32>} : memref<16x128xf32, #tpu.memory_space<vmem>>, vector<1x16xf32>,
        %get3A_750 = vector.shape_cast %get3A_749 : vector<1x16xf32> to vector<16xf32>
        %add3A_751 = arith.addf %mul3A_746, %get3A_750 : vector<16xf32>
        %mul3A_752 = arith.mulf %add3A_751, %add3A_751 : vector<16xf32>
        %mul3A_753 = arith.constant 2.75573188E-6 : f32
        %mul3A_754 = vector.broadcast %mul3A_753 : f32 to vector<16xf32>
        %mul3A_755 = arith.mulf %mul3A_754, %mul3A_752 : vector<16xf32>
        %add3A_756 = arith.constant -1.98412701E-4 : f32
        %add3A_757 = vector.broadcast %add3A_756 : f32 to vector<16xf32>
        %add3A_758 = arith.addf %mul3A_755, %add3A_757 : vector<16xf32>
        %mul3A_759 = arith.mulf %add3A_758, %mul3A_752 : vector<16xf32>
        %add3A_760 = arith.constant 0.00833333377 : f32
        %add3A_761 = vector.broadcast %add3A_760 : f32 to vector<16xf32>
        %add3A_762 = arith.addf %mul3A_759, %add3A_761 : vector<16xf32>
        %mul3A_763 = arith.mulf %add3A_762, %mul3A_752 : vector<16xf32>
        %add3A_764 = arith.constant -0.166666672 : f32
        %add3A_765 = vector.broadcast %add3A_764 : f32 to vector<16xf32>
        %add3A_766 = arith.addf %mul3A_763, %add3A_765 : vector<16xf32>
        %mul3A_767 = arith.mulf %add3A_766, %mul3A_752 : vector<16xf32>
        %add3A_768 = arith.constant 1.000000e+00 : f32
        %add3A_769 = vector.broadcast %add3A_768 : f32 to vector<16xf32>
        %add3A_770 = arith.addf %mul3A_767, %add3A_769 : vector<16xf32>
        %mul3A_771 = arith.mulf %add3A_770, %add3A_751 : vector<16xf32>
        %mul3A_772 = arith.mulf %get3A_741, %mul3A_771 : vector<16xf32>
        %get3A_773 = arith.index_cast %scan3A_398 : i32 to index
        %get3A_774 = arith.constant 96 : index
        %get3A_775 = tpu.vector_load %arg41[%get3A_773, %get3A_774] {strides = array<i32>} : memref<16x128xf32, #tpu.memory_space<vmem>>, vector<1x16xf32>,
        %get3A_776 = vector.shape_cast %get3A_775 : vector<1x16xf32> to vector<16xf32>
        %get3A_777 = arith.index_cast %scan3A_398 : i32 to index
        %get3A_778 = arith.constant 32 : index
        %get3A_779 = tpu.vector_load %arg39[%get3A_777, %get3A_778] {strides = array<i32>} : memref<16x128xf32, #tpu.memory_space<vmem>>, vector<1x16xf32>,
        %get3A_780 = vector.shape_cast %get3A_779 : vector<1x16xf32> to vector<16xf32>
        %mul3A_781 = arith.mulf %gather3A_405, %get3A_780 : vector<16xf32>
        %get3A_782 = arith.index_cast %scan3A_398 : i32 to index
        %get3A_783 = arith.constant 96 : index
        %get3A_784 = tpu.vector_load %arg39[%get3A_782, %get3A_783] {strides = array<i32>} : memref<16x128xf32, #tpu.memory_space<vmem>>, vector<1x16xf32>,
        %get3A_785 = vector.shape_cast %get3A_784 : vector<1x16xf32> to vector<16xf32>
        %add3A_786 = arith.addf %mul3A_781, %get3A_785 : vector<16xf32>
        %mul3A_787 = arith.mulf %add3A_786, %add3A_786 : vector<16xf32>
        %mul3A_788 = arith.constant 2.75573188E-6 : f32
        %mul3A_789 = vector.broadcast %mul3A_788 : f32 to vector<16xf32>
        %mul3A_790 = arith.mulf %mul3A_789, %mul3A_787 : vector<16xf32>
        %add3A_791 = arith.constant -1.98412701E-4 : f32
        %add3A_792 = vector.broadcast %add3A_791 : f32 to vector<16xf32>
        %add3A_793 = arith.addf %mul3A_790, %add3A_792 : vector<16xf32>
        %mul3A_794 = arith.mulf %add3A_793, %mul3A_787 : vector<16xf32>
        %add3A_795 = arith.constant 0.00833333377 : f32
        %add3A_796 = vector.broadcast %add3A_795 : f32 to vector<16xf32>
        %add3A_797 = arith.addf %mul3A_794, %add3A_796 : vector<16xf32>
        %mul3A_798 = arith.mulf %add3A_797, %mul3A_787 : vector<16xf32>
        %add3A_799 = arith.constant -0.166666672 : f32
        %add3A_800 = vector.broadcast %add3A_799 : f32 to vector<16xf32>
        %add3A_801 = arith.addf %mul3A_798, %add3A_800 : vector<16xf32>
        %mul3A_802 = arith.mulf %add3A_801, %mul3A_787 : vector<16xf32>
        %add3A_803 = arith.constant 1.000000e+00 : f32
        %add3A_804 = vector.broadcast %add3A_803 : f32 to vector<16xf32>
        %add3A_805 = arith.addf %mul3A_802, %add3A_804 : vector<16xf32>
        %mul3A_806 = arith.mulf %add3A_805, %add3A_786 : vector<16xf32>
        %mul3A_807 = arith.mulf %get3A_776, %mul3A_806 : vector<16xf32>
        %add3A_808 = arith.addf %mul3A_772, %mul3A_807 : vector<16xf32>
        %get3A_809 = arith.index_cast %scan3A_398 : i32 to index
        %get3A_810 = arith.constant 32 : index
        %get3A_811 = tpu.vector_load %arg42[%get3A_809, %get3A_810] {strides = array<i32>} : memref<16x128xf32, #tpu.memory_space<vmem>>, vector<1x16xf32>,
        %get3A_812 = vector.shape_cast %get3A_811 : vector<1x16xf32> to vector<16xf32>
        %get3A_813 = arith.index_cast %scan3A_398 : i32 to index
        %get3A_814 = arith.constant 32 : index
        %get3A_815 = tpu.vector_load %arg38[%get3A_813, %get3A_814] {strides = array<i32>} : memref<16x128xf32, #tpu.memory_space<vmem>>, vector<1x16xf32>,
        %get3A_816 = vector.shape_cast %get3A_815 : vector<1x16xf32> to vector<16xf32>
        %mul3A_817 = arith.mulf %gather3A_402, %get3A_816 : vector<16xf32>
        %get3A_818 = arith.index_cast %scan3A_398 : i32 to index
        %get3A_819 = arith.constant 96 : index
        %get3A_820 = tpu.vector_load %arg38[%get3A_818, %get3A_819] {strides = array<i32>} : memref<16x128xf32, #tpu.memory_space<vmem>>, vector<1x16xf32>,
        %get3A_821 = vector.shape_cast %get3A_820 : vector<1x16xf32> to vector<16xf32>
        %add3A_822 = arith.addf %mul3A_817, %get3A_821 : vector<16xf32>
        %mul3A_823 = arith.mulf %add3A_822, %add3A_822 : vector<16xf32>
        %mul3A_824 = arith.constant 2.75573188E-6 : f32
        %mul3A_825 = vector.broadcast %mul3A_824 : f32 to vector<16xf32>
        %mul3A_826 = arith.mulf %mul3A_825, %mul3A_823 : vector<16xf32>
        %add3A_827 = arith.constant -1.98412701E-4 : f32
        %add3A_828 = vector.broadcast %add3A_827 : f32 to vector<16xf32>
        %add3A_829 = arith.addf %mul3A_826, %add3A_828 : vector<16xf32>
        %mul3A_830 = arith.mulf %add3A_829, %mul3A_823 : vector<16xf32>
        %add3A_831 = arith.constant 0.00833333377 : f32
        %add3A_832 = vector.broadcast %add3A_831 : f32 to vector<16xf32>
        %add3A_833 = arith.addf %mul3A_830, %add3A_832 : vector<16xf32>
        %mul3A_834 = arith.mulf %add3A_833, %mul3A_823 : vector<16xf32>
        %add3A_835 = arith.constant -0.166666672 : f32
        %add3A_836 = vector.broadcast %add3A_835 : f32 to vector<16xf32>
        %add3A_837 = arith.addf %mul3A_834, %add3A_836 : vector<16xf32>
        %mul3A_838 = arith.mulf %add3A_837, %mul3A_823 : vector<16xf32>
        %add3A_839 = arith.constant 1.000000e+00 : f32
        %add3A_840 = vector.broadcast %add3A_839 : f32 to vector<16xf32>
        %add3A_841 = arith.addf %mul3A_838, %add3A_840 : vector<16xf32>
        %mul3A_842 = arith.mulf %add3A_841, %add3A_822 : vector<16xf32>
        %mul3A_843 = arith.mulf %get3A_812, %mul3A_842 : vector<16xf32>
        %get3A_844 = arith.index_cast %scan3A_398 : i32 to index
        %get3A_845 = arith.constant 96 : index
        %get3A_846 = tpu.vector_load %arg42[%get3A_844, %get3A_845] {strides = array<i32>} : memref<16x128xf32, #tpu.memory_space<vmem>>, vector<1x16xf32>,
        %get3A_847 = vector.shape_cast %get3A_846 : vector<1x16xf32> to vector<16xf32>
        %get3A_848 = arith.index_cast %scan3A_398 : i32 to index
        %get3A_849 = arith.constant 32 : index
        %get3A_850 = tpu.vector_load %arg40[%get3A_848, %get3A_849] {strides = array<i32>} : memref<16x128xf32, #tpu.memory_space<vmem>>, vector<1x16xf32>,
        %get3A_851 = vector.shape_cast %get3A_850 : vector<1x16xf32> to vector<16xf32>
        %mul3A_852 = arith.mulf %gather3A_405, %get3A_851 : vector<16xf32>
        %get3A_853 = arith.index_cast %scan3A_398 : i32 to index
        %get3A_854 = arith.constant 96 : index
        %get3A_855 = tpu.vector_load %arg40[%get3A_853, %get3A_854] {strides = array<i32>} : memref<16x128xf32, #tpu.memory_space<vmem>>, vector<1x16xf32>,
        %get3A_856 = vector.shape_cast %get3A_855 : vector<1x16xf32> to vector<16xf32>
        %add3A_857 = arith.addf %mul3A_852, %get3A_856 : vector<16xf32>
        %mul3A_858 = arith.mulf %add3A_857, %add3A_857 : vector<16xf32>
        %mul3A_859 = arith.constant 2.75573188E-6 : f32
        %mul3A_860 = vector.broadcast %mul3A_859 : f32 to vector<16xf32>
        %mul3A_861 = arith.mulf %mul3A_860, %mul3A_858 : vector<16xf32>
        %add3A_862 = arith.constant -1.98412701E-4 : f32
        %add3A_863 = vector.broadcast %add3A_862 : f32 to vector<16xf32>
        %add3A_864 = arith.addf %mul3A_861, %add3A_863 : vector<16xf32>
        %mul3A_865 = arith.mulf %add3A_864, %mul3A_858 : vector<16xf32>
        %add3A_866 = arith.constant 0.00833333377 : f32
        %add3A_867 = vector.broadcast %add3A_866 : f32 to vector<16xf32>
        %add3A_868 = arith.addf %mul3A_865, %add3A_867 : vector<16xf32>
        %mul3A_869 = arith.mulf %add3A_868, %mul3A_858 : vector<16xf32>
        %add3A_870 = arith.constant -0.166666672 : f32
        %add3A_871 = vector.broadcast %add3A_870 : f32 to vector<16xf32>
        %add3A_872 = arith.addf %mul3A_869, %add3A_871 : vector<16xf32>
        %mul3A_873 = arith.mulf %add3A_872, %mul3A_858 : vector<16xf32>
        %add3A_874 = arith.constant 1.000000e+00 : f32
        %add3A_875 = vector.broadcast %add3A_874 : f32 to vector<16xf32>
        %add3A_876 = arith.addf %mul3A_873, %add3A_875 : vector<16xf32>
        %mul3A_877 = arith.mulf %add3A_876, %add3A_857 : vector<16xf32>
        %mul3A_878 = arith.mulf %get3A_847, %mul3A_877 : vector<16xf32>
        %add3A_879 = arith.addf %mul3A_843, %mul3A_878 : vector<16xf32>
        %get3A_880 = arith.index_cast %scan3A_398 : i32 to index
        %get3A_881 = arith.constant 32 : index
        %get3A_882 = tpu.vector_load %arg35[%get3A_880, %get3A_881] {strides = array<i32>} : memref<16x64xf32, #tpu.memory_space<vmem>>, vector<1x16xf32>,
        %get3A_883 = vector.shape_cast %get3A_882 : vector<1x16xf32> to vector<16xf32>
        %get3A_884 = arith.index_cast %scan3A_398 : i32 to index
        %get3A_885 = arith.constant 32 : index
        %get3A_886 = tpu.vector_load %arg53[%get3A_884, %get3A_885] {strides = array<i32>} : memref<16x128xf32, #tpu.memory_space<vmem>>, vector<1x16xf32>,
        %get3A_887 = vector.shape_cast %get3A_886 : vector<1x16xf32> to vector<16xf32>
        %add3A_888 = arith.addf %get3A_883, %get3A_887 : vector<16xf32>
        %get3A_889 = arith.index_cast %scan3A_398 : i32 to index
        %get3A_890 = arith.constant 32 : index
        %get3A_891 = tpu.vector_load %arg36[%get3A_889, %get3A_890] {strides = array<i32>} : memref<16x64xf32, #tpu.memory_space<vmem>>, vector<1x16xf32>,
        %get3A_892 = vector.shape_cast %get3A_891 : vector<1x16xf32> to vector<16xf32>
        %sub3A_893 = arith.subf %add3A_888, %get3A_892 : vector<16xf32>
        %abs3A_894 = math.absf %sub3A_893 : vector<16xf32>
        %add3A_895 = arith.addf %add3A_737, %abs3A_894 : vector<16xf32>
        %get3A_896 = arith.index_cast %scan3A_398 : i32 to index
        %get3A_897 = arith.constant 96 : index
        %get3A_898 = tpu.vector_load %arg53[%get3A_896, %get3A_897] {strides = array<i32>} : memref<16x128xf32, #tpu.memory_space<vmem>>, vector<1x16xf32>,
        %get3A_899 = vector.shape_cast %get3A_898 : vector<1x16xf32> to vector<16xf32>
        %add3A_900 = arith.addf %add3A_808, %get3A_899 : vector<16xf32>
        %sub3A_901 = arith.subf %add3A_900, %add3A_879 : vector<16xf32>
        %abs3A_902 = math.absf %sub3A_901 : vector<16xf32>
        %add3A_903 = arith.addf %add3A_895, %abs3A_902 : vector<16xf32>
        %get3A_904 = arith.index_cast %scan3A_398 : i32 to index
        %get3A_905 = arith.constant 48 : index
        %get3A_906 = tpu.vector_load %arg41[%get3A_904, %get3A_905] {strides = array<i32>} : memref<16x128xf32, #tpu.memory_space<vmem>>, vector<1x16xf32>,
        %get3A_907 = vector.shape_cast %get3A_906 : vector<1x16xf32> to vector<16xf32>
        %get3A_908 = arith.index_cast %scan3A_398 : i32 to index
        %get3A_909 = arith.constant 48 : index
        %get3A_910 = tpu.vector_load %arg37[%get3A_908, %get3A_909] {strides = array<i32>} : memref<16x128xf32, #tpu.memory_space<vmem>>, vector<1x16xf32>,
        %get3A_911 = vector.shape_cast %get3A_910 : vector<1x16xf32> to vector<16xf32>
        %mul3A_912 = arith.mulf %gather3A_402, %get3A_911 : vector<16xf32>
        %get3A_913 = arith.index_cast %scan3A_398 : i32 to index
        %get3A_914 = arith.constant 112 : index
        %get3A_915 = tpu.vector_load %arg37[%get3A_913, %get3A_914] {strides = array<i32>} : memref<16x128xf32, #tpu.memory_space<vmem>>, vector<1x16xf32>,
        %get3A_916 = vector.shape_cast %get3A_915 : vector<1x16xf32> to vector<16xf32>
        %add3A_917 = arith.addf %mul3A_912, %get3A_916 : vector<16xf32>
        %mul3A_918 = arith.mulf %add3A_917, %add3A_917 : vector<16xf32>
        %mul3A_919 = arith.constant 2.75573188E-6 : f32
        %mul3A_920 = vector.broadcast %mul3A_919 : f32 to vector<16xf32>
        %mul3A_921 = arith.mulf %mul3A_920, %mul3A_918 : vector<16xf32>
        %add3A_922 = arith.constant -1.98412701E-4 : f32
        %add3A_923 = vector.broadcast %add3A_922 : f32 to vector<16xf32>
        %add3A_924 = arith.addf %mul3A_921, %add3A_923 : vector<16xf32>
        %mul3A_925 = arith.mulf %add3A_924, %mul3A_918 : vector<16xf32>
        %add3A_926 = arith.constant 0.00833333377 : f32
        %add3A_927 = vector.broadcast %add3A_926 : f32 to vector<16xf32>
        %add3A_928 = arith.addf %mul3A_925, %add3A_927 : vector<16xf32>
        %mul3A_929 = arith.mulf %add3A_928, %mul3A_918 : vector<16xf32>
        %add3A_930 = arith.constant -0.166666672 : f32
        %add3A_931 = vector.broadcast %add3A_930 : f32 to vector<16xf32>
        %add3A_932 = arith.addf %mul3A_929, %add3A_931 : vector<16xf32>
        %mul3A_933 = arith.mulf %add3A_932, %mul3A_918 : vector<16xf32>
        %add3A_934 = arith.constant 1.000000e+00 : f32
        %add3A_935 = vector.broadcast %add3A_934 : f32 to vector<16xf32>
        %add3A_936 = arith.addf %mul3A_933, %add3A_935 : vector<16xf32>
        %mul3A_937 = arith.mulf %add3A_936, %add3A_917 : vector<16xf32>
        %mul3A_938 = arith.mulf %get3A_907, %mul3A_937 : vector<16xf32>
        %get3A_939 = arith.index_cast %scan3A_398 : i32 to index
        %get3A_940 = arith.constant 112 : index
        %get3A_941 = tpu.vector_load %arg41[%get3A_939, %get3A_940] {strides = array<i32>} : memref<16x128xf32, #tpu.memory_space<vmem>>, vector<1x16xf32>,
        %get3A_942 = vector.shape_cast %get3A_941 : vector<1x16xf32> to vector<16xf32>
        %get3A_943 = arith.index_cast %scan3A_398 : i32 to index
        %get3A_944 = arith.constant 48 : index
        %get3A_945 = tpu.vector_load %arg39[%get3A_943, %get3A_944] {strides = array<i32>} : memref<16x128xf32, #tpu.memory_space<vmem>>, vector<1x16xf32>,
        %get3A_946 = vector.shape_cast %get3A_945 : vector<1x16xf32> to vector<16xf32>
        %mul3A_947 = arith.mulf %gather3A_405, %get3A_946 : vector<16xf32>
        %get3A_948 = arith.index_cast %scan3A_398 : i32 to index
        %get3A_949 = arith.constant 112 : index
        %get3A_950 = tpu.vector_load %arg39[%get3A_948, %get3A_949] {strides = array<i32>} : memref<16x128xf32, #tpu.memory_space<vmem>>, vector<1x16xf32>,
        %get3A_951 = vector.shape_cast %get3A_950 : vector<1x16xf32> to vector<16xf32>
        %add3A_952 = arith.addf %mul3A_947, %get3A_951 : vector<16xf32>
        %mul3A_953 = arith.mulf %add3A_952, %add3A_952 : vector<16xf32>
        %mul3A_954 = arith.constant 2.75573188E-6 : f32
        %mul3A_955 = vector.broadcast %mul3A_954 : f32 to vector<16xf32>
        %mul3A_956 = arith.mulf %mul3A_955, %mul3A_953 : vector<16xf32>
        %add3A_957 = arith.constant -1.98412701E-4 : f32
        %add3A_958 = vector.broadcast %add3A_957 : f32 to vector<16xf32>
        %add3A_959 = arith.addf %mul3A_956, %add3A_958 : vector<16xf32>
        %mul3A_960 = arith.mulf %add3A_959, %mul3A_953 : vector<16xf32>
        %add3A_961 = arith.constant 0.00833333377 : f32
        %add3A_962 = vector.broadcast %add3A_961 : f32 to vector<16xf32>
        %add3A_963 = arith.addf %mul3A_960, %add3A_962 : vector<16xf32>
        %mul3A_964 = arith.mulf %add3A_963, %mul3A_953 : vector<16xf32>
        %add3A_965 = arith.constant -0.166666672 : f32
        %add3A_966 = vector.broadcast %add3A_965 : f32 to vector<16xf32>
        %add3A_967 = arith.addf %mul3A_964, %add3A_966 : vector<16xf32>
        %mul3A_968 = arith.mulf %add3A_967, %mul3A_953 : vector<16xf32>
        %add3A_969 = arith.constant 1.000000e+00 : f32
        %add3A_970 = vector.broadcast %add3A_969 : f32 to vector<16xf32>
        %add3A_971 = arith.addf %mul3A_968, %add3A_970 : vector<16xf32>
        %mul3A_972 = arith.mulf %add3A_971, %add3A_952 : vector<16xf32>
        %mul3A_973 = arith.mulf %get3A_942, %mul3A_972 : vector<16xf32>
        %add3A_974 = arith.addf %mul3A_938, %mul3A_973 : vector<16xf32>
        %get3A_975 = arith.index_cast %scan3A_398 : i32 to index
        %get3A_976 = arith.constant 48 : index
        %get3A_977 = tpu.vector_load %arg42[%get3A_975, %get3A_976] {strides = array<i32>} : memref<16x128xf32, #tpu.memory_space<vmem>>, vector<1x16xf32>,
        %get3A_978 = vector.shape_cast %get3A_977 : vector<1x16xf32> to vector<16xf32>
        %get3A_979 = arith.index_cast %scan3A_398 : i32 to index
        %get3A_980 = arith.constant 48 : index
        %get3A_981 = tpu.vector_load %arg38[%get3A_979, %get3A_980] {strides = array<i32>} : memref<16x128xf32, #tpu.memory_space<vmem>>, vector<1x16xf32>,
        %get3A_982 = vector.shape_cast %get3A_981 : vector<1x16xf32> to vector<16xf32>
        %mul3A_983 = arith.mulf %gather3A_402, %get3A_982 : vector<16xf32>
        %get3A_984 = arith.index_cast %scan3A_398 : i32 to index
        %get3A_985 = arith.constant 112 : index
        %get3A_986 = tpu.vector_load %arg38[%get3A_984, %get3A_985] {strides = array<i32>} : memref<16x128xf32, #tpu.memory_space<vmem>>, vector<1x16xf32>,
        %get3A_987 = vector.shape_cast %get3A_986 : vector<1x16xf32> to vector<16xf32>
        %add3A_988 = arith.addf %mul3A_983, %get3A_987 : vector<16xf32>
        %mul3A_989 = arith.mulf %add3A_988, %add3A_988 : vector<16xf32>
        %mul3A_990 = arith.constant 2.75573188E-6 : f32
        %mul3A_991 = vector.broadcast %mul3A_990 : f32 to vector<16xf32>
        %mul3A_992 = arith.mulf %mul3A_991, %mul3A_989 : vector<16xf32>
        %add3A_993 = arith.constant -1.98412701E-4 : f32
        %add3A_994 = vector.broadcast %add3A_993 : f32 to vector<16xf32>
        %add3A_995 = arith.addf %mul3A_992, %add3A_994 : vector<16xf32>
        %mul3A_996 = arith.mulf %add3A_995, %mul3A_989 : vector<16xf32>
        %add3A_997 = arith.constant 0.00833333377 : f32
        %add3A_998 = vector.broadcast %add3A_997 : f32 to vector<16xf32>
        %add3A_999 = arith.addf %mul3A_996, %add3A_998 : vector<16xf32>
        %mul3A_1000 = arith.mulf %add3A_999, %mul3A_989 : vector<16xf32>
        %add3A_1001 = arith.constant -0.166666672 : f32
        %add3A_1002 = vector.broadcast %add3A_1001 : f32 to vector<16xf32>
        %add3A_1003 = arith.addf %mul3A_1000, %add3A_1002 : vector<16xf32>
        %mul3A_1004 = arith.mulf %add3A_1003, %mul3A_989 : vector<16xf32>
        %add3A_1005 = arith.constant 1.000000e+00 : f32
        %add3A_1006 = vector.broadcast %add3A_1005 : f32 to vector<16xf32>
        %add3A_1007 = arith.addf %mul3A_1004, %add3A_1006 : vector<16xf32>
        %mul3A_1008 = arith.mulf %add3A_1007, %add3A_988 : vector<16xf32>
        %mul3A_1009 = arith.mulf %get3A_978, %mul3A_1008 : vector<16xf32>
        %get3A_1010 = arith.index_cast %scan3A_398 : i32 to index
        %get3A_1011 = arith.constant 112 : index
        %get3A_1012 = tpu.vector_load %arg42[%get3A_1010, %get3A_1011] {strides = array<i32>} : memref<16x128xf32, #tpu.memory_space<vmem>>, vector<1x16xf32>,
        %get3A_1013 = vector.shape_cast %get3A_1012 : vector<1x16xf32> to vector<16xf32>
        %get3A_1014 = arith.index_cast %scan3A_398 : i32 to index
        %get3A_1015 = arith.constant 48 : index
        %get3A_1016 = tpu.vector_load %arg40[%get3A_1014, %get3A_1015] {strides = array<i32>} : memref<16x128xf32, #tpu.memory_space<vmem>>, vector<1x16xf32>,
        %get3A_1017 = vector.shape_cast %get3A_1016 : vector<1x16xf32> to vector<16xf32>
        %mul3A_1018 = arith.mulf %gather3A_405, %get3A_1017 : vector<16xf32>
        %get3A_1019 = arith.index_cast %scan3A_398 : i32 to index
        %get3A_1020 = arith.constant 112 : index
        %get3A_1021 = tpu.vector_load %arg40[%get3A_1019, %get3A_1020] {strides = array<i32>} : memref<16x128xf32, #tpu.memory_space<vmem>>, vector<1x16xf32>,
        %get3A_1022 = vector.shape_cast %get3A_1021 : vector<1x16xf32> to vector<16xf32>
        %add3A_1023 = arith.addf %mul3A_1018, %get3A_1022 : vector<16xf32>
        %mul3A_1024 = arith.mulf %add3A_1023, %add3A_1023 : vector<16xf32>
        %mul3A_1025 = arith.constant 2.75573188E-6 : f32
        %mul3A_1026 = vector.broadcast %mul3A_1025 : f32 to vector<16xf32>
        %mul3A_1027 = arith.mulf %mul3A_1026, %mul3A_1024 : vector<16xf32>
        %add3A_1028 = arith.constant -1.98412701E-4 : f32
        %add3A_1029 = vector.broadcast %add3A_1028 : f32 to vector<16xf32>
        %add3A_1030 = arith.addf %mul3A_1027, %add3A_1029 : vector<16xf32>
        %mul3A_1031 = arith.mulf %add3A_1030, %mul3A_1024 : vector<16xf32>
        %add3A_1032 = arith.constant 0.00833333377 : f32
        %add3A_1033 = vector.broadcast %add3A_1032 : f32 to vector<16xf32>
        %add3A_1034 = arith.addf %mul3A_1031, %add3A_1033 : vector<16xf32>
        %mul3A_1035 = arith.mulf %add3A_1034, %mul3A_1024 : vector<16xf32>
        %add3A_1036 = arith.constant -0.166666672 : f32
        %add3A_1037 = vector.broadcast %add3A_1036 : f32 to vector<16xf32>
        %add3A_1038 = arith.addf %mul3A_1035, %add3A_1037 : vector<16xf32>
        %mul3A_1039 = arith.mulf %add3A_1038, %mul3A_1024 : vector<16xf32>
        %add3A_1040 = arith.constant 1.000000e+00 : f32
        %add3A_1041 = vector.broadcast %add3A_1040 : f32 to vector<16xf32>
        %add3A_1042 = arith.addf %mul3A_1039, %add3A_1041 : vector<16xf32>
        %mul3A_1043 = arith.mulf %add3A_1042, %add3A_1023 : vector<16xf32>
        %mul3A_1044 = arith.mulf %get3A_1013, %mul3A_1043 : vector<16xf32>
        %add3A_1045 = arith.addf %mul3A_1009, %mul3A_1044 : vector<16xf32>
        %get3A_1046 = arith.index_cast %scan3A_398 : i32 to index
        %get3A_1047 = arith.constant 48 : index
        %get3A_1048 = tpu.vector_load %arg35[%get3A_1046, %get3A_1047] {strides = array<i32>} : memref<16x64xf32, #tpu.memory_space<vmem>>, vector<1x16xf32>,
        %get3A_1049 = vector.shape_cast %get3A_1048 : vector<1x16xf32> to vector<16xf32>
        %get3A_1050 = arith.index_cast %scan3A_398 : i32 to index
        %get3A_1051 = arith.constant 48 : index
        %get3A_1052 = tpu.vector_load %arg53[%get3A_1050, %get3A_1051] {strides = array<i32>} : memref<16x128xf32, #tpu.memory_space<vmem>>, vector<1x16xf32>,
        %get3A_1053 = vector.shape_cast %get3A_1052 : vector<1x16xf32> to vector<16xf32>
        %add3A_1054 = arith.addf %get3A_1049, %get3A_1053 : vector<16xf32>
        %get3A_1055 = arith.index_cast %scan3A_398 : i32 to index
        %get3A_1056 = arith.constant 48 : index
        %get3A_1057 = tpu.vector_load %arg36[%get3A_1055, %get3A_1056] {strides = array<i32>} : memref<16x64xf32, #tpu.memory_space<vmem>>, vector<1x16xf32>,
        %get3A_1058 = vector.shape_cast %get3A_1057 : vector<1x16xf32> to vector<16xf32>
        %sub3A_1059 = arith.subf %add3A_1054, %get3A_1058 : vector<16xf32>
        %abs3A_1060 = math.absf %sub3A_1059 : vector<16xf32>
        %add3A_1061 = arith.addf %add3A_903, %abs3A_1060 : vector<16xf32>
        %get3A_1062 = arith.index_cast %scan3A_398 : i32 to index
        %get3A_1063 = arith.constant 112 : index
        %get3A_1064 = tpu.vector_load %arg53[%get3A_1062, %get3A_1063] {strides = array<i32>} : memref<16x128xf32, #tpu.memory_space<vmem>>, vector<1x16xf32>,
        %get3A_1065 = vector.shape_cast %get3A_1064 : vector<1x16xf32> to vector<16xf32>
        %add3A_1066 = arith.addf %add3A_974, %get3A_1065 : vector<16xf32>
        %sub3A_1067 = arith.subf %add3A_1066, %add3A_1045 : vector<16xf32>
        %abs3A_1068 = math.absf %sub3A_1067 : vector<16xf32>
        %add3A_1069 = arith.addf %add3A_1061, %abs3A_1068 : vector<16xf32>
        %eq3A = vector.broadcast %scan3A_398 : i32 to vector<16xi32>
        %eq3A_1070 = arith.cmpi eq, %iota3A, %eq3A : vector<16xi32>
        %iota3A_1071 = tpu.iota {dimensions = array<i32: 0>} : vector<16xi32>
        %xor3A = arith.constant 8 : i32
        %xor3A_1072 = vector.broadcast %xor3A : i32 to vector<16xi32>
        %xor3A_1073 = arith.xori %iota3A_1071, %xor3A_1072 : vector<16xi32>
        %broadcast_in_dim3A_1074 = vector.shape_cast %xor3A_1073 : vector<16xi32> to vector<16x1xi32>
        %gather3A_1075 = vector.shape_cast %broadcast_in_dim3A_1074 : vector<16x1xi32> to vector<16xi32>
        %gather3A_1076 = tpu.dynamic_gather %add3A_1069[%gather3A_1075] in [0] : vector<16xf32>, vector<16xi32> -> vector<16xf32>
        %add3A_1077 = arith.addf %add3A_1069, %gather3A_1076 : vector<16xf32>
        %xor3A_1078 = arith.constant 4 : i32
        %xor3A_1079 = vector.broadcast %xor3A_1078 : i32 to vector<16xi32>
        %xor3A_1080 = arith.xori %iota3A_1071, %xor3A_1079 : vector<16xi32>
        %broadcast_in_dim3A_1081 = vector.shape_cast %xor3A_1080 : vector<16xi32> to vector<16x1xi32>
        %gather3A_1082 = vector.shape_cast %broadcast_in_dim3A_1081 : vector<16x1xi32> to vector<16xi32>
        %gather3A_1083 = tpu.dynamic_gather %add3A_1077[%gather3A_1082] in [0] : vector<16xf32>, vector<16xi32> -> vector<16xf32>
        %add3A_1084 = arith.addf %add3A_1077, %gather3A_1083 : vector<16xf32>
        %xor3A_1085 = arith.constant 2 : i32
        %xor3A_1086 = vector.broadcast %xor3A_1085 : i32 to vector<16xi32>
        %xor3A_1087 = arith.xori %iota3A_1071, %xor3A_1086 : vector<16xi32>
        %broadcast_in_dim3A_1088 = vector.shape_cast %xor3A_1087 : vector<16xi32> to vector<16x1xi32>
        %gather3A_1089 = vector.shape_cast %broadcast_in_dim3A_1088 : vector<16x1xi32> to vector<16xi32>
        %gather3A_1090 = tpu.dynamic_gather %add3A_1084[%gather3A_1089] in [0] : vector<16xf32>, vector<16xi32> -> vector<16xf32>
        %add3A_1091 = arith.addf %add3A_1084, %gather3A_1090 : vector<16xf32>
        %xor3A_1092 = arith.constant 1 : i32
        %xor3A_1093 = vector.broadcast %xor3A_1092 : i32 to vector<16xi32>
        %xor3A_1094 = arith.xori %iota3A_1071, %xor3A_1093 : vector<16xi32>
        %broadcast_in_dim3A_1095 = vector.shape_cast %xor3A_1094 : vector<16xi32> to vector<16x1xi32>
        %gather3A_1096 = vector.shape_cast %broadcast_in_dim3A_1095 : vector<16x1xi32> to vector<16xi32>
        %gather3A_1097 = tpu.dynamic_gather %add3A_1091[%gather3A_1096] in [0] : vector<16xf32>, vector<16xi32> -> vector<16xf32>
        %add3A_1098 = arith.addf %add3A_1091, %gather3A_1097 : vector<16xf32>
        %neg3A = arith.constant 0.000000e+00 : f32
        %neg3A_1099 = vector.broadcast %neg3A : f32 to vector<16xf32>
        %neg3A_1100 = arith.subf %neg3A_1099, %add3A_1098 : vector<16xf32>
        %select_n3A = arith.select %eq3A_1070, %neg3A_1100, %scan3A_399 : vector<16xi1>, vector<16xf32>
        scf.yield %select_n3A : vector<16xf32>
      }
      %scan3A_316 = arith.constant 16 : i32
      %swap3A_317 = arith.index_cast %mul3A_302 : i32 to index
      %swap3A_318 = tpu.vector_load %arg18[%swap3A_317] {strides = array<i32>} : memref<512xf32, #tpu.memory_space<vmem>>, vector<16xf32>,
      %swap3A_319 = vector.shape_cast %swap3A_318 : vector<16xf32> to vector<16xf32>
      %swap3A_320 = vector.shape_cast %scan3A_315 : vector<16xf32> to vector<16xf32>
      tpu.vector_store %arg18[%swap3A_317], %swap3A_320 {strides = array<i32>} : memref<512xf32, #tpu.memory_space<vmem>>, vector<16xf32>,
      %mul3A_321 = arith.constant 4 : i32
      %mul3A_322 = arith.muli %mul3A_321, %scan3A_98 : i32
      %add3A_323 = arith.constant 3 : i32
      %add3A_324 = arith.addi %mul3A_322, %add3A_323 : i32
      %dma_wait3A_325 = arith.constant 0 : i32
      %dma_wait3A_326 = tpu.memref_slice %arg13[%dma_wait3A_325] : memref<512xi32, #tpu.memory_space<vmem>> -> memref<16xi32, #tpu.memory_space<vmem>>
      %dma_wait3A_327 = arith.constant 0 : i32
      %dma_wait3A_328 = arith.constant 0 : i32
      %dma_wait3A_329 = tpu.memref_slice %arg7[%dma_wait3A_327, %dma_wait3A_328] : memref<100000x64xf32, #tpu.memory_space<hbm>> -> memref<100000x64xf32, #tpu.memory_space<hbm>>
      tpu.wait_indirect_dma semaphore(%arg58 : memref<!tpu.dma_semaphore, #tpu.memory_space<semaphore_mem>>) src(%dma_wait3A_329 : memref<100000x64xf32, #tpu.memory_space<hbm>>) dst(%arg43 : memref<16x64xf32, #tpu.memory_space<vmem>>)
      %dma_wait3A_330 = arith.constant 0 : i32
      %dma_wait3A_331 = tpu.memref_slice %arg13[%dma_wait3A_330] : memref<512xi32, #tpu.memory_space<vmem>> -> memref<16xi32, #tpu.memory_space<vmem>>
      %dma_wait3A_332 = arith.constant 0 : i32
      %dma_wait3A_333 = arith.constant 0 : i32
      %dma_wait3A_334 = tpu.memref_slice %arg7[%dma_wait3A_332, %dma_wait3A_333] : memref<100000x64xf32, #tpu.memory_space<hbm>> -> memref<100000x64xf32, #tpu.memory_space<hbm>>
      tpu.wait_indirect_dma semaphore(%arg58 : memref<!tpu.dma_semaphore, #tpu.memory_space<semaphore_mem>>) src(%dma_wait3A_334 : memref<100000x64xf32, #tpu.memory_space<hbm>>) dst(%arg44 : memref<16x64xf32, #tpu.memory_space<vmem>>)
      %dma_wait3A_335 = arith.constant 0 : i32
      %dma_wait3A_336 = tpu.memref_slice %arg13[%dma_wait3A_335] : memref<512xi32, #tpu.memory_space<vmem>> -> memref<16xi32, #tpu.memory_space<vmem>>
      %dma_wait3A_337 = arith.constant 0 : i32
      %dma_wait3A_338 = arith.constant 0 : i32
      %dma_wait3A_339 = tpu.memref_slice %arg9[%dma_wait3A_337, %dma_wait3A_338] : memref<100000x128xf32, #tpu.memory_space<hbm>> -> memref<100000x128xf32, #tpu.memory_space<hbm>>
      tpu.wait_indirect_dma semaphore(%arg58 : memref<!tpu.dma_semaphore, #tpu.memory_space<semaphore_mem>>) src(%dma_wait3A_339 : memref<100000x128xf32, #tpu.memory_space<hbm>>) dst(%arg45 : memref<16x128xf32, #tpu.memory_space<vmem>>)
      %dma_wait3A_340 = arith.constant 0 : i32
      %dma_wait3A_341 = tpu.memref_slice %arg13[%dma_wait3A_340] : memref<512xi32, #tpu.memory_space<vmem>> -> memref<16xi32, #tpu.memory_space<vmem>>
      %dma_wait3A_342 = arith.constant 0 : i32
      %dma_wait3A_343 = arith.constant 0 : i32
      %dma_wait3A_344 = tpu.memref_slice %arg9[%dma_wait3A_342, %dma_wait3A_343] : memref<100000x128xf32, #tpu.memory_space<hbm>> -> memref<100000x128xf32, #tpu.memory_space<hbm>>
      tpu.wait_indirect_dma semaphore(%arg58 : memref<!tpu.dma_semaphore, #tpu.memory_space<semaphore_mem>>) src(%dma_wait3A_344 : memref<100000x128xf32, #tpu.memory_space<hbm>>) dst(%arg46 : memref<16x128xf32, #tpu.memory_space<vmem>>)
      %dma_wait3A_345 = arith.constant 0 : i32
      %dma_wait3A_346 = tpu.memref_slice %arg13[%dma_wait3A_345] : memref<512xi32, #tpu.memory_space<vmem>> -> memref<16xi32, #tpu.memory_space<vmem>>
      %dma_wait3A_347 = arith.constant 0 : i32
      %dma_wait3A_348 = arith.constant 0 : i32
      %dma_wait3A_349 = tpu.memref_slice %arg10[%dma_wait3A_347, %dma_wait3A_348] : memref<100000x128xf32, #tpu.memory_space<hbm>> -> memref<100000x128xf32, #tpu.memory_space<hbm>>
      tpu.wait_indirect_dma semaphore(%arg58 : memref<!tpu.dma_semaphore, #tpu.memory_space<semaphore_mem>>) src(%dma_wait3A_349 : memref<100000x128xf32, #tpu.memory_space<hbm>>) dst(%arg47 : memref<16x128xf32, #tpu.memory_space<vmem>>)
      %dma_wait3A_350 = arith.constant 0 : i32
      %dma_wait3A_351 = tpu.memref_slice %arg13[%dma_wait3A_350] : memref<512xi32, #tpu.memory_space<vmem>> -> memref<16xi32, #tpu.memory_space<vmem>>
      %dma_wait3A_352 = arith.constant 0 : i32
      %dma_wait3A_353 = arith.constant 0 : i32
      %dma_wait3A_354 = tpu.memref_slice %arg10[%dma_wait3A_352, %dma_wait3A_353] : memref<100000x128xf32, #tpu.memory_space<hbm>> -> memref<100000x128xf32, #tpu.memory_space<hbm>>
      tpu.wait_indirect_dma semaphore(%arg58 : memref<!tpu.dma_semaphore, #tpu.memory_space<semaphore_mem>>) src(%dma_wait3A_354 : memref<100000x128xf32, #tpu.memory_space<hbm>>) dst(%arg48 : memref<16x128xf32, #tpu.memory_space<vmem>>)
      %dma_wait3A_355 = arith.constant 0 : i32
      %dma_wait3A_356 = tpu.memref_slice %arg13[%dma_wait3A_355] : memref<512xi32, #tpu.memory_space<vmem>> -> memref<16xi32, #tpu.memory_space<vmem>>
      %dma_wait3A_357 = arith.constant 0 : i32
      %dma_wait3A_358 = arith.constant 0 : i32
      %dma_wait3A_359 = tpu.memref_slice %arg11[%dma_wait3A_357, %dma_wait3A_358] : memref<100000x128xf32, #tpu.memory_space<hbm>> -> memref<100000x128xf32, #tpu.memory_space<hbm>>
      tpu.wait_indirect_dma semaphore(%arg58 : memref<!tpu.dma_semaphore, #tpu.memory_space<semaphore_mem>>) src(%dma_wait3A_359 : memref<100000x128xf32, #tpu.memory_space<hbm>>) dst(%arg49 : memref<16x128xf32, #tpu.memory_space<vmem>>)
      %dma_wait3A_360 = arith.constant 0 : i32
      %dma_wait3A_361 = tpu.memref_slice %arg13[%dma_wait3A_360] : memref<512xi32, #tpu.memory_space<vmem>> -> memref<16xi32, #tpu.memory_space<vmem>>
      %dma_wait3A_362 = arith.constant 0 : i32
      %dma_wait3A_363 = arith.constant 0 : i32
      %dma_wait3A_364 = tpu.memref_slice %arg11[%dma_wait3A_362, %dma_wait3A_363] : memref<100000x128xf32, #tpu.memory_space<hbm>> -> memref<100000x128xf32, #tpu.memory_space<hbm>>
      tpu.wait_indirect_dma semaphore(%arg58 : memref<!tpu.dma_semaphore, #tpu.memory_space<semaphore_mem>>) src(%dma_wait3A_364 : memref<100000x128xf32, #tpu.memory_space<hbm>>) dst(%arg50 : memref<16x128xf32, #tpu.memory_space<vmem>>)
      %dma_wait3A_365 = arith.constant 0 : i32
      %dma_wait3A_366 = tpu.memref_slice %arg15[%dma_wait3A_365] : memref<512xi32, #tpu.memory_space<vmem>> -> memref<16xi32, #tpu.memory_space<vmem>>
      %dma_wait3A_367 = arith.constant 0 : i32
      %dma_wait3A_368 = arith.constant 0 : i32
      %dma_wait3A_369 = tpu.memref_slice %arg8[%dma_wait3A_367, %dma_wait3A_368] : memref<500x128xf32, #tpu.memory_space<hbm>> -> memref<500x128xf32, #tpu.memory_space<hbm>>
      tpu.wait_indirect_dma semaphore(%arg58 : memref<!tpu.dma_semaphore, #tpu.memory_space<semaphore_mem>>) src(%dma_wait3A_369 : memref<500x128xf32, #tpu.memory_space<hbm>>) dst(%arg54 : memref<16x128xf32, #tpu.memory_space<vmem>>)
      %add3A_370 = arith.constant 2 : i32
      %add3A_371 = arith.addi %add3A_324, %add3A_370 : i32
      %lt3A_372 = arith.constant 32 : i32
      %lt3A_373 = arith.cmpi slt, %add3A_371, %lt3A_372 : i32
      %convert_element_type3A_374 = arith.extui %lt3A_373 : i1 to i32
      %cond3A_375 = arith.constant 0 : i32
      %cond3A_376 = arith.cmpi ne, %convert_element_type3A_374, %cond3A_375 : i32
      scf.if %cond3A_376 {
        %add3A_398 = arith.constant 2 : i32
        %add3A_399 = arith.addi %add3A_324, %add3A_398 : i32
        %mul3A_400 = arith.constant 16 : i32
        %mul3A_401 = arith.muli %add3A_399, %mul3A_400 : i32
        %dma_start3A_402 = tpu.memref_slice %arg13[%mul3A_401] : memref<512xi32, #tpu.memory_space<vmem>> -> memref<16xi32, #tpu.memory_space<vmem>>
        %dma_start3A_403 = arith.constant 0 : i32
        %dma_start3A_404 = arith.constant 0 : i32
        %dma_start3A_405 = tpu.memref_slice %arg7[%dma_start3A_403, %dma_start3A_404] : memref<100000x64xf32, #tpu.memory_space<hbm>> -> memref<100000x64xf32, #tpu.memory_space<hbm>>
        tpu.enqueue_indirect_dma source(%dma_start3A_405 : memref<100000x64xf32, #tpu.memory_space<hbm>>) target(%arg27 : memref<16x64xf32, #tpu.memory_space<vmem>>) offsets(%dma_start3A_402 : memref<16xi32, #tpu.memory_space<vmem>>) semaphore(%arg56 : memref<!tpu.dma_semaphore, #tpu.memory_space<semaphore_mem>>)
        %dma_start3A_406 = tpu.memref_slice %arg14[%mul3A_401] : memref<512xi32, #tpu.memory_space<vmem>> -> memref<16xi32, #tpu.memory_space<vmem>>
        %dma_start3A_407 = arith.constant 0 : i32
        %dma_start3A_408 = arith.constant 0 : i32
        %dma_start3A_409 = tpu.memref_slice %arg7[%dma_start3A_407, %dma_start3A_408] : memref<100000x64xf32, #tpu.memory_space<hbm>> -> memref<100000x64xf32, #tpu.memory_space<hbm>>
        tpu.enqueue_indirect_dma source(%dma_start3A_409 : memref<100000x64xf32, #tpu.memory_space<hbm>>) target(%arg28 : memref<16x64xf32, #tpu.memory_space<vmem>>) offsets(%dma_start3A_406 : memref<16xi32, #tpu.memory_space<vmem>>) semaphore(%arg56 : memref<!tpu.dma_semaphore, #tpu.memory_space<semaphore_mem>>)
        %dma_start3A_410 = tpu.memref_slice %arg13[%mul3A_401] : memref<512xi32, #tpu.memory_space<vmem>> -> memref<16xi32, #tpu.memory_space<vmem>>
        %dma_start3A_411 = arith.constant 0 : i32
        %dma_start3A_412 = arith.constant 0 : i32
        %dma_start3A_413 = tpu.memref_slice %arg9[%dma_start3A_411, %dma_start3A_412] : memref<100000x128xf32, #tpu.memory_space<hbm>> -> memref<100000x128xf32, #tpu.memory_space<hbm>>
        tpu.enqueue_indirect_dma source(%dma_start3A_413 : memref<100000x128xf32, #tpu.memory_space<hbm>>) target(%arg29 : memref<16x128xf32, #tpu.memory_space<vmem>>) offsets(%dma_start3A_410 : memref<16xi32, #tpu.memory_space<vmem>>) semaphore(%arg56 : memref<!tpu.dma_semaphore, #tpu.memory_space<semaphore_mem>>)
        %dma_start3A_414 = tpu.memref_slice %arg14[%mul3A_401] : memref<512xi32, #tpu.memory_space<vmem>> -> memref<16xi32, #tpu.memory_space<vmem>>
        %dma_start3A_415 = arith.constant 0 : i32
        %dma_start3A_416 = arith.constant 0 : i32
        %dma_start3A_417 = tpu.memref_slice %arg9[%dma_start3A_415, %dma_start3A_416] : memref<100000x128xf32, #tpu.memory_space<hbm>> -> memref<100000x128xf32, #tpu.memory_space<hbm>>
        tpu.enqueue_indirect_dma source(%dma_start3A_417 : memref<100000x128xf32, #tpu.memory_space<hbm>>) target(%arg30 : memref<16x128xf32, #tpu.memory_space<vmem>>) offsets(%dma_start3A_414 : memref<16xi32, #tpu.memory_space<vmem>>) semaphore(%arg56 : memref<!tpu.dma_semaphore, #tpu.memory_space<semaphore_mem>>)
        %dma_start3A_418 = tpu.memref_slice %arg13[%mul3A_401] : memref<512xi32, #tpu.memory_space<vmem>> -> memref<16xi32, #tpu.memory_space<vmem>>
        %dma_start3A_419 = arith.constant 0 : i32
        %dma_start3A_420 = arith.constant 0 : i32
        %dma_start3A_421 = tpu.memref_slice %arg10[%dma_start3A_419, %dma_start3A_420] : memref<100000x128xf32, #tpu.memory_space<hbm>> -> memref<100000x128xf32, #tpu.memory_space<hbm>>
        tpu.enqueue_indirect_dma source(%dma_start3A_421 : memref<100000x128xf32, #tpu.memory_space<hbm>>) target(%arg31 : memref<16x128xf32, #tpu.memory_space<vmem>>) offsets(%dma_start3A_418 : memref<16xi32, #tpu.memory_space<vmem>>) semaphore(%arg56 : memref<!tpu.dma_semaphore, #tpu.memory_space<semaphore_mem>>)
        %dma_start3A_422 = tpu.memref_slice %arg14[%mul3A_401] : memref<512xi32, #tpu.memory_space<vmem>> -> memref<16xi32, #tpu.memory_space<vmem>>
        %dma_start3A_423 = arith.constant 0 : i32
        %dma_start3A_424 = arith.constant 0 : i32
        %dma_start3A_425 = tpu.memref_slice %arg10[%dma_start3A_423, %dma_start3A_424] : memref<100000x128xf32, #tpu.memory_space<hbm>> -> memref<100000x128xf32, #tpu.memory_space<hbm>>
        tpu.enqueue_indirect_dma source(%dma_start3A_425 : memref<100000x128xf32, #tpu.memory_space<hbm>>) target(%arg32 : memref<16x128xf32, #tpu.memory_space<vmem>>) offsets(%dma_start3A_422 : memref<16xi32, #tpu.memory_space<vmem>>) semaphore(%arg56 : memref<!tpu.dma_semaphore, #tpu.memory_space<semaphore_mem>>)
        %dma_start3A_426 = tpu.memref_slice %arg13[%mul3A_401] : memref<512xi32, #tpu.memory_space<vmem>> -> memref<16xi32, #tpu.memory_space<vmem>>
        %dma_start3A_427 = arith.constant 0 : i32
        %dma_start3A_428 = arith.constant 0 : i32
        %dma_start3A_429 = tpu.memref_slice %arg11[%dma_start3A_427, %dma_start3A_428] : memref<100000x128xf32, #tpu.memory_space<hbm>> -> memref<100000x128xf32, #tpu.memory_space<hbm>>
        tpu.enqueue_indirect_dma source(%dma_start3A_429 : memref<100000x128xf32, #tpu.memory_space<hbm>>) target(%arg33 : memref<16x128xf32, #tpu.memory_space<vmem>>) offsets(%dma_start3A_426 : memref<16xi32, #tpu.memory_space<vmem>>) semaphore(%arg56 : memref<!tpu.dma_semaphore, #tpu.memory_space<semaphore_mem>>)
        %dma_start3A_430 = tpu.memref_slice %arg14[%mul3A_401] : memref<512xi32, #tpu.memory_space<vmem>> -> memref<16xi32, #tpu.memory_space<vmem>>
        %dma_start3A_431 = arith.constant 0 : i32
        %dma_start3A_432 = arith.constant 0 : i32
        %dma_start3A_433 = tpu.memref_slice %arg11[%dma_start3A_431, %dma_start3A_432] : memref<100000x128xf32, #tpu.memory_space<hbm>> -> memref<100000x128xf32, #tpu.memory_space<hbm>>
        tpu.enqueue_indirect_dma source(%dma_start3A_433 : memref<100000x128xf32, #tpu.memory_space<hbm>>) target(%arg34 : memref<16x128xf32, #tpu.memory_space<vmem>>) offsets(%dma_start3A_430 : memref<16xi32, #tpu.memory_space<vmem>>) semaphore(%arg56 : memref<!tpu.dma_semaphore, #tpu.memory_space<semaphore_mem>>)
        %dma_start3A_434 = tpu.memref_slice %arg15[%mul3A_401] : memref<512xi32, #tpu.memory_space<vmem>> -> memref<16xi32, #tpu.memory_space<vmem>>
        %dma_start3A_435 = arith.constant 0 : i32
        %dma_start3A_436 = arith.constant 0 : i32
        %dma_start3A_437 = tpu.memref_slice %arg8[%dma_start3A_435, %dma_start3A_436] : memref<500x128xf32, #tpu.memory_space<hbm>> -> memref<500x128xf32, #tpu.memory_space<hbm>>
        tpu.enqueue_indirect_dma source(%dma_start3A_437 : memref<500x128xf32, #tpu.memory_space<hbm>>) target(%arg52 : memref<16x128xf32, #tpu.memory_space<vmem>>) offsets(%dma_start3A_434 : memref<16xi32, #tpu.memory_space<vmem>>) semaphore(%arg56 : memref<!tpu.dma_semaphore, #tpu.memory_space<semaphore_mem>>)
      } else {
      }
      %mul3A_377 = arith.constant 16 : i32
      %mul3A_378 = arith.muli %add3A_324, %mul3A_377 : i32
      %get3A_379 = arith.index_cast %mul3A_378 : i32 to index
      %get3A_380 = tpu.vector_load %arg16[%get3A_379] {strides = array<i32>} : memref<512xf32, #tpu.memory_space<vmem>>, vector<16xf32>,
      %get3A_381 = vector.shape_cast %get3A_380 : vector<16xf32> to vector<16xf32>
      %get3A_382 = arith.index_cast %mul3A_378 : i32 to index
      %get3A_383 = tpu.vector_load %arg17[%get3A_382] {strides = array<i32>} : memref<512xf32, #tpu.memory_space<vmem>>, vector<16xf32>,
      %get3A_384 = vector.shape_cast %get3A_383 : vector<16xf32> to vector<16xf32>
      %broadcast_in_dim3A_385 = arith.constant 0.000000e+00 : f32
      %broadcast_in_dim3A_386 = vector.broadcast %broadcast_in_dim3A_385 : f32 to vector<16xf32>
      %scan3A_387 = arith.constant 0 : i32
      %scan3A_388 = arith.constant 16 : i32
      %scan3A_389 = arith.addi %scan3A_387, %scan3A_388 : i32
      %scan3A_390 = arith.constant 1 : i32
      %scan3A_391 = scf.for %scan3A_398 = %scan3A_387 to %scan3A_389 step %scan3A_390 iter_args(%scan3A_399 = %broadcast_in_dim3A_386) -> (vector<16xf32>)  : i32 {
        %broadcast_in_dim3A_400 = vector.broadcast %scan3A_398 : i32 to vector<16xi32>
        %broadcast_in_dim3A_401 = vector.shape_cast %broadcast_in_dim3A_400 : vector<16xi32> to vector<16x1xi32>
        %gather3A = vector.shape_cast %broadcast_in_dim3A_401 : vector<16x1xi32> to vector<16xi32>
        %gather3A_402 = tpu.dynamic_gather %get3A_381[%gather3A] in [0] : vector<16xf32>, vector<16xi32> -> vector<16xf32>
        %broadcast_in_dim3A_403 = vector.shape_cast %broadcast_in_dim3A_400 : vector<16xi32> to vector<16x1xi32>
        %gather3A_404 = vector.shape_cast %broadcast_in_dim3A_403 : vector<16x1xi32> to vector<16xi32>
        %gather3A_405 = tpu.dynamic_gather %get3A_384[%gather3A_404] in [0] : vector<16xf32>, vector<16xi32> -> vector<16xf32>
        %broadcast_in_dim3A_406 = arith.constant 0.000000e+00 : f32
        %broadcast_in_dim3A_407 = vector.broadcast %broadcast_in_dim3A_406 : f32 to vector<16xf32>
        %get3A_408 = arith.index_cast %scan3A_398 : i32 to index
        %get3A_409 = arith.constant 0 : index
        %get3A_410 = tpu.vector_load %arg49[%get3A_408, %get3A_409] {strides = array<i32>} : memref<16x128xf32, #tpu.memory_space<vmem>>, vector<1x16xf32>,
        %get3A_411 = vector.shape_cast %get3A_410 : vector<1x16xf32> to vector<16xf32>
        %get3A_412 = arith.index_cast %scan3A_398 : i32 to index
        %get3A_413 = arith.constant 0 : index
        %get3A_414 = tpu.vector_load %arg45[%get3A_412, %get3A_413] {strides = array<i32>} : memref<16x128xf32, #tpu.memory_space<vmem>>, vector<1x16xf32>,
        %get3A_415 = vector.shape_cast %get3A_414 : vector<1x16xf32> to vector<16xf32>
        %mul3A_416 = arith.mulf %gather3A_402, %get3A_415 : vector<16xf32>
        %get3A_417 = arith.index_cast %scan3A_398 : i32 to index
        %get3A_418 = arith.constant 64 : index
        %get3A_419 = tpu.vector_load %arg45[%get3A_417, %get3A_418] {strides = array<i32>} : memref<16x128xf32, #tpu.memory_space<vmem>>, vector<1x16xf32>,
        %get3A_420 = vector.shape_cast %get3A_419 : vector<1x16xf32> to vector<16xf32>
        %add3A_421 = arith.addf %mul3A_416, %get3A_420 : vector<16xf32>
        %mul3A_422 = arith.mulf %add3A_421, %add3A_421 : vector<16xf32>
        %mul3A_423 = arith.constant 2.75573188E-6 : f32
        %mul3A_424 = vector.broadcast %mul3A_423 : f32 to vector<16xf32>
        %mul3A_425 = arith.mulf %mul3A_424, %mul3A_422 : vector<16xf32>
        %add3A_426 = arith.constant -1.98412701E-4 : f32
        %add3A_427 = vector.broadcast %add3A_426 : f32 to vector<16xf32>
        %add3A_428 = arith.addf %mul3A_425, %add3A_427 : vector<16xf32>
        %mul3A_429 = arith.mulf %add3A_428, %mul3A_422 : vector<16xf32>
        %add3A_430 = arith.constant 0.00833333377 : f32
        %add3A_431 = vector.broadcast %add3A_430 : f32 to vector<16xf32>
        %add3A_432 = arith.addf %mul3A_429, %add3A_431 : vector<16xf32>
        %mul3A_433 = arith.mulf %add3A_432, %mul3A_422 : vector<16xf32>
        %add3A_434 = arith.constant -0.166666672 : f32
        %add3A_435 = vector.broadcast %add3A_434 : f32 to vector<16xf32>
        %add3A_436 = arith.addf %mul3A_433, %add3A_435 : vector<16xf32>
        %mul3A_437 = arith.mulf %add3A_436, %mul3A_422 : vector<16xf32>
        %add3A_438 = arith.constant 1.000000e+00 : f32
        %add3A_439 = vector.broadcast %add3A_438 : f32 to vector<16xf32>
        %add3A_440 = arith.addf %mul3A_437, %add3A_439 : vector<16xf32>
        %mul3A_441 = arith.mulf %add3A_440, %add3A_421 : vector<16xf32>
        %mul3A_442 = arith.mulf %get3A_411, %mul3A_441 : vector<16xf32>
        %get3A_443 = arith.index_cast %scan3A_398 : i32 to index
        %get3A_444 = arith.constant 64 : index
        %get3A_445 = tpu.vector_load %arg49[%get3A_443, %get3A_444] {strides = array<i32>} : memref<16x128xf32, #tpu.memory_space<vmem>>, vector<1x16xf32>,
        %get3A_446 = vector.shape_cast %get3A_445 : vector<1x16xf32> to vector<16xf32>
        %get3A_447 = arith.index_cast %scan3A_398 : i32 to index
        %get3A_448 = arith.constant 0 : index
        %get3A_449 = tpu.vector_load %arg47[%get3A_447, %get3A_448] {strides = array<i32>} : memref<16x128xf32, #tpu.memory_space<vmem>>, vector<1x16xf32>,
        %get3A_450 = vector.shape_cast %get3A_449 : vector<1x16xf32> to vector<16xf32>
        %mul3A_451 = arith.mulf %gather3A_405, %get3A_450 : vector<16xf32>
        %get3A_452 = arith.index_cast %scan3A_398 : i32 to index
        %get3A_453 = arith.constant 64 : index
        %get3A_454 = tpu.vector_load %arg47[%get3A_452, %get3A_453] {strides = array<i32>} : memref<16x128xf32, #tpu.memory_space<vmem>>, vector<1x16xf32>,
        %get3A_455 = vector.shape_cast %get3A_454 : vector<1x16xf32> to vector<16xf32>
        %add3A_456 = arith.addf %mul3A_451, %get3A_455 : vector<16xf32>
        %mul3A_457 = arith.mulf %add3A_456, %add3A_456 : vector<16xf32>
        %mul3A_458 = arith.constant 2.75573188E-6 : f32
        %mul3A_459 = vector.broadcast %mul3A_458 : f32 to vector<16xf32>
        %mul3A_460 = arith.mulf %mul3A_459, %mul3A_457 : vector<16xf32>
        %add3A_461 = arith.constant -1.98412701E-4 : f32
        %add3A_462 = vector.broadcast %add3A_461 : f32 to vector<16xf32>
        %add3A_463 = arith.addf %mul3A_460, %add3A_462 : vector<16xf32>
        %mul3A_464 = arith.mulf %add3A_463, %mul3A_457 : vector<16xf32>
        %add3A_465 = arith.constant 0.00833333377 : f32
        %add3A_466 = vector.broadcast %add3A_465 : f32 to vector<16xf32>
        %add3A_467 = arith.addf %mul3A_464, %add3A_466 : vector<16xf32>
        %mul3A_468 = arith.mulf %add3A_467, %mul3A_457 : vector<16xf32>
        %add3A_469 = arith.constant -0.166666672 : f32
        %add3A_470 = vector.broadcast %add3A_469 : f32 to vector<16xf32>
        %add3A_471 = arith.addf %mul3A_468, %add3A_470 : vector<16xf32>
        %mul3A_472 = arith.mulf %add3A_471, %mul3A_457 : vector<16xf32>
        %add3A_473 = arith.constant 1.000000e+00 : f32
        %add3A_474 = vector.broadcast %add3A_473 : f32 to vector<16xf32>
        %add3A_475 = arith.addf %mul3A_472, %add3A_474 : vector<16xf32>
        %mul3A_476 = arith.mulf %add3A_475, %add3A_456 : vector<16xf32>
        %mul3A_477 = arith.mulf %get3A_446, %mul3A_476 : vector<16xf32>
        %add3A_478 = arith.addf %mul3A_442, %mul3A_477 : vector<16xf32>
        %get3A_479 = arith.index_cast %scan3A_398 : i32 to index
        %get3A_480 = arith.constant 0 : index
        %get3A_481 = tpu.vector_load %arg50[%get3A_479, %get3A_480] {strides = array<i32>} : memref<16x128xf32, #tpu.memory_space<vmem>>, vector<1x16xf32>,
        %get3A_482 = vector.shape_cast %get3A_481 : vector<1x16xf32> to vector<16xf32>
        %get3A_483 = arith.index_cast %scan3A_398 : i32 to index
        %get3A_484 = arith.constant 0 : index
        %get3A_485 = tpu.vector_load %arg46[%get3A_483, %get3A_484] {strides = array<i32>} : memref<16x128xf32, #tpu.memory_space<vmem>>, vector<1x16xf32>,
        %get3A_486 = vector.shape_cast %get3A_485 : vector<1x16xf32> to vector<16xf32>
        %mul3A_487 = arith.mulf %gather3A_402, %get3A_486 : vector<16xf32>
        %get3A_488 = arith.index_cast %scan3A_398 : i32 to index
        %get3A_489 = arith.constant 64 : index
        %get3A_490 = tpu.vector_load %arg46[%get3A_488, %get3A_489] {strides = array<i32>} : memref<16x128xf32, #tpu.memory_space<vmem>>, vector<1x16xf32>,
        %get3A_491 = vector.shape_cast %get3A_490 : vector<1x16xf32> to vector<16xf32>
        %add3A_492 = arith.addf %mul3A_487, %get3A_491 : vector<16xf32>
        %mul3A_493 = arith.mulf %add3A_492, %add3A_492 : vector<16xf32>
        %mul3A_494 = arith.constant 2.75573188E-6 : f32
        %mul3A_495 = vector.broadcast %mul3A_494 : f32 to vector<16xf32>
        %mul3A_496 = arith.mulf %mul3A_495, %mul3A_493 : vector<16xf32>
        %add3A_497 = arith.constant -1.98412701E-4 : f32
        %add3A_498 = vector.broadcast %add3A_497 : f32 to vector<16xf32>
        %add3A_499 = arith.addf %mul3A_496, %add3A_498 : vector<16xf32>
        %mul3A_500 = arith.mulf %add3A_499, %mul3A_493 : vector<16xf32>
        %add3A_501 = arith.constant 0.00833333377 : f32
        %add3A_502 = vector.broadcast %add3A_501 : f32 to vector<16xf32>
        %add3A_503 = arith.addf %mul3A_500, %add3A_502 : vector<16xf32>
        %mul3A_504 = arith.mulf %add3A_503, %mul3A_493 : vector<16xf32>
        %add3A_505 = arith.constant -0.166666672 : f32
        %add3A_506 = vector.broadcast %add3A_505 : f32 to vector<16xf32>
        %add3A_507 = arith.addf %mul3A_504, %add3A_506 : vector<16xf32>
        %mul3A_508 = arith.mulf %add3A_507, %mul3A_493 : vector<16xf32>
        %add3A_509 = arith.constant 1.000000e+00 : f32
        %add3A_510 = vector.broadcast %add3A_509 : f32 to vector<16xf32>
        %add3A_511 = arith.addf %mul3A_508, %add3A_510 : vector<16xf32>
        %mul3A_512 = arith.mulf %add3A_511, %add3A_492 : vector<16xf32>
        %mul3A_513 = arith.mulf %get3A_482, %mul3A_512 : vector<16xf32>
        %get3A_514 = arith.index_cast %scan3A_398 : i32 to index
        %get3A_515 = arith.constant 64 : index
        %get3A_516 = tpu.vector_load %arg50[%get3A_514, %get3A_515] {strides = array<i32>} : memref<16x128xf32, #tpu.memory_space<vmem>>, vector<1x16xf32>,
        %get3A_517 = vector.shape_cast %get3A_516 : vector<1x16xf32> to vector<16xf32>
        %get3A_518 = arith.index_cast %scan3A_398 : i32 to index
        %get3A_519 = arith.constant 0 : index
        %get3A_520 = tpu.vector_load %arg48[%get3A_518, %get3A_519] {strides = array<i32>} : memref<16x128xf32, #tpu.memory_space<vmem>>, vector<1x16xf32>,
        %get3A_521 = vector.shape_cast %get3A_520 : vector<1x16xf32> to vector<16xf32>
        %mul3A_522 = arith.mulf %gather3A_405, %get3A_521 : vector<16xf32>
        %get3A_523 = arith.index_cast %scan3A_398 : i32 to index
        %get3A_524 = arith.constant 64 : index
        %get3A_525 = tpu.vector_load %arg48[%get3A_523, %get3A_524] {strides = array<i32>} : memref<16x128xf32, #tpu.memory_space<vmem>>, vector<1x16xf32>,
        %get3A_526 = vector.shape_cast %get3A_525 : vector<1x16xf32> to vector<16xf32>
        %add3A_527 = arith.addf %mul3A_522, %get3A_526 : vector<16xf32>
        %mul3A_528 = arith.mulf %add3A_527, %add3A_527 : vector<16xf32>
        %mul3A_529 = arith.constant 2.75573188E-6 : f32
        %mul3A_530 = vector.broadcast %mul3A_529 : f32 to vector<16xf32>
        %mul3A_531 = arith.mulf %mul3A_530, %mul3A_528 : vector<16xf32>
        %add3A_532 = arith.constant -1.98412701E-4 : f32
        %add3A_533 = vector.broadcast %add3A_532 : f32 to vector<16xf32>
        %add3A_534 = arith.addf %mul3A_531, %add3A_533 : vector<16xf32>
        %mul3A_535 = arith.mulf %add3A_534, %mul3A_528 : vector<16xf32>
        %add3A_536 = arith.constant 0.00833333377 : f32
        %add3A_537 = vector.broadcast %add3A_536 : f32 to vector<16xf32>
        %add3A_538 = arith.addf %mul3A_535, %add3A_537 : vector<16xf32>
        %mul3A_539 = arith.mulf %add3A_538, %mul3A_528 : vector<16xf32>
        %add3A_540 = arith.constant -0.166666672 : f32
        %add3A_541 = vector.broadcast %add3A_540 : f32 to vector<16xf32>
        %add3A_542 = arith.addf %mul3A_539, %add3A_541 : vector<16xf32>
        %mul3A_543 = arith.mulf %add3A_542, %mul3A_528 : vector<16xf32>
        %add3A_544 = arith.constant 1.000000e+00 : f32
        %add3A_545 = vector.broadcast %add3A_544 : f32 to vector<16xf32>
        %add3A_546 = arith.addf %mul3A_543, %add3A_545 : vector<16xf32>
        %mul3A_547 = arith.mulf %add3A_546, %add3A_527 : vector<16xf32>
        %mul3A_548 = arith.mulf %get3A_517, %mul3A_547 : vector<16xf32>
        %add3A_549 = arith.addf %mul3A_513, %mul3A_548 : vector<16xf32>
        %get3A_550 = arith.index_cast %scan3A_398 : i32 to index
        %get3A_551 = arith.constant 0 : index
        %get3A_552 = tpu.vector_load %arg43[%get3A_550, %get3A_551] {strides = array<i32>} : memref<16x64xf32, #tpu.memory_space<vmem>>, vector<1x16xf32>,
        %get3A_553 = vector.shape_cast %get3A_552 : vector<1x16xf32> to vector<16xf32>
        %get3A_554 = arith.index_cast %scan3A_398 : i32 to index
        %get3A_555 = arith.constant 0 : index
        %get3A_556 = tpu.vector_load %arg54[%get3A_554, %get3A_555] {strides = array<i32>} : memref<16x128xf32, #tpu.memory_space<vmem>>, vector<1x16xf32>,
        %get3A_557 = vector.shape_cast %get3A_556 : vector<1x16xf32> to vector<16xf32>
        %add3A_558 = arith.addf %get3A_553, %get3A_557 : vector<16xf32>
        %get3A_559 = arith.index_cast %scan3A_398 : i32 to index
        %get3A_560 = arith.constant 0 : index
        %get3A_561 = tpu.vector_load %arg44[%get3A_559, %get3A_560] {strides = array<i32>} : memref<16x64xf32, #tpu.memory_space<vmem>>, vector<1x16xf32>,
        %get3A_562 = vector.shape_cast %get3A_561 : vector<1x16xf32> to vector<16xf32>
        %sub3A = arith.subf %add3A_558, %get3A_562 : vector<16xf32>
        %abs3A = math.absf %sub3A : vector<16xf32>
        %add3A_563 = arith.addf %broadcast_in_dim3A_407, %abs3A : vector<16xf32>
        %get3A_564 = arith.index_cast %scan3A_398 : i32 to index
        %get3A_565 = arith.constant 64 : index
        %get3A_566 = tpu.vector_load %arg54[%get3A_564, %get3A_565] {strides = array<i32>} : memref<16x128xf32, #tpu.memory_space<vmem>>, vector<1x16xf32>,
        %get3A_567 = vector.shape_cast %get3A_566 : vector<1x16xf32> to vector<16xf32>
        %add3A_568 = arith.addf %add3A_478, %get3A_567 : vector<16xf32>
        %sub3A_569 = arith.subf %add3A_568, %add3A_549 : vector<16xf32>
        %abs3A_570 = math.absf %sub3A_569 : vector<16xf32>
        %add3A_571 = arith.addf %add3A_563, %abs3A_570 : vector<16xf32>
        %get3A_572 = arith.index_cast %scan3A_398 : i32 to index
        %get3A_573 = arith.constant 16 : index
        %get3A_574 = tpu.vector_load %arg49[%get3A_572, %get3A_573] {strides = array<i32>} : memref<16x128xf32, #tpu.memory_space<vmem>>, vector<1x16xf32>,
        %get3A_575 = vector.shape_cast %get3A_574 : vector<1x16xf32> to vector<16xf32>
        %get3A_576 = arith.index_cast %scan3A_398 : i32 to index
        %get3A_577 = arith.constant 16 : index
        %get3A_578 = tpu.vector_load %arg45[%get3A_576, %get3A_577] {strides = array<i32>} : memref<16x128xf32, #tpu.memory_space<vmem>>, vector<1x16xf32>,
        %get3A_579 = vector.shape_cast %get3A_578 : vector<1x16xf32> to vector<16xf32>
        %mul3A_580 = arith.mulf %gather3A_402, %get3A_579 : vector<16xf32>
        %get3A_581 = arith.index_cast %scan3A_398 : i32 to index
        %get3A_582 = arith.constant 80 : index
        %get3A_583 = tpu.vector_load %arg45[%get3A_581, %get3A_582] {strides = array<i32>} : memref<16x128xf32, #tpu.memory_space<vmem>>, vector<1x16xf32>,
        %get3A_584 = vector.shape_cast %get3A_583 : vector<1x16xf32> to vector<16xf32>
        %add3A_585 = arith.addf %mul3A_580, %get3A_584 : vector<16xf32>
        %mul3A_586 = arith.mulf %add3A_585, %add3A_585 : vector<16xf32>
        %mul3A_587 = arith.constant 2.75573188E-6 : f32
        %mul3A_588 = vector.broadcast %mul3A_587 : f32 to vector<16xf32>
        %mul3A_589 = arith.mulf %mul3A_588, %mul3A_586 : vector<16xf32>
        %add3A_590 = arith.constant -1.98412701E-4 : f32
        %add3A_591 = vector.broadcast %add3A_590 : f32 to vector<16xf32>
        %add3A_592 = arith.addf %mul3A_589, %add3A_591 : vector<16xf32>
        %mul3A_593 = arith.mulf %add3A_592, %mul3A_586 : vector<16xf32>
        %add3A_594 = arith.constant 0.00833333377 : f32
        %add3A_595 = vector.broadcast %add3A_594 : f32 to vector<16xf32>
        %add3A_596 = arith.addf %mul3A_593, %add3A_595 : vector<16xf32>
        %mul3A_597 = arith.mulf %add3A_596, %mul3A_586 : vector<16xf32>
        %add3A_598 = arith.constant -0.166666672 : f32
        %add3A_599 = vector.broadcast %add3A_598 : f32 to vector<16xf32>
        %add3A_600 = arith.addf %mul3A_597, %add3A_599 : vector<16xf32>
        %mul3A_601 = arith.mulf %add3A_600, %mul3A_586 : vector<16xf32>
        %add3A_602 = arith.constant 1.000000e+00 : f32
        %add3A_603 = vector.broadcast %add3A_602 : f32 to vector<16xf32>
        %add3A_604 = arith.addf %mul3A_601, %add3A_603 : vector<16xf32>
        %mul3A_605 = arith.mulf %add3A_604, %add3A_585 : vector<16xf32>
        %mul3A_606 = arith.mulf %get3A_575, %mul3A_605 : vector<16xf32>
        %get3A_607 = arith.index_cast %scan3A_398 : i32 to index
        %get3A_608 = arith.constant 80 : index
        %get3A_609 = tpu.vector_load %arg49[%get3A_607, %get3A_608] {strides = array<i32>} : memref<16x128xf32, #tpu.memory_space<vmem>>, vector<1x16xf32>,
        %get3A_610 = vector.shape_cast %get3A_609 : vector<1x16xf32> to vector<16xf32>
        %get3A_611 = arith.index_cast %scan3A_398 : i32 to index
        %get3A_612 = arith.constant 16 : index
        %get3A_613 = tpu.vector_load %arg47[%get3A_611, %get3A_612] {strides = array<i32>} : memref<16x128xf32, #tpu.memory_space<vmem>>, vector<1x16xf32>,
        %get3A_614 = vector.shape_cast %get3A_613 : vector<1x16xf32> to vector<16xf32>
        %mul3A_615 = arith.mulf %gather3A_405, %get3A_614 : vector<16xf32>
        %get3A_616 = arith.index_cast %scan3A_398 : i32 to index
        %get3A_617 = arith.constant 80 : index
        %get3A_618 = tpu.vector_load %arg47[%get3A_616, %get3A_617] {strides = array<i32>} : memref<16x128xf32, #tpu.memory_space<vmem>>, vector<1x16xf32>,
        %get3A_619 = vector.shape_cast %get3A_618 : vector<1x16xf32> to vector<16xf32>
        %add3A_620 = arith.addf %mul3A_615, %get3A_619 : vector<16xf32>
        %mul3A_621 = arith.mulf %add3A_620, %add3A_620 : vector<16xf32>
        %mul3A_622 = arith.constant 2.75573188E-6 : f32
        %mul3A_623 = vector.broadcast %mul3A_622 : f32 to vector<16xf32>
        %mul3A_624 = arith.mulf %mul3A_623, %mul3A_621 : vector<16xf32>
        %add3A_625 = arith.constant -1.98412701E-4 : f32
        %add3A_626 = vector.broadcast %add3A_625 : f32 to vector<16xf32>
        %add3A_627 = arith.addf %mul3A_624, %add3A_626 : vector<16xf32>
        %mul3A_628 = arith.mulf %add3A_627, %mul3A_621 : vector<16xf32>
        %add3A_629 = arith.constant 0.00833333377 : f32
        %add3A_630 = vector.broadcast %add3A_629 : f32 to vector<16xf32>
        %add3A_631 = arith.addf %mul3A_628, %add3A_630 : vector<16xf32>
        %mul3A_632 = arith.mulf %add3A_631, %mul3A_621 : vector<16xf32>
        %add3A_633 = arith.constant -0.166666672 : f32
        %add3A_634 = vector.broadcast %add3A_633 : f32 to vector<16xf32>
        %add3A_635 = arith.addf %mul3A_632, %add3A_634 : vector<16xf32>
        %mul3A_636 = arith.mulf %add3A_635, %mul3A_621 : vector<16xf32>
        %add3A_637 = arith.constant 1.000000e+00 : f32
        %add3A_638 = vector.broadcast %add3A_637 : f32 to vector<16xf32>
        %add3A_639 = arith.addf %mul3A_636, %add3A_638 : vector<16xf32>
        %mul3A_640 = arith.mulf %add3A_639, %add3A_620 : vector<16xf32>
        %mul3A_641 = arith.mulf %get3A_610, %mul3A_640 : vector<16xf32>
        %add3A_642 = arith.addf %mul3A_606, %mul3A_641 : vector<16xf32>
        %get3A_643 = arith.index_cast %scan3A_398 : i32 to index
        %get3A_644 = arith.constant 16 : index
        %get3A_645 = tpu.vector_load %arg50[%get3A_643, %get3A_644] {strides = array<i32>} : memref<16x128xf32, #tpu.memory_space<vmem>>, vector<1x16xf32>,
        %get3A_646 = vector.shape_cast %get3A_645 : vector<1x16xf32> to vector<16xf32>
        %get3A_647 = arith.index_cast %scan3A_398 : i32 to index
        %get3A_648 = arith.constant 16 : index
        %get3A_649 = tpu.vector_load %arg46[%get3A_647, %get3A_648] {strides = array<i32>} : memref<16x128xf32, #tpu.memory_space<vmem>>, vector<1x16xf32>,
        %get3A_650 = vector.shape_cast %get3A_649 : vector<1x16xf32> to vector<16xf32>
        %mul3A_651 = arith.mulf %gather3A_402, %get3A_650 : vector<16xf32>
        %get3A_652 = arith.index_cast %scan3A_398 : i32 to index
        %get3A_653 = arith.constant 80 : index
        %get3A_654 = tpu.vector_load %arg46[%get3A_652, %get3A_653] {strides = array<i32>} : memref<16x128xf32, #tpu.memory_space<vmem>>, vector<1x16xf32>,
        %get3A_655 = vector.shape_cast %get3A_654 : vector<1x16xf32> to vector<16xf32>
        %add3A_656 = arith.addf %mul3A_651, %get3A_655 : vector<16xf32>
        %mul3A_657 = arith.mulf %add3A_656, %add3A_656 : vector<16xf32>
        %mul3A_658 = arith.constant 2.75573188E-6 : f32
        %mul3A_659 = vector.broadcast %mul3A_658 : f32 to vector<16xf32>
        %mul3A_660 = arith.mulf %mul3A_659, %mul3A_657 : vector<16xf32>
        %add3A_661 = arith.constant -1.98412701E-4 : f32
        %add3A_662 = vector.broadcast %add3A_661 : f32 to vector<16xf32>
        %add3A_663 = arith.addf %mul3A_660, %add3A_662 : vector<16xf32>
        %mul3A_664 = arith.mulf %add3A_663, %mul3A_657 : vector<16xf32>
        %add3A_665 = arith.constant 0.00833333377 : f32
        %add3A_666 = vector.broadcast %add3A_665 : f32 to vector<16xf32>
        %add3A_667 = arith.addf %mul3A_664, %add3A_666 : vector<16xf32>
        %mul3A_668 = arith.mulf %add3A_667, %mul3A_657 : vector<16xf32>
        %add3A_669 = arith.constant -0.166666672 : f32
        %add3A_670 = vector.broadcast %add3A_669 : f32 to vector<16xf32>
        %add3A_671 = arith.addf %mul3A_668, %add3A_670 : vector<16xf32>
        %mul3A_672 = arith.mulf %add3A_671, %mul3A_657 : vector<16xf32>
        %add3A_673 = arith.constant 1.000000e+00 : f32
        %add3A_674 = vector.broadcast %add3A_673 : f32 to vector<16xf32>
        %add3A_675 = arith.addf %mul3A_672, %add3A_674 : vector<16xf32>
        %mul3A_676 = arith.mulf %add3A_675, %add3A_656 : vector<16xf32>
        %mul3A_677 = arith.mulf %get3A_646, %mul3A_676 : vector<16xf32>
        %get3A_678 = arith.index_cast %scan3A_398 : i32 to index
        %get3A_679 = arith.constant 80 : index
        %get3A_680 = tpu.vector_load %arg50[%get3A_678, %get3A_679] {strides = array<i32>} : memref<16x128xf32, #tpu.memory_space<vmem>>, vector<1x16xf32>,
        %get3A_681 = vector.shape_cast %get3A_680 : vector<1x16xf32> to vector<16xf32>
        %get3A_682 = arith.index_cast %scan3A_398 : i32 to index
        %get3A_683 = arith.constant 16 : index
        %get3A_684 = tpu.vector_load %arg48[%get3A_682, %get3A_683] {strides = array<i32>} : memref<16x128xf32, #tpu.memory_space<vmem>>, vector<1x16xf32>,
        %get3A_685 = vector.shape_cast %get3A_684 : vector<1x16xf32> to vector<16xf32>
        %mul3A_686 = arith.mulf %gather3A_405, %get3A_685 : vector<16xf32>
        %get3A_687 = arith.index_cast %scan3A_398 : i32 to index
        %get3A_688 = arith.constant 80 : index
        %get3A_689 = tpu.vector_load %arg48[%get3A_687, %get3A_688] {strides = array<i32>} : memref<16x128xf32, #tpu.memory_space<vmem>>, vector<1x16xf32>,
        %get3A_690 = vector.shape_cast %get3A_689 : vector<1x16xf32> to vector<16xf32>
        %add3A_691 = arith.addf %mul3A_686, %get3A_690 : vector<16xf32>
        %mul3A_692 = arith.mulf %add3A_691, %add3A_691 : vector<16xf32>
        %mul3A_693 = arith.constant 2.75573188E-6 : f32
        %mul3A_694 = vector.broadcast %mul3A_693 : f32 to vector<16xf32>
        %mul3A_695 = arith.mulf %mul3A_694, %mul3A_692 : vector<16xf32>
        %add3A_696 = arith.constant -1.98412701E-4 : f32
        %add3A_697 = vector.broadcast %add3A_696 : f32 to vector<16xf32>
        %add3A_698 = arith.addf %mul3A_695, %add3A_697 : vector<16xf32>
        %mul3A_699 = arith.mulf %add3A_698, %mul3A_692 : vector<16xf32>
        %add3A_700 = arith.constant 0.00833333377 : f32
        %add3A_701 = vector.broadcast %add3A_700 : f32 to vector<16xf32>
        %add3A_702 = arith.addf %mul3A_699, %add3A_701 : vector<16xf32>
        %mul3A_703 = arith.mulf %add3A_702, %mul3A_692 : vector<16xf32>
        %add3A_704 = arith.constant -0.166666672 : f32
        %add3A_705 = vector.broadcast %add3A_704 : f32 to vector<16xf32>
        %add3A_706 = arith.addf %mul3A_703, %add3A_705 : vector<16xf32>
        %mul3A_707 = arith.mulf %add3A_706, %mul3A_692 : vector<16xf32>
        %add3A_708 = arith.constant 1.000000e+00 : f32
        %add3A_709 = vector.broadcast %add3A_708 : f32 to vector<16xf32>
        %add3A_710 = arith.addf %mul3A_707, %add3A_709 : vector<16xf32>
        %mul3A_711 = arith.mulf %add3A_710, %add3A_691 : vector<16xf32>
        %mul3A_712 = arith.mulf %get3A_681, %mul3A_711 : vector<16xf32>
        %add3A_713 = arith.addf %mul3A_677, %mul3A_712 : vector<16xf32>
        %get3A_714 = arith.index_cast %scan3A_398 : i32 to index
        %get3A_715 = arith.constant 16 : index
        %get3A_716 = tpu.vector_load %arg43[%get3A_714, %get3A_715] {strides = array<i32>} : memref<16x64xf32, #tpu.memory_space<vmem>>, vector<1x16xf32>,
        %get3A_717 = vector.shape_cast %get3A_716 : vector<1x16xf32> to vector<16xf32>
        %get3A_718 = arith.index_cast %scan3A_398 : i32 to index
        %get3A_719 = arith.constant 16 : index
        %get3A_720 = tpu.vector_load %arg54[%get3A_718, %get3A_719] {strides = array<i32>} : memref<16x128xf32, #tpu.memory_space<vmem>>, vector<1x16xf32>,
        %get3A_721 = vector.shape_cast %get3A_720 : vector<1x16xf32> to vector<16xf32>
        %add3A_722 = arith.addf %get3A_717, %get3A_721 : vector<16xf32>
        %get3A_723 = arith.index_cast %scan3A_398 : i32 to index
        %get3A_724 = arith.constant 16 : index
        %get3A_725 = tpu.vector_load %arg44[%get3A_723, %get3A_724] {strides = array<i32>} : memref<16x64xf32, #tpu.memory_space<vmem>>, vector<1x16xf32>,
        %get3A_726 = vector.shape_cast %get3A_725 : vector<1x16xf32> to vector<16xf32>
        %sub3A_727 = arith.subf %add3A_722, %get3A_726 : vector<16xf32>
        %abs3A_728 = math.absf %sub3A_727 : vector<16xf32>
        %add3A_729 = arith.addf %add3A_571, %abs3A_728 : vector<16xf32>
        %get3A_730 = arith.index_cast %scan3A_398 : i32 to index
        %get3A_731 = arith.constant 80 : index
        %get3A_732 = tpu.vector_load %arg54[%get3A_730, %get3A_731] {strides = array<i32>} : memref<16x128xf32, #tpu.memory_space<vmem>>, vector<1x16xf32>,
        %get3A_733 = vector.shape_cast %get3A_732 : vector<1x16xf32> to vector<16xf32>
        %add3A_734 = arith.addf %add3A_642, %get3A_733 : vector<16xf32>
        %sub3A_735 = arith.subf %add3A_734, %add3A_713 : vector<16xf32>
        %abs3A_736 = math.absf %sub3A_735 : vector<16xf32>
        %add3A_737 = arith.addf %add3A_729, %abs3A_736 : vector<16xf32>
        %get3A_738 = arith.index_cast %scan3A_398 : i32 to index
        %get3A_739 = arith.constant 32 : index
        %get3A_740 = tpu.vector_load %arg49[%get3A_738, %get3A_739] {strides = array<i32>} : memref<16x128xf32, #tpu.memory_space<vmem>>, vector<1x16xf32>,
        %get3A_741 = vector.shape_cast %get3A_740 : vector<1x16xf32> to vector<16xf32>
        %get3A_742 = arith.index_cast %scan3A_398 : i32 to index
        %get3A_743 = arith.constant 32 : index
        %get3A_744 = tpu.vector_load %arg45[%get3A_742, %get3A_743] {strides = array<i32>} : memref<16x128xf32, #tpu.memory_space<vmem>>, vector<1x16xf32>,
        %get3A_745 = vector.shape_cast %get3A_744 : vector<1x16xf32> to vector<16xf32>
        %mul3A_746 = arith.mulf %gather3A_402, %get3A_745 : vector<16xf32>
        %get3A_747 = arith.index_cast %scan3A_398 : i32 to index
        %get3A_748 = arith.constant 96 : index
        %get3A_749 = tpu.vector_load %arg45[%get3A_747, %get3A_748] {strides = array<i32>} : memref<16x128xf32, #tpu.memory_space<vmem>>, vector<1x16xf32>,
        %get3A_750 = vector.shape_cast %get3A_749 : vector<1x16xf32> to vector<16xf32>
        %add3A_751 = arith.addf %mul3A_746, %get3A_750 : vector<16xf32>
        %mul3A_752 = arith.mulf %add3A_751, %add3A_751 : vector<16xf32>
        %mul3A_753 = arith.constant 2.75573188E-6 : f32
        %mul3A_754 = vector.broadcast %mul3A_753 : f32 to vector<16xf32>
        %mul3A_755 = arith.mulf %mul3A_754, %mul3A_752 : vector<16xf32>
        %add3A_756 = arith.constant -1.98412701E-4 : f32
        %add3A_757 = vector.broadcast %add3A_756 : f32 to vector<16xf32>
        %add3A_758 = arith.addf %mul3A_755, %add3A_757 : vector<16xf32>
        %mul3A_759 = arith.mulf %add3A_758, %mul3A_752 : vector<16xf32>
        %add3A_760 = arith.constant 0.00833333377 : f32
        %add3A_761 = vector.broadcast %add3A_760 : f32 to vector<16xf32>
        %add3A_762 = arith.addf %mul3A_759, %add3A_761 : vector<16xf32>
        %mul3A_763 = arith.mulf %add3A_762, %mul3A_752 : vector<16xf32>
        %add3A_764 = arith.constant -0.166666672 : f32
        %add3A_765 = vector.broadcast %add3A_764 : f32 to vector<16xf32>
        %add3A_766 = arith.addf %mul3A_763, %add3A_765 : vector<16xf32>
        %mul3A_767 = arith.mulf %add3A_766, %mul3A_752 : vector<16xf32>
        %add3A_768 = arith.constant 1.000000e+00 : f32
        %add3A_769 = vector.broadcast %add3A_768 : f32 to vector<16xf32>
        %add3A_770 = arith.addf %mul3A_767, %add3A_769 : vector<16xf32>
        %mul3A_771 = arith.mulf %add3A_770, %add3A_751 : vector<16xf32>
        %mul3A_772 = arith.mulf %get3A_741, %mul3A_771 : vector<16xf32>
        %get3A_773 = arith.index_cast %scan3A_398 : i32 to index
        %get3A_774 = arith.constant 96 : index
        %get3A_775 = tpu.vector_load %arg49[%get3A_773, %get3A_774] {strides = array<i32>} : memref<16x128xf32, #tpu.memory_space<vmem>>, vector<1x16xf32>,
        %get3A_776 = vector.shape_cast %get3A_775 : vector<1x16xf32> to vector<16xf32>
        %get3A_777 = arith.index_cast %scan3A_398 : i32 to index
        %get3A_778 = arith.constant 32 : index
        %get3A_779 = tpu.vector_load %arg47[%get3A_777, %get3A_778] {strides = array<i32>} : memref<16x128xf32, #tpu.memory_space<vmem>>, vector<1x16xf32>,
        %get3A_780 = vector.shape_cast %get3A_779 : vector<1x16xf32> to vector<16xf32>
        %mul3A_781 = arith.mulf %gather3A_405, %get3A_780 : vector<16xf32>
        %get3A_782 = arith.index_cast %scan3A_398 : i32 to index
        %get3A_783 = arith.constant 96 : index
        %get3A_784 = tpu.vector_load %arg47[%get3A_782, %get3A_783] {strides = array<i32>} : memref<16x128xf32, #tpu.memory_space<vmem>>, vector<1x16xf32>,
        %get3A_785 = vector.shape_cast %get3A_784 : vector<1x16xf32> to vector<16xf32>
        %add3A_786 = arith.addf %mul3A_781, %get3A_785 : vector<16xf32>
        %mul3A_787 = arith.mulf %add3A_786, %add3A_786 : vector<16xf32>
        %mul3A_788 = arith.constant 2.75573188E-6 : f32
        %mul3A_789 = vector.broadcast %mul3A_788 : f32 to vector<16xf32>
        %mul3A_790 = arith.mulf %mul3A_789, %mul3A_787 : vector<16xf32>
        %add3A_791 = arith.constant -1.98412701E-4 : f32
        %add3A_792 = vector.broadcast %add3A_791 : f32 to vector<16xf32>
        %add3A_793 = arith.addf %mul3A_790, %add3A_792 : vector<16xf32>
        %mul3A_794 = arith.mulf %add3A_793, %mul3A_787 : vector<16xf32>
        %add3A_795 = arith.constant 0.00833333377 : f32
        %add3A_796 = vector.broadcast %add3A_795 : f32 to vector<16xf32>
        %add3A_797 = arith.addf %mul3A_794, %add3A_796 : vector<16xf32>
        %mul3A_798 = arith.mulf %add3A_797, %mul3A_787 : vector<16xf32>
        %add3A_799 = arith.constant -0.166666672 : f32
        %add3A_800 = vector.broadcast %add3A_799 : f32 to vector<16xf32>
        %add3A_801 = arith.addf %mul3A_798, %add3A_800 : vector<16xf32>
        %mul3A_802 = arith.mulf %add3A_801, %mul3A_787 : vector<16xf32>
        %add3A_803 = arith.constant 1.000000e+00 : f32
        %add3A_804 = vector.broadcast %add3A_803 : f32 to vector<16xf32>
        %add3A_805 = arith.addf %mul3A_802, %add3A_804 : vector<16xf32>
        %mul3A_806 = arith.mulf %add3A_805, %add3A_786 : vector<16xf32>
        %mul3A_807 = arith.mulf %get3A_776, %mul3A_806 : vector<16xf32>
        %add3A_808 = arith.addf %mul3A_772, %mul3A_807 : vector<16xf32>
        %get3A_809 = arith.index_cast %scan3A_398 : i32 to index
        %get3A_810 = arith.constant 32 : index
        %get3A_811 = tpu.vector_load %arg50[%get3A_809, %get3A_810] {strides = array<i32>} : memref<16x128xf32, #tpu.memory_space<vmem>>, vector<1x16xf32>,
        %get3A_812 = vector.shape_cast %get3A_811 : vector<1x16xf32> to vector<16xf32>
        %get3A_813 = arith.index_cast %scan3A_398 : i32 to index
        %get3A_814 = arith.constant 32 : index
        %get3A_815 = tpu.vector_load %arg46[%get3A_813, %get3A_814] {strides = array<i32>} : memref<16x128xf32, #tpu.memory_space<vmem>>, vector<1x16xf32>,
        %get3A_816 = vector.shape_cast %get3A_815 : vector<1x16xf32> to vector<16xf32>
        %mul3A_817 = arith.mulf %gather3A_402, %get3A_816 : vector<16xf32>
        %get3A_818 = arith.index_cast %scan3A_398 : i32 to index
        %get3A_819 = arith.constant 96 : index
        %get3A_820 = tpu.vector_load %arg46[%get3A_818, %get3A_819] {strides = array<i32>} : memref<16x128xf32, #tpu.memory_space<vmem>>, vector<1x16xf32>,
        %get3A_821 = vector.shape_cast %get3A_820 : vector<1x16xf32> to vector<16xf32>
        %add3A_822 = arith.addf %mul3A_817, %get3A_821 : vector<16xf32>
        %mul3A_823 = arith.mulf %add3A_822, %add3A_822 : vector<16xf32>
        %mul3A_824 = arith.constant 2.75573188E-6 : f32
        %mul3A_825 = vector.broadcast %mul3A_824 : f32 to vector<16xf32>
        %mul3A_826 = arith.mulf %mul3A_825, %mul3A_823 : vector<16xf32>
        %add3A_827 = arith.constant -1.98412701E-4 : f32
        %add3A_828 = vector.broadcast %add3A_827 : f32 to vector<16xf32>
        %add3A_829 = arith.addf %mul3A_826, %add3A_828 : vector<16xf32>
        %mul3A_830 = arith.mulf %add3A_829, %mul3A_823 : vector<16xf32>
        %add3A_831 = arith.constant 0.00833333377 : f32
        %add3A_832 = vector.broadcast %add3A_831 : f32 to vector<16xf32>
        %add3A_833 = arith.addf %mul3A_830, %add3A_832 : vector<16xf32>
        %mul3A_834 = arith.mulf %add3A_833, %mul3A_823 : vector<16xf32>
        %add3A_835 = arith.constant -0.166666672 : f32
        %add3A_836 = vector.broadcast %add3A_835 : f32 to vector<16xf32>
        %add3A_837 = arith.addf %mul3A_834, %add3A_836 : vector<16xf32>
        %mul3A_838 = arith.mulf %add3A_837, %mul3A_823 : vector<16xf32>
        %add3A_839 = arith.constant 1.000000e+00 : f32
        %add3A_840 = vector.broadcast %add3A_839 : f32 to vector<16xf32>
        %add3A_841 = arith.addf %mul3A_838, %add3A_840 : vector<16xf32>
        %mul3A_842 = arith.mulf %add3A_841, %add3A_822 : vector<16xf32>
        %mul3A_843 = arith.mulf %get3A_812, %mul3A_842 : vector<16xf32>
        %get3A_844 = arith.index_cast %scan3A_398 : i32 to index
        %get3A_845 = arith.constant 96 : index
        %get3A_846 = tpu.vector_load %arg50[%get3A_844, %get3A_845] {strides = array<i32>} : memref<16x128xf32, #tpu.memory_space<vmem>>, vector<1x16xf32>,
        %get3A_847 = vector.shape_cast %get3A_846 : vector<1x16xf32> to vector<16xf32>
        %get3A_848 = arith.index_cast %scan3A_398 : i32 to index
        %get3A_849 = arith.constant 32 : index
        %get3A_850 = tpu.vector_load %arg48[%get3A_848, %get3A_849] {strides = array<i32>} : memref<16x128xf32, #tpu.memory_space<vmem>>, vector<1x16xf32>,
        %get3A_851 = vector.shape_cast %get3A_850 : vector<1x16xf32> to vector<16xf32>
        %mul3A_852 = arith.mulf %gather3A_405, %get3A_851 : vector<16xf32>
        %get3A_853 = arith.index_cast %scan3A_398 : i32 to index
        %get3A_854 = arith.constant 96 : index
        %get3A_855 = tpu.vector_load %arg48[%get3A_853, %get3A_854] {strides = array<i32>} : memref<16x128xf32, #tpu.memory_space<vmem>>, vector<1x16xf32>,
        %get3A_856 = vector.shape_cast %get3A_855 : vector<1x16xf32> to vector<16xf32>
        %add3A_857 = arith.addf %mul3A_852, %get3A_856 : vector<16xf32>
        %mul3A_858 = arith.mulf %add3A_857, %add3A_857 : vector<16xf32>
        %mul3A_859 = arith.constant 2.75573188E-6 : f32
        %mul3A_860 = vector.broadcast %mul3A_859 : f32 to vector<16xf32>
        %mul3A_861 = arith.mulf %mul3A_860, %mul3A_858 : vector<16xf32>
        %add3A_862 = arith.constant -1.98412701E-4 : f32
        %add3A_863 = vector.broadcast %add3A_862 : f32 to vector<16xf32>
        %add3A_864 = arith.addf %mul3A_861, %add3A_863 : vector<16xf32>
        %mul3A_865 = arith.mulf %add3A_864, %mul3A_858 : vector<16xf32>
        %add3A_866 = arith.constant 0.00833333377 : f32
        %add3A_867 = vector.broadcast %add3A_866 : f32 to vector<16xf32>
        %add3A_868 = arith.addf %mul3A_865, %add3A_867 : vector<16xf32>
        %mul3A_869 = arith.mulf %add3A_868, %mul3A_858 : vector<16xf32>
        %add3A_870 = arith.constant -0.166666672 : f32
        %add3A_871 = vector.broadcast %add3A_870 : f32 to vector<16xf32>
        %add3A_872 = arith.addf %mul3A_869, %add3A_871 : vector<16xf32>
        %mul3A_873 = arith.mulf %add3A_872, %mul3A_858 : vector<16xf32>
        %add3A_874 = arith.constant 1.000000e+00 : f32
        %add3A_875 = vector.broadcast %add3A_874 : f32 to vector<16xf32>
        %add3A_876 = arith.addf %mul3A_873, %add3A_875 : vector<16xf32>
        %mul3A_877 = arith.mulf %add3A_876, %add3A_857 : vector<16xf32>
        %mul3A_878 = arith.mulf %get3A_847, %mul3A_877 : vector<16xf32>
        %add3A_879 = arith.addf %mul3A_843, %mul3A_878 : vector<16xf32>
        %get3A_880 = arith.index_cast %scan3A_398 : i32 to index
        %get3A_881 = arith.constant 32 : index
        %get3A_882 = tpu.vector_load %arg43[%get3A_880, %get3A_881] {strides = array<i32>} : memref<16x64xf32, #tpu.memory_space<vmem>>, vector<1x16xf32>,
        %get3A_883 = vector.shape_cast %get3A_882 : vector<1x16xf32> to vector<16xf32>
        %get3A_884 = arith.index_cast %scan3A_398 : i32 to index
        %get3A_885 = arith.constant 32 : index
        %get3A_886 = tpu.vector_load %arg54[%get3A_884, %get3A_885] {strides = array<i32>} : memref<16x128xf32, #tpu.memory_space<vmem>>, vector<1x16xf32>,
        %get3A_887 = vector.shape_cast %get3A_886 : vector<1x16xf32> to vector<16xf32>
        %add3A_888 = arith.addf %get3A_883, %get3A_887 : vector<16xf32>
        %get3A_889 = arith.index_cast %scan3A_398 : i32 to index
        %get3A_890 = arith.constant 32 : index
        %get3A_891 = tpu.vector_load %arg44[%get3A_889, %get3A_890] {strides = array<i32>} : memref<16x64xf32, #tpu.memory_space<vmem>>, vector<1x16xf32>,
        %get3A_892 = vector.shape_cast %get3A_891 : vector<1x16xf32> to vector<16xf32>
        %sub3A_893 = arith.subf %add3A_888, %get3A_892 : vector<16xf32>
        %abs3A_894 = math.absf %sub3A_893 : vector<16xf32>
        %add3A_895 = arith.addf %add3A_737, %abs3A_894 : vector<16xf32>
        %get3A_896 = arith.index_cast %scan3A_398 : i32 to index
        %get3A_897 = arith.constant 96 : index
        %get3A_898 = tpu.vector_load %arg54[%get3A_896, %get3A_897] {strides = array<i32>} : memref<16x128xf32, #tpu.memory_space<vmem>>, vector<1x16xf32>,
        %get3A_899 = vector.shape_cast %get3A_898 : vector<1x16xf32> to vector<16xf32>
        %add3A_900 = arith.addf %add3A_808, %get3A_899 : vector<16xf32>
        %sub3A_901 = arith.subf %add3A_900, %add3A_879 : vector<16xf32>
        %abs3A_902 = math.absf %sub3A_901 : vector<16xf32>
        %add3A_903 = arith.addf %add3A_895, %abs3A_902 : vector<16xf32>
        %get3A_904 = arith.index_cast %scan3A_398 : i32 to index
        %get3A_905 = arith.constant 48 : index
        %get3A_906 = tpu.vector_load %arg49[%get3A_904, %get3A_905] {strides = array<i32>} : memref<16x128xf32, #tpu.memory_space<vmem>>, vector<1x16xf32>,
        %get3A_907 = vector.shape_cast %get3A_906 : vector<1x16xf32> to vector<16xf32>
        %get3A_908 = arith.index_cast %scan3A_398 : i32 to index
        %get3A_909 = arith.constant 48 : index
        %get3A_910 = tpu.vector_load %arg45[%get3A_908, %get3A_909] {strides = array<i32>} : memref<16x128xf32, #tpu.memory_space<vmem>>, vector<1x16xf32>,
        %get3A_911 = vector.shape_cast %get3A_910 : vector<1x16xf32> to vector<16xf32>
        %mul3A_912 = arith.mulf %gather3A_402, %get3A_911 : vector<16xf32>
        %get3A_913 = arith.index_cast %scan3A_398 : i32 to index
        %get3A_914 = arith.constant 112 : index
        %get3A_915 = tpu.vector_load %arg45[%get3A_913, %get3A_914] {strides = array<i32>} : memref<16x128xf32, #tpu.memory_space<vmem>>, vector<1x16xf32>,
        %get3A_916 = vector.shape_cast %get3A_915 : vector<1x16xf32> to vector<16xf32>
        %add3A_917 = arith.addf %mul3A_912, %get3A_916 : vector<16xf32>
        %mul3A_918 = arith.mulf %add3A_917, %add3A_917 : vector<16xf32>
        %mul3A_919 = arith.constant 2.75573188E-6 : f32
        %mul3A_920 = vector.broadcast %mul3A_919 : f32 to vector<16xf32>
        %mul3A_921 = arith.mulf %mul3A_920, %mul3A_918 : vector<16xf32>
        %add3A_922 = arith.constant -1.98412701E-4 : f32
        %add3A_923 = vector.broadcast %add3A_922 : f32 to vector<16xf32>
        %add3A_924 = arith.addf %mul3A_921, %add3A_923 : vector<16xf32>
        %mul3A_925 = arith.mulf %add3A_924, %mul3A_918 : vector<16xf32>
        %add3A_926 = arith.constant 0.00833333377 : f32
        %add3A_927 = vector.broadcast %add3A_926 : f32 to vector<16xf32>
        %add3A_928 = arith.addf %mul3A_925, %add3A_927 : vector<16xf32>
        %mul3A_929 = arith.mulf %add3A_928, %mul3A_918 : vector<16xf32>
        %add3A_930 = arith.constant -0.166666672 : f32
        %add3A_931 = vector.broadcast %add3A_930 : f32 to vector<16xf32>
        %add3A_932 = arith.addf %mul3A_929, %add3A_931 : vector<16xf32>
        %mul3A_933 = arith.mulf %add3A_932, %mul3A_918 : vector<16xf32>
        %add3A_934 = arith.constant 1.000000e+00 : f32
        %add3A_935 = vector.broadcast %add3A_934 : f32 to vector<16xf32>
        %add3A_936 = arith.addf %mul3A_933, %add3A_935 : vector<16xf32>
        %mul3A_937 = arith.mulf %add3A_936, %add3A_917 : vector<16xf32>
        %mul3A_938 = arith.mulf %get3A_907, %mul3A_937 : vector<16xf32>
        %get3A_939 = arith.index_cast %scan3A_398 : i32 to index
        %get3A_940 = arith.constant 112 : index
        %get3A_941 = tpu.vector_load %arg49[%get3A_939, %get3A_940] {strides = array<i32>} : memref<16x128xf32, #tpu.memory_space<vmem>>, vector<1x16xf32>,
        %get3A_942 = vector.shape_cast %get3A_941 : vector<1x16xf32> to vector<16xf32>
        %get3A_943 = arith.index_cast %scan3A_398 : i32 to index
        %get3A_944 = arith.constant 48 : index
        %get3A_945 = tpu.vector_load %arg47[%get3A_943, %get3A_944] {strides = array<i32>} : memref<16x128xf32, #tpu.memory_space<vmem>>, vector<1x16xf32>,
        %get3A_946 = vector.shape_cast %get3A_945 : vector<1x16xf32> to vector<16xf32>
        %mul3A_947 = arith.mulf %gather3A_405, %get3A_946 : vector<16xf32>
        %get3A_948 = arith.index_cast %scan3A_398 : i32 to index
        %get3A_949 = arith.constant 112 : index
        %get3A_950 = tpu.vector_load %arg47[%get3A_948, %get3A_949] {strides = array<i32>} : memref<16x128xf32, #tpu.memory_space<vmem>>, vector<1x16xf32>,
        %get3A_951 = vector.shape_cast %get3A_950 : vector<1x16xf32> to vector<16xf32>
        %add3A_952 = arith.addf %mul3A_947, %get3A_951 : vector<16xf32>
        %mul3A_953 = arith.mulf %add3A_952, %add3A_952 : vector<16xf32>
        %mul3A_954 = arith.constant 2.75573188E-6 : f32
        %mul3A_955 = vector.broadcast %mul3A_954 : f32 to vector<16xf32>
        %mul3A_956 = arith.mulf %mul3A_955, %mul3A_953 : vector<16xf32>
        %add3A_957 = arith.constant -1.98412701E-4 : f32
        %add3A_958 = vector.broadcast %add3A_957 : f32 to vector<16xf32>
        %add3A_959 = arith.addf %mul3A_956, %add3A_958 : vector<16xf32>
        %mul3A_960 = arith.mulf %add3A_959, %mul3A_953 : vector<16xf32>
        %add3A_961 = arith.constant 0.00833333377 : f32
        %add3A_962 = vector.broadcast %add3A_961 : f32 to vector<16xf32>
        %add3A_963 = arith.addf %mul3A_960, %add3A_962 : vector<16xf32>
        %mul3A_964 = arith.mulf %add3A_963, %mul3A_953 : vector<16xf32>
        %add3A_965 = arith.constant -0.166666672 : f32
        %add3A_966 = vector.broadcast %add3A_965 : f32 to vector<16xf32>
        %add3A_967 = arith.addf %mul3A_964, %add3A_966 : vector<16xf32>
        %mul3A_968 = arith.mulf %add3A_967, %mul3A_953 : vector<16xf32>
        %add3A_969 = arith.constant 1.000000e+00 : f32
        %add3A_970 = vector.broadcast %add3A_969 : f32 to vector<16xf32>
        %add3A_971 = arith.addf %mul3A_968, %add3A_970 : vector<16xf32>
        %mul3A_972 = arith.mulf %add3A_971, %add3A_952 : vector<16xf32>
        %mul3A_973 = arith.mulf %get3A_942, %mul3A_972 : vector<16xf32>
        %add3A_974 = arith.addf %mul3A_938, %mul3A_973 : vector<16xf32>
        %get3A_975 = arith.index_cast %scan3A_398 : i32 to index
        %get3A_976 = arith.constant 48 : index
        %get3A_977 = tpu.vector_load %arg50[%get3A_975, %get3A_976] {strides = array<i32>} : memref<16x128xf32, #tpu.memory_space<vmem>>, vector<1x16xf32>,
        %get3A_978 = vector.shape_cast %get3A_977 : vector<1x16xf32> to vector<16xf32>
        %get3A_979 = arith.index_cast %scan3A_398 : i32 to index
        %get3A_980 = arith.constant 48 : index
        %get3A_981 = tpu.vector_load %arg46[%get3A_979, %get3A_980] {strides = array<i32>} : memref<16x128xf32, #tpu.memory_space<vmem>>, vector<1x16xf32>,
        %get3A_982 = vector.shape_cast %get3A_981 : vector<1x16xf32> to vector<16xf32>
        %mul3A_983 = arith.mulf %gather3A_402, %get3A_982 : vector<16xf32>
        %get3A_984 = arith.index_cast %scan3A_398 : i32 to index
        %get3A_985 = arith.constant 112 : index
        %get3A_986 = tpu.vector_load %arg46[%get3A_984, %get3A_985] {strides = array<i32>} : memref<16x128xf32, #tpu.memory_space<vmem>>, vector<1x16xf32>,
        %get3A_987 = vector.shape_cast %get3A_986 : vector<1x16xf32> to vector<16xf32>
        %add3A_988 = arith.addf %mul3A_983, %get3A_987 : vector<16xf32>
        %mul3A_989 = arith.mulf %add3A_988, %add3A_988 : vector<16xf32>
        %mul3A_990 = arith.constant 2.75573188E-6 : f32
        %mul3A_991 = vector.broadcast %mul3A_990 : f32 to vector<16xf32>
        %mul3A_992 = arith.mulf %mul3A_991, %mul3A_989 : vector<16xf32>
        %add3A_993 = arith.constant -1.98412701E-4 : f32
        %add3A_994 = vector.broadcast %add3A_993 : f32 to vector<16xf32>
        %add3A_995 = arith.addf %mul3A_992, %add3A_994 : vector<16xf32>
        %mul3A_996 = arith.mulf %add3A_995, %mul3A_989 : vector<16xf32>
        %add3A_997 = arith.constant 0.00833333377 : f32
        %add3A_998 = vector.broadcast %add3A_997 : f32 to vector<16xf32>
        %add3A_999 = arith.addf %mul3A_996, %add3A_998 : vector<16xf32>
        %mul3A_1000 = arith.mulf %add3A_999, %mul3A_989 : vector<16xf32>
        %add3A_1001 = arith.constant -0.166666672 : f32
        %add3A_1002 = vector.broadcast %add3A_1001 : f32 to vector<16xf32>
        %add3A_1003 = arith.addf %mul3A_1000, %add3A_1002 : vector<16xf32>
        %mul3A_1004 = arith.mulf %add3A_1003, %mul3A_989 : vector<16xf32>
        %add3A_1005 = arith.constant 1.000000e+00 : f32
        %add3A_1006 = vector.broadcast %add3A_1005 : f32 to vector<16xf32>
        %add3A_1007 = arith.addf %mul3A_1004, %add3A_1006 : vector<16xf32>
        %mul3A_1008 = arith.mulf %add3A_1007, %add3A_988 : vector<16xf32>
        %mul3A_1009 = arith.mulf %get3A_978, %mul3A_1008 : vector<16xf32>
        %get3A_1010 = arith.index_cast %scan3A_398 : i32 to index
        %get3A_1011 = arith.constant 112 : index
        %get3A_1012 = tpu.vector_load %arg50[%get3A_1010, %get3A_1011] {strides = array<i32>} : memref<16x128xf32, #tpu.memory_space<vmem>>, vector<1x16xf32>,
        %get3A_1013 = vector.shape_cast %get3A_1012 : vector<1x16xf32> to vector<16xf32>
        %get3A_1014 = arith.index_cast %scan3A_398 : i32 to index
        %get3A_1015 = arith.constant 48 : index
        %get3A_1016 = tpu.vector_load %arg48[%get3A_1014, %get3A_1015] {strides = array<i32>} : memref<16x128xf32, #tpu.memory_space<vmem>>, vector<1x16xf32>,
        %get3A_1017 = vector.shape_cast %get3A_1016 : vector<1x16xf32> to vector<16xf32>
        %mul3A_1018 = arith.mulf %gather3A_405, %get3A_1017 : vector<16xf32>
        %get3A_1019 = arith.index_cast %scan3A_398 : i32 to index
        %get3A_1020 = arith.constant 112 : index
        %get3A_1021 = tpu.vector_load %arg48[%get3A_1019, %get3A_1020] {strides = array<i32>} : memref<16x128xf32, #tpu.memory_space<vmem>>, vector<1x16xf32>,
        %get3A_1022 = vector.shape_cast %get3A_1021 : vector<1x16xf32> to vector<16xf32>
        %add3A_1023 = arith.addf %mul3A_1018, %get3A_1022 : vector<16xf32>
        %mul3A_1024 = arith.mulf %add3A_1023, %add3A_1023 : vector<16xf32>
        %mul3A_1025 = arith.constant 2.75573188E-6 : f32
        %mul3A_1026 = vector.broadcast %mul3A_1025 : f32 to vector<16xf32>
        %mul3A_1027 = arith.mulf %mul3A_1026, %mul3A_1024 : vector<16xf32>
        %add3A_1028 = arith.constant -1.98412701E-4 : f32
        %add3A_1029 = vector.broadcast %add3A_1028 : f32 to vector<16xf32>
        %add3A_1030 = arith.addf %mul3A_1027, %add3A_1029 : vector<16xf32>
        %mul3A_1031 = arith.mulf %add3A_1030, %mul3A_1024 : vector<16xf32>
        %add3A_1032 = arith.constant 0.00833333377 : f32
        %add3A_1033 = vector.broadcast %add3A_1032 : f32 to vector<16xf32>
        %add3A_1034 = arith.addf %mul3A_1031, %add3A_1033 : vector<16xf32>
        %mul3A_1035 = arith.mulf %add3A_1034, %mul3A_1024 : vector<16xf32>
        %add3A_1036 = arith.constant -0.166666672 : f32
        %add3A_1037 = vector.broadcast %add3A_1036 : f32 to vector<16xf32>
        %add3A_1038 = arith.addf %mul3A_1035, %add3A_1037 : vector<16xf32>
        %mul3A_1039 = arith.mulf %add3A_1038, %mul3A_1024 : vector<16xf32>
        %add3A_1040 = arith.constant 1.000000e+00 : f32
        %add3A_1041 = vector.broadcast %add3A_1040 : f32 to vector<16xf32>
        %add3A_1042 = arith.addf %mul3A_1039, %add3A_1041 : vector<16xf32>
        %mul3A_1043 = arith.mulf %add3A_1042, %add3A_1023 : vector<16xf32>
        %mul3A_1044 = arith.mulf %get3A_1013, %mul3A_1043 : vector<16xf32>
        %add3A_1045 = arith.addf %mul3A_1009, %mul3A_1044 : vector<16xf32>
        %get3A_1046 = arith.index_cast %scan3A_398 : i32 to index
        %get3A_1047 = arith.constant 48 : index
        %get3A_1048 = tpu.vector_load %arg43[%get3A_1046, %get3A_1047] {strides = array<i32>} : memref<16x64xf32, #tpu.memory_space<vmem>>, vector<1x16xf32>,
        %get3A_1049 = vector.shape_cast %get3A_1048 : vector<1x16xf32> to vector<16xf32>
        %get3A_1050 = arith.index_cast %scan3A_398 : i32 to index
        %get3A_1051 = arith.constant 48 : index
        %get3A_1052 = tpu.vector_load %arg54[%get3A_1050, %get3A_1051] {strides = array<i32>} : memref<16x128xf32, #tpu.memory_space<vmem>>, vector<1x16xf32>,
        %get3A_1053 = vector.shape_cast %get3A_1052 : vector<1x16xf32> to vector<16xf32>
        %add3A_1054 = arith.addf %get3A_1049, %get3A_1053 : vector<16xf32>
        %get3A_1055 = arith.index_cast %scan3A_398 : i32 to index
        %get3A_1056 = arith.constant 48 : index
        %get3A_1057 = tpu.vector_load %arg44[%get3A_1055, %get3A_1056] {strides = array<i32>} : memref<16x64xf32, #tpu.memory_space<vmem>>, vector<1x16xf32>,
        %get3A_1058 = vector.shape_cast %get3A_1057 : vector<1x16xf32> to vector<16xf32>
        %sub3A_1059 = arith.subf %add3A_1054, %get3A_1058 : vector<16xf32>
        %abs3A_1060 = math.absf %sub3A_1059 : vector<16xf32>
        %add3A_1061 = arith.addf %add3A_903, %abs3A_1060 : vector<16xf32>
        %get3A_1062 = arith.index_cast %scan3A_398 : i32 to index
        %get3A_1063 = arith.constant 112 : index
        %get3A_1064 = tpu.vector_load %arg54[%get3A_1062, %get3A_1063] {strides = array<i32>} : memref<16x128xf32, #tpu.memory_space<vmem>>, vector<1x16xf32>,
        %get3A_1065 = vector.shape_cast %get3A_1064 : vector<1x16xf32> to vector<16xf32>
        %add3A_1066 = arith.addf %add3A_974, %get3A_1065 : vector<16xf32>
        %sub3A_1067 = arith.subf %add3A_1066, %add3A_1045 : vector<16xf32>
        %abs3A_1068 = math.absf %sub3A_1067 : vector<16xf32>
        %add3A_1069 = arith.addf %add3A_1061, %abs3A_1068 : vector<16xf32>
        %eq3A = vector.broadcast %scan3A_398 : i32 to vector<16xi32>
        %eq3A_1070 = arith.cmpi eq, %iota3A, %eq3A : vector<16xi32>
        %iota3A_1071 = tpu.iota {dimensions = array<i32: 0>} : vector<16xi32>
        %xor3A = arith.constant 8 : i32
        %xor3A_1072 = vector.broadcast %xor3A : i32 to vector<16xi32>
        %xor3A_1073 = arith.xori %iota3A_1071, %xor3A_1072 : vector<16xi32>
        %broadcast_in_dim3A_1074 = vector.shape_cast %xor3A_1073 : vector<16xi32> to vector<16x1xi32>
        %gather3A_1075 = vector.shape_cast %broadcast_in_dim3A_1074 : vector<16x1xi32> to vector<16xi32>
        %gather3A_1076 = tpu.dynamic_gather %add3A_1069[%gather3A_1075] in [0] : vector<16xf32>, vector<16xi32> -> vector<16xf32>
        %add3A_1077 = arith.addf %add3A_1069, %gather3A_1076 : vector<16xf32>
        %xor3A_1078 = arith.constant 4 : i32
        %xor3A_1079 = vector.broadcast %xor3A_1078 : i32 to vector<16xi32>
        %xor3A_1080 = arith.xori %iota3A_1071, %xor3A_1079 : vector<16xi32>
        %broadcast_in_dim3A_1081 = vector.shape_cast %xor3A_1080 : vector<16xi32> to vector<16x1xi32>
        %gather3A_1082 = vector.shape_cast %broadcast_in_dim3A_1081 : vector<16x1xi32> to vector<16xi32>
        %gather3A_1083 = tpu.dynamic_gather %add3A_1077[%gather3A_1082] in [0] : vector<16xf32>, vector<16xi32> -> vector<16xf32>
        %add3A_1084 = arith.addf %add3A_1077, %gather3A_1083 : vector<16xf32>
        %xor3A_1085 = arith.constant 2 : i32
        %xor3A_1086 = vector.broadcast %xor3A_1085 : i32 to vector<16xi32>
        %xor3A_1087 = arith.xori %iota3A_1071, %xor3A_1086 : vector<16xi32>
        %broadcast_in_dim3A_1088 = vector.shape_cast %xor3A_1087 : vector<16xi32> to vector<16x1xi32>
        %gather3A_1089 = vector.shape_cast %broadcast_in_dim3A_1088 : vector<16x1xi32> to vector<16xi32>
        %gather3A_1090 = tpu.dynamic_gather %add3A_1084[%gather3A_1089] in [0] : vector<16xf32>, vector<16xi32> -> vector<16xf32>
        %add3A_1091 = arith.addf %add3A_1084, %gather3A_1090 : vector<16xf32>
        %xor3A_1092 = arith.constant 1 : i32
        %xor3A_1093 = vector.broadcast %xor3A_1092 : i32 to vector<16xi32>
        %xor3A_1094 = arith.xori %iota3A_1071, %xor3A_1093 : vector<16xi32>
        %broadcast_in_dim3A_1095 = vector.shape_cast %xor3A_1094 : vector<16xi32> to vector<16x1xi32>
        %gather3A_1096 = vector.shape_cast %broadcast_in_dim3A_1095 : vector<16x1xi32> to vector<16xi32>
        %gather3A_1097 = tpu.dynamic_gather %add3A_1091[%gather3A_1096] in [0] : vector<16xf32>, vector<16xi32> -> vector<16xf32>
        %add3A_1098 = arith.addf %add3A_1091, %gather3A_1097 : vector<16xf32>
        %neg3A = arith.constant 0.000000e+00 : f32
        %neg3A_1099 = vector.broadcast %neg3A : f32 to vector<16xf32>
        %neg3A_1100 = arith.subf %neg3A_1099, %add3A_1098 : vector<16xf32>
        %select_n3A = arith.select %eq3A_1070, %neg3A_1100, %scan3A_399 : vector<16xi1>, vector<16xf32>
        scf.yield %select_n3A : vector<16xf32>
      }
      %scan3A_392 = arith.constant 16 : i32
      %swap3A_393 = arith.index_cast %mul3A_378 : i32 to index
      %swap3A_394 = tpu.vector_load %arg18[%swap3A_393] {strides = array<i32>} : memref<512xf32, #tpu.memory_space<vmem>>, vector<16xf32>,
      %swap3A_395 = vector.shape_cast %swap3A_394 : vector<16xf32> to vector<16xf32>
      %swap3A_396 = vector.shape_cast %scan3A_391 : vector<16xf32> to vector<16xf32>
      tpu.vector_store %arg18[%swap3A_393], %swap3A_396 {strides = array<i32>} : memref<512xf32, #tpu.memory_space<vmem>>, vector<16xf32>,
      %scan3A_397 = arith.constant 0 : i32
      scf.yield %scan3A_397 : i32
    }
    %scan3A_97 = arith.constant 8 : i32
    "tpu.region"() ({
      %run_scoped3A = tpu.sem_alloc : memref<!tpu.dma_semaphore, #tpu.memory_space<semaphore_mem>>
      %dma_start3A_98 = tpu.memref_slice %arg12[%mul3A_2] : memref<16384xf32, #tpu.memory_space<hbm>> -> memref<512xf32, #tpu.memory_space<hbm>>
      %dma_start3A_99 = tpu.memref_slice %arg12[%mul3A_2] : memref<16384xf32, #tpu.memory_space<hbm>> -> memref<512xf32, #tpu.memory_space<hbm>>
      tpu.enqueue_dma source(%arg18 : memref<512xf32, #tpu.memory_space<vmem>>) target(%dma_start3A_99 : memref<512xf32, #tpu.memory_space<hbm>>) target_semaphore(%run_scoped3A : memref<!tpu.dma_semaphore, #tpu.memory_space<semaphore_mem>>)
      %dma_wait3A = tpu.memref_slice %arg12[%mul3A_2] : memref<16384xf32, #tpu.memory_space<hbm>> -> memref<512xf32, #tpu.memory_space<hbm>>
      %dma_wait3A_100 = tpu.memref_slice %arg12[%mul3A_2] : memref<16384xf32, #tpu.memory_space<hbm>> -> memref<512xf32, #tpu.memory_space<hbm>>
      tpu.wait_dma2 semaphore(%run_scoped3A : memref<!tpu.dma_semaphore, #tpu.memory_space<semaphore_mem>>) src(%arg18 : memref<512xf32, #tpu.memory_space<vmem>>) dst(%dma_wait3A_100 : memref<512xf32, #tpu.memory_space<hbm>>)
      tpu.yield
    }) : () -> ()
    return
  }
}

</mosaic_0001>

<sc_bundles>
// kernel: kernel.3.cloned.1.call-start
scs
__scs_entry_jumppad:
0x0: {  	(pc) =	sbr.rel $0x88, $3  }
0x1: {  	(tag) =	ssettag $0x0;
	lr =	simm.s32 $0x1  }
0x2: {  	[smem:$0x3F95] =	sst lr;
	_ =	strace $0xD0000000  }
0x3: {  	_ = 	snop  }
0x4: {  	_ = 	snop  }
0x5: {  	_ = 	snop  }
0x6: {  	_ = 	snop  }
0x7: {  	_ = 	snop  }
__scs_overlays_trampoline_lowered:
0x8: {  	[smem:$0x3FA4] =	sst s0  }
0x9: {  	[smem:$0x3FA5] =	sst s1  }
0xa: {  	[smem:$0x3FA6] =	sst s2  }
0xb: {  	[smem:$0x3FA7] =	sst s3  }
0xc: {  	[smem:$0x3FA8] =	sst s4  }
0xd: {  	[smem:$0x3FA9] =	sst s5  }
0xe: {  	[smem:$0x3FAA] =	sst s6  }
0xf: {  	[smem:$0x3FAB] =	sst s7  }
0x10: {  	[smem:$0x3FAC] =	sst s8  }
0x11: {  	[smem:$0x3FAD] =	sst s9;
	s0 =	simm.s32 @!p0 $0x0  }
0x12: {  	s1 =	sld [smem:$0x3F93];
	s0 =	simm.s32 @p0 $0x1  }
0x13: {  	[smem:$0x3FAE] =	sst s0;
	s0 =	simm.s32 @!p1 $0x0  }
0x14: {  	s2 =	sld [smem:$0x3F92];
	s0 =	simm.s32 @p1 $0x1  }
0x15: {  	[smem:$0x3FAF] =	sst s0;
	s0 =	simm.s32 @!p2 $0x0  }
0x16: {  	s3 =	sld [smem:$0x3FDB];
	s0 =	simm.s32 @p2 $0x1  }
0x17: {  	s4 =	simm.s32 $0x1BF5;
	[smem:$0x3FB1] =	sst s0  }
0x18: {  	s0 =	sld [smem:$0x3F94];
	_ =	swait.ge [sflag:s4], $0x0  }
0x19: {  	s7 =	sld [smem:$0x3F95]  }
0x1a: {  	s8 =	sadd.s32 $0xFFFFE003, lr  }
0x1b: {  	s9 =	sadd.s32 $0xFFFFFEF7, lr;
	s5 =	simm.s32 $0xFFFFFFFF;
	p2 =	slt.u32 s8, $0xFFFFF086  }
0x1c: {  	p1 =	slt.u32 s9, $0xF7A;
	s5 =	simm.s32 @!p2 $0x0  }
0x1d: {  	s5 =	simm.s32 @p1 $0x1;
	p0 =	seq.s32 s7, s2  }
0x1e: {  	s7 =	smul.u32 @!p0 $0xF7A, s2;
	p2 =	seq.s32 @!p0 s5, $0x0  }
0x1f: {  	s9 =	smul.u32 $0xF7A, s1;
	s8 =	simm.s32 @!p0 $0x1BF5;
	p2 =	por !p2, p0  }
0x20: {  	[sflag:s8] =	ssyncset.s32 @!p0 $0xFFFFF086;
	s6 =	sadd.s32 @!p0 s3, s7;
	s7 =	simm.s32 @!p0 $0x108  }
0x21: {  	s3 =	sadd.s32 s3, s9;
	s6 =	sadd.s32 @!p0 $0x88, s6;
	s7 =	simm.s32 @p2 $0x1082  }
0x22: {  	[simem:s7], [sflag:s8] =	dma.local @!p0 [hbm:s6], $0xF7A  }
0x23: {  	s9 =	sor.u32 $0xD0000000, s2;
	s6 =	simm.s32 $0x108;
	_ =	swait.ge @!p0 [sflag:s8], $0x0  }
0x24: {  	s3 =	sadd.s32 $0x88, s3;
	s6 =	simm.s32 @!p1 $0x1082;
	[sflag:s4] =	ssyncset.s32 $0xFFFFF086  }
0x25: {  	[simem:s6], [sflag:s4] =	dma.local [hbm:s3], $0xF7A  }
0x26: {  	[smem:$0x3F95] =	sst s1;
	(tag) =	ssettag s2;
	_ =	strace s9  }
0x27: {  	s1 =	sld [smem:$0x3FA5]  }
0x28: {  	s2 =	sld [smem:$0x3FA6]  }
0x29: {  	s4 =	sld [smem:$0x3FA8]  }
0x2a: {  	p0 =	seq.s32 s5, $0x0;
	s5 =	sld [smem:$0x3FA9]  }
0x2b: {  	s6 =	sld [smem:$0x3FAA]  }
0x2c: {  	s7 =	sld [smem:$0x3FAB]  }
0x2d: {  	s3 =	simm.s32 $0x108;
	s8 =	sld [smem:$0x3FAC]  }
0x2e: {  	s3 =	simm.s32 @!p0 $0x1082;
	s9 =	sld [smem:$0x3FAD]  }
0x2f: {  	lr =	sadd.s32 s0, s3;
	s0 =	sld [smem:$0x3FA4]  }
0x30: {  	s3 =	sld [smem:$0x3FA7]  }
0x31: {  	[smem:$0x3FB0] =	sst s10  }
0x32: {  	s10 =	sld [smem:$0x3FAE];
	_ =	sdelay $0x3  }
0x33: {  	p0 =	seq.s32 s10, $0x1;
	s10 =	sld [smem:$0x3FB0];
	_ =	sdelay $0x3  }
0x34: {  	[smem:$0x3FB0] =	sst s10  }
0x35: {  	s10 =	sld [smem:$0x3FAF];
	_ =	sdelay $0x3  }
0x36: {  	p1 =	seq.s32 s10, $0x1;
	s10 =	sld [smem:$0x3FB0];
	_ =	sdelay $0x3  }
0x37: {  	[smem:$0x3FB0] =	sst s10  }
0x38: {  	s10 =	sld [smem:$0x3FB1]  }
0x39: {  	_ = 	snop;
	(pc) =	sbr.ind lr, $3  }
0x3a: {  	_ = 	snop  }
0x3b: {  	_ = 	snop  }
0x3c: {  	p2 =	seq.s32 s10, $0x1;
	s10 =	sld [smem:$0x3FB0]  }
0x3d: {  	_ =	shalt  }
0x3e: {  	_ =	shalt  }
0x3f: {  	_ =	shalt  }
0x40: {  	_ =	shalt  }
0x41: {  	_ =	shalt  }
0x42: {  	_ =	shalt  }
0x43: {  	_ =	shalt  }
0x44: {  	_ =	shalt  }
0x45: {  	_ =	shalt  }
0x46: {  	_ =	shalt  }
0x47: {  	_ =	shalt  }
0x48: {  	_ =	shalt  }
0x49: {  	_ =	shalt  }
0x4a: {  	_ =	shalt  }
0x4b: {  	_ =	shalt  }
0x4c: {  	_ =	shalt  }
0x4d: {  	_ =	shalt  }
0x4e: {  	_ =	shalt  }
0x4f: {  	_ =	shalt  }
0x50: {  	_ =	shalt  }
0x51: {  	_ =	shalt  }
0x52: {  	_ =	shalt  }
0x53: {  	_ =	shalt  }
0x54: {  	_ =	shalt  }
0x55: {  	_ =	shalt  }
0x56: {  	_ =	shalt  }
0x57: {  	_ =	shalt  }
0x58: {  	_ =	shalt  }
0x59: {  	_ =	shalt  }
0x5a: {  	_ =	shalt  }
0x5b: {  	_ =	shalt  }
0x5c: {  	_ =	shalt  }
0x5d: {  	_ =	shalt  }
0x5e: {  	_ =	shalt  }
0x5f: {  	_ =	shalt  }
0x60: {  	_ =	shalt  }
0x61: {  	_ =	shalt  }
0x62: {  	_ =	shalt  }
0x63: {  	_ =	shalt  }
0x64: {  	_ =	shalt  }
0x65: {  	_ =	shalt  }
0x66: {  	_ =	shalt  }
0x67: {  	_ =	shalt  }
0x68: {  	_ =	shalt  }
0x69: {  	_ =	shalt  }
0x6a: {  	_ =	shalt  }
0x6b: {  	_ =	shalt  }
0x6c: {  	_ =	shalt  }
0x6d: {  	_ =	shalt  }
0x6e: {  	_ =	shalt  }
0x6f: {  	_ =	shalt  }
0x70: {  	_ =	shalt  }
0x71: {  	_ =	shalt  }
0x72: {  	_ =	shalt  }
0x73: {  	_ =	shalt  }
0x74: {  	_ =	shalt  }
0x75: {  	_ =	shalt  }
0x76: {  	_ =	shalt  }
0x77: {  	_ =	shalt  }
0x78: {  	_ =	shalt  }
0x79: {  	_ =	shalt  }
0x7a: {  	_ =	shalt  }
0x7b: {  	_ =	shalt  }
0x7c: {  	_ =	shalt  }
0x7d: {  	_ =	shalt  }
0x7e: {  	_ =	shalt  }
0x7f: {  	_ =	shalt  }
0x80: {  	_ =	shalt  }
0x81: {  	_ =	shalt  }
0x82: {  	_ =	shalt  }
0x83: {  	_ =	shalt  }
0x84: {  	_ =	shalt  }
0x85: {  	_ =	shalt  }
0x86: {  	_ =	shalt  }
0x87: {  	_ =	shalt  }
.Lfunc_end0:
.L_simem_size_0:
called_computation_lowered:
.L_overlay_start_0:
0x88: {  	s2 =	sld [smem:$0x3FD9]  }
0x89: {  	s3 =	sld [smem:$0x3FFE];
	_ =	sdelay $0x1  }
0x8a: {  	s1 =	srdreg.scid  }
0x8b: {  	s0 =	sand.u32 $0x1, s1  }
0x8c: {  	s17 =	sshll.u32 s0, $0xA;
	s2 =	sadd.s32 s3, s2  }
0x8d: {  	s2 =	sadd.s32 s2, s17  }
0x8e: {  	[smem:$0x3FBC] =	sst s2  }
0x8f: {  	_ = 	snop  }
0x90: {  	s2 =	sld [smem:$0x3FC9]  }
0x91: {  	s18 =	sld [smem:$0x3FC8]  }
0x92: {  	s4 =	sld [smem:$0x3FC7]  }
0x93: {  	s5 =	sld [smem:$0x3FC4]  }
0x94: {  	s6 =	sld [smem:$0x3FD0];
	(tm) =	ssettm $0x1  }
0x95: {  	s7 =	sld [smem:$0x3FFB];
	_ =	sdelay $0x3  }
0x96: {  	_ =	strace s7  }
0x97: {  	s7 =	sld [smem:$0x3FFC];
	_ =	sdelay $0x3  }
0x98: {  	_ =	strace s7  }
0x99: {  	s7 =	sld [smem:$0x3FFD];
	_ =	sdelay $0x3  }
0x9a: {  	_ =	strace s7  }
0x9b: {  	_ =	strace $0x8FFFFFFF  }
0x9c: {  	s19 =	sld [smem:$0x3FDB];
	_ =	sdelay $0x1  }
0x9d: {  	s8 =	simm.s32 $_scs_section_size  }
0x9e: {  	s9 =	simm.s32 $_size__tile_overlayer_lowered;
	s10 =	simm.s32 $_tile_overlayer_lowered  }
0x9f: {  	s22 =	simm.s32 $0x1BFF;
	s21 =	sshll.u32 s10, $0x1;
	s7 =	sadd.s32 s8, s19  }
0xa0: {  	s11 =	simm.s32 $0x0;
	s20 =	sshll.u32 s9, $0x1;
	s9 =	sadd.s32 s21, s7  }
0xa1: {  	[timem:s11], [sflag:s22] =	dma.local [hbm:s9], s20  }
0xa2: {  	_ =	swait.ge [sflag:s22], s20  }
0xa3: {  	s8 =	ssub.s32 $0x0, s20;
	[sflag:s22] =	ssyncset.done $0x0  }
0xa4: {  	[sflag:s22] =	ssyncadd.s32 s8;
	_ =	sdelay $0x1  }
0xa5: {  	s23 =	simm.s32 $0x1B8B  }
0xa6: {  	_ =	swait.ge [sflag:s23], $0x1  }
0xa7: {  	[sflag:s23] =	ssyncset.done $0x0  }
0xa8: {  	s25 =	simm.s32 $0x1B8E;
	s24 =	sld [smem:$0x3FFE];
	[sflag:s23] =	ssyncadd.s32 $0xFFFFFFFF  }
0xa9: {  	s26 =	simm.s32 $execute0_lowered;
	[smem:$0x3FD2] =	sst s25  }
0xaa: {  	s9 =	sshll.u32 s26, $0x1;
	_ =	strace $0x80000046;
	[dreg:$0x1] =	wrdreg $0xFFFFFFFF  }
0xab: {  	s28 =	simm.s32 $_size_execute0_lowered;
	s7 =	sadd.s32 s7, s9;
	[dreg:$0x0] =	wrdreg $0x0  }
0xac: {  	s9 =	sshll.u32 s28, $0x1;
	[dreg:$0x2] =	wrdreg s7  }
0xad: {  	[dreg:$0x3] =	wrdreg s9  }
0xae: {  	[dreg:$0x4] =	wrdreg $0xC0  }
0xaf: {  	_ =	task [dreg:s11], $0x5FFFF  }
0xb0: {  	[dreg:$0x1] =	wrdreg $0xFFFFFFFF  }
0xb1: {  	[dreg:$0x0] =	wrdreg $0x60  }
0xb2: {  	[dreg:$0x2] =	wrdreg s2  }
0xb3: {  	[dreg:$0x3] =	wrdreg s18  }
0xb4: {  	[dreg:$0x4] =	wrdreg s4  }
0xb5: {  	[dreg:$0x5] =	wrdreg s24  }
0xb6: {  	[dreg:$0x6] =	wrdreg s5  }
0xb7: {  	[dreg:$0x7] =	wrdreg s6  }
0xb8: {  	[dreg:$0x8] =	wrdreg $0x9  }
0xb9: {  	_ =	task.clear_ibuf [dreg:s11], $0x9FFFF;
	_ =	strace $0x90000046  }
0xba: {  	s29 =	simm.s32 $0x9;
	_ =	strace $0x80000048  }
0xbb: {  	_ =	swait.ge [sflag:s29], $0x1  }
0xbc: {  	[sflag:s29] =	ssyncadd.s32 $0xFFFFFFFF  }
0xbd: {  	_ =	strace $0x90000048  }
0xbe: {  	_ =	sfence  }
0xbf: {  	s30 =	sld [smem:$0x0];
	_ =	sdelay $0x2  }
0xc0: {  	s31 =	sshll.u32 s1, $0xD;
	s1 =	sshrl.u32 s1, $0x2  }
0xc1: {  	s3 =	sand.u32 $0x4000, s31;
	s1 =	sadd.s32 s1, s30  }
0xc2: {  	s0 =	sor.u32 s3, s0;
	s1 =	sshll.u32 s1, $0x11  }
0xc3: {  	s0 =	sor.u32 s1, s0  }
0xc4: {  	s0 =	sadd.s32 $0x8F2B, s0  }
0xc5: {  	[sflag:s0] =	ssyncadd.remote.s32 $0x1  }
0xc6: {  	_ =	sfence.sel $0xFFFF  }
0xc7: {  	[dreg:$0x0] =	wrdreg $0xFFFFFFFF;
	(pc) =	sbr.abs _section_cstart, $3  }
0xc8: {  	[dreg:$0x1] =	wrdreg $0xFFFFFFFF  }
0xc9: {  	_ =	task.clear_ibuf [dreg:s11], $0x2FFFF;
	_ =	strace $0x9FFFFFFF  }
0xca: {  	(tm) =	ssettm $0x7FFFFFFF  }
0xcb: {  	_ =	shalt  }
tec
execute0_lowered:
.L_overlay_start_1:
0x0: {  	(tag) =	ssettag $0x1  }
0x1: {  	s0 =	rddreg [dreg:$0x0]  }
0x2: {  	s1 =	rddreg [dreg:$0x1]  }
0x3: {  	s3 =	rddreg [dreg:$0x2]  }
0x4: {  	s7 =	rddreg [dreg:$0x3]  }
0x5: {  	s2 =	rddreg [dreg:$0x4]  }
0x6: {  	s8 =	rddreg [dreg:$0x5]  }
0x7: {  	s4 =	srdreg.scid;
	s5 =	stileid.u32;
	s15 =	simm.s32 $0x0  }
0x8: {  	s20 =	simm.s32 $0x10;
	s28 =	simm.s32 $0x1;
	s23 =	simm.s32 $0xFC00  }
0x9: {  	v0 =	vimm.s32 $0xFEDCBA98;
	v1 =	vimm.s32 $0x76543210;
	s17 =	simm.s32 $0xBC00;
	s13 =	simm.s32 $0x10400;
	s14 =	simm.s32 $0x3  }
0xa: {  	v2 =	vimm.s32 $0xBA98FEDC;
	v3 =	vimm.s32 $0x32107654;
	s16 =	simm.s32 $0x0;
	s4 =	sand.u32 $0x1, s4;
	[smem:$0x7FF] =	sst s15  }
0xb: {  	v4 =	vimm.s32 $0xDCFE98BA;
	v5 =	vimm.s32 $0x54761032;
	s5 =	sshll.u32 s5, $0x7;
	s6 =	sshll.u32 s4, $0x6;
	_ =	strace $0x80000047  }
0xc: {  	v6 =	vimm.s32 $0xEFCDAB89;
	v7 =	vimm.s32 $0x67452301;
	v0 =	vunpack.c.l.s4.s8 v0;
	s11 =	ssub.s32 $0x2, s4;
	s4 =	sadd.s32 $0xAB3400, s7;
	s9 =	sor.u32 s6, s5  }
0xd: {  	v1 =	vunpack.c.l.s4.s8 v1;
	v6 =	vunpack.c.l.s4.s8 v6;
	v7 =	vunpack.c.l.s4.s8 v7;
	s5 =	sadd.s32 $0x18B800, s7;
	s12 =	sshrl.u32 s11, $0x1;
	s6 =	sadd.s32 $0x4E00, s7  }
0xe: {  	v2 =	vunpack.c.l.s4.s8 v2;
	v3 =	vunpack.c.l.s4.s8 v3;
	v4 =	vunpack.c.l.s4.s8 v4;
	s10 =	sadd.s32 s9, s7;
	s7 =	sadd.s32 $0x92CA00, s7;
	s11 =	ssub.s32 s11, s12  }
0xf: {  	v5 =	vunpack.c.l.s4.s8 v5;
	v6 =	vunpack.c.0.s8.s32 v6;
	v7 =	vunpack.c.0.s8.s32 v7;
	s0 =	sadd.s32 s0, s9;
	s24 =	sadd.s32 s1, s9;
	s25 =	sadd.s32 s3, s9  }
0x10: {  	v0 =	vunpack.c.0.s8.s32 v0;
	v2 =	vunpack.c.0.s8.s32 v2;
	v3 =	vunpack.c.0.s8.s32 v3;
	s30 =	sadd.s32 s8, s9;
	s3 =	simm.s32 $0x5;
	[dreg:$0x7] =	wrdreg s0  }
0x11: {  	v4 =	vunpack.c.0.s8.s32 v4;
	v5 =	vunpack.c.0.s8.s32 v5;
	s8 =	simm.s32 $0xC400;
	s9 =	simm.s32 $0xCC00;
	[dreg:$0x8] =	wrdreg s24;
	v63 =	vcombine.low v7, v6  }
0x12: {  	v1 =	vunpack.c.0.s8.s32 v1;
	s12 =	simm.s32 $0xE400;
	[dreg:$0x9] =	wrdreg s25;
	s26 =	sadd.s32 $0x4600, s10;
	v61 =	vcombine.low v3, v2  }
0x13: {  	s29 =	sadd.s32 $0x3E00, s10;
	[dreg:$0xc] =	wrdreg s30;
	s31 =	smax.u32 s11, $0x1;
	v0 =	vand.u32 $0xF, v0;
	v62 =	vcombine.low v5, v4;
	[tilespmem:$0x1FFD0] =	vst v63  }
0x14: {  	s24 =	simm.s32 $0x2;
	s25 =	simm.s32 $0xB400;
	[dreg:$0xa] =	wrdreg s26;
	v0 =	vcombine.low v0, v1;
	[tilespmem:$0x1FFE0] =	vst v61  }
0x15: {  	s10 =	simm.s32 $0xD400;
	s11 =	simm.s32 $0xDC00;
	[dreg:$0xb] =	wrdreg s29;
	[tilespmem:$0x1FFF0] =	vst v62  }
0x16: {  	s0 =	simm.s32 $0x4;
	[dreg:$0xd] =	wrdreg s31;
	s26 =	simm.s32 $0xB800;
	[tilespmem:$0x1FFC0] =	vst v0  }
.LBB2_1:
0x17: {  	[dreg:$0xe] =	wrdreg s16  }
0x18: {  	s1 =	rddreg [dreg:$0x7]  }
0x19: {  	[tilespmem:s15], [sflag:$0x5] =	stream.linear.gather [hbm4b:s1+s15], $0x200, $0x38;
	[tilespmem:$0x10C00] =	vst v63  }
0x1a: {  	_ =	swait.ge [sflag:s3], $0x200  }
0x1b: {  	[sflag:s3] =	ssyncset.done $0x0  }
0x1c: {  	s16 =	simm.s32 $0x200;
	s29 =	rddreg [dreg:$0x8];
	[sflag:s3] =	ssyncadd.s32 $0xFFFFFE00  }
0x1d: {  	[tilespmem:s16], [sflag:$0x5] =	stream.linear.gather [hbm4b:s29+s15], $0x200, $0x38;
	[tilespmem:$0x10C00] =	vst v63  }
0x1e: {  	_ =	swait.ge [sflag:s3], $0x200  }
0x1f: {  	[sflag:s3] =	ssyncset.done $0x0  }
0x20: {  	s18 =	simm.s32 $0x400;
	s30 =	rddreg [dreg:$0x9];
	[sflag:s3] =	ssyncadd.s32 $0xFFFFFE00  }
0x21: {  	[tilespmem:s18], [sflag:$0x5] =	stream.linear.gather [hbm4b:s30+s15], $0x200, $0x38;
	[tilespmem:$0x10C00] =	vst v63  }
0x22: {  	_ =	swait.ge [sflag:s3], $0x200  }
0x23: {  	[sflag:s3] =	ssyncset.done $0x0  }
0x24: {  	s19 =	simm.s32 $0x600;
	s31 =	rddreg [dreg:$0xa];
	[sflag:s3] =	ssyncadd.s32 $0xFFFFFE00  }
0x25: {  	[tilespmem:s19], [sflag:$0x5] =	stream.linear.gather [hbm4b:s31+s15], $0x200, $0x38;
	[tilespmem:$0x10C00] =	vst v63  }
0x26: {  	_ =	swait.ge [sflag:s3], $0x200  }
0x27: {  	[sflag:s3] =	ssyncset.done $0x0  }
0x28: {  	s21 =	simm.s32 $0x800;
	s19 =	rddreg [dreg:$0xb];
	[sflag:s3] =	ssyncadd.s32 $0xFFFFFE00  }
0x29: {  	[tilespmem:s21], [sflag:$0x5] =	stream.linear.gather [hbm4b:s19+s15], $0x200, $0x38;
	[tilespmem:$0x10C00] =	vst v63  }
0x2a: {  	_ =	swait.ge [sflag:s3], $0x200  }
0x2b: {  	[sflag:s3] =	ssyncset.done $0x0  }
0x2c: {  	s22 =	simm.s32 $0xC00;
	[sflag:s3] =	ssyncadd.s32 $0xFFFFFE00  }
0x2d: {  	[tilespmem:s22], [sflag:$0x1] =	stream.indirect.gather [hbm4b:s4+s20], $0x40, s15, s20, $0xb8;
	[tilespmem:$0x10C00] =	vst v63  }
0x2e: {  	s29 =	simm.s32 $0x1000  }
0x2f: {  	[tilespmem:s29], [sflag:$0x1] =	stream.indirect.gather [hbm4b:s4+s20], $0x40, s16, s20, $0xb8;
	[tilespmem:$0x10C00] =	vst v63  }
0x30: {  	s30 =	simm.s32 $0x1400  }
0x31: {  	[tilespmem:s30], [sflag:$0x1] =	stream.indirect.gather [hbm4b:s5+s20], $0x80, s15, s20, $0xb8;
	[tilespmem:$0x10C00] =	vst v63  }
0x32: {  	s31 =	simm.s32 $0x1C00  }
0x33: {  	[tilespmem:s31], [sflag:$0x1] =	stream.indirect.gather [hbm4b:s5+s20], $0x80, s16, s20, $0xb8;
	[tilespmem:$0x10C00] =	vst v63  }
0x34: {  	s3 =	simm.s32 $0x2400  }
0x35: {  	[tilespmem:s3], [sflag:$0x1] =	stream.indirect.gather [hbm4b:s6+s20], $0x80, s15, s20, $0xb8;
	[tilespmem:$0x10C00] =	vst v63  }
0x36: {  	s19 =	simm.s32 $0x2C00  }
0x37: {  	[tilespmem:s19], [sflag:$0x1] =	stream.indirect.gather [hbm4b:s6+s20], $0x80, s16, s20, $0xb8;
	[tilespmem:$0x10C00] =	vst v63  }
0x38: {  	s21 =	simm.s32 $0x3400  }
0x39: {  	[tilespmem:s21], [sflag:$0x1] =	stream.indirect.gather [hbm4b:s7+s20], $0x80, s15, s20, $0xb8;
	[tilespmem:$0x10C00] =	vst v63  }
0x3a: {  	s22 =	simm.s32 $0x3C00  }
0x3b: {  	[tilespmem:s22], [sflag:$0x1] =	stream.indirect.gather [hbm4b:s7+s20], $0x80, s16, s20, $0xb8;
	[tilespmem:$0x10C00] =	vst v63  }
0x3c: {  	s29 =	simm.s32 $0xEC00  }
0x3d: {  	[tilespmem:s29], [sflag:$0x1] =	stream.indirect.gather [hbm4b:s2+s20], $0x80, s18, s20, $0xb8;
	[tilespmem:$0x10C00] =	vst v63  }
0x3e: {  	s30 =	simm.s32 $0x4400  }
0x3f: {  	[tilespmem:s30], [sflag:$0x2] =	stream.indirect.gather [hbm4b:s4+s20], $0x40, s20, s20, $0xb8;
	[tilespmem:$0x10C00] =	vst v63  }
0x40: {  	s31 =	simm.s32 $0x210;
	s15 =	simm.s32 $0x4800  }
0x41: {  	[tilespmem:s15], [sflag:$0x2] =	stream.indirect.gather [hbm4b:s4+s20], $0x40, s31, s20, $0xb8;
	[tilespmem:$0x10C00] =	vst v63  }
0x42: {  	s16 =	simm.s32 $0x4C00  }
0x43: {  	[tilespmem:s16], [sflag:$0x2] =	stream.indirect.gather [hbm4b:s5+s20], $0x80, s20, s20, $0xb8;
	[tilespmem:$0x10C00] =	vst v63  }
0x44: {  	s18 =	simm.s32 $0x5400  }
0x45: {  	[tilespmem:s18], [sflag:$0x2] =	stream.indirect.gather [hbm4b:s5+s20], $0x80, s31, s20, $0xb8;
	[tilespmem:$0x10C00] =	vst v63  }
0x46: {  	s19 =	simm.s32 $0x5C00  }
0x47: {  	[tilespmem:s19], [sflag:$0x2] =	stream.indirect.gather [hbm4b:s6+s20], $0x80, s20, s20, $0xb8;
	[tilespmem:$0x10C00] =	vst v63  }
0x48: {  	s21 =	simm.s32 $0x6400  }
0x49: {  	[tilespmem:s21], [sflag:$0x2] =	stream.indirect.gather [hbm4b:s6+s20], $0x80, s31, s20, $0xb8;
	[tilespmem:$0x10C00] =	vst v63  }
0x4a: {  	s22 =	simm.s32 $0x6C00  }
0x4b: {  	[tilespmem:s22], [sflag:$0x2] =	stream.indirect.gather [hbm4b:s7+s20], $0x80, s20, s20, $0xb8;
	[tilespmem:$0x10C00] =	vst v63  }
0x4c: {  	s29 =	simm.s32 $0x7400  }
0x4d: {  	[tilespmem:s29], [sflag:$0x2] =	stream.indirect.gather [hbm4b:s7+s20], $0x80, s31, s20, $0xb8;
	[tilespmem:$0x10C00] =	vst v63  }
0x4e: {  	s3 =	simm.s32 $0x0;
	s30 =	simm.s32 $0x410;
	s31 =	simm.s32 $0xF400  }
0x4f: {  	[tilespmem:s31], [sflag:$0x2] =	stream.indirect.gather [hbm4b:s2+s20], $0x80, s30, s20, $0xb8;
	[tilespmem:$0x10C00] =	vst v63  }
.LBB2_2:
0x50: {  	_ =	swait.ge [sflag:s28], $0x400  }
0x51: {  	[sflag:s28] =	ssyncset.done $0x0  }
0x52: {  	[sflag:s28] =	ssyncadd.s32 $0xFFFFFC00  }
0x53: {  	_ =	swait.ge [sflag:s28], $0x400  }
0x54: {  	[sflag:s28] =	ssyncset.done $0x0  }
0x55: {  	[sflag:s28] =	ssyncadd.s32 $0xFFFFFC00  }
0x56: {  	_ =	swait.ge [sflag:s28], $0x800  }
0x57: {  	[sflag:s28] =	ssyncset.done $0x0  }
0x58: {  	[sflag:s28] =	ssyncadd.s32 $0xFFFFF800  }
0x59: {  	_ =	swait.ge [sflag:s28], $0x800  }
0x5a: {  	[sflag:s28] =	ssyncset.done $0x0  }
0x5b: {  	[sflag:s28] =	ssyncadd.s32 $0xFFFFF800  }
0x5c: {  	_ =	swait.ge [sflag:s28], $0x800  }
0x5d: {  	[sflag:s28] =	ssyncset.done $0x0  }
0x5e: {  	[sflag:s28] =	ssyncadd.s32 $0xFFFFF800  }
0x5f: {  	_ =	swait.ge [sflag:s28], $0x800  }
0x60: {  	[sflag:s28] =	ssyncset.done $0x0  }
0x61: {  	[sflag:s28] =	ssyncadd.s32 $0xFFFFF800  }
0x62: {  	_ =	swait.ge [sflag:s28], $0x800  }
0x63: {  	[sflag:s28] =	ssyncset.done $0x0  }
0x64: {  	[sflag:s28] =	ssyncadd.s32 $0xFFFFF800  }
0x65: {  	_ =	swait.ge [sflag:s28], $0x800  }
0x66: {  	[sflag:s28] =	ssyncset.done $0x0  }
0x67: {  	[sflag:s28] =	ssyncadd.s32 $0xFFFFF800  }
0x68: {  	_ =	swait.ge [sflag:s28], $0x800  }
0x69: {  	s16 =	sshll.u32 s3, $0x6;
	[sflag:s28] =	ssyncset.done $0x0  }
0x6a: {  	s1 =	simm.s32 $0x7C00;
	s29 =	sor.u32 $0x20, s16;
	[sflag:s28] =	ssyncadd.s32 $0xFFFFF800  }
0x6b: {  	[tilespmem:s1], [sflag:$0x3] =	stream.indirect.gather [hbm4b:s4+s20], $0x40, s29, s20, $0xb8;
	[tilespmem:$0x10C00] =	vst v63  }
0x6c: {  	s15 =	simm.s32 $0x8000;
	s1 =	sadd.s32 $0x220, s16  }
0x6d: {  	[tilespmem:s15], [sflag:$0x3] =	stream.indirect.gather [hbm4b:s4+s20], $0x40, s1, s20, $0xb8;
	[tilespmem:$0x10C00] =	vst v63  }
0x6e: {  	s22 =	simm.s32 $0x8400  }
0x6f: {  	[tilespmem:s22], [sflag:$0x3] =	stream.indirect.gather [hbm4b:s5+s20], $0x80, s29, s20, $0xb8;
	[tilespmem:$0x10C00] =	vst v63  }
0x70: {  	s31 =	simm.s32 $0x8C00  }
0x71: {  	[tilespmem:s31], [sflag:$0x3] =	stream.indirect.gather [hbm4b:s5+s20], $0x80, s1, s20, $0xb8;
	[tilespmem:$0x10C00] =	vst v63  }
0x72: {  	s18 =	simm.s32 $0x9400  }
0x73: {  	[tilespmem:s18], [sflag:$0x3] =	stream.indirect.gather [hbm4b:s6+s20], $0x80, s29, s20, $0xb8;
	[tilespmem:$0x10C00] =	vst v63  }
0x74: {  	s19 =	simm.s32 $0x9C00  }
0x75: {  	[tilespmem:s19], [sflag:$0x3] =	stream.indirect.gather [hbm4b:s6+s20], $0x80, s1, s20, $0xb8;
	[tilespmem:$0x10C00] =	vst v63  }
0x76: {  	s21 =	simm.s32 $0xA400  }
0x77: {  	[tilespmem:s21], [sflag:$0x3] =	stream.indirect.gather [hbm4b:s7+s20], $0x80, s29, s20, $0xb8;
	[tilespmem:$0x10C00] =	vst v63  }
0x78: {  	s22 =	simm.s32 $0xAC00  }
0x79: {  	[tilespmem:s22], [sflag:$0x3] =	stream.indirect.gather [hbm4b:s7+s20], $0x80, s1, s20, $0xb8;
	[tilespmem:$0x10C00] =	vst v63  }
0x7a: {  	s31 =	sadd.s32 $0x420, s16  }
0x7b: {  	[tilespmem:s23], [sflag:$0x3] =	stream.indirect.gather [hbm4b:s2+s20], $0x80, s31, s20, $0xb8;
	[tilespmem:$0x10C00] =	vst v63  }
0x7c: {  	v1 =	vld [tilespmem:s16+$0x600]  }
0x7d: {  	s1 =	simm.s32 $0xC20;
	v2 =	vld [tilespmem:s16+$0x800]  }
0x7e: {  	s15 =	simm.s32 $0x70;
	v7 =	vld [tilespmem:s1+$0x10]  }
0x7f: {  	v13 =	vld [tilespmem:s15+$0xEBC0]  }
0x80: {  	v26 =	vld [tilespmem:s1+$0x0]  }
0x81: {  	v28 =	vld [tilespmem:s15+$0xEBB0]  }
0x82: {  	v10 =	vld [tilespmem:s15+$0x1C00]  }
0x83: {  	v11 =	vld [tilespmem:s15+$0x2C00]  }
0x84: {  	v12 =	vld [tilespmem:s15+$0x1400]  }
0x85: {  	v14 =	vld [tilespmem:s15+$0x2400]  }
0x86: {  	v6 =	vld [tilespmem:s15+$0x1BC0]  }
0x87: {  	v15 =	vld [tilespmem:s15+$0x2BC0]  }
0x88: {  	v18 =	vld [tilespmem:s15+$0x1BF0]  }
0x89: {  	v20 =	vld [tilespmem:s15+$0x2BF0]  }
0x8a: {  	v16 =	vld [tilespmem:s15+$0x13C0]  }
0x8b: {  	v17 =	vld [tilespmem:s15+$0x23C0]  }
0x8c: {  	v22 =	vld [tilespmem:s15+$0x13F0]  }
0x8d: {  	v23 =	vld [tilespmem:s15+$0x23F0]  }
0x8e: {  	v19 =	vld [tilespmem:s15+$0x1BB0]  }
0x8f: {  	v21 =	vld [tilespmem:s15+$0x2BB0]  }
0x90: {  	v24 =	vld [tilespmem:s15+$0x1BE0]  }
0x91: {  	v25 =	vld [tilespmem:s15+$0x13B0]  }
0x92: {  	v27 =	vld [tilespmem:s15+$0x23B0]  }
0x93: {  	v29 =	vld [tilespmem:s15+$0x1BA0]  }
0x94: {  	s18 =	simm.s32 $0x0;
	v31 =	vld [tilespmem:s15+$0x2BA0]  }
0x95: {  	v0 =	vmov s18;
	v33 =	vld [tilespmem:s15+$0x13A0]  }
0x96: {  	v35 =	vld [tilespmem:s15+$0x23A0];
	v30 =	vperm.xlane v1, v0;
	v32 =	vperm.xlane v2, v0  }
0x97: {  	v45 =	vld [tilespmem:s1+$0xFFFFFFF0]  }
0x98: {  	v46 =	vld [tilespmem:s15+$0xEBA0];
	v34 =	vmul.f32 v6, v30;
	v15 =	vmul.f32 v15, v32  }
0x99: {  	v37 =	vld [tilespmem:s15+$0x1B90];
	v36 =	vmul.f32 v16, v30;
	v38 =	vmul.f32 v17, v32  }
0x9a: {  	v41 =	vld [tilespmem:s15+$0x2B90];
	v19 =	vmul.f32 v19, v30;
	v40 =	vmul.f32 v21, v32  }
0x9b: {  	v43 =	vld [tilespmem:s15+$0x2390];
	v59 =	vadd.f32 v13, v7;
	v25 =	vmul.f32 v25, v30;
	v27 =	vmul.f32 v27, v32  }
0x9c: {  	v42 =	vld [tilespmem:s15+$0x1390];
	v13 =	vadd.f32 v28, v26;
	v29 =	vmul.f32 v29, v30;
	v33 =	vmul.f32 v33, v30  }
0x9d: {  	v44 =	vld [tilespmem:s15+$0x2BE0];
	v28 =	vadd.f32 v46, v45;
	v31 =	vmul.f32 v31, v32;
	v53 =	vmul.f32 v35, v32  }
0x9e: {  	v39 =	vld [tilespmem:s15+$0x13E0];
	v54 =	vmul.f32 v37, v30;
	v17 =	vadd.f32 v10, v34;
	v16 =	vadd.f32 v11, v15  }
0x9f: {  	v55 =	vld [tilespmem:s15+$0x1BD0];
	v56 =	vmul.f32 v41, v32;
	v21 =	vadd.f32 v12, v36;
	v10 =	vadd.f32 v14, v38  }
0xa0: {  	v47 =	vld [tilespmem:s1+$0xFFFFFFE0];
	v57 =	vmul.f32 v43, v32;
	v19 =	vadd.f32 v18, v19;
	v20 =	vadd.f32 v20, v40  }
0xa1: {  	s30 =	simm.s32 $0x1020;
	v48 =	vld [tilespmem:s15+$0xEB90];
	v18 =	vadd.f32 v22, v25;
	v11 =	vadd.f32 v23, v27;
	v25 =	vmul.f32 v42, v30  }
0xa2: {  	v49 =	vld [tilespmem:s30+$0x0];
	v12 =	vadd.f32 v44, v31;
	v30 =	vmul.f32 v17, v17;
	v31 =	vmul.f32 v21, v21  }
0xa3: {  	v50 =	vld [tilespmem:s30+$0xFFFFFFF0];
	v22 =	vadd.f32 v24, v29;
	v34 =	vmul.f32 v16, v16;
	v32 =	vmul.f32 v19, v19  }
0xa4: {  	v26 =	vld [tilespmem:s30+$0xFFFFFFE0];
	v14 =	vadd.f32 v39, v33;
	v35 =	vmul.f32 v10, v10;
	v36 =	vmul.f32 v18, v18  }
0xa5: {  	v15 =	vld [tilespmem:s15+$0x23E0];
	v23 =	vadd.f32 v55, v54;
	v38 =	vmul.f32 v20, v20;
	v33 =	vmul.f32 v11, v11  }
0xa6: {  	v47 =	vadd.f32 v48, v47;
	v27 =	vld [tilespmem:s15+$0x2BD0];
	v43 =	vmul.f32 v22, v22;
	v39 =	vmul.f32 v12, v12  }
0xa7: {  	v6 =	vimm.f32 $0.0e+00;
	v29 =	vld [tilespmem:s15+$0x13D0];
	v42 =	vmul.f32 v14, v14;
	v44 =	vmul.f32 v23, v23  }
0xa8: {  	v58 =	vld [tilespmem:s15+$0x23D0];
	v13 =	vsub.f32 v13, v49;
	v60 =	vmul.f32 $2.755731880e-06, v30;
	v61 =	vmul.f32 $2.755731880e-06, v34  }
0xa9: {  	v28 =	vsub.f32 v28, v50;
	v62 =	vmul.f32 $2.755731880e-06, v31;
	v51 =	vmul.f32 $2.755731880e-06, v35  }
0xaa: {  	v26 =	vsub.f32 v47, v26;
	v52 =	vmul.f32 $2.755731880e-06, v32;
	v63 =	vmul.f32 $2.755731880e-06, v36  }
0xab: {  	v50 =	vmul.f32 $2.755731880e-06, v33;
	v47 =	vmul.f32 $2.755731880e-06, v43;
	v15 =	vadd.f32 v15, v53  }
0xac: {  	v54 =	vmul.f32 $2.755731880e-06, v39;
	v24 =	vadd.f32 v27, v56;
	v25 =	vadd.f32 v29, v25  }
0xad: {  	v55 =	vmul.f32 $2.755731880e-06, v42;
	v27 =	vadd.f32 v58, v57;
	v45 =	vadd.f32 $-1.984127010e-04, v60  }
0xae: {  	v58 =	vmul.f32 $2.755731880e-06, v38;
	v48 =	vadd.f32 $-1.984127010e-04, v62;
	v46 =	vadd.f32 $-1.984127010e-04, v61  }
0xaf: {  	v57 =	vmul.f32 $2.755731880e-06, v44;
	v52 =	vadd.f32 $-1.984127010e-04, v52;
	v51 =	vadd.f32 $-1.984127010e-04, v51  }
0xb0: {  	v49 =	vadd.f32 $-1.984127010e-04, v63;
	v37 =	vmul.f32 v15, v15;
	v41 =	vmul.f32 v24, v24  }
0xb1: {  	[tilespmem:$0x1FFA0] =	vst v2;
	v62 =	vadd.f32 $-1.984127010e-04, v47;
	v40 =	vmul.f32 v25, v25;
	v29 =	vmul.f32 v27, v27  }
0xb2: {  	[tilespmem:$0x1FFB0] =	vst v59;
	v50 =	vadd.f32 $-1.984127010e-04, v50;
	v59 =	vmul.f32 v45, v30;
	v2 =	vmul.f32 v48, v31  }
0xb3: {  	v63 =	vadd.f32 $-1.984127010e-04, v55;
	v46 =	vmul.f32 v46, v34;
	v47 =	vmul.f32 v52, v32  }
0xb4: {  	v60 =	vadd.f32 $-1.984127010e-04, v58;
	v3 =	vmul.f32 v51, v35;
	v48 =	vmul.f32 v49, v36  }
0xb5: {  	v58 =	vadd.f32 $-1.984127010e-04, v54;
	v49 =	vmul.f32 v62, v43;
	v56 =	vmul.f32 $2.755731880e-06, v37  }
0xb6: {  	[tilespmem:$0x1FF90] =	vst v0;
	v61 =	vadd.f32 $-1.984127010e-04, v57;
	v53 =	vmul.f32 $2.755731880e-06, v41;
	v0 =	vmul.f32 $2.755731880e-06, v40  }
0xb7: {  	[tilespmem:$0x1FF80] =	vst v1;
	v1 =	vmul.f32 $2.755731880e-06, v29;
	v54 =	vmul.f32 v60, v38;
	v59 =	vadd.f32 $8.333333770e-03, v59  }
0xb8: {  	v58 =	vmul.f32 v58, v39;
	v60 =	vadd.f32 $8.333333770e-03, v46;
	v51 =	vadd.f32 $8.333333770e-03, v2  }
0xb9: {  	v46 =	vmul.f32 v61, v44;
	v52 =	vadd.f32 $8.333333770e-03, v3;
	v45 =	vadd.f32 $-1.984127010e-04, v56  }
0xba: {  	v53 =	vadd.f32 $-1.984127010e-04, v53;
	v55 =	vadd.f32 $-1.984127010e-04, v0;
	v56 =	vmul.f32 v50, v33  }
0xbb: {  	s19 =	simm.s32 $0x3C0;
	v57 =	vadd.f32 $-1.984127010e-04, v1;
	v50 =	vmul.f32 v63, v42;
	v45 =	vmul.f32 v45, v37  }
.LBB2_3:
0xbc: {  	v61 =	vadd.f32 $8.333333770e-03, v47  }
0xbd: {  	v53 =	vmul.f32 v53, v41;
	v54 =	vadd.f32 $8.333333770e-03, v54;
	v62 =	vadd.f32 $8.333333770e-03, v48  }
0xbe: {  	v55 =	vmul.f32 v55, v40;
	v56 =	vadd.f32 $8.333333770e-03, v56;
	v49 =	vadd.f32 $8.333333770e-03, v49  }
0xbf: {  	v47 =	vld [tilespmem:s30+$0x10];
	v57 =	vmul.f32 v57, v29;
	v58 =	vadd.f32 $8.333333770e-03, v58;
	v63 =	vadd.f32 $8.333333770e-03, v50  }
0xc0: {  	v5 =	vld [tilespmem:s15+$0x3BB0];
	v59 =	vmul.f32 v59, v30;
	v60 =	vmul.f32 v60, v34;
	v3 =	vadd.f32 $8.333333770e-03, v45  }
0xc1: {  	v7 =	vld [tilespmem:s15+$0x3BF0];
	v0 =	vmul.f32 v51, v31;
	v1 =	vmul.f32 v52, v35;
	v52 =	vadd.f32 $8.333333770e-03, v46  }
0xc2: {  	s1 =	sadd.s32 $0x40, s1;
	v48 =	vld [tilespmem:s15+$0xEC00];
	v61 =	vmul.f32 v61, v32;
	v54 =	vmul.f32 v54, v38;
	v53 =	vadd.f32 $8.333333770e-03, v53  }
0xc3: {  	v45 =	vld [tilespmem:s1+$0x10];
	v62 =	vmul.f32 v62, v36;
	v56 =	vmul.f32 v56, v33;
	v55 =	vadd.f32 $8.333333770e-03, v55  }
0xc4: {  	v50 =	vld [tilespmem:s15+$0x3BC0];
	v2 =	vmul.f32 v49, v43;
	v58 =	vmul.f32 v58, v39;
	v57 =	vadd.f32 $8.333333770e-03, v57  }
0xc5: {  	s21 =	sshra.s32 s19, $0x2;
	v51 =	vld [tilespmem:s15+$0x3C00];
	v63 =	vmul.f32 v63, v42;
	v3 =	vmul.f32 v3, v37;
	v59 =	vadd.f32 $-1.666666720e-01, v59  }
0xc6: {  	v46 =	vld [tilespmem:s21+$0xEBC0];
	v4 =	vmul.f32 v52, v44;
	v60 =	vadd.f32 $-1.666666720e-01, v60;
	v0 =	vadd.f32 $-1.666666720e-01, v0  }
0xc7: {  	v52 =	vld [tilespmem:s15+$0xEBF0];
	v1 =	vadd.f32 $-1.666666720e-01, v1;
	v61 =	vadd.f32 $-1.666666720e-01, v61;
	v8 =	vmul.f32 v53, v41  }
0xc8: {  	v49 =	vld [tilespmem:s1+$0x0];
	v55 =	vmul.f32 v55, v40;
	v9 =	vadd.f32 $-1.666666720e-01, v54;
	v62 =	vadd.f32 $-1.666666720e-01, v62  }
0xc9: {  	v53 =	vld [tilespmem:s15+$0x33C0];
	v57 =	vmul.f32 v57, v29;
	v56 =	vadd.f32 $-1.666666720e-01, v56;
	v2 =	vadd.f32 $-1.666666720e-01, v2  }
0xca: {  	v54 =	vld [tilespmem:s15+$0x3400];
	v58 =	vadd.f32 $-1.666666720e-01, v58;
	v59 =	vmul.f32 v59, v30;
	v63 =	vadd.f32 $-1.666666720e-01, v63  }
0xcb: {  	v0 =	vmul.f32 v0, v31;
	v31 =	vmul.f32 v60, v34;
	v30 =	vld [tilespmem:s21+$0xEBB0];
	v3 =	vadd.f32 $-1.666666720e-01, v3  }
0xcc: {  	v1 =	vmul.f32 v1, v35;
	v4 =	vadd.f32 $-1.666666720e-01, v4;
	v34 =	vld [tilespmem:s15+$0xEBE0];
	v32 =	vmul.f32 v61, v32  }
0xcd: {  	v60 =	vld [tilespmem:s15+$0xEBD0];
	v35 =	vmul.f32 v62, v36;
	v9 =	vmul.f32 v9, v38;
	v8 =	vadd.f32 $-1.666666720e-01, v8  }
0xce: {  	v2 =	vmul.f32 v2, v43;
	v36 =	vld [tilespmem:s15+$0x33B0];
	v33 =	vmul.f32 v56, v33;
	v61 =	vadd.f32 $-1.666666720e-01, v55  }
0xcf: {  	v42 =	vmul.f32 v63, v42;
	v39 =	vmul.f32 v58, v39;
	v43 =	vld [tilespmem:s15+$0x33F0];
	v62 =	vadd.f32 $-1.666666720e-01, v57  }
0xd0: {  	v4 =	vmul.f32 v4, v44;
	v3 =	vmul.f32 v3, v37;
	v37 =	vld [tilespmem:s15+$0x3BA0];
	v63 =	vadd.f32 $1.000000000e+00, v59  }
0xd1: {  	v31 =	vadd.f32 $1.000000000e+00, v31;
	v0 =	vadd.f32 $1.000000000e+00, v0;
	v8 =	vmul.f32 v8, v41;
	v41 =	vld [tilespmem:s15+$0x3BE0]  }
0xd2: {  	v1 =	vadd.f32 $1.000000000e+00, v1;
	v32 =	vadd.f32 $1.000000000e+00, v32;
	v38 =	vmul.f32 v61, v40;
	v61 =	vld [tilespmem:s15+$0x33A0]  }
0xd3: {  	v29 =	vmul.f32 v62, v29;
	v35 =	vadd.f32 $1.000000000e+00, v35;
	v9 =	vadd.f32 $1.000000000e+00, v9;
	v62 =	vld [tilespmem:s15+$0x3390]  }
0xd4: {  	v4 =	vadd.f32 $1.000000000e+00, v4;
	v2 =	vadd.f32 $1.000000000e+00, v2;
	v17 =	vmul.f32 v63, v17;
	v63 =	vld [tilespmem:s15+$0x33D0]  }
0xd5: {  	v0 =	vmul.f32 v0, v21;
	v21 =	vmul.f32 v31, v16;
	v16 =	vadd.f32 $1.000000000e+00, v29;
	v29 =	vld [tilespmem:s15+$0x3B90]  }
0xd6: {  	v3 =	vadd.f32 $1.000000000e+00, v3;
	v1 =	vmul.f32 v1, v10;
	v9 =	vmul.f32 v9, v20;
	v20 =	vld [tilespmem:s15+$0x3BD0]  }
0xd7: {  	v31 =	vmul.f32 v32, v19;
	v38 =	vadd.f32 $1.000000000e+00, v38;
	v57 =	vmul.f32 v21, v51;
	v21 =	vld [tilespmem:$0x1FF90]  }
0xd8: {  	s30 =	sadd.s32 $0x40, s30;
	v8 =	vadd.f32 $1.000000000e+00, v8;
	v2 =	vmul.f32 v2, v22;
	v22 =	vmul.f32 v35, v18;
	v51 =	vld [tilespmem:$0x1FFF0]  }
0xd9: {  	v3 =	vmul.f32 v3, v15;
	v15 =	vadd.f32 $1.000000000e+00, v39;
	v1 =	vmul.f32 v1, v54;
	v54 =	vld [tilespmem:s30+$0x0]  }
0xda: {  	v18 =	vmul.f32 v38, v25;
	v25 =	vmul.f32 v16, v27;
	v27 =	vadd.f32 $1.000000000e+00, v42;
	v42 =	vld [tilespmem:s15+$0x33E0];
	s15 =	smov.u32 s21  }
0xdb: {  	v4 =	vmul.f32 v4, v23;
	v8 =	vmul.f32 v8, v24;
	v16 =	vld [tilespmem:s15+$0x1C00]  }
0xdc: {  	v12 =	vmul.f32 v15, v12;
	v15 =	vadd.f32 $1.000000000e+00, v33;
	v7 =	vmul.f32 v9, v7;
	v19 =	vld [tilespmem:s15+$0x2C00]  }
0xdd: {  	v9 =	vld [tilespmem:s15+$0x1BB0];
	v23 =	vmul.f32 v18, v62;
	v24 =	vmul.f32 v25, v63  }
0xde: {  	v10 =	vld [tilespmem:s15+$0x2BB0];
	v14 =	vmul.f32 v27, v14;
	v11 =	vmul.f32 v15, v11  }
0xdf: {  	v58 =	vld [tilespmem:s15+$0x2BA0];
	v4 =	vmul.f32 v4, v29;
	v8 =	vmul.f32 v8, v20;
	v23 =	vadd.f32 v24, v23  }
0xe0: {  	v18 =	vld [tilespmem:s15+$0x1400];
	v63 =	vadd.f32 v30, v49;
	v14 =	vmul.f32 v14, v61;
	v3 =	vmul.f32 v3, v42  }
0xe1: {  	v26 =	vand.u32 $0x7FFFFFFF, v26;
	v27 =	vld [tilespmem:s15+$0x2400];
	v4 =	vadd.f32 v8, v4;
	v8 =	vadd.f32 v23, v60  }
0xe2: {  	v30 =	vld [tilespmem:s15+$0x1390];
	v11 =	vmul.f32 v11, v43;
	v3 =	vadd.f32 v3, v14;
	v14 =	vmul.f32 v22, v36  }
0xe3: {  	v2 =	vmul.f32 v2, v37;
	v20 =	vld [tilespmem:s15+$0x1BC0];
	v29 =	vlaneseq.u32;
	v4 =	vsub.f32 v8, v4  }
0xe4: {  	v24 =	vld [tilespmem:s15+$0x2BC0];
	v8 =	vmul.f32 v12, v41;
	v56 =	vadd.f32 v11, v14;
	v11 =	vmul.f32 v17, v50  }
0xe5: {  	v5 =	vmul.f32 v31, v5;
	vm0 =	veq.s32 v21, v29;
	v21 =	vld [tilespmem:s15+$0x1B90];
	v3 =	vadd.f32 v3, v34  }
0xe6: {  	v4 =	vand.u32 $0x7FFFFFFF, v4;
	v2 =	vadd.f32 v8, v2;
	v31 =	vadd.f32 v57, v11;
	v11 =	vld [tilespmem:$0x1FF80]  }
0xe7: {  	v0 =	vmul.f32 v0, v53;
	v5 =	vadd.f32 v7, v5;
	v60 =	vld [tilespmem:s15+$0x13A0];
	v4 =	vadd.f32 v4, v26  }
0xe8: {  	v12 =	vld [tilespmem:s15+$0x13C0];
	v2 =	vsub.f32 v3, v2;
	v3 =	vadd.f32 v56, v52  }
0xe9: {  	s18 =	sadd.s32 $0x1, s18;
	v0 =	vadd.f32 v1, v0;
	v25 =	vand.u32 $0x7FFFFFFF, v28;
	v14 =	vld [tilespmem:s15+$0x13B0]  }
0xea: {  	v61 =	vld [tilespmem:s15+$0x13E0];
	v4 =	vadd.f32 v25, v4;
	v3 =	vsub.f32 v3, v5;
	v5 =	vmov s18  }
0xeb: {  	v0 =	vadd.f32 v0, v48;
	v8 =	vld [tilespmem:s15+$0x13F0];
	v2 =	vand.u32 $0x7FFFFFFF, v2;
	v25 =	vperm.xlane v11, v5  }
0xec: {  	v2 =	vadd.f32 v2, v4;
	v11 =	vld [tilespmem:$0x1FFA0]  }
0xed: {  	v22 =	vld [tilespmem:s15+$0x23C0];
	v0 =	vsub.f32 v0, v31;
	v4 =	vand.u32 $0x7FFFFFFF, v13;
	v12 =	vmul.f32 v12, v25  }
0xee: {  	v2 =	vadd.f32 v4, v2;
	v4 =	vld [tilespmem:$0x1FFB0];
	v14 =	vmul.f32 v14, v25;
	v1 =	vmul.f32 v60, v25  }
0xef: {  	v17 =	vld [tilespmem:s15+$0x23B0];
	v9 =	vmul.f32 v9, v25;
	v48 =	vmul.f32 v21, v25;
	v21 =	vadd.f32 v18, v12  }
0xf0: {  	v15 =	vld [tilespmem:s15+$0x2BF0];
	v18 =	vadd.f32 v8, v14;
	v8 =	vmul.f32 v30, v25;
	v14 =	vadd.f32 v61, v1  }
0xf1: {  	v23 =	vld [tilespmem:s15+$0x1BF0];
	v59 =	vmovc v5;
	v0 =	vand.u32 $0x7FFFFFFF, v0;
	v28 =	vperm.xlane v11, v5;
	v5 =	vmul.f32 v20, v25  }
0xf2: {  	v31 =	vld [tilespmem:s15+$0x2B90];
	v3 =	vand.u32 $0x7FFFFFFF, v3;
	v36 =	vmul.f32 v18, v18;
	v42 =	vmul.f32 v14, v14  }
0xf3: {  	v11 =	vld [tilespmem:s15+$0x1BA0];
	v4 =	vsub.f32 v4, v47;
	v20 =	vmul.f32 v24, v28;
	v22 =	vmul.f32 v22, v28  }
0xf4: {  	v13 =	vld [tilespmem:s15+$0x2BE0];
	v2 =	vadd.f32 v3, v2;
	v24 =	vmul.f32 v10, v28;
	v29 =	vmul.f32 v17, v28  }
0xf5: {  	v26 =	vld [tilespmem:s15+$0x23F0];
	v10 =	vadd.f32 v46, v45;
	v3 =	vmul.f32 v58, v28;
	v4 =	vand.u32 $0x7FFFFFFF, v4  }
0xf6: {  	v17 =	vadd.f32 v16, v5;
	v5 =	vld [tilespmem:s15+$0x2390];
	v60 =	vmul.f32 $2.755731880e-06, v36;
	v2 =	vadd.f32 v4, v2  }
0xf7: {  	[tilespmem:$0x1FFB0] =	vst v10;
	v10 =	vld [tilespmem:$0x1FFC0];
	v16 =	vadd.f32 v19, v20;
	v20 =	vadd.f32 v15, v24;
	v24 =	vmul.f32 v31, v28  }
0xf8: {  	v19 =	vadd.f32 v23, v9;
	v30 =	vmul.f32 v17, v17;
	v62 =	vmul.f32 v11, v25;
	v25 =	vld [tilespmem:s15+$0x2BD0]  }
0xf9: {  	v4 =	vld [tilespmem:s15+$0x23A0];
	v12 =	vadd.f32 v13, v3;
	v31 =	vmul.f32 v21, v21;
	v34 =	vmul.f32 v16, v16  }
0xfa: {  	v7 =	vld [tilespmem:s15+$0x1BE0];
	v0 =	vadd.f32 v0, v2;
	v32 =	vmul.f32 v19, v19;
	v38 =	vmul.f32 v20, v20  }
0xfb: {  	v49 =	vld [tilespmem:s15+$0x23E0];
	v11 =	vadd.f32 v26, v29;
	v39 =	vmul.f32 v12, v12;
	v5 =	vmul.f32 v5, v28  }
0xfc: {  	[tilespmem:$0x1FF90] =	vst v59;
	v9 =	vld [tilespmem:$0x1FFE0];
	v13 =	vsub.f32 v63, v54;
	v59 =	vmul.f32 $2.755731880e-06, v38;
	v10 =	vperm.xlane v0, v10  }
0xfd: {  	v50 =	vld [tilespmem:s15+$0x23D0];
	v33 =	vmul.f32 v11, v11;
	v58 =	vmul.f32 $2.755731880e-06, v32;
	v24 =	vadd.f32 v25, v24  }
0xfe: {  	v52 =	vld [tilespmem:s1+$0xFFFFFFF0];
	v4 =	vmul.f32 v4, v28;
	v59 =	vadd.f32 $-1.984127010e-04, v59;
	v0 =	vadd.f32 v0, v10  }
0xff: {  	v61 =	vmul.f32 $2.755731880e-06, v33;
	v10 =	vadd.f32 v27, v22;
	v22 =	vadd.f32 v7, v62;
	v7 =	vld [tilespmem:s15+$0x13D0]  }
0x100: {  	v27 =	vld [tilespmem:s15+$0x1BD0];
	v15 =	vadd.f32 v49, v4;
	v41 =	vmul.f32 v24, v24;
	v54 =	vmul.f32 v59, v38  }
0x101: {  	v4 =	vld [tilespmem:s15+$0xEBA0];
	v9 =	vperm.xlane v0, v9;
	v35 =	vmul.f32 v10, v10  }
0x102: {  	v1 =	vadd.f32 $-1.984127010e-04, v60;
	v43 =	vmul.f32 v22, v22;
	v37 =	vmul.f32 v15, v15  }
0x103: {  	v53 =	vld [tilespmem:s1+$0xFFFFFFE0];
	v57 =	vmul.f32 $2.755731880e-06, v41;
	v0 =	vadd.f32 v0, v9;
	v9 =	vmul.f32 $2.755731880e-06, v31  }
0x104: {  	v55 =	vmul.f32 $2.755731880e-06, v35;
	v62 =	vmul.f32 $2.755731880e-06, v43;
	v25 =	vadd.f32 v7, v8;
	v7 =	vld [tilespmem:s15+$0xEB90]  }
0x105: {  	v63 =	vmul.f32 $2.755731880e-06, v37;
	v23 =	vadd.f32 v27, v48;
	v8 =	vld [tilespmem:$0x1FFD0];
	v27 =	vadd.f32 v50, v5  }
0x106: {  	v3 =	vadd.f32 v4, v52;
	v4 =	vld [tilespmem:s30+$0xFFFFFFF0];
	v48 =	vmul.f32 v1, v36;
	v2 =	vperm.xlane v0, v51  }
0x107: {  	v9 =	vadd.f32 $-1.984127010e-04, v9;
	v45 =	vadd.f32 $-1.984127010e-04, v63;
	v44 =	vmul.f32 v23, v23  }
0x108: {  	v40 =	vmul.f32 v25, v25;
	v29 =	vmul.f32 v27, v27  }
0x109: {  	v5 =	vld [tilespmem:s30+$0xFFFFFFE0];
	v0 =	vadd.f32 v0, v2;
	v9 =	vmul.f32 v9, v31;
	v45 =	vmul.f32 v45, v37  }
0x10a: {  	v46 =	vadd.f32 $-1.984127010e-04, v55;
	v56 =	vmul.f32 $2.755731880e-06, v44;
	v52 =	vmul.f32 $2.755731880e-06, v29  }
0x10b: {  	v8 =	vperm.xlane v0, v8;
	v2 =	vadd.f32 v7, v53;
	v28 =	vsub.f32 v3, v4  }
0x10c: {  	v7 =	vmul.f32 $2.755731880e-06, v30;
	v3 =	vadd.f32 $-1.984127010e-04, v61;
	v53 =	vadd.f32 $-1.984127010e-04, v57  }
0x10d: {  	v4 =	vmul.f32 $2.755731880e-06, v39;
	v51 =	vadd.f32 $8.333333770e-03, v9;
	v61 =	vadd.f32 $-1.984127010e-04, v56  }
0x10e: {  	v0 =	vadd.f32 v0, v8;
	v8 =	vmul.f32 $2.755731880e-06, v34;
	v26 =	vsub.f32 v2, v5  }
0x10f: {  	v5 =	vmul.f32 $2.755731880e-06, v42;
	v7 =	vadd.f32 $-1.984127010e-04, v7;
	v2 =	vadd.f32 $-1.984127010e-04, v62  }
0x110: {  	v56 =	vmul.f32 v3, v33;
	v0 =	vsub.f32 $0.0e+00, v0;
	v8 =	vadd.f32 $-1.984127010e-04, v8  }
0x111: {  	p0 =	sne.s32 s19, $0x1FC0;
	v5 =	vadd.f32 $-1.984127010e-04, v5;
	v7 =	vmul.f32 v7, v30;
	v49 =	vmul.f32 v2, v43  }
.Ltmp0:
0x112: {  	v6 =	vsel vm0, v0, v6;
	v0 =	vadd.f32 $-1.984127010e-04, v58;
	v58 =	vmul.f32 $2.755731880e-06, v40;
	(pc) =	sbr.rel @p0 .LBB2_3-.Ltmp0, $4  }
0x113: {  	v4 =	vadd.f32 $-1.984127010e-04, v4;
	v8 =	vmul.f32 v8, v34;
	v50 =	vmul.f32 v5, v42  }
0x114: {  	v57 =	vadd.f32 $-1.984127010e-04, v52;
	v47 =	vmul.f32 v0, v32;
	v0 =	vmul.f32 v46, v35  }
0x115: {  	v59 =	vadd.f32 $8.333333770e-03, v7;
	v55 =	vadd.f32 $-1.984127010e-04, v58;
	v58 =	vmul.f32 v4, v39  }
0x116: {  	s19 =	sadd.s32 $0x200, s19;
	v60 =	vadd.f32 $8.333333770e-03, v8;
	v46 =	vmul.f32 v61, v44;
	v52 =	vadd.f32 $8.333333770e-03, v0  }
0x117: {  	v0 =	vmul.f32 v53, v41;
	v1 =	vadd.f32 $8.333333770e-03, v47  }
0x118: {  	v2 =	vadd.f32 $8.333333770e-03, v54;
	v3 =	vmul.f32 v55, v40;
	v4 =	vadd.f32 $8.333333770e-03, v48  }
0x119: {  	v5 =	vadd.f32 $8.333333770e-03, v56;
	v7 =	vmul.f32 v57, v29;
	v8 =	vadd.f32 $8.333333770e-03, v49  }
0x11a: {  	v9 =	vadd.f32 $8.333333770e-03, v58;
	v61 =	vadd.f32 $8.333333770e-03, v50;
	v62 =	vmul.f32 v59, v30  }
0x11b: {  	v45 =	vadd.f32 $8.333333770e-03, v45;
	v54 =	vmul.f32 v51, v31;
	v63 =	vmul.f32 v60, v34  }
0x11c: {  	v55 =	vmul.f32 v52, v35;
	v46 =	vadd.f32 $8.333333770e-03, v46;
	v1 =	vmul.f32 v1, v32  }
0x11d: {  	v2 =	vmul.f32 v2, v38;
	v0 =	vadd.f32 $8.333333770e-03, v0;
	v4 =	vmul.f32 v4, v36  }
0x11e: {  	v5 =	vmul.f32 v5, v33;
	v3 =	vadd.f32 $8.333333770e-03, v3;
	v8 =	vmul.f32 v8, v43  }
0x11f: {  	v9 =	vmul.f32 v9, v39;
	v7 =	vadd.f32 $8.333333770e-03, v7;
	v47 =	vmul.f32 v61, v42  }
0x120: {  	v45 =	vmul.f32 v45, v37;
	v48 =	vadd.f32 $-1.666666720e-01, v62;
	v50 =	vadd.f32 $-1.666666720e-01, v54  }
0x121: {  	v46 =	vmul.f32 v46, v44;
	v49 =	vadd.f32 $-1.666666720e-01, v63;
	v51 =	vadd.f32 $-1.666666720e-01, v55  }
0x122: {  	v0 =	vmul.f32 v0, v41;
	v1 =	vadd.f32 $-1.666666720e-01, v1;
	v2 =	vadd.f32 $-1.666666720e-01, v2  }
0x123: {  	v3 =	vmul.f32 v3, v40;
	v4 =	vadd.f32 $-1.666666720e-01, v4;
	v5 =	vadd.f32 $-1.666666720e-01, v5  }
0x124: {  	v7 =	vmul.f32 v7, v29;
	v8 =	vadd.f32 $-1.666666720e-01, v8;
	v9 =	vadd.f32 $-1.666666720e-01, v9  }
0x125: {  	v30 =	vmul.f32 v48, v30;
	v47 =	vadd.f32 $-1.666666720e-01, v47;
	v31 =	vmul.f32 v50, v31  }
0x126: {  	v45 =	vadd.f32 $-1.666666720e-01, v45;
	v56 =	vmul.f32 v49, v34;
	v57 =	vmul.f32 v51, v35  }
0x127: {  	v58 =	vadd.f32 $-1.666666720e-01, v46;
	v1 =	vmul.f32 v1, v32;
	v4 =	vmul.f32 v4, v36  }
0x128: {  	v2 =	vmul.f32 v2, v38;
	v0 =	vadd.f32 $-1.666666720e-01, v0;
	v8 =	vmul.f32 v8, v43  }
0x129: {  	v5 =	vmul.f32 v5, v33;
	v3 =	vadd.f32 $-1.666666720e-01, v3;
	v59 =	vmul.f32 v47, v42  }
0x12a: {  	v9 =	vmul.f32 v9, v39;
	v7 =	vadd.f32 $-1.666666720e-01, v7;
	v60 =	vmul.f32 v45, v37  }
0x12b: {  	v61 =	vld [tilespmem:s15+$0x33C0];
	v30 =	vadd.f32 $1.000000000e+00, v30;
	v31 =	vadd.f32 $1.000000000e+00, v31;
	v35 =	vmul.f32 v58, v44  }
0x12c: {  	v62 =	vld [tilespmem:s15+$0x33B0];
	v34 =	vadd.f32 $1.000000000e+00, v56;
	v0 =	vmul.f32 v0, v41;
	v3 =	vmul.f32 v3, v40  }
0x12d: {  	v63 =	vld [tilespmem:s15+$0xEBD0];
	v1 =	vadd.f32 $1.000000000e+00, v1;
	v7 =	vmul.f32 v7, v29;
	v4 =	vadd.f32 $1.000000000e+00, v4  }
0x12e: {  	v46 =	vld [tilespmem:$0x1FFB0];
	v2 =	vadd.f32 $1.000000000e+00, v2;
	v8 =	vadd.f32 $1.000000000e+00, v8;
	v17 =	vmul.f32 v30, v17  }
0x12f: {  	v29 =	vld [tilespmem:s15+$0x3390];
	v21 =	vmul.f32 v31, v21;
	v9 =	vadd.f32 $1.000000000e+00, v9;
	v35 =	vadd.f32 $1.000000000e+00, v35  }
0x130: {  	v30 =	vld [tilespmem:s15+$0x33D0];
	v16 =	vmul.f32 v34, v16;
	v3 =	vadd.f32 $1.000000000e+00, v3;
	v1 =	vmul.f32 v1, v19  }
0x131: {  	v31 =	vld [tilespmem:s15+$0x3B90];
	v7 =	vadd.f32 $1.000000000e+00, v7;
	v2 =	vmul.f32 v2, v20;
	v8 =	vmul.f32 v8, v22  }
0x132: {  	v19 =	vld [tilespmem:s15+$0x3BD0];
	v0 =	vadd.f32 $1.000000000e+00, v0;
	v4 =	vmul.f32 v4, v18;
	v9 =	vmul.f32 v9, v12  }
0x133: {  	v18 =	vld [tilespmem:s15+$0x33A0];
	v20 =	vadd.f32 $1.000000000e+00, v59;
	v3 =	vmul.f32 v3, v25;
	v7 =	vmul.f32 v7, v27  }
0x134: {  	v22 =	vld [tilespmem:s15+$0x33E0];
	v23 =	vmul.f32 v35, v23;
	v0 =	vmul.f32 v0, v24;
	v24 =	vadd.f32 $1.000000000e+00, v60  }
0x135: {  	v5 =	vadd.f32 $1.000000000e+00, v5;
	v25 =	vld [tilespmem:s15+$0x3BA0];
	v3 =	vmul.f32 v3, v29;
	v7 =	vmul.f32 v7, v30  }
0x136: {  	v27 =	vand.u32 $0x7FFFFFFF, v28;
	v28 =	vld [tilespmem:s15+$0x3BE0];
	v14 =	vmul.f32 v20, v14;
	v15 =	vmul.f32 v24, v15  }
0x137: {  	v20 =	vld [tilespmem:s15+$0x33F0];
	v0 =	vmul.f32 v0, v19;
	v3 =	vadd.f32 v7, v3;
	v7 =	vmul.f32 v23, v31  }
0x138: {  	v5 =	vmul.f32 v5, v11;
	v19 =	vld [tilespmem:s15+$0xEBE0];
	v14 =	vmul.f32 v14, v18  }
0x139: {  	v12 =	vld [tilespmem:s15+$0x3BB0];
	v0 =	vadd.f32 v0, v7;
	v3 =	vadd.f32 v3, v63;
	v7 =	vmul.f32 v15, v22  }
0x13a: {  	v4 =	vmul.f32 v4, v62;
	v8 =	vmul.f32 v8, v25;
	v15 =	vld [tilespmem:s15+$0x3BF0]  }
0x13b: {  	v11 =	vld [tilespmem:s15+$0x3400];
	v0 =	vsub.f32 v3, v0;
	v42 =	vadd.f32 v7, v14;
	v7 =	vmul.f32 v9, v28  }
0x13c: {  	v18 =	vand.u32 $0x7FFFFFFF, v26;
	v5 =	vmul.f32 v5, v20;
	v9 =	vld [tilespmem:s15+$0xEBF0];
	v14 =	vadd.f32 $1.000000000e+00, v57  }
0x13d: {  	v20 =	vld [tilespmem:s15+$0x3BC0];
	v0 =	vand.u32 $0x7FFFFFFF, v0;
	v7 =	vadd.f32 v7, v8;
	v3 =	vadd.f32 v42, v19  }
0x13e: {  	v1 =	vmul.f32 v1, v12;
	v8 =	vld [tilespmem:s15+$0x3C00];
	v10 =	vmul.f32 v14, v10;
	v0 =	vadd.f32 v0, v18  }
0x13f: {  	v12 =	vld [tilespmem:s30+$0x10];
	v4 =	vadd.f32 v5, v4;
	v2 =	vmul.f32 v2, v15;
	v3 =	vsub.f32 v3, v7  }
0x140: {  	v5 =	vld [tilespmem:s15+$0xEC00];
	v7 =	vmul.f32 v21, v61;
	v10 =	vmul.f32 v10, v11;
	v0 =	vadd.f32 v27, v0  }
0x141: {  	v1 =	vadd.f32 v2, v1;
	v43 =	vadd.f32 v4, v9;
	v3 =	vand.u32 $0x7FFFFFFF, v3  }
0x142: {  	v44 =	vand.u32 $0x7FFFFFFF, v13;
	v4 =	vmul.f32 v17, v20;
	v0 =	vadd.f32 v3, v0  }
0x143: {  	v45 =	vadd.f32 v10, v7;
	v1 =	vsub.f32 v43, v1;
	v7 =	vmul.f32 v16, v8  }
0x144: {  	v3 =	vsub.f32 v46, v12;
	v0 =	vadd.f32 v44, v0  }
0x145: {  	v2 =	vadd.f32 v45, v5;
	v1 =	vand.u32 $0x7FFFFFFF, v1;
	v4 =	vadd.f32 v7, v4  }
0x146: {  	v0 =	vadd.f32 v1, v0  }
0x147: {  	v5 =	vld [tilespmem:$0x1FFC0];
	v47 =	vand.u32 $0x7FFFFFFF, v3;
	v2 =	vsub.f32 v2, v4  }
0x148: {  	v0 =	vadd.f32 v47, v0  }
0x149: {  	v48 =	vand.u32 $0x7FFFFFFF, v2  }
0x14a: {  	v0 =	vadd.f32 v48, v0  }
0x14b: {  	v62 =	vld [tilespmem:$0x1FFE0]  }
0x14c: {  	v1 =	vperm.xlane v0, v5;
	_ =	sdelay $0x1  }
0x14d: {  	v0 =	vadd.f32 v0, v1  }
0x14e: {  	v63 =	vld [tilespmem:$0x1FFF0]  }
0x14f: {  	v1 =	vperm.xlane v0, v62;
	_ =	sdelay $0x1  }
0x150: {  	v0 =	vadd.f32 v0, v1  }
0x151: {  	v49 =	vld [tilespmem:$0x1FFD0]  }
0x152: {  	v1 =	vperm.xlane v0, v63;
	_ =	sdelay $0x1  }
0x153: {  	v0 =	vadd.f32 v0, v1;
	_ =	sdelay $0x1  }
0x154: {  	v51 =	vld [tilespmem:$0x1FF90];
	v1 =	vperm.xlane v0, v49;
	_ =	sdelay $0x1  }
0x155: {  	v0 =	vadd.f32 v0, v1;
	_ =	sdelay $0x1  }
0x156: {  	v50 =	vlaneseq.u32;
	v0 =	vsub.f32 $0.0e+00, v0  }
0x157: {  	vm0 =	veq.s32 v51, v50  }
0x158: {  	v0 =	vsel vm0, v0, v6  }
0x159: {  	[tilespmem:s16+$0xA00] =	vst v0  }
0x15a: {  	_ =	swait.ge [sflag:s24], $0x400  }
0x15b: {  	[sflag:s24] =	ssyncset.done $0x0  }
0x15c: {  	[sflag:s24] =	ssyncadd.s32 $0xFFFFFC00  }
0x15d: {  	_ =	swait.ge [sflag:s24], $0x400  }
0x15e: {  	[sflag:s24] =	ssyncset.done $0x0  }
0x15f: {  	[sflag:s24] =	ssyncadd.s32 $0xFFFFFC00  }
0x160: {  	_ =	swait.ge [sflag:s24], $0x800  }
0x161: {  	[sflag:s24] =	ssyncset.done $0x0  }
0x162: {  	[sflag:s24] =	ssyncadd.s32 $0xFFFFF800  }
0x163: {  	_ =	swait.ge [sflag:s24], $0x800  }
0x164: {  	[sflag:s24] =	ssyncset.done $0x0  }
0x165: {  	[sflag:s24] =	ssyncadd.s32 $0xFFFFF800  }
0x166: {  	_ =	swait.ge [sflag:s24], $0x800  }
0x167: {  	[sflag:s24] =	ssyncset.done $0x0  }
0x168: {  	[sflag:s24] =	ssyncadd.s32 $0xFFFFF800  }
0x169: {  	_ =	swait.ge [sflag:s24], $0x800  }
0x16a: {  	[sflag:s24] =	ssyncset.done $0x0  }
0x16b: {  	[sflag:s24] =	ssyncadd.s32 $0xFFFFF800  }
0x16c: {  	_ =	swait.ge [sflag:s24], $0x800  }
0x16d: {  	[sflag:s24] =	ssyncset.done $0x0  }
0x16e: {  	[sflag:s24] =	ssyncadd.s32 $0xFFFFF800  }
0x16f: {  	_ =	swait.ge [sflag:s24], $0x800  }
0x170: {  	[sflag:s24] =	ssyncset.done $0x0  }
0x171: {  	[sflag:s24] =	ssyncadd.s32 $0xFFFFF800  }
0x172: {  	_ =	swait.ge [sflag:s24], $0x800  }
0x173: {  	[sflag:s24] =	ssyncset.done $0x0  }
0x174: {  	s15 =	sor.u32 $0x30, s16;
	[sflag:s24] =	ssyncadd.s32 $0xFFFFF800  }
0x175: {  	[tilespmem:s25], [sflag:$0x4] =	stream.indirect.gather [hbm4b:s4+s20], $0x40, s15, s20, $0xb8;
	[tilespmem:$0x10C00] =	vst v63  }
0x176: {  	s1 =	sadd.s32 $0x230, s16  }
0x177: {  	[tilespmem:s26], [sflag:$0x4] =	stream.indirect.gather [hbm4b:s4+s20], $0x40, s1, s20, $0xb8;
	[tilespmem:$0x10C00] =	vst v63  }
0x178: {  	_ = 	snop  }
0x179: {  	[tilespmem:s17], [sflag:$0x4] =	stream.indirect.gather [hbm4b:s5+s20], $0x80, s15, s20, $0xb8;
	[tilespmem:$0x10C00] =	vst v63  }
0x17a: {  	_ = 	snop  }
0x17b: {  	[tilespmem:s8], [sflag:$0x4] =	stream.indirect.gather [hbm4b:s5+s20], $0x80, s1, s20, $0xb8;
	[tilespmem:$0x10C00] =	vst v63  }
0x17c: {  	_ = 	snop  }
0x17d: {  	[tilespmem:s9], [sflag:$0x4] =	stream.indirect.gather [hbm4b:s6+s20], $0x80, s15, s20, $0xb8;
	[tilespmem:$0x10C00] =	vst v63  }
0x17e: {  	_ = 	snop  }
0x17f: {  	[tilespmem:s10], [sflag:$0x4] =	stream.indirect.gather [hbm4b:s6+s20], $0x80, s1, s20, $0xb8;
	[tilespmem:$0x10C00] =	vst v63  }
0x180: {  	_ = 	snop  }
0x181: {  	[tilespmem:s11], [sflag:$0x4] =	stream.indirect.gather [hbm4b:s7+s20], $0x80, s15, s20, $0xb8;
	[tilespmem:$0x10C00] =	vst v63  }
0x182: {  	_ = 	snop  }
0x183: {  	[tilespmem:s12], [sflag:$0x4] =	stream.indirect.gather [hbm4b:s7+s20], $0x80, s1, s20, $0xb8;
	[tilespmem:$0x10C00] =	vst v63  }
0x184: {  	s22 =	sadd.s32 $0x430, s16  }
0x185: {  	[tilespmem:s13], [sflag:$0x4] =	stream.indirect.gather [hbm4b:s2+s20], $0x80, s22, s20, $0xb8;
	[tilespmem:$0x10C00] =	vst v63  }
0x186: {  	v9 =	vld [tilespmem:s16+$0x610]  }
0x187: {  	s30 =	simm.s32 $0x70;
	v27 =	vld [tilespmem:s16+$0x810]  }
0x188: {  	v4 =	vld [tilespmem:s30+$0x5400]  }
0x189: {  	v7 =	vld [tilespmem:s30+$0x6400]  }
0x18a: {  	v10 =	vld [tilespmem:s30+$0x4C00]  }
0x18b: {  	v11 =	vld [tilespmem:s30+$0x5C00]  }
0x18c: {  	v6 =	vld [tilespmem:s30+$0x53C0]  }
0x18d: {  	v12 =	vld [tilespmem:s30+$0x63C0]  }
0x18e: {  	v13 =	vld [tilespmem:s30+$0x53F0]  }
0x18f: {  	v14 =	vld [tilespmem:s30+$0x63F0]  }
0x190: {  	v15 =	vld [tilespmem:s30+$0x4BC0]  }
0x191: {  	v16 =	vld [tilespmem:s30+$0x5BC0]  }
0x192: {  	v18 =	vld [tilespmem:s30+$0x4BF0]  }
0x193: {  	v22 =	vld [tilespmem:s30+$0x5BF0]  }
0x194: {  	v17 =	vld [tilespmem:s30+$0x53B0]  }
0x195: {  	v19 =	vld [tilespmem:s30+$0x63B0]  }
0x196: {  	v23 =	vld [tilespmem:s30+$0x53E0]  }
0x197: {  	s19 =	simm.s32 $0x0;
	v20 =	vld [tilespmem:s30+$0x4BB0]  }
0x198: {  	v8 =	vmov s19;
	v21 =	vld [tilespmem:s30+$0x5BB0]  }
0x199: {  	v24 =	vld [tilespmem:s30+$0x53A0];
	v25 =	vperm.xlane v9, v8  }
0x19a: {  	v26 =	vld [tilespmem:s30+$0x63A0];
	[tilespmem:$0x1FF60] =	vst v27;
	v27 =	vperm.xlane v27, v8  }
0x19b: {  	v28 =	vld [tilespmem:s30+$0x4BA0];
	v29 =	vmul.f32 v6, v25  }
0x19c: {  	v30 =	vld [tilespmem:s30+$0x5BA0];
	v12 =	vmul.f32 v12, v27;
	v15 =	vmul.f32 v15, v25  }
0x19d: {  	v31 =	vld [tilespmem:s30+$0x5390];
	v55 =	vmul.f32 v16, v27;
	v56 =	vmul.f32 v17, v25  }
0x19e: {  	v60 =	vld [tilespmem:s30+$0x6390];
	v58 =	vmul.f32 v19, v27;
	v59 =	vmul.f32 v20, v25  }
0x19f: {  	v45 =	vld [tilespmem:s30+$0x4B90];
	v61 =	vmul.f32 v21, v27;
	v24 =	vmul.f32 v24, v25  }
0x1a0: {  	v46 =	vld [tilespmem:s30+$0x5B90];
	v28 =	vmul.f32 v28, v25;
	v26 =	vmul.f32 v26, v27  }
0x1a1: {  	v57 =	vld [tilespmem:s30+$0x4BE0];
	v17 =	vadd.f32 v4, v29;
	v4 =	vmul.f32 v30, v27;
	v16 =	vadd.f32 v7, v12  }
0x1a2: {  	v47 =	vld [tilespmem:s30+$0x63E0];
	v7 =	vmul.f32 v31, v25;
	v21 =	vadd.f32 v10, v15;
	v10 =	vadd.f32 v11, v55  }
0x1a3: {  	v48 =	vld [tilespmem:s30+$0x53D0];
	v19 =	vadd.f32 v13, v56;
	v20 =	vadd.f32 v14, v58;
	v13 =	vmul.f32 v60, v27  }
0x1a4: {  	v49 =	vld [tilespmem:s30+$0x63D0];
	v18 =	vadd.f32 v18, v59;
	v11 =	vadd.f32 v22, v61;
	v25 =	vmul.f32 v45, v25  }
0x1a5: {  	s18 =	simm.s32 $0x4420;
	v50 =	vld [tilespmem:s30+$0x4BD0];
	v22 =	vadd.f32 v23, v24;
	v27 =	vmul.f32 v46, v27;
	v30 =	vmul.f32 v17, v17  }
0x1a6: {  	v0 =	vld [tilespmem:s18+$0x10];
	v14 =	vadd.f32 v57, v28;
	v31 =	vmul.f32 v21, v21;
	v34 =	vmul.f32 v16, v16  }
0x1a7: {  	v52 =	vld [tilespmem:s30+$0xF3C0];
	v12 =	vadd.f32 v47, v26;
	v32 =	vmul.f32 v19, v19;
	v35 =	vmul.f32 v10, v10  }
0x1a8: {  	v53 =	vld [tilespmem:s18+$0x0];
	v23 =	vadd.f32 v48, v7;
	v36 =	vmul.f32 v18, v18;
	v38 =	vmul.f32 v20, v20  }
0x1a9: {  	v54 =	vld [tilespmem:s30+$0xF3B0];
	v24 =	vadd.f32 v49, v13;
	v33 =	vmul.f32 v11, v11;
	v43 =	vmul.f32 v22, v22  }
0x1aa: {  	v29 =	vld [tilespmem:s30+$0x5BE0];
	v25 =	vadd.f32 v50, v25;
	v39 =	vmul.f32 v12, v12;
	v42 =	vmul.f32 v14, v14  }
0x1ab: {  	v26 =	vld [tilespmem:s30+$0x5BD0];
	v44 =	vmul.f32 v23, v23;
	v41 =	vmul.f32 v24, v24  }
0x1ac: {  	v40 =	vmul.f32 v25, v25;
	v46 =	vmul.f32 $2.755731880e-06, v34  }
0x1ad: {  	v0 =	vadd.f32 v52, v0;
	v47 =	vmul.f32 $2.755731880e-06, v31;
	v48 =	vmul.f32 $2.755731880e-06, v35  }
0x1ae: {  	v51 =	vld [tilespmem:s30+$0xF390];
	v53 =	vadd.f32 v54, v53;
	v56 =	vmul.f32 $2.755731880e-06, v32;
	v50 =	vmul.f32 $2.755731880e-06, v38  }
0x1af: {  	v6 =	vimm.f32 $0.0e+00;
	[tilespmem:$0x1FF70] =	vst v0;
	v28 =	vld [tilespmem:s30+$0xF3A0];
	v0 =	vmul.f32 $2.755731880e-06, v36;
	v1 =	vmul.f32 $2.755731880e-06, v33  }
0x1b0: {  	v13 =	vld [tilespmem:s18+$0xFFFFFFE0];
	v57 =	vmul.f32 $2.755731880e-06, v43;
	v15 =	vadd.f32 v29, v4;
	v27 =	vadd.f32 v26, v27  }
0x1b1: {  	s31 =	simm.s32 $0x4820;
	v58 =	vmul.f32 $2.755731880e-06, v39;
	v4 =	vld [tilespmem:s18+$0xFFFFFFF0];
	v47 =	vadd.f32 $-1.984127010e-04, v47;
	v46 =	vadd.f32 $-1.984127010e-04, v46  }
0x1b2: {  	v59 =	vmul.f32 $2.755731880e-06, v42;
	v26 =	vld [tilespmem:s31+$0x0];
	v49 =	vadd.f32 $-1.984127010e-04, v56;
	v48 =	vadd.f32 $-1.984127010e-04, v48  }
0x1b3: {  	v54 =	vld [tilespmem:s31+$0xFFFFFFE0];
	v61 =	vmul.f32 $2.755731880e-06, v44;
	v0 =	vadd.f32 $-1.984127010e-04, v0;
	v50 =	vadd.f32 $-1.984127010e-04, v50  }
0x1b4: {  	v2 =	vadd.f32 $-1.984127010e-04, v57;
	v3 =	vadd.f32 $-1.984127010e-04, v58;
	v37 =	vmul.f32 v15, v15  }
0x1b5: {  	v1 =	vadd.f32 $-1.984127010e-04, v1;
	v29 =	vmul.f32 v27, v27;
	v46 =	vmul.f32 v46, v34  }
0x1b6: {  	v52 =	vld [tilespmem:s31+$0xFFFFFFF0];
	v45 =	vadd.f32 v51, v13;
	v56 =	vmul.f32 v3, v39;
	v60 =	vmul.f32 $2.755731880e-06, v37  }
0x1b7: {  	v55 =	vadd.f32 v28, v4;
	v4 =	vmul.f32 $2.755731880e-06, v30;
	v13 =	vsub.f32 v53, v26  }
0x1b8: {  	v26 =	vsub.f32 v45, v54;
	v53 =	vmul.f32 $2.755731880e-06, v41;
	v54 =	vmul.f32 $2.755731880e-06, v40  }
0x1b9: {  	v45 =	vadd.f32 $-1.984127010e-04, v59;
	v59 =	vmul.f32 v47, v31;
	v47 =	vmul.f32 v49, v32  }
0x1ba: {  	v49 =	vmul.f32 v2, v43;
	v57 =	vadd.f32 $-1.984127010e-04, v60;
	v60 =	vadd.f32 $-1.984127010e-04, v61  }
0x1bb: {  	v61 =	vmul.f32 v48, v35;
	v48 =	vmul.f32 v0, v36;
	v28 =	vsub.f32 v55, v52  }
0x1bc: {  	v4 =	vadd.f32 $-1.984127010e-04, v4;
	v55 =	vmul.f32 $2.755731880e-06, v29;
	v51 =	vadd.f32 $-1.984127010e-04, v53  }
0x1bd: {  	v52 =	vmul.f32 v50, v38;
	v53 =	vadd.f32 $-1.984127010e-04, v54;
	v54 =	vmul.f32 v1, v33  }
0x1be: {  	v58 =	vadd.f32 $8.333333770e-03, v46;
	v50 =	vmul.f32 v45, v42;
	v4 =	vmul.f32 v4, v30  }
0x1bf: {  	[tilespmem:$0x1FF50] =	vst v8;
	v59 =	vadd.f32 $8.333333770e-03, v59;
	v46 =	vmul.f32 v60, v44;
	v60 =	vadd.f32 $8.333333770e-03, v61  }
0x1c0: {  	s21 =	simm.s32 $0x3C0;
	s1 =	sor.u32 $0x10, s16;
	[tilespmem:$0x1FF40] =	vst v9;
	v45 =	vmul.f32 v57, v37;
	v55 =	vadd.f32 $-1.984127010e-04, v55;
	v57 =	vadd.f32 $8.333333770e-03, v4  }
.LBB2_5:
0x1c1: {  	_ = 	snop  }
0x1c2: {  	v0 =	vmul.f32 v51, v41;
	v1 =	vadd.f32 $8.333333770e-03, v47;
	v2 =	vadd.f32 $8.333333770e-03, v52  }
0x1c3: {  	v7 =	vld [tilespmem:s30+$0x73F0];
	v3 =	vmul.f32 v53, v40;
	v4 =	vadd.f32 $8.333333770e-03, v48;
	v51 =	vadd.f32 $8.333333770e-03, v54  }
0x1c4: {  	v52 =	vmul.f32 v55, v29;
	v49 =	vadd.f32 $8.333333770e-03, v49;
	v53 =	vadd.f32 $8.333333770e-03, v56;
	v47 =	vld [tilespmem:s31+$0x10]  }
0x1c5: {  	s18 =	sadd.s32 $0x40, s18;
	v54 =	vadd.f32 $8.333333770e-03, v50;
	v55 =	vmul.f32 v57, v30;
	v56 =	vmul.f32 v58, v34;
	v48 =	vld [tilespmem:s30+$0xF400]  }
0x1c6: {  	v57 =	vadd.f32 $8.333333770e-03, v45;
	v58 =	vmul.f32 v59, v31;
	v59 =	vmul.f32 v60, v35;
	v5 =	vld [tilespmem:s18+$0x10]  }
0x1c7: {  	s22 =	sshra.s32 s21, $0x2;
	v60 =	vadd.f32 $8.333333770e-03, v46;
	v50 =	vld [tilespmem:s30+$0x73C0];
	v1 =	vmul.f32 v1, v32;
	v2 =	vmul.f32 v2, v38  }
0x1c8: {  	[tilespmem:$0x1FF30] =	vst v6;
	v6 =	vmovc v63;
	v46 =	vld [tilespmem:s22+$0xF3C0];
	v0 =	vadd.f32 $8.333333770e-03, v0;
	v4 =	vmul.f32 v4, v36;
	v61 =	vmul.f32 v51, v33  }
0x1c9: {  	v45 =	vmovc v13;
	v13 =	vmovc v62;
	v3 =	vadd.f32 $8.333333770e-03, v3;
	v62 =	vmul.f32 v49, v43;
	v63 =	vmul.f32 v53, v39;
	v51 =	vld [tilespmem:s30+$0x7400]  }
0x1ca: {  	v8 =	vadd.f32 $8.333333770e-03, v52;
	v9 =	vmul.f32 v54, v42;
	v57 =	vmul.f32 v57, v37;
	v52 =	vld [tilespmem:s30+$0xF3F0]  }
0x1cb: {  	v60 =	vmul.f32 v60, v44;
	v55 =	vadd.f32 $-1.666666720e-01, v55;
	v56 =	vadd.f32 $-1.666666720e-01, v56;
	v53 =	vld [tilespmem:s30+$0x6BC0]  }
0x1cc: {  	v58 =	vadd.f32 $-1.666666720e-01, v58;
	v59 =	vadd.f32 $-1.666666720e-01, v59;
	v54 =	vld [tilespmem:s30+$0x6C00];
	v0 =	vmul.f32 v0, v41  }
0x1cd: {  	v49 =	vld [tilespmem:s18+$0x0];
	v3 =	vmul.f32 v3, v40;
	v1 =	vadd.f32 $-1.666666720e-01, v1;
	v2 =	vadd.f32 $-1.666666720e-01, v2  }
0x1ce: {  	v8 =	vmul.f32 v8, v29;
	v4 =	vadd.f32 $-1.666666720e-01, v4;
	v55 =	vmul.f32 v55, v30;
	v30 =	vld [tilespmem:s22+$0xF3B0]  }
0x1cf: {  	v61 =	vadd.f32 $-1.666666720e-01, v61;
	v34 =	vmul.f32 v56, v34;
	v56 =	vadd.f32 $-1.666666720e-01, v57;
	v57 =	vld [tilespmem:s30+$0xF3E0]  }
0x1d0: {  	v62 =	vadd.f32 $-1.666666720e-01, v62;
	v63 =	vadd.f32 $-1.666666720e-01, v63;
	v31 =	vmul.f32 v58, v31;
	v58 =	vld [tilespmem:s30+$0x6B90]  }
0x1d1: {  	v9 =	vadd.f32 $-1.666666720e-01, v9;
	[tilespmem:$0x1FF20] =	vst v5;
	v5 =	vld [tilespmem:s30+$0x73B0];
	v1 =	vmul.f32 v1, v32;
	v32 =	vmul.f32 v59, v35  }
0x1d2: {  	v35 =	vadd.f32 $-1.666666720e-01, v60;
	v4 =	vmul.f32 v4, v36;
	v2 =	vmul.f32 v2, v38;
	v38 =	vld [tilespmem:s30+$0x6BB0]  }
0x1d3: {  	v0 =	vadd.f32 $-1.666666720e-01, v0;
	v59 =	vmul.f32 v62, v43;
	v33 =	vmul.f32 v61, v33;
	v61 =	vld [tilespmem:$0x1FFC0]  }
0x1d4: {  	v3 =	vadd.f32 $-1.666666720e-01, v3;
	v9 =	vmul.f32 v9, v42;
	v39 =	vmul.f32 v63, v39;
	v42 =	vld [tilespmem:s30+$0x6BF0]  }
0x1d5: {  	v8 =	vadd.f32 $-1.666666720e-01, v8;
	v37 =	vmul.f32 v56, v37;
	v43 =	vld [tilespmem:s30+$0x73A0];
	v60 =	vadd.f32 $1.000000000e+00, v55  }
0x1d6: {  	v34 =	vadd.f32 $1.000000000e+00, v34;
	v31 =	vadd.f32 $1.000000000e+00, v31;
	v0 =	vmul.f32 v0, v41;
	v41 =	vld [tilespmem:s30+$0x73E0]  }
0x1d7: {  	v35 =	vmul.f32 v35, v44;
	v3 =	vmul.f32 v3, v40;
	v40 =	vld [tilespmem:s30+$0xF3D0];
	v1 =	vadd.f32 $1.000000000e+00, v1  }
0x1d8: {  	v8 =	vmul.f32 v8, v29;
	v29 =	vld [tilespmem:s30+$0x6BA0];
	v4 =	vadd.f32 $1.000000000e+00, v4;
	v2 =	vadd.f32 $1.000000000e+00, v2  }
0x1d9: {  	v36 =	vadd.f32 $1.000000000e+00, v59;
	v17 =	vmul.f32 v60, v17;
	v59 =	vld [tilespmem:s30+$0x6BD0];
	v21 =	vmul.f32 v31, v21  }
0x1da: {  	v31 =	vmul.f32 v34, v16;
	v60 =	vld [tilespmem:s30+$0x7390];
	v9 =	vadd.f32 $1.000000000e+00, v9;
	v35 =	vadd.f32 $1.000000000e+00, v35  }
0x1db: {  	v63 =	vmovc v6;
	v6 =	vld [tilespmem:$0x1FF40];
	v3 =	vadd.f32 $1.000000000e+00, v3;
	v1 =	vmul.f32 v1, v19;
	v2 =	vmul.f32 v2, v20  }
0x1dc: {  	v8 =	vadd.f32 $1.000000000e+00, v8;
	v20 =	vld [tilespmem:s30+$0x73D0];
	v22 =	vmul.f32 v36, v22;
	v4 =	vmul.f32 v4, v18  }
0x1dd: {  	v0 =	vadd.f32 $1.000000000e+00, v0;
	v9 =	vmul.f32 v9, v14;
	v3 =	vmul.f32 v3, v25;
	v25 =	vld [tilespmem:s30+$0x6BE0];
	s30 =	smov.u32 s22  }
0x1de: {  	v8 =	vmul.f32 v8, v27;
	v23 =	vmul.f32 v35, v23;
	v16 =	vld [tilespmem:s30+$0x5400]  }
0x1df: {  	v0 =	vmul.f32 v0, v24;
	v24 =	vadd.f32 $1.000000000e+00, v37;
	v22 =	vmul.f32 v22, v43;
	v19 =	vld [tilespmem:s30+$0x6400]  }
0x1e0: {  	v27 =	vand.u32 $0x7FFFFFFF, v28;
	v18 =	vld [tilespmem:s30+$0x4C00];
	v3 =	vmul.f32 v3, v58;
	v8 =	vmul.f32 v8, v59  }
0x1e1: {  	v2 =	vmul.f32 v2, v7;
	v7 =	vld [tilespmem:s30+$0x53B0];
	v14 =	vmul.f32 v24, v15;
	v15 =	vadd.f32 $1.000000000e+00, v39  }
0x1e2: {  	v62 =	vmovc v13;
	v13 =	vld [tilespmem:s30+$0x63E0];
	v0 =	vmul.f32 v0, v20;
	v3 =	vadd.f32 v8, v3;
	v8 =	vmul.f32 v23, v60  }
0x1e3: {  	v4 =	vmul.f32 v4, v38;
	v55 =	vld [tilespmem:s30+$0x63A0];
	v12 =	vmul.f32 v15, v12;
	v15 =	vadd.f32 $1.000000000e+00, v33  }
0x1e4: {  	v9 =	vmul.f32 v9, v29;
	v56 =	vld [tilespmem:s30+$0x5BA0];
	v0 =	vadd.f32 v0, v8;
	v8 =	vmul.f32 v14, v25  }
0x1e5: {  	v1 =	vmul.f32 v1, v5;
	v24 =	vld [tilespmem:s30+$0x5C00];
	v3 =	vadd.f32 v3, v40;
	v11 =	vmul.f32 v15, v11  }
0x1e6: {  	v28 =	vlaneseq.u32;
	v58 =	vld [tilespmem:s30+$0x6390];
	v43 =	vadd.f32 v8, v9;
	v8 =	vmul.f32 v12, v41  }
0x1e7: {  	v20 =	vld [tilespmem:s30+$0x53C0];
	v0 =	vsub.f32 v3, v0;
	v11 =	vmul.f32 v11, v42;
	v12 =	vadd.f32 $1.000000000e+00, v32  }
0x1e8: {  	v23 =	vld [tilespmem:s30+$0x63C0];
	v25 =	vand.u32 $0x7FFFFFFF, v26;
	v8 =	vadd.f32 v8, v22;
	v3 =	vadd.f32 v43, v57  }
0x1e9: {  	v14 =	vld [tilespmem:s30+$0x53F0];
	v0 =	vand.u32 $0x7FFFFFFF, v0;
	v5 =	vmul.f32 v12, v10;
	v4 =	vadd.f32 v11, v4  }
0x1ea: {  	v26 =	vld [tilespmem:s30+$0x5BC0];
	v11 =	vmul.f32 v17, v50;
	v0 =	vadd.f32 v0, v25;
	v3 =	vsub.f32 v3, v8  }
0x1eb: {  	v1 =	vadd.f32 v2, v1;
	v9 =	vld [tilespmem:s30+$0x4BC0];
	v8 =	vmul.f32 v21, v53;
	v5 =	vmul.f32 v5, v54  }
0x1ec: {  	s19 =	sadd.s32 $0x1, s19;
	v44 =	vadd.f32 v4, v52;
	v54 =	vld [tilespmem:$0x1FF70];
	v0 =	vadd.f32 v27, v0;
	v3 =	vand.u32 $0x7FFFFFFF, v3  }
0x1ed: {  	v17 =	vld [tilespmem:s30+$0x4BB0];
	v53 =	vadd.f32 v5, v8;
	v5 =	vmul.f32 v31, v51;
	v8 =	vmov s19  }
0x1ee: {  	v1 =	vsub.f32 v44, v1;
	v0 =	vadd.f32 v3, v0;
	v25 =	vperm.xlane v6, v8;
	v6 =	vld [tilespmem:$0x1FF60]  }
0x1ef: {  	v60 =	vadd.f32 v30, v49;
	v52 =	vand.u32 $0x7FFFFFFF, v45;
	v29 =	vadd.f32 v5, v11;
	v11 =	vld [tilespmem:s30+$0x53A0]  }
0x1f0: {  	v22 =	vld [tilespmem:s30+$0x4BF0];
	v1 =	vand.u32 $0x7FFFFFFF, v1;
	v2 =	vadd.f32 v53, v48;
	v0 =	vadd.f32 v52, v0  }
0x1f1: {  	v21 =	vld [tilespmem:s30+$0x5BB0];
	v3 =	vsub.f32 v54, v47;
	v9 =	vmul.f32 v9, v25;
	v7 =	vmul.f32 v7, v25  }
0x1f2: {  	v4 =	vld [tilespmem:s30+$0x53E0];
	v2 =	vsub.f32 v2, v29;
	v29 =	vmul.f32 v17, v25;
	v0 =	vadd.f32 v1, v0  }
0x1f3: {  	v12 =	vld [tilespmem:s30+$0x5BF0];
	v5 =	vmovc v8;
	v3 =	vand.u32 $0x7FFFFFFF, v3;
	v27 =	vperm.xlane v6, v8;
	v8 =	vmul.f32 v20, v25  }
0x1f4: {  	v10 =	vld [tilespmem:s30+$0x63B0];
	v2 =	vand.u32 $0x7FFFFFFF, v2;
	v0 =	vadd.f32 v3, v0;
	v59 =	vmul.f32 v11, v25  }
0x1f5: {  	v6 =	vld [tilespmem:$0x1FF50];
	v20 =	vmul.f32 v23, v27;
	v23 =	vmul.f32 v26, v27;
	v17 =	vadd.f32 v16, v8  }
0x1f6: {  	[tilespmem:$0x1FF50] =	vst v5;
	v5 =	vld [tilespmem:s30+$0x4BA0];
	v31 =	vmul.f32 v21, v27;
	v21 =	vadd.f32 v18, v9;
	v18 =	vadd.f32 v22, v29  }
0x1f7: {  	s31 =	sadd.s32 $0x40, s31;
	v30 =	vld [tilespmem:s30+$0x4B90];
	v1 =	vmul.f32 v55, v27;
	v0 =	vadd.f32 v2, v0;
	v22 =	vadd.f32 v4, v59  }
0x1f8: {  	v52 =	vld [tilespmem:s31+$0x0];
	v3 =	vmul.f32 v56, v27;
	v16 =	vadd.f32 v19, v20;
	v19 =	vadd.f32 v14, v7  }
0x1f9: {  	v26 =	vld [tilespmem:s30+$0x5390];
	v11 =	vadd.f32 v12, v31;
	v31 =	vmul.f32 v21, v21;
	v36 =	vmul.f32 v18, v18  }
0x1fa: {  	v15 =	vld [tilespmem:s30+$0x63F0];
	vm0 =	veq.s32 v6, v28;
	v28 =	vmul.f32 v10, v27;
	v10 =	vperm.xlane v0, v61  }
0x1fb: {  	v57 =	vld [tilespmem:s30+$0x4BE0];
	v12 =	vadd.f32 v13, v1;
	v5 =	vmul.f32 v5, v25;
	v43 =	vmul.f32 v22, v22  }
0x1fc: {  	v47 =	vld [tilespmem:s30+$0x5BE0];
	v34 =	vmul.f32 v16, v16;
	v32 =	vmul.f32 v19, v19  }
0x1fd: {  	v50 =	vld [tilespmem:s18+$0xFFFFFFF0];
	v13 =	vsub.f32 v60, v52;
	v33 =	vmul.f32 v11, v11;
	v39 =	vmul.f32 v12, v12  }
0x1fe: {  	v9 =	vld [tilespmem:s30+$0x53D0];
	v56 =	vmul.f32 $2.755731880e-06, v36;
	v0 =	vadd.f32 v0, v10;
	v26 =	vmul.f32 v26, v25  }
0x1ff: {  	v4 =	vld [tilespmem:s30+$0x4BD0];
	v10 =	vadd.f32 v24, v23;
	v20 =	vadd.f32 v15, v28;
	v24 =	vmul.f32 v58, v27  }
0x200: {  	v8 =	vld [tilespmem:s30+$0x5B90];
	v25 =	vmul.f32 v30, v25;
	v14 =	vadd.f32 v57, v5;
	v30 =	vmul.f32 v17, v17  }
0x201: {  	v6 =	vld [tilespmem:$0x1FF20];
	v15 =	vadd.f32 v47, v3;
	v57 =	vmul.f32 $2.755731880e-06, v43;
	v54 =	vmul.f32 $2.755731880e-06, v32  }
0x202: {  	v28 =	vld [tilespmem:s30+$0x63D0];
	v60 =	vmul.f32 $2.755731880e-06, v33;
	v1 =	vadd.f32 $-1.984127010e-04, v56;
	v7 =	vperm.xlane v0, v62  }
0x203: {  	v5 =	vld [tilespmem:s30+$0xF3A0];
	v23 =	vadd.f32 v9, v26;
	v35 =	vmul.f32 v10, v10;
	v38 =	vmul.f32 v20, v20  }
0x204: {  	v48 =	vld [tilespmem:s30+$0x5BD0];
	v25 =	vadd.f32 v4, v25;
	v42 =	vmul.f32 v14, v14;
	v37 =	vmul.f32 v15, v15  }
0x205: {  	v9 =	vmul.f32 $2.755731880e-06, v31;
	v0 =	vadd.f32 v0, v7;
	v7 =	vmul.f32 v8, v27  }
0x206: {  	v51 =	vld [tilespmem:s18+$0xFFFFFFE0];
	v6 =	vadd.f32 v46, v6;
	v44 =	vmul.f32 v23, v23;
	v40 =	vmul.f32 v25, v25  }
0x207: {  	v4 =	vld [tilespmem:s30+$0xF390];
	v53 =	vmul.f32 $2.755731880e-06, v35;
	v55 =	vmul.f32 $2.755731880e-06, v38;
	v9 =	vadd.f32 $-1.984127010e-04, v9  }
0x208: {  	v58 =	vmul.f32 $2.755731880e-06, v37;
	v24 =	vadd.f32 v28, v24;
	v3 =	vadd.f32 v5, v50  }
0x209: {  	v49 =	vperm.xlane v0, v63;
	v27 =	vadd.f32 v48, v7;
	v59 =	vmul.f32 $2.755731880e-06, v44  }
0x20a: {  	[tilespmem:$0x1FF70] =	vst v6;
	v6 =	vld [tilespmem:$0x1FFD0];
	v46 =	vadd.f32 $-1.984127010e-04, v53;
	v50 =	vmul.f32 $2.755731880e-06, v40;
	v52 =	vadd.f32 $-1.984127010e-04, v55  }
0x20b: {  	v5 =	vld [tilespmem:s31+$0xFFFFFFF0];
	v45 =	vadd.f32 $-1.984127010e-04, v58;
	v9 =	vmul.f32 v9, v31;
	v48 =	vmul.f32 v1, v36  }
0x20c: {  	v41 =	vmul.f32 v24, v24;
	v2 =	vadd.f32 v4, v51;
	v4 =	vmul.f32 $2.755731880e-06, v30  }
0x20d: {  	v7 =	vld [tilespmem:s31+$0xFFFFFFE0];
	v0 =	vadd.f32 v0, v49;
	v29 =	vmul.f32 v27, v27;
	v59 =	vadd.f32 $-1.984127010e-04, v59  }
0x20e: {  	v52 =	vmul.f32 v52, v38;
	v53 =	vadd.f32 $-1.984127010e-04, v50;
	v45 =	vmul.f32 v45, v37  }
0x20f: {  	v4 =	vadd.f32 $-1.984127010e-04, v4;
	v49 =	vmul.f32 $2.755731880e-06, v41;
	v8 =	vperm.xlane v0, v6  }
0x210: {  	v28 =	vsub.f32 v3, v5;
	v5 =	vmul.f32 $2.755731880e-06, v39;
	v3 =	vadd.f32 $-1.984127010e-04, v60  }
0x211: {  	v60 =	vmul.f32 v46, v35;
	v46 =	vmul.f32 v59, v44;
	v59 =	vadd.f32 $8.333333770e-03, v9  }
0x212: {  	v6 =	vld [tilespmem:$0x1FF30];
	v55 =	vmul.f32 $2.755731880e-06, v29;
	v26 =	vsub.f32 v2, v7;
	v2 =	vadd.f32 $-1.984127010e-04, v57  }
0x213: {  	v51 =	vadd.f32 $-1.984127010e-04, v49;
	v0 =	vadd.f32 v0, v8;
	v8 =	vmul.f32 $2.755731880e-06, v34  }
0x214: {  	p0 =	sne.s32 s21, $0x1FC0;
	v7 =	vmul.f32 $2.755731880e-06, v42;
	v5 =	vadd.f32 $-1.984127010e-04, v5;
	v55 =	vadd.f32 $-1.984127010e-04, v55  }
.Ltmp1:
0x215: {  	v4 =	vmul.f32 v4, v30;
	v0 =	vsub.f32 $0.0e+00, v0;
	v8 =	vadd.f32 $-1.984127010e-04, v8;
	(pc) =	sbr.rel @p0 .LBB2_5-.Ltmp1, $4  }
0x216: {  	v60 =	vadd.f32 $8.333333770e-03, v60;
	v7 =	vadd.f32 $-1.984127010e-04, v7;
	v49 =	vmul.f32 v2, v43  }
0x217: {  	v6 =	vsel vm0, v0, v6;
	v0 =	vadd.f32 $-1.984127010e-04, v54;
	v8 =	vmul.f32 v8, v34  }
0x218: {  	v57 =	vadd.f32 $8.333333770e-03, v4;
	v56 =	vmul.f32 v5, v39;
	v50 =	vmul.f32 v7, v42  }
0x219: {  	s21 =	sadd.s32 $0x200, s21;
	v54 =	vmul.f32 v3, v33;
	v47 =	vmul.f32 v0, v32;
	v58 =	vadd.f32 $8.333333770e-03, v8  }
0x21a: {  	v0 =	vmul.f32 v51, v41;
	v2 =	vadd.f32 $8.333333770e-03, v52  }
0x21b: {  	v3 =	vmul.f32 v53, v40;
	v4 =	vadd.f32 $8.333333770e-03, v48;
	v8 =	vadd.f32 $8.333333770e-03, v49  }
0x21c: {  	v7 =	vmul.f32 v55, v29;
	v9 =	vadd.f32 $8.333333770e-03, v56;
	v56 =	vadd.f32 $8.333333770e-03, v50  }
0x21d: {  	v57 =	vmul.f32 v57, v30;
	v45 =	vadd.f32 $8.333333770e-03, v45;
	v59 =	vmul.f32 v59, v31  }
0x21e: {  	v60 =	vmul.f32 v60, v35;
	v46 =	vadd.f32 $8.333333770e-03, v46;
	v1 =	vadd.f32 $8.333333770e-03, v47  }
0x21f: {  	v5 =	vadd.f32 $8.333333770e-03, v54;
	v58 =	vmul.f32 v58, v34;
	v2 =	vmul.f32 v2, v38  }
0x220: {  	v0 =	vadd.f32 $8.333333770e-03, v0;
	v4 =	vmul.f32 v4, v36;
	v3 =	vadd.f32 $8.333333770e-03, v3  }
0x221: {  	v8 =	vmul.f32 v8, v43;
	v9 =	vmul.f32 v9, v39;
	v7 =	vadd.f32 $8.333333770e-03, v7  }
0x222: {  	v47 =	vmul.f32 v56, v42;
	v45 =	vmul.f32 v45, v37;
	v48 =	vadd.f32 $-1.666666720e-01, v57  }
0x223: {  	v46 =	vmul.f32 v46, v44;
	v50 =	vadd.f32 $-1.666666720e-01, v59;
	v51 =	vadd.f32 $-1.666666720e-01, v60  }
0x224: {  	v1 =	vmul.f32 v1, v32;
	v5 =	vmul.f32 v5, v33;
	v49 =	vadd.f32 $-1.666666720e-01, v58  }
0x225: {  	v0 =	vmul.f32 v0, v41;
	v3 =	vmul.f32 v3, v40;
	v2 =	vadd.f32 $-1.666666720e-01, v2  }
0x226: {  	v7 =	vmul.f32 v7, v29;
	v4 =	vadd.f32 $-1.666666720e-01, v4;
	v8 =	vadd.f32 $-1.666666720e-01, v8  }
0x227: {  	v9 =	vadd.f32 $-1.666666720e-01, v9;
	v30 =	vmul.f32 v48, v30;
	v47 =	vadd.f32 $-1.666666720e-01, v47  }
0x228: {  	v31 =	vmul.f32 v50, v31;
	v45 =	vadd.f32 $-1.666666720e-01, v45;
	v55 =	vmul.f32 v51, v35  }
0x229: {  	v56 =	vadd.f32 $-1.666666720e-01, v46;
	v1 =	vadd.f32 $-1.666666720e-01, v1;
	v54 =	vmul.f32 v49, v34  }
0x22a: {  	v5 =	vadd.f32 $-1.666666720e-01, v5;
	v4 =	vmul.f32 v4, v36;
	v2 =	vmul.f32 v2, v38  }
0x22b: {  	v0 =	vadd.f32 $-1.666666720e-01, v0;
	v8 =	vmul.f32 v8, v43;
	v3 =	vadd.f32 $-1.666666720e-01, v3  }
0x22c: {  	v57 =	vmul.f32 v47, v42;
	v9 =	vmul.f32 v9, v39;
	v7 =	vadd.f32 $-1.666666720e-01, v7  }
0x22d: {  	v35 =	vmul.f32 v56, v44;
	v58 =	vmul.f32 v45, v37;
	v30 =	vadd.f32 $1.000000000e+00, v30  }
0x22e: {  	v59 =	vld [tilespmem:s30+$0x6BC0];
	v31 =	vadd.f32 $1.000000000e+00, v31;
	v1 =	vmul.f32 v1, v32;
	v5 =	vmul.f32 v5, v33  }
0x22f: {  	v60 =	vld [tilespmem:s30+$0x6BB0];
	v34 =	vadd.f32 $1.000000000e+00, v54;
	v0 =	vmul.f32 v0, v41;
	v3 =	vmul.f32 v3, v40  }
0x230: {  	v42 =	vld [tilespmem:s30+$0xF3D0];
	v7 =	vmul.f32 v7, v29;
	v4 =	vadd.f32 $1.000000000e+00, v4;
	v2 =	vadd.f32 $1.000000000e+00, v2  }
0x231: {  	v47 =	vld [tilespmem:$0x1FF70];
	v35 =	vadd.f32 $1.000000000e+00, v35;
	v8 =	vadd.f32 $1.000000000e+00, v8;
	v17 =	vmul.f32 v30, v17  }
0x232: {  	v29 =	vld [tilespmem:s30+$0x6B90];
	v21 =	vmul.f32 v31, v21;
	v9 =	vadd.f32 $1.000000000e+00, v9;
	v1 =	vadd.f32 $1.000000000e+00, v1  }
0x233: {  	v30 =	vld [tilespmem:s30+$0x6BD0];
	v16 =	vmul.f32 v34, v16;
	v3 =	vadd.f32 $1.000000000e+00, v3;
	v2 =	vmul.f32 v2, v20  }
0x234: {  	v31 =	vld [tilespmem:s30+$0x7390];
	v7 =	vadd.f32 $1.000000000e+00, v7;
	v8 =	vmul.f32 v8, v22;
	v4 =	vmul.f32 v4, v18  }
0x235: {  	v0 =	vadd.f32 $1.000000000e+00, v0;
	v23 =	vmul.f32 v35, v23;
	v1 =	vmul.f32 v1, v19;
	v19 =	vld [tilespmem:s30+$0x73D0]  }
0x236: {  	v18 =	vld [tilespmem:s30+$0x6BA0];
	v20 =	vadd.f32 $1.000000000e+00, v57;
	v3 =	vmul.f32 v3, v25;
	v7 =	vmul.f32 v7, v27  }
0x237: {  	v22 =	vld [tilespmem:s30+$0x6BE0];
	v9 =	vmul.f32 v9, v12;
	v0 =	vmul.f32 v0, v24;
	v24 =	vadd.f32 $1.000000000e+00, v58  }
0x238: {  	v5 =	vadd.f32 $1.000000000e+00, v5;
	v25 =	vld [tilespmem:s30+$0x73A0];
	v3 =	vmul.f32 v3, v29;
	v7 =	vmul.f32 v7, v30  }
0x239: {  	v27 =	vand.u32 $0x7FFFFFFF, v28;
	v28 =	vld [tilespmem:s30+$0x73E0];
	v14 =	vmul.f32 v20, v14;
	v15 =	vmul.f32 v24, v15  }
0x23a: {  	v20 =	vld [tilespmem:s30+$0x6BF0];
	v3 =	vadd.f32 v7, v3;
	v7 =	vmul.f32 v23, v31;
	v0 =	vmul.f32 v0, v19  }
0x23b: {  	v5 =	vmul.f32 v5, v11;
	v14 =	vmul.f32 v14, v18;
	v19 =	vld [tilespmem:s30+$0xF3E0]  }
0x23c: {  	v12 =	vld [tilespmem:s30+$0x73B0];
	v0 =	vadd.f32 v0, v7;
	v3 =	vadd.f32 v3, v42;
	v7 =	vmul.f32 v15, v22  }
0x23d: {  	v4 =	vmul.f32 v4, v60;
	v8 =	vmul.f32 v8, v25;
	v15 =	vld [tilespmem:s30+$0x73F0]  }
0x23e: {  	v11 =	vld [tilespmem:s30+$0x6C00];
	v0 =	vsub.f32 v3, v0;
	v43 =	vadd.f32 v7, v14;
	v7 =	vmul.f32 v9, v28  }
0x23f: {  	v18 =	vand.u32 $0x7FFFFFFF, v26;
	v5 =	vmul.f32 v5, v20;
	v9 =	vld [tilespmem:s30+$0xF3F0];
	v14 =	vadd.f32 $1.000000000e+00, v55  }
0x240: {  	v20 =	vld [tilespmem:s30+$0x73C0];
	v0 =	vand.u32 $0x7FFFFFFF, v0;
	v7 =	vadd.f32 v7, v8;
	v3 =	vadd.f32 v43, v19  }
0x241: {  	v1 =	vmul.f32 v1, v12;
	v8 =	vld [tilespmem:s30+$0x7400];
	v10 =	vmul.f32 v14, v10;
	v0 =	vadd.f32 v0, v18  }
0x242: {  	v12 =	vld [tilespmem:s31+$0x10];
	v4 =	vadd.f32 v5, v4;
	v2 =	vmul.f32 v2, v15;
	v3 =	vsub.f32 v3, v7  }
0x243: {  	v5 =	vld [tilespmem:s30+$0xF400];
	v7 =	vmul.f32 v21, v59;
	v10 =	vmul.f32 v10, v11;
	v0 =	vadd.f32 v27, v0  }
0x244: {  	v1 =	vadd.f32 v2, v1;
	v44 =	vadd.f32 v4, v9;
	v3 =	vand.u32 $0x7FFFFFFF, v3  }
0x245: {  	v45 =	vand.u32 $0x7FFFFFFF, v13;
	v4 =	vmul.f32 v17, v20;
	v0 =	vadd.f32 v3, v0  }
0x246: {  	v46 =	vadd.f32 v10, v7;
	v1 =	vsub.f32 v44, v1;
	v7 =	vmul.f32 v16, v8  }
0x247: {  	v3 =	vsub.f32 v47, v12;
	v0 =	vadd.f32 v45, v0  }
0x248: {  	v2 =	vadd.f32 v46, v5;
	v1 =	vand.u32 $0x7FFFFFFF, v1;
	v4 =	vadd.f32 v7, v4  }
0x249: {  	v0 =	vadd.f32 v1, v0  }
0x24a: {  	v48 =	vand.u32 $0x7FFFFFFF, v3;
	v2 =	vsub.f32 v2, v4  }
0x24b: {  	v0 =	vadd.f32 v48, v0  }
0x24c: {  	v49 =	vand.u32 $0x7FFFFFFF, v2  }
0x24d: {  	v0 =	vadd.f32 v49, v0;
	_ =	sdelay $0x1  }
0x24e: {  	v1 =	vperm.xlane v0, v61;
	_ =	sdelay $0x1  }
0x24f: {  	v0 =	vadd.f32 v0, v1;
	_ =	sdelay $0x1  }
0x250: {  	v1 =	vperm.xlane v0, v62;
	_ =	sdelay $0x1  }
0x251: {  	v0 =	vadd.f32 v0, v1  }
0x252: {  	v50 =	vld [tilespmem:$0x1FFD0]  }
0x253: {  	v1 =	vperm.xlane v0, v63;
	_ =	sdelay $0x1  }
0x254: {  	v0 =	vadd.f32 v0, v1;
	_ =	sdelay $0x1  }
0x255: {  	v52 =	vld [tilespmem:$0x1FF50];
	v1 =	vperm.xlane v0, v50;
	_ =	sdelay $0x1  }
0x256: {  	v0 =	vadd.f32 v0, v1;
	_ =	sdelay $0x1  }
0x257: {  	v51 =	vlaneseq.u32;
	v0 =	vsub.f32 $0.0e+00, v0  }
0x258: {  	vm0 =	veq.s32 v52, v51  }
0x259: {  	v0 =	vsel vm0, v0, v6  }
0x25a: {  	[tilespmem:s1+$0xA00] =	vst v0  }
0x25b: {  	_ =	swait.ge [sflag:s14], $0x400  }
0x25c: {  	[sflag:s14] =	ssyncset.done $0x0  }
0x25d: {  	[sflag:s14] =	ssyncadd.s32 $0xFFFFFC00  }
0x25e: {  	_ =	swait.ge [sflag:s14], $0x400  }
0x25f: {  	[sflag:s14] =	ssyncset.done $0x0  }
0x260: {  	[sflag:s14] =	ssyncadd.s32 $0xFFFFFC00  }
0x261: {  	_ =	swait.ge [sflag:s14], $0x800  }
0x262: {  	[sflag:s14] =	ssyncset.done $0x0  }
0x263: {  	[sflag:s14] =	ssyncadd.s32 $0xFFFFF800  }
0x264: {  	_ =	swait.ge [sflag:s14], $0x800  }
0x265: {  	[sflag:s14] =	ssyncset.done $0x0  }
0x266: {  	[sflag:s14] =	ssyncadd.s32 $0xFFFFF800  }
0x267: {  	_ =	swait.ge [sflag:s14], $0x800  }
0x268: {  	[sflag:s14] =	ssyncset.done $0x0  }
0x269: {  	[sflag:s14] =	ssyncadd.s32 $0xFFFFF800  }
0x26a: {  	_ =	swait.ge [sflag:s14], $0x800  }
0x26b: {  	[sflag:s14] =	ssyncset.done $0x0  }
0x26c: {  	[sflag:s14] =	ssyncadd.s32 $0xFFFFF800  }
0x26d: {  	_ =	swait.ge [sflag:s14], $0x800  }
0x26e: {  	[sflag:s14] =	ssyncset.done $0x0  }
0x26f: {  	[sflag:s14] =	ssyncadd.s32 $0xFFFFF800  }
0x270: {  	_ =	swait.ge [sflag:s14], $0x800  }
0x271: {  	[sflag:s14] =	ssyncset.done $0x0  }
0x272: {  	[sflag:s14] =	ssyncadd.s32 $0xFFFFF800  }
0x273: {  	p0 =	seq.s32 s3, $0x7;
	_ =	swait.ge [sflag:s14], $0x800  }
0x274: {  	s18 =	simm.s32 @!p0 $0x10;
	[sflag:s14] =	ssyncset.done $0x0  }
0x275: {  	s19 =	simm.s32 @!p0 $0xC00;
	s1 =	sadd.s32 @!p0 $0x40, s16;
	[sflag:s14] =	ssyncadd.s32 $0xFFFFF800  }
0x276: {  	[tilespmem:s19], [sflag:$0x1] =	stream.indirect.gather @!p0 [hbm4b:s4+s18], $0x40, s1, s18, $0xb8;
	[tilespmem:$0x10C00] =	vst v63  }
0x277: {  	s21 =	simm.s32 @!p0 $0x1000;
	s19 =	sadd.s32 @!p0 $0x240, s16  }
0x278: {  	[tilespmem:s21], [sflag:$0x1] =	stream.indirect.gather @!p0 [hbm4b:s4+s18], $0x40, s19, s18, $0xb8;
	[tilespmem:$0x10C00] =	vst v63  }
0x279: {  	s21 =	simm.s32 @!p0 $0x1400  }
0x27a: {  	[tilespmem:s21], [sflag:$0x1] =	stream.indirect.gather @!p0 [hbm4b:s5+s18], $0x80, s1, s18, $0xb8;
	[tilespmem:$0x10C00] =	vst v63  }
0x27b: {  	s21 =	simm.s32 @!p0 $0x1C00  }
0x27c: {  	[tilespmem:s21], [sflag:$0x1] =	stream.indirect.gather @!p0 [hbm4b:s5+s18], $0x80, s19, s18, $0xb8;
	[tilespmem:$0x10C00] =	vst v63  }
0x27d: {  	s21 =	simm.s32 @!p0 $0x2400  }
0x27e: {  	[tilespmem:s21], [sflag:$0x1] =	stream.indirect.gather @!p0 [hbm4b:s6+s18], $0x80, s1, s18, $0xb8;
	[tilespmem:$0x10C00] =	vst v63  }
0x27f: {  	s21 =	simm.s32 @!p0 $0x2C00  }
0x280: {  	[tilespmem:s21], [sflag:$0x1] =	stream.indirect.gather @!p0 [hbm4b:s6+s18], $0x80, s19, s18, $0xb8;
	[tilespmem:$0x10C00] =	vst v63  }
0x281: {  	s21 =	simm.s32 @!p0 $0x3400  }
0x282: {  	[tilespmem:s21], [sflag:$0x1] =	stream.indirect.gather @!p0 [hbm4b:s7+s18], $0x80, s1, s18, $0xb8;
	[tilespmem:$0x10C00] =	vst v63  }
0x283: {  	s1 =	simm.s32 @!p0 $0x3C00  }
0x284: {  	[tilespmem:s1], [sflag:$0x1] =	stream.indirect.gather @!p0 [hbm4b:s7+s18], $0x80, s19, s18, $0xb8;
	[tilespmem:$0x10C00] =	vst v63  }
0x285: {  	s1 =	sadd.s32 @!p0 $0x440, s16;
	s19 =	simm.s32 @!p0 $0xEC00  }
0x286: {  	[tilespmem:s19], [sflag:$0x1] =	stream.indirect.gather @!p0 [hbm4b:s2+s18], $0x80, s1, s18, $0xb8;
	[tilespmem:$0x10C00] =	vst v63  }
0x287: {  	v8 =	vld [tilespmem:s29+$0x600]  }
0x288: {  	s1 =	simm.s32 $0x7C20;
	v9 =	vld [tilespmem:s29+$0x800]  }
0x289: {  	s30 =	simm.s32 $0x70;
	v53 =	vld [tilespmem:s1+$0x10]  }
0x28a: {  	v4 =	vld [tilespmem:s30+$0x8C00]  }
0x28b: {  	v7 =	vld [tilespmem:s30+$0x9C00]  }
0x28c: {  	v10 =	vld [tilespmem:s30+$0x8400]  }
0x28d: {  	v11 =	vld [tilespmem:s30+$0x9400]  }
0x28e: {  	v6 =	vld [tilespmem:s30+$0x8BC0]  }
0x28f: {  	v12 =	vld [tilespmem:s30+$0x9BC0]  }
0x290: {  	v13 =	vld [tilespmem:s30+$0x8BF0]  }
0x291: {  	v14 =	vld [tilespmem:s30+$0x9BF0]  }
0x292: {  	v15 =	vld [tilespmem:s30+$0x83C0]  }
0x293: {  	v16 =	vld [tilespmem:s30+$0x93C0]  }
0x294: {  	v18 =	vld [tilespmem:s30+$0x83F0]  }
0x295: {  	v22 =	vld [tilespmem:s30+$0x93F0]  }
0x296: {  	v17 =	vld [tilespmem:s30+$0x8BB0]  }
0x297: {  	v19 =	vld [tilespmem:s30+$0x9BB0]  }
0x298: {  	v23 =	vld [tilespmem:s30+$0x8BE0]  }
0x299: {  	s18 =	simm.s32 $0x0;
	v20 =	vld [tilespmem:s30+$0x83B0]  }
0x29a: {  	v21 =	vld [tilespmem:s30+$0x93B0];
	v5 =	vmov s18  }
0x29b: {  	v24 =	vld [tilespmem:s30+$0x8BA0];
	v25 =	vperm.xlane v8, v5  }
0x29c: {  	v26 =	vld [tilespmem:s30+$0x9BA0];
	v27 =	vperm.xlane v9, v5  }
0x29d: {  	v28 =	vld [tilespmem:s30+$0x83A0];
	v29 =	vmul.f32 v6, v25  }
0x29e: {  	v30 =	vld [tilespmem:s30+$0x93A0];
	v12 =	vmul.f32 v12, v27;
	v15 =	vmul.f32 v15, v25  }
0x29f: {  	v31 =	vld [tilespmem:s30+$0x8B90];
	v57 =	vmul.f32 v16, v27;
	v58 =	vmul.f32 v17, v25  }
0x2a0: {  	v62 =	vld [tilespmem:s30+$0x9B90];
	v60 =	vmul.f32 v19, v27;
	v61 =	vmul.f32 v20, v25  }
0x2a1: {  	v45 =	vld [tilespmem:s30+$0x8390];
	v63 =	vmul.f32 v21, v27;
	v24 =	vmul.f32 v24, v25  }
0x2a2: {  	v46 =	vld [tilespmem:s30+$0x9390];
	v28 =	vmul.f32 v28, v25;
	v26 =	vmul.f32 v26, v27  }
0x2a3: {  	v59 =	vld [tilespmem:s30+$0x83E0];
	v17 =	vadd.f32 v4, v29;
	v4 =	vmul.f32 v30, v27;
	v16 =	vadd.f32 v7, v12  }
0x2a4: {  	v47 =	vld [tilespmem:s30+$0x9BE0];
	v7 =	vmul.f32 v31, v25;
	v21 =	vadd.f32 v10, v15;
	v10 =	vadd.f32 v11, v57  }
0x2a5: {  	v48 =	vld [tilespmem:s30+$0x8BD0];
	v19 =	vadd.f32 v13, v58;
	v20 =	vadd.f32 v14, v60;
	v13 =	vmul.f32 v62, v27  }
0x2a6: {  	v49 =	vld [tilespmem:s30+$0x9BD0];
	v18 =	vadd.f32 v18, v61;
	v11 =	vadd.f32 v22, v63;
	v25 =	vmul.f32 v45, v25  }
0x2a7: {  	v50 =	vld [tilespmem:s30+$0x83D0];
	v22 =	vadd.f32 v23, v24;
	v27 =	vmul.f32 v46, v27;
	v30 =	vmul.f32 v17, v17  }
0x2a8: {  	v54 =	vld [tilespmem:s30+$0xFBC0];
	v14 =	vadd.f32 v59, v28;
	v31 =	vmul.f32 v21, v21;
	v34 =	vmul.f32 v16, v16  }
0x2a9: {  	v55 =	vld [tilespmem:s1+$0x0];
	v12 =	vadd.f32 v47, v26;
	v32 =	vmul.f32 v19, v19;
	v35 =	vmul.f32 v10, v10  }
0x2aa: {  	v56 =	vld [tilespmem:s30+$0xFBB0];
	v23 =	vadd.f32 v48, v7;
	v36 =	vmul.f32 v18, v18;
	v38 =	vmul.f32 v20, v20  }
0x2ab: {  	v24 =	vadd.f32 v49, v13;
	v33 =	vmul.f32 v11, v11;
	v43 =	vmul.f32 v22, v22  }
0x2ac: {  	v29 =	vld [tilespmem:s30+$0x93E0];
	v25 =	vadd.f32 v50, v25;
	v39 =	vmul.f32 v12, v12;
	v42 =	vmul.f32 v14, v14  }
0x2ad: {  	v26 =	vld [tilespmem:s30+$0x93D0];
	v44 =	vmul.f32 v23, v23;
	v41 =	vmul.f32 v24, v24  }
0x2ae: {  	v0 =	vadd.f32 v54, v53;
	v40 =	vmul.f32 v25, v25;
	v46 =	vmul.f32 $2.755731880e-06, v34  }
0x2af: {  	v53 =	vadd.f32 v56, v55;
	v47 =	vmul.f32 $2.755731880e-06, v31;
	v56 =	vmul.f32 $2.755731880e-06, v35  }
0x2b0: {  	v57 =	vmul.f32 $2.755731880e-06, v32;
	v58 =	vmul.f32 $2.755731880e-06, v38  }
0x2b1: {  	s31 =	simm.s32 $0x8020;
	v51 =	vld [tilespmem:s30+$0xFB90];
	v6 =	vimm.f32 $0.0e+00;
	v59 =	vmul.f32 $2.755731880e-06, v36;
	v1 =	vmul.f32 $2.755731880e-06, v33  }
0x2b2: {  	v54 =	vld [tilespmem:s31+$0xFFFFFFE0];
	v60 =	vmul.f32 $2.755731880e-06, v43;
	v15 =	vadd.f32 v29, v4;
	v27 =	vadd.f32 v26, v27  }
0x2b3: {  	v28 =	vld [tilespmem:s30+$0xFBA0];
	v61 =	vmul.f32 $2.755731880e-06, v39;
	v47 =	vadd.f32 $-1.984127010e-04, v47;
	v46 =	vadd.f32 $-1.984127010e-04, v46  }
0x2b4: {  	v13 =	vld [tilespmem:s1+$0xFFFFFFE0];
	v62 =	vmul.f32 $2.755731880e-06, v42;
	v49 =	vadd.f32 $-1.984127010e-04, v57;
	v48 =	vadd.f32 $-1.984127010e-04, v56  }
0x2b5: {  	v4 =	vld [tilespmem:s1+$0xFFFFFFF0];
	v2 =	vadd.f32 $-1.984127010e-04, v60;
	v1 =	vadd.f32 $-1.984127010e-04, v1;
	v37 =	vmul.f32 v15, v15  }
0x2b6: {  	v26 =	vld [tilespmem:s31+$0x0];
	v3 =	vadd.f32 $-1.984127010e-04, v61;
	v29 =	vmul.f32 v27, v27;
	v61 =	vmul.f32 v47, v31  }
0x2b7: {  	[tilespmem:$0x1FF10] =	vst v0;
	v0 =	vadd.f32 $-1.984127010e-04, v59;
	v46 =	vmul.f32 v46, v34;
	v47 =	vmul.f32 v49, v32  }
0x2b8: {  	v50 =	vadd.f32 $-1.984127010e-04, v58;
	v49 =	vmul.f32 v2, v43;
	v56 =	vmul.f32 v1, v33  }
0x2b9: {  	v52 =	vld [tilespmem:s31+$0xFFFFFFF0];
	v45 =	vadd.f32 v51, v13;
	v58 =	vmul.f32 v3, v39;
	v63 =	vmul.f32 $2.755731880e-06, v37  }
0x2ba: {  	v57 =	vmul.f32 $2.755731880e-06, v29;
	v55 =	vadd.f32 v28, v4;
	v4 =	vmul.f32 $2.755731880e-06, v30  }
0x2bb: {  	v13 =	vsub.f32 v53, v26;
	v26 =	vsub.f32 v45, v54;
	v53 =	vmul.f32 $2.755731880e-06, v41  }
0x2bc: {  	v45 =	vadd.f32 $-1.984127010e-04, v62;
	v62 =	vmul.f32 v48, v35;
	v48 =	vmul.f32 v0, v36  }
0x2bd: {  	v54 =	vmul.f32 v50, v38;
	v60 =	vadd.f32 $8.333333770e-03, v46;
	v51 =	vadd.f32 $-1.984127010e-04, v63  }
0x2be: {  	v28 =	vsub.f32 v55, v52;
	v4 =	vadd.f32 $-1.984127010e-04, v4;
	v52 =	vmul.f32 $2.755731880e-06, v44  }
0x2bf: {  	v57 =	vadd.f32 $-1.984127010e-04, v57;
	v55 =	vmul.f32 $2.755731880e-06, v40;
	v53 =	vadd.f32 $-1.984127010e-04, v53  }
0x2c0: {  	[tilespmem:$0x1FEF0] =	vst v5;
	v50 =	vmul.f32 v45, v42;
	v4 =	vmul.f32 v4, v30;
	v52 =	vadd.f32 $-1.984127010e-04, v52  }
0x2c1: {  	[tilespmem:$0x1FEE0] =	vst v8;
	v45 =	vmul.f32 v51, v37;
	v51 =	vadd.f32 $8.333333770e-03, v61;
	v55 =	vadd.f32 $-1.984127010e-04, v55  }
0x2c2: {  	s19 =	simm.s32 $0x3C0;
	[tilespmem:$0x1FF00] =	vst v9;
	v59 =	vadd.f32 $8.333333770e-03, v4;
	v46 =	vmul.f32 v52, v44;
	v52 =	vadd.f32 $8.333333770e-03, v62  }
.LBB2_7:
0x2c3: {  	v1 =	vadd.f32 $8.333333770e-03, v47  }
0x2c4: {  	v0 =	vmul.f32 v53, v41;
	v2 =	vadd.f32 $8.333333770e-03, v54;
	v4 =	vadd.f32 $8.333333770e-03, v48  }
0x2c5: {  	v3 =	vmul.f32 v55, v40;
	v53 =	vadd.f32 $8.333333770e-03, v56;
	v49 =	vadd.f32 $8.333333770e-03, v49  }
0x2c6: {  	v54 =	vmul.f32 v57, v29;
	v55 =	vadd.f32 $8.333333770e-03, v58;
	v56 =	vadd.f32 $8.333333770e-03, v50  }
0x2c7: {  	v57 =	vmul.f32 v59, v30;
	v58 =	vmul.f32 v60, v34;
	v59 =	vadd.f32 $8.333333770e-03, v45  }
0x2c8: {  	v47 =	vld [tilespmem:s31+$0x10];
	v60 =	vmul.f32 v51, v31;
	v61 =	vmul.f32 v52, v35;
	v52 =	vadd.f32 $8.333333770e-03, v46  }
0x2c9: {  	v5 =	vld [tilespmem:s30+$0xABB0];
	v1 =	vmul.f32 v1, v32;
	v2 =	vmul.f32 v2, v38;
	v0 =	vadd.f32 $8.333333770e-03, v0  }
0x2ca: {  	v7 =	vld [tilespmem:s30+$0xABF0];
	v4 =	vmul.f32 v4, v36;
	v62 =	vmul.f32 v53, v33;
	v3 =	vadd.f32 $8.333333770e-03, v3  }
0x2cb: {  	s1 =	sadd.s32 $0x40, s1;
	v48 =	vld [tilespmem:s30+$0xFC00];
	v63 =	vmul.f32 v49, v43;
	v55 =	vmul.f32 v55, v39;
	v8 =	vadd.f32 $8.333333770e-03, v54  }
0x2cc: {  	v45 =	vld [tilespmem:s1+$0x10];
	v56 =	vmul.f32 v56, v42;
	v59 =	vmul.f32 v59, v37;
	v57 =	vadd.f32 $-1.666666720e-01, v57  }
0x2cd: {  	v50 =	vld [tilespmem:s30+$0xABC0];
	v9 =	vmul.f32 v52, v44;
	v58 =	vadd.f32 $-1.666666720e-01, v58;
	v60 =	vadd.f32 $-1.666666720e-01, v60  }
0x2ce: {  	s21 =	sshra.s32 s19, $0x2;
	v51 =	vld [tilespmem:s30+$0xAC00];
	v61 =	vadd.f32 $-1.666666720e-01, v61;
	v1 =	vadd.f32 $-1.666666720e-01, v1;
	v0 =	vmul.f32 v0, v41  }
0x2cf: {  	v46 =	vld [tilespmem:s21+$0xFBC0];
	v3 =	vmul.f32 v3, v40;
	v2 =	vadd.f32 $-1.666666720e-01, v2;
	v4 =	vadd.f32 $-1.666666720e-01, v4  }
0x2d0: {  	v52 =	vld [tilespmem:s30+$0xFBF0];
	v8 =	vmul.f32 v8, v29;
	v62 =	vadd.f32 $-1.666666720e-01, v62;
	v63 =	vadd.f32 $-1.666666720e-01, v63  }
0x2d1: {  	v53 =	vld [tilespmem:s30+$0xA3C0];
	v55 =	vadd.f32 $-1.666666720e-01, v55;
	v57 =	vmul.f32 v57, v30;
	v56 =	vadd.f32 $-1.666666720e-01, v56  }
0x2d2: {  	v54 =	vld [tilespmem:s30+$0xA400];
	v31 =	vmul.f32 v60, v31;
	v34 =	vmul.f32 v58, v34;
	v58 =	vadd.f32 $-1.666666720e-01, v59  }
0x2d3: {  	v49 =	vld [tilespmem:s1+$0x0];
	v9 =	vadd.f32 $-1.666666720e-01, v9;
	v1 =	vmul.f32 v1, v32;
	v32 =	vmul.f32 v61, v35  }
0x2d4: {  	v30 =	vld [tilespmem:s21+$0xFBB0];
	v4 =	vmul.f32 v4, v36;
	v2 =	vmul.f32 v2, v38;
	v0 =	vadd.f32 $-1.666666720e-01, v0  }
0x2d5: {  	v60 =	vld [tilespmem:s30+$0xA390];
	v36 =	vmul.f32 v63, v43;
	v33 =	vmul.f32 v62, v33;
	v3 =	vadd.f32 $-1.666666720e-01, v3  }
0x2d6: {  	v35 =	vld [tilespmem:s30+$0xFBE0];
	v42 =	vmul.f32 v56, v42;
	v39 =	vmul.f32 v55, v39;
	v8 =	vadd.f32 $-1.666666720e-01, v8  }
0x2d7: {  	v61 =	vld [tilespmem:s30+$0xA3D0];
	v9 =	vmul.f32 v9, v44;
	v62 =	vadd.f32 $1.000000000e+00, v57;
	v34 =	vadd.f32 $1.000000000e+00, v34  }
0x2d8: {  	v63 =	vld [tilespmem:$0x1FFC0];
	v37 =	vmul.f32 v58, v37;
	v31 =	vadd.f32 $1.000000000e+00, v31;
	v1 =	vadd.f32 $1.000000000e+00, v1  }
0x2d9: {  	v38 =	vld [tilespmem:s30+$0xA3B0];
	v0 =	vmul.f32 v0, v41;
	v3 =	vmul.f32 v3, v40;
	v4 =	vadd.f32 $1.000000000e+00, v4  }
0x2da: {  	v43 =	vld [tilespmem:s30+$0xA3F0];
	v8 =	vmul.f32 v8, v29;
	v2 =	vadd.f32 $1.000000000e+00, v2;
	v9 =	vadd.f32 $1.000000000e+00, v9  }
0x2db: {  	v44 =	vld [tilespmem:s30+$0xABA0];
	v36 =	vadd.f32 $1.000000000e+00, v36;
	v17 =	vmul.f32 v62, v17;
	v21 =	vmul.f32 v31, v21  }
0x2dc: {  	v56 =	vld [tilespmem:$0x1FF10];
	v31 =	vmul.f32 v34, v16;
	v1 =	vmul.f32 v1, v19;
	v3 =	vadd.f32 $1.000000000e+00, v3  }
0x2dd: {  	v62 =	vld [tilespmem:s30+$0xAB90];
	v8 =	vadd.f32 $1.000000000e+00, v8;
	v2 =	vmul.f32 v2, v20;
	v22 =	vmul.f32 v36, v22  }
0x2de: {  	v20 =	vld [tilespmem:s30+$0xABD0];
	v0 =	vadd.f32 $1.000000000e+00, v0;
	v4 =	vmul.f32 v4, v18;
	v9 =	vmul.f32 v9, v23  }
0x2df: {  	v29 =	vld [tilespmem:s30+$0xA3A0];
	v3 =	vmul.f32 v3, v25;
	v8 =	vmul.f32 v8, v27  }
0x2e0: {  	v23 =	vadd.f32 $1.000000000e+00, v37;
	v25 =	vadd.f32 $1.000000000e+00, v42;
	v27 =	vld [tilespmem:s30+$0xA3E0];
	v0 =	vmul.f32 v0, v24  }
0x2e1: {  	v40 =	vld [tilespmem:s30+$0xFBD0];
	v24 =	vand.u32 $0x7FFFFFFF, v28;
	v3 =	vmul.f32 v3, v60;
	v8 =	vmul.f32 v8, v61  }
0x2e2: {  	v41 =	vld [tilespmem:s30+$0xABE0];
	v15 =	vmul.f32 v23, v15;
	v23 =	vadd.f32 $1.000000000e+00, v39;
	v14 =	vmul.f32 v25, v14  }
0x2e3: {  	s30 =	smov.u32 s21;
	v28 =	vld [tilespmem:$0x1FEF0];
	v0 =	vmul.f32 v0, v20;
	v3 =	vadd.f32 v8, v3;
	v8 =	vmul.f32 v9, v62  }
0x2e4: {  	v22 =	vmul.f32 v22, v44;
	v16 =	vld [tilespmem:s30+$0x8C00];
	v12 =	vmul.f32 v23, v12  }
0x2e5: {  	v19 =	vld [tilespmem:s30+$0x9C00];
	v14 =	vmul.f32 v14, v29;
	v0 =	vadd.f32 v0, v8;
	v8 =	vmul.f32 v15, v27  }
0x2e6: {  	v2 =	vmul.f32 v2, v7;
	v18 =	vld [tilespmem:s30+$0x8400];
	v20 =	vadd.f32 $1.000000000e+00, v33;
	v3 =	vadd.f32 v3, v40  }
0x2e7: {  	v7 =	vld [tilespmem:s30+$0x8BB0];
	v44 =	vadd.f32 v8, v14;
	v8 =	vmul.f32 v12, v41;
	v14 =	vadd.f32 $1.000000000e+00, v32  }
0x2e8: {  	v1 =	vmul.f32 v1, v5;
	v57 =	vld [tilespmem:s30+$0x9BA0];
	v11 =	vmul.f32 v20, v11;
	v0 =	vsub.f32 v3, v0  }
0x2e9: {  	v58 =	vld [tilespmem:s30+$0x93A0];
	v8 =	vadd.f32 v8, v22;
	v3 =	vadd.f32 v44, v35;
	v5 =	vmul.f32 v14, v10  }
0x2ea: {  	v4 =	vmul.f32 v4, v38;
	v59 =	vld [tilespmem:s30+$0x83E0];
	v11 =	vmul.f32 v11, v43  }
0x2eb: {  	v25 =	vld [tilespmem:s30+$0x9400];
	v3 =	vsub.f32 v3, v8;
	v8 =	vmul.f32 v21, v53;
	v5 =	vmul.f32 v5, v54  }
0x2ec: {  	v23 =	vld [tilespmem:s30+$0x9BC0];
	v4 =	vadd.f32 v11, v4  }
0x2ed: {  	v60 =	vld [tilespmem:s30+$0x9B90];
	v11 =	vmul.f32 v17, v50;
	v55 =	vadd.f32 v5, v8;
	v5 =	vmul.f32 v31, v51  }
0x2ee: {  	v9 =	vld [tilespmem:s30+$0x8BC0]  }
0x2ef: {  	v26 =	vand.u32 $0x7FFFFFFF, v26;
	v0 =	vand.u32 $0x7FFFFFFF, v0;
	v31 =	vadd.f32 v5, v11;
	v11 =	vld [tilespmem:$0x1FEE0]  }
0x2f0: {  	v62 =	vadd.f32 v30, v49;
	v30 =	vld [tilespmem:s30+$0x8390];
	v0 =	vadd.f32 v0, v26  }
0x2f1: {  	v20 =	vld [tilespmem:s30+$0x9BF0]  }
0x2f2: {  	s18 =	sadd.s32 $0x1, s18;
	v1 =	vadd.f32 v2, v1;
	v12 =	vld [tilespmem:s30+$0x83C0];
	v0 =	vadd.f32 v24, v0  }
0x2f3: {  	v17 =	vld [tilespmem:s30+$0x83B0];
	v53 =	vadd.f32 v4, v52;
	v3 =	vand.u32 $0x7FFFFFFF, v3;
	v8 =	vmov s18  }
0x2f4: {  	v0 =	vadd.f32 v3, v0;
	v5 =	vmov v8;
	v24 =	vperm.xlane v11, v8;
	v11 =	vld [tilespmem:$0x1FF00]  }
0x2f5: {  	v54 =	vand.u32 $0x7FFFFFFF, v13;
	v1 =	vsub.f32 v53, v1;
	[tilespmem:$0x1FEF0] =	vst v5;
	v5 =	vld [tilespmem:s30+$0x83A0]  }
0x2f6: {  	v29 =	vlaneseq.u32;
	v27 =	vld [tilespmem:s30+$0x93C0];
	v3 =	vsub.f32 v56, v47;
	v0 =	vadd.f32 v54, v0  }
0x2f7: {  	vm0 =	veq.s32 v28, v29;
	v10 =	vld [tilespmem:s30+$0x9BB0];
	v1 =	vand.u32 $0x7FFFFFFF, v1;
	v2 =	vadd.f32 v55, v48  }
0x2f8: {  	v21 =	vld [tilespmem:s30+$0x93B0];
	v3 =	vand.u32 $0x7FFFFFFF, v3;
	v0 =	vadd.f32 v1, v0;
	v12 =	vmul.f32 v12, v24  }
0x2f9: {  	v15 =	vld [tilespmem:s30+$0x8BF0];
	v2 =	vsub.f32 v2, v31;
	v7 =	vmul.f32 v7, v24;
	v26 =	vperm.xlane v11, v8  }
0x2fa: {  	v22 =	vld [tilespmem:s30+$0x83F0];
	v0 =	vadd.f32 v3, v0;
	v29 =	vmul.f32 v17, v24;
	v5 =	vmul.f32 v5, v24  }
0x2fb: {  	v14 =	vld [tilespmem:s30+$0x93F0];
	v2 =	vand.u32 $0x7FFFFFFF, v2;
	v8 =	vmul.f32 v9, v24;
	v9 =	vmul.f32 v23, v26  }
0x2fc: {  	v13 =	vld [tilespmem:s30+$0x9BE0];
	v0 =	vadd.f32 v2, v0;
	v23 =	vmul.f32 v27, v26;
	v28 =	vmul.f32 v10, v26  }
0x2fd: {  	v11 =	vld [tilespmem:s30+$0x8BA0];
	v31 =	vmul.f32 v21, v26;
	v10 =	vadd.f32 v46, v45;
	v1 =	vmul.f32 v57, v26  }
0x2fe: {  	v49 =	vld [tilespmem:$0x1FFF0];
	v17 =	vadd.f32 v16, v8;
	v3 =	vmul.f32 v58, v26;
	v21 =	vadd.f32 v18, v12  }
0x2ff: {  	v50 =	vld [tilespmem:s1+$0xFFFFFFF0];
	v18 =	vadd.f32 v22, v29;
	[tilespmem:$0x1FF10] =	vst v10;
	v10 =	vperm.xlane v0, v63;
	v16 =	vadd.f32 v19, v9  }
0x300: {  	v4 =	vld [tilespmem:s30+$0x8BE0];
	v19 =	vadd.f32 v15, v7;
	v20 =	vadd.f32 v20, v28;
	v28 =	vmul.f32 v30, v24  }
0x301: {  	s31 =	sadd.s32 $0x40, s31;
	v27 =	vld [tilespmem:s30+$0x8B90];
	v12 =	vadd.f32 v13, v1;
	v30 =	vmul.f32 v17, v17;
	v36 =	vmul.f32 v18, v18  }
0x302: {  	v52 =	vld [tilespmem:s31+$0x0];
	v61 =	vmul.f32 v11, v24;
	v11 =	vadd.f32 v14, v31;
	v31 =	vmul.f32 v21, v21  }
0x303: {  	v8 =	vld [tilespmem:s30+$0x9390];
	v0 =	vadd.f32 v0, v10;
	v10 =	vadd.f32 v25, v23;
	v25 =	vmul.f32 v60, v26  }
0x304: {  	v7 =	vld [tilespmem:$0x1FFE0];
	v34 =	vmul.f32 v16, v16;
	v32 =	vmul.f32 v19, v19  }
0x305: {  	v14 =	vadd.f32 v59, v5;
	v23 =	vld [tilespmem:s30+$0x8BD0];
	v38 =	vmul.f32 v20, v20;
	v39 =	vmul.f32 v12, v12  }
0x306: {  	v59 =	vmul.f32 $2.755731880e-06, v36;
	v9 =	vmul.f32 v27, v24;
	v27 =	vld [tilespmem:s30+$0x93E0]  }
0x307: {  	v24 =	vld [tilespmem:s30+$0x9BD0];
	v33 =	vmul.f32 v11, v11;
	v42 =	vmul.f32 v14, v14  }
0x308: {  	v22 =	vadd.f32 v4, v61;
	v4 =	vld [tilespmem:s30+$0x83D0];
	v35 =	vmul.f32 v10, v10;
	v54 =	vmul.f32 $2.755731880e-06, v32  }
0x309: {  	v13 =	vsub.f32 v62, v52;
	v5 =	vld [tilespmem:s30+$0xFBA0];
	v55 =	vmul.f32 $2.755731880e-06, v38;
	v7 =	vperm.xlane v0, v7  }
0x30a: {  	v48 =	vld [tilespmem:s30+$0x93D0];
	v1 =	vadd.f32 $-1.984127010e-04, v59;
	v43 =	vmul.f32 v22, v22;
	v60 =	vmul.f32 $2.755731880e-06, v33  }
0x30b: {  	v53 =	vmul.f32 $2.755731880e-06, v35;
	v0 =	vadd.f32 v0, v7;
	v7 =	vmul.f32 v8, v26  }
0x30c: {  	v51 =	vld [tilespmem:s1+$0xFFFFFFE0];
	v23 =	vadd.f32 v23, v9;
	v9 =	vmul.f32 $2.755731880e-06, v31;
	v15 =	vadd.f32 v27, v3  }
0x30d: {  	v8 =	vld [tilespmem:$0x1FFD0];
	v61 =	vmul.f32 $2.755731880e-06, v43;
	v24 =	vadd.f32 v24, v25;
	v25 =	vadd.f32 v4, v28  }
0x30e: {  	v4 =	vld [tilespmem:s30+$0xFB90];
	v3 =	vadd.f32 v5, v50;
	v2 =	vperm.xlane v0, v49;
	v44 =	vmul.f32 v23, v23  }
0x30f: {  	v5 =	vld [tilespmem:s31+$0xFFFFFFF0];
	v27 =	vadd.f32 v48, v7;
	v48 =	vmul.f32 v1, v36;
	v37 =	vmul.f32 v15, v15  }
0x310: {  	v9 =	vadd.f32 $-1.984127010e-04, v9;
	v41 =	vmul.f32 v24, v24;
	v40 =	vmul.f32 v25, v25  }
0x311: {  	v59 =	vadd.f32 $-1.984127010e-04, v55;
	v29 =	vmul.f32 v27, v27;
	v56 =	vmul.f32 $2.755731880e-06, v44  }
0x312: {  	v0 =	vadd.f32 v0, v2;
	v9 =	vmul.f32 v9, v31;
	v62 =	vmul.f32 $2.755731880e-06, v37  }
0x313: {  	v46 =	vadd.f32 $-1.984127010e-04, v53;
	v7 =	vld [tilespmem:s31+$0xFFFFFFE0];
	v57 =	vmul.f32 $2.755731880e-06, v41;
	v58 =	vmul.f32 $2.755731880e-06, v40  }
0x314: {  	v8 =	vperm.xlane v0, v8;
	v2 =	vadd.f32 v4, v51;
	v28 =	vsub.f32 v3, v5  }
0x315: {  	v4 =	vmul.f32 $2.755731880e-06, v30;
	v3 =	vadd.f32 $-1.984127010e-04, v60;
	v51 =	vadd.f32 $8.333333770e-03, v9  }
0x316: {  	v5 =	vmul.f32 $2.755731880e-06, v39;
	v45 =	vadd.f32 $-1.984127010e-04, v62;
	v53 =	vadd.f32 $-1.984127010e-04, v57  }
0x317: {  	v52 =	vmul.f32 $2.755731880e-06, v29;
	v55 =	vadd.f32 $-1.984127010e-04, v58;
	v0 =	vadd.f32 v0, v8  }
0x318: {  	v8 =	vmul.f32 $2.755731880e-06, v34;
	v26 =	vsub.f32 v2, v7;
	v4 =	vadd.f32 $-1.984127010e-04, v4  }
0x319: {  	v7 =	vmul.f32 $2.755731880e-06, v42;
	v2 =	vadd.f32 $-1.984127010e-04, v61;
	v5 =	vadd.f32 $-1.984127010e-04, v5  }
0x31a: {  	v61 =	vadd.f32 $-1.984127010e-04, v56;
	v56 =	vmul.f32 v3, v33;
	v0 =	vsub.f32 $0.0e+00, v0  }
0x31b: {  	p1 =	sne.s32 s19, $0x1FC0;
	v45 =	vmul.f32 v45, v37;
	v8 =	vadd.f32 $-1.984127010e-04, v8;
	v4 =	vmul.f32 v4, v30  }
.Ltmp2:
0x31c: {  	v49 =	vmul.f32 v2, v43;
	v6 =	vsel vm0, v0, v6;
	v0 =	vadd.f32 $-1.984127010e-04, v54;
	(pc) =	sbr.rel @p1 .LBB2_7-.Ltmp2, $4  }
0x31d: {  	v7 =	vadd.f32 $-1.984127010e-04, v7;
	v58 =	vmul.f32 v5, v39;
	v8 =	vmul.f32 v8, v34  }
0x31e: {  	v57 =	vadd.f32 $-1.984127010e-04, v52;
	v47 =	vmul.f32 v0, v32;
	v0 =	vmul.f32 v46, v35  }
0x31f: {  	v54 =	vmul.f32 v59, v38;
	v50 =	vmul.f32 v7, v42;
	v59 =	vadd.f32 $8.333333770e-03, v4  }
0x320: {  	s19 =	sadd.s32 $0x200, s19;
	v60 =	vadd.f32 $8.333333770e-03, v8;
	v46 =	vmul.f32 v61, v44;
	v52 =	vadd.f32 $8.333333770e-03, v0  }
0x321: {  	v0 =	vmul.f32 v53, v41;
	v1 =	vadd.f32 $8.333333770e-03, v47  }
0x322: {  	v2 =	vadd.f32 $8.333333770e-03, v54;
	v3 =	vmul.f32 v55, v40;
	v4 =	vadd.f32 $8.333333770e-03, v48  }
0x323: {  	v5 =	vadd.f32 $8.333333770e-03, v56;
	v7 =	vmul.f32 v57, v29;
	v8 =	vadd.f32 $8.333333770e-03, v49  }
0x324: {  	v9 =	vadd.f32 $8.333333770e-03, v58;
	v55 =	vadd.f32 $8.333333770e-03, v50;
	v56 =	vmul.f32 v59, v30  }
0x325: {  	v45 =	vadd.f32 $8.333333770e-03, v45;
	v58 =	vmul.f32 v51, v31;
	v57 =	vmul.f32 v60, v34  }
0x326: {  	v59 =	vmul.f32 v52, v35;
	v46 =	vadd.f32 $8.333333770e-03, v46;
	v1 =	vmul.f32 v1, v32  }
0x327: {  	v2 =	vmul.f32 v2, v38;
	v0 =	vadd.f32 $8.333333770e-03, v0;
	v4 =	vmul.f32 v4, v36  }
0x328: {  	v5 =	vmul.f32 v5, v33;
	v3 =	vadd.f32 $8.333333770e-03, v3;
	v8 =	vmul.f32 v8, v43  }
0x329: {  	v9 =	vmul.f32 v9, v39;
	v7 =	vadd.f32 $8.333333770e-03, v7;
	v47 =	vmul.f32 v55, v42  }
0x32a: {  	v45 =	vmul.f32 v45, v37;
	v48 =	vadd.f32 $-1.666666720e-01, v56;
	v50 =	vadd.f32 $-1.666666720e-01, v58  }
0x32b: {  	v46 =	vmul.f32 v46, v44;
	v49 =	vadd.f32 $-1.666666720e-01, v57;
	v51 =	vadd.f32 $-1.666666720e-01, v59  }
0x32c: {  	v0 =	vmul.f32 v0, v41;
	v1 =	vadd.f32 $-1.666666720e-01, v1;
	v2 =	vadd.f32 $-1.666666720e-01, v2  }
0x32d: {  	v3 =	vmul.f32 v3, v40;
	v4 =	vadd.f32 $-1.666666720e-01, v4;
	v5 =	vadd.f32 $-1.666666720e-01, v5  }
0x32e: {  	v7 =	vmul.f32 v7, v29;
	v8 =	vadd.f32 $-1.666666720e-01, v8;
	v9 =	vadd.f32 $-1.666666720e-01, v9  }
0x32f: {  	v30 =	vmul.f32 v48, v30;
	v47 =	vadd.f32 $-1.666666720e-01, v47;
	v31 =	vmul.f32 v50, v31  }
0x330: {  	v45 =	vadd.f32 $-1.666666720e-01, v45;
	v60 =	vmul.f32 v49, v34;
	v61 =	vmul.f32 v51, v35  }
0x331: {  	v62 =	vadd.f32 $-1.666666720e-01, v46;
	v1 =	vmul.f32 v1, v32;
	v4 =	vmul.f32 v4, v36  }
0x332: {  	v2 =	vmul.f32 v2, v38;
	v0 =	vadd.f32 $-1.666666720e-01, v0;
	v8 =	vmul.f32 v8, v43  }
0x333: {  	v5 =	vmul.f32 v5, v33;
	v3 =	vadd.f32 $-1.666666720e-01, v3;
	v42 =	vmul.f32 v47, v42  }
0x334: {  	v9 =	vmul.f32 v9, v39;
	v7 =	vadd.f32 $-1.666666720e-01, v7;
	v43 =	vmul.f32 v45, v37  }
0x335: {  	v46 =	vld [tilespmem:s30+$0xFBD0];
	v30 =	vadd.f32 $1.000000000e+00, v30;
	v31 =	vadd.f32 $1.000000000e+00, v31;
	v35 =	vmul.f32 v62, v44  }
0x336: {  	v51 =	vld [tilespmem:$0x1FF10];
	v34 =	vadd.f32 $1.000000000e+00, v60;
	v0 =	vmul.f32 v0, v41;
	v3 =	vmul.f32 v3, v40  }
0x337: {  	v45 =	vld [tilespmem:s30+$0xA3B0];
	v1 =	vadd.f32 $1.000000000e+00, v1;
	v7 =	vmul.f32 v7, v29;
	v4 =	vadd.f32 $1.000000000e+00, v4  }
0x338: {  	v44 =	vld [tilespmem:s30+$0xA3C0];
	v2 =	vadd.f32 $1.000000000e+00, v2;
	v8 =	vadd.f32 $1.000000000e+00, v8;
	v17 =	vmul.f32 v30, v17  }
0x339: {  	v29 =	vld [tilespmem:s30+$0xA390];
	v21 =	vmul.f32 v31, v21;
	v9 =	vadd.f32 $1.000000000e+00, v9;
	v35 =	vadd.f32 $1.000000000e+00, v35  }
0x33a: {  	v30 =	vld [tilespmem:s30+$0xA3D0];
	v16 =	vmul.f32 v34, v16;
	v3 =	vadd.f32 $1.000000000e+00, v3;
	v1 =	vmul.f32 v1, v19  }
0x33b: {  	v31 =	vld [tilespmem:s30+$0xAB90];
	v7 =	vadd.f32 $1.000000000e+00, v7;
	v2 =	vmul.f32 v2, v20;
	v8 =	vmul.f32 v8, v22  }
0x33c: {  	v19 =	vld [tilespmem:s30+$0xABD0];
	v0 =	vadd.f32 $1.000000000e+00, v0;
	v4 =	vmul.f32 v4, v18;
	v9 =	vmul.f32 v9, v12  }
0x33d: {  	v18 =	vld [tilespmem:s30+$0xA3A0];
	v20 =	vadd.f32 $1.000000000e+00, v42;
	v3 =	vmul.f32 v3, v25;
	v7 =	vmul.f32 v7, v27  }
0x33e: {  	v22 =	vld [tilespmem:s30+$0xA3E0];
	v23 =	vmul.f32 v35, v23;
	v0 =	vmul.f32 v0, v24;
	v24 =	vadd.f32 $1.000000000e+00, v43  }
0x33f: {  	v5 =	vadd.f32 $1.000000000e+00, v5;
	v25 =	vld [tilespmem:s30+$0xABA0];
	v3 =	vmul.f32 v3, v29;
	v7 =	vmul.f32 v7, v30  }
0x340: {  	v27 =	vand.u32 $0x7FFFFFFF, v28;
	v28 =	vld [tilespmem:s30+$0xABE0];
	v14 =	vmul.f32 v20, v14;
	v15 =	vmul.f32 v24, v15  }
0x341: {  	v20 =	vld [tilespmem:s30+$0xA3F0];
	v0 =	vmul.f32 v0, v19;
	v3 =	vadd.f32 v7, v3;
	v7 =	vmul.f32 v23, v31  }
0x342: {  	v5 =	vmul.f32 v5, v11;
	v19 =	vld [tilespmem:s30+$0xFBE0];
	v14 =	vmul.f32 v14, v18  }
0x343: {  	v12 =	vld [tilespmem:s30+$0xABB0];
	v0 =	vadd.f32 v0, v7;
	v3 =	vadd.f32 v3, v46;
	v7 =	vmul.f32 v15, v22  }
0x344: {  	v4 =	vmul.f32 v4, v45;
	v8 =	vmul.f32 v8, v25;
	v15 =	vld [tilespmem:s30+$0xABF0]  }
0x345: {  	v11 =	vld [tilespmem:s30+$0xA400];
	v0 =	vsub.f32 v3, v0;
	v47 =	vadd.f32 v7, v14;
	v7 =	vmul.f32 v9, v28  }
0x346: {  	v18 =	vand.u32 $0x7FFFFFFF, v26;
	v5 =	vmul.f32 v5, v20;
	v9 =	vld [tilespmem:s30+$0xFBF0];
	v14 =	vadd.f32 $1.000000000e+00, v61  }
0x347: {  	v20 =	vld [tilespmem:s30+$0xABC0];
	v0 =	vand.u32 $0x7FFFFFFF, v0;
	v7 =	vadd.f32 v7, v8;
	v3 =	vadd.f32 v47, v19  }
0x348: {  	v1 =	vmul.f32 v1, v12;
	v8 =	vld [tilespmem:s30+$0xAC00];
	v10 =	vmul.f32 v14, v10;
	v0 =	vadd.f32 v0, v18  }
0x349: {  	v12 =	vld [tilespmem:s31+$0x10];
	v4 =	vadd.f32 v5, v4;
	v2 =	vmul.f32 v2, v15;
	v3 =	vsub.f32 v3, v7  }
0x34a: {  	v5 =	vld [tilespmem:s30+$0xFC00];
	v7 =	vmul.f32 v21, v44;
	v10 =	vmul.f32 v10, v11;
	v0 =	vadd.f32 v27, v0  }
0x34b: {  	v1 =	vadd.f32 v2, v1;
	v48 =	vadd.f32 v4, v9;
	v3 =	vand.u32 $0x7FFFFFFF, v3  }
0x34c: {  	v49 =	vand.u32 $0x7FFFFFFF, v13;
	v4 =	vmul.f32 v17, v20;
	v0 =	vadd.f32 v3, v0  }
0x34d: {  	v50 =	vadd.f32 v10, v7;
	v1 =	vsub.f32 v48, v1;
	v7 =	vmul.f32 v16, v8  }
0x34e: {  	v3 =	vsub.f32 v51, v12;
	v0 =	vadd.f32 v49, v0  }
0x34f: {  	v2 =	vadd.f32 v50, v5;
	v1 =	vand.u32 $0x7FFFFFFF, v1;
	v4 =	vadd.f32 v7, v4  }
0x350: {  	v0 =	vadd.f32 v1, v0  }
0x351: {  	v52 =	vand.u32 $0x7FFFFFFF, v3;
	v2 =	vsub.f32 v2, v4  }
0x352: {  	v0 =	vadd.f32 v52, v0  }
0x353: {  	v53 =	vand.u32 $0x7FFFFFFF, v2  }
0x354: {  	v0 =	vadd.f32 v53, v0  }
0x355: {  	v54 =	vld [tilespmem:$0x1FFE0]  }
0x356: {  	v1 =	vperm.xlane v0, v63;
	_ =	sdelay $0x1  }
0x357: {  	v0 =	vadd.f32 v0, v1  }
0x358: {  	v55 =	vld [tilespmem:$0x1FFF0]  }
0x359: {  	v1 =	vperm.xlane v0, v54;
	_ =	sdelay $0x1  }
0x35a: {  	v0 =	vadd.f32 v0, v1  }
0x35b: {  	v56 =	vld [tilespmem:$0x1FFD0]  }
0x35c: {  	v1 =	vperm.xlane v0, v55;
	_ =	sdelay $0x1  }
0x35d: {  	v0 =	vadd.f32 v0, v1;
	_ =	sdelay $0x1  }
0x35e: {  	v58 =	vld [tilespmem:$0x1FEF0];
	v1 =	vperm.xlane v0, v56;
	_ =	sdelay $0x1  }
0x35f: {  	v0 =	vadd.f32 v0, v1;
	_ =	sdelay $0x1  }
0x360: {  	v57 =	vlaneseq.u32;
	v0 =	vsub.f32 $0.0e+00, v0  }
0x361: {  	vm0 =	veq.s32 v58, v57  }
0x362: {  	v0 =	vsel vm0, v0, v6  }
0x363: {  	[tilespmem:s29+$0xA00] =	vst v0  }
0x364: {  	_ =	swait.ge [sflag:s0], $0x400  }
0x365: {  	[sflag:s0] =	ssyncset.done $0x0  }
0x366: {  	[sflag:s0] =	ssyncadd.s32 $0xFFFFFC00  }
0x367: {  	_ =	swait.ge [sflag:s0], $0x400  }
0x368: {  	[sflag:s0] =	ssyncset.done $0x0  }
0x369: {  	[sflag:s0] =	ssyncadd.s32 $0xFFFFFC00  }
0x36a: {  	_ =	swait.ge [sflag:s0], $0x800  }
0x36b: {  	[sflag:s0] =	ssyncset.done $0x0  }
0x36c: {  	[sflag:s0] =	ssyncadd.s32 $0xFFFFF800  }
0x36d: {  	_ =	swait.ge [sflag:s0], $0x800  }
0x36e: {  	[sflag:s0] =	ssyncset.done $0x0  }
0x36f: {  	[sflag:s0] =	ssyncadd.s32 $0xFFFFF800  }
0x370: {  	_ =	swait.ge [sflag:s0], $0x800  }
0x371: {  	[sflag:s0] =	ssyncset.done $0x0  }
0x372: {  	[sflag:s0] =	ssyncadd.s32 $0xFFFFF800  }
0x373: {  	_ =	swait.ge [sflag:s0], $0x800  }
0x374: {  	[sflag:s0] =	ssyncset.done $0x0  }
0x375: {  	[sflag:s0] =	ssyncadd.s32 $0xFFFFF800  }
0x376: {  	_ =	swait.ge [sflag:s0], $0x800  }
0x377: {  	[sflag:s0] =	ssyncset.done $0x0  }
0x378: {  	[sflag:s0] =	ssyncadd.s32 $0xFFFFF800  }
0x379: {  	_ =	swait.ge [sflag:s0], $0x800  }
0x37a: {  	[sflag:s0] =	ssyncset.done $0x0  }
0x37b: {  	[sflag:s0] =	ssyncadd.s32 $0xFFFFF800  }
0x37c: {  	_ =	swait.ge [sflag:s0], $0x800  }
0x37d: {  	s1 =	sadd.s32 @!p0 $0x50, s16;
	[sflag:s0] =	ssyncset.done $0x0  }
0x37e: {  	s18 =	simm.s32 @!p0 $0x10;
	s19 =	simm.s32 @!p0 $0x4400;
	[sflag:s0] =	ssyncadd.s32 $0xFFFFF800  }
0x37f: {  	[tilespmem:s19], [sflag:$0x2] =	stream.indirect.gather @!p0 [hbm4b:s4+s18], $0x40, s1, s18, $0xb8;
	[tilespmem:$0x10C00] =	vst v63  }
0x380: {  	s21 =	simm.s32 @!p0 $0x4800;
	s19 =	sadd.s32 @!p0 $0x250, s16  }
0x381: {  	[tilespmem:s21], [sflag:$0x2] =	stream.indirect.gather @!p0 [hbm4b:s4+s18], $0x40, s19, s18, $0xb8;
	[tilespmem:$0x10C00] =	vst v63  }
0x382: {  	s21 =	simm.s32 @!p0 $0x4C00  }
0x383: {  	[tilespmem:s21], [sflag:$0x2] =	stream.indirect.gather @!p0 [hbm4b:s5+s18], $0x80, s1, s18, $0xb8;
	[tilespmem:$0x10C00] =	vst v63  }
0x384: {  	s21 =	simm.s32 @!p0 $0x5400  }
0x385: {  	[tilespmem:s21], [sflag:$0x2] =	stream.indirect.gather @!p0 [hbm4b:s5+s18], $0x80, s19, s18, $0xb8;
	[tilespmem:$0x10C00] =	vst v63  }
0x386: {  	s21 =	simm.s32 @!p0 $0x5C00  }
0x387: {  	[tilespmem:s21], [sflag:$0x2] =	stream.indirect.gather @!p0 [hbm4b:s6+s18], $0x80, s1, s18, $0xb8;
	[tilespmem:$0x10C00] =	vst v63  }
0x388: {  	s21 =	simm.s32 @!p0 $0x6400  }
0x389: {  	[tilespmem:s21], [sflag:$0x2] =	stream.indirect.gather @!p0 [hbm4b:s6+s18], $0x80, s19, s18, $0xb8;
	[tilespmem:$0x10C00] =	vst v63  }
0x38a: {  	s21 =	simm.s32 @!p0 $0x6C00  }
0x38b: {  	[tilespmem:s21], [sflag:$0x2] =	stream.indirect.gather @!p0 [hbm4b:s7+s18], $0x80, s1, s18, $0xb8;
	[tilespmem:$0x10C00] =	vst v63  }
0x38c: {  	s1 =	simm.s32 @!p0 $0x7400  }
0x38d: {  	[tilespmem:s1], [sflag:$0x2] =	stream.indirect.gather @!p0 [hbm4b:s7+s18], $0x80, s19, s18, $0xb8;
	[tilespmem:$0x10C00] =	vst v63  }
0x38e: {  	s1 =	sadd.s32 @!p0 $0x450, s16;
	s16 =	simm.s32 @!p0 $0xF400  }
0x38f: {  	[tilespmem:s16], [sflag:$0x2] =	stream.indirect.gather @!p0 [hbm4b:s2+s18], $0x80, s1, s18, $0xb8;
	[tilespmem:$0x10C00] =	vst v63  }
0x390: {  	v8 =	vld [tilespmem:s15+$0x600]  }
0x391: {  	s1 =	simm.s32 $0xB420;
	v9 =	vld [tilespmem:s15+$0x800]  }
0x392: {  	s16 =	simm.s32 $0x70;
	v59 =	vld [tilespmem:s1+$0x10]  }
0x393: {  	v60 =	vld [tilespmem:s16+$0x103C0]  }
0x394: {  	v4 =	vld [tilespmem:s16+$0xC400]  }
0x395: {  	v7 =	vld [tilespmem:s16+$0xD400]  }
0x396: {  	v10 =	vld [tilespmem:s16+$0xBC00]  }
0x397: {  	v12 =	vld [tilespmem:s16+$0xCC00]  }
0x398: {  	v6 =	vld [tilespmem:s16+$0xC3C0]  }
0x399: {  	v11 =	vld [tilespmem:s16+$0xD3C0]  }
0x39a: {  	v13 =	vld [tilespmem:s16+$0xC3F0]  }
0x39b: {  	v14 =	vld [tilespmem:s16+$0xD3F0]  }
0x39c: {  	v15 =	vld [tilespmem:s16+$0xBBC0]  }
0x39d: {  	v16 =	vld [tilespmem:s16+$0xCBC0]  }
0x39e: {  	v17 =	vld [tilespmem:s16+$0xBBF0]  }
0x39f: {  	v22 =	vld [tilespmem:s16+$0xCBF0]  }
0x3a0: {  	v18 =	vld [tilespmem:s16+$0xC3B0]  }
0x3a1: {  	v19 =	vld [tilespmem:s16+$0xD3B0]  }
0x3a2: {  	v20 =	vld [tilespmem:s16+$0xBBB0]  }
0x3a3: {  	s18 =	simm.s32 $0x0;
	v21 =	vld [tilespmem:s16+$0xCBB0]  }
0x3a4: {  	v5 =	vmov s18;
	v24 =	vld [tilespmem:s16+$0xC3A0]  }
0x3a5: {  	v26 =	vld [tilespmem:s16+$0xD3A0];
	v25 =	vperm.xlane v8, v5;
	v27 =	vperm.xlane v9, v5  }
0x3a6: {  	v28 =	vld [tilespmem:s16+$0xBBA0]  }
0x3a7: {  	v47 =	vld [tilespmem:s16+$0xCB90];
	v29 =	vmul.f32 v6, v25;
	v11 =	vmul.f32 v11, v27  }
0x3a8: {  	v30 =	vld [tilespmem:s16+$0xCBA0];
	v15 =	vmul.f32 v15, v25;
	v16 =	vmul.f32 v16, v27  }
0x3a9: {  	v31 =	vld [tilespmem:s16+$0xC390];
	v63 =	vmul.f32 v18, v25;
	v19 =	vmul.f32 v19, v27  }
0x3aa: {  	v44 =	vld [tilespmem:s16+$0xD390];
	v43 =	vmul.f32 v20, v25;
	v45 =	vmul.f32 v21, v27  }
0x3ab: {  	v46 =	vld [tilespmem:s16+$0xBB90];
	v24 =	vmul.f32 v24, v25;
	v28 =	vmul.f32 v28, v25  }
0x3ac: {  	v42 =	vld [tilespmem:s16+$0xBBE0];
	v26 =	vmul.f32 v26, v27;
	v50 =	vmul.f32 v47, v27;
	v18 =	vadd.f32 v4, v29  }
0x3ad: {  	v23 =	vld [tilespmem:s16+$0xC3E0];
	v4 =	vmul.f32 v30, v27;
	v11 =	vadd.f32 v7, v11;
	v21 =	vadd.f32 v10, v15  }
0x3ae: {  	v48 =	vld [tilespmem:s16+$0xD3E0];
	v7 =	vmul.f32 v31, v25;
	v10 =	vadd.f32 v12, v16;
	v20 =	vadd.f32 v13, v63  }
0x3af: {  	v61 =	vld [tilespmem:s1+$0x0];
	v13 =	vadd.f32 v14, v19;
	v14 =	vmul.f32 v44, v27;
	v19 =	vadd.f32 v17, v43  }
0x3b0: {  	v62 =	vld [tilespmem:s16+$0x103B0];
	v12 =	vadd.f32 v22, v45;
	v25 =	vmul.f32 v46, v25;
	v41 =	vmul.f32 v18, v18  }
0x3b1: {  	v49 =	vld [tilespmem:s16+$0xBBD0];
	v16 =	vadd.f32 v42, v28;
	v42 =	vmul.f32 v21, v21;
	v44 =	vmul.f32 v11, v11  }
0x3b2: {  	v29 =	vld [tilespmem:s16+$0xCBE0];
	v22 =	vadd.f32 v23, v24;
	v43 =	vmul.f32 v20, v20;
	v38 =	vmul.f32 v10, v10  }
0x3b3: {  	v30 =	vld [tilespmem:s16+$0xC3D0];
	v15 =	vadd.f32 v48, v26;
	v37 =	vmul.f32 v19, v19;
	v36 =	vmul.f32 v13, v13  }
0x3b4: {  	v31 =	vld [tilespmem:s16+$0xD3D0];
	v35 =	vmul.f32 v12, v12;
	v39 =	vmul.f32 v22, v22  }
0x3b5: {  	v0 =	vadd.f32 v60, v59;
	v26 =	vld [tilespmem:s16+$0xCBD0];
	v32 =	vmul.f32 v15, v15;
	v40 =	vmul.f32 v16, v16  }
0x3b6: {  	v53 =	vadd.f32 v62, v61;
	v45 =	vmul.f32 $2.755731880e-06, v44;
	v46 =	vmul.f32 $2.755731880e-06, v42  }
0x3b7: {  	v6 =	vimm.f32 $0.0e+00;
	v56 =	vmul.f32 $2.755731880e-06, v38;
	v57 =	vmul.f32 $2.755731880e-06, v43  }
0x3b8: {  	v27 =	vadd.f32 v49, v25;
	v58 =	vmul.f32 $2.755731880e-06, v36;
	v59 =	vmul.f32 $2.755731880e-06, v37  }
0x3b9: {  	v1 =	vmul.f32 $2.755731880e-06, v35;
	v17 =	vadd.f32 v29, v4;
	v23 =	vadd.f32 v30, v7  }
0x3ba: {  	v51 =	vld [tilespmem:s16+$0x103A0];
	v60 =	vmul.f32 $2.755731880e-06, v39;
	v24 =	vadd.f32 v31, v14;
	v28 =	vadd.f32 v26, v50  }
0x3bb: {  	v25 =	vld [tilespmem:s16+$0x10390];
	v61 =	vmul.f32 $2.755731880e-06, v32;
	v46 =	vadd.f32 $-1.984127010e-04, v46;
	v45 =	vadd.f32 $-1.984127010e-04, v45  }
0x3bc: {  	v62 =	vmul.f32 $2.755731880e-06, v40;
	v4 =	vld [tilespmem:s1+$0xFFFFFFF0];
	v48 =	vadd.f32 $-1.984127010e-04, v57;
	v47 =	vadd.f32 $-1.984127010e-04, v56  }
0x3bd: {  	s29 =	simm.s32 $0xB820;
	[tilespmem:$0x1FED0] =	vst v0;
	v14 =	vld [tilespmem:s1+$0xFFFFFFE0];
	v31 =	vmul.f32 v27, v27;
	v0 =	vadd.f32 $-1.984127010e-04, v59;
	v49 =	vadd.f32 $-1.984127010e-04, v58  }
0x3be: {  	v26 =	vld [tilespmem:s29+$0x0];
	v2 =	vadd.f32 $-1.984127010e-04, v60;
	v30 =	vmul.f32 v17, v17;
	v34 =	vmul.f32 v23, v23  }
0x3bf: {  	v52 =	vld [tilespmem:s29+$0xFFFFFFF0];
	v1 =	vadd.f32 $-1.984127010e-04, v1;
	v33 =	vmul.f32 v24, v24;
	v29 =	vmul.f32 v28, v28  }
0x3c0: {  	v54 =	vld [tilespmem:s29+$0xFFFFFFE0];
	v3 =	vadd.f32 $-1.984127010e-04, v61;
	v60 =	vmul.f32 v46, v42;
	v61 =	vmul.f32 v45, v44  }
0x3c1: {  	v50 =	vadd.f32 $-1.984127010e-04, v62;
	v56 =	vmul.f32 v48, v43;
	v63 =	vmul.f32 $2.755731880e-06, v30  }
0x3c2: {  	v57 =	vmul.f32 $2.755731880e-06, v29;
	v55 =	vadd.f32 v51, v4;
	v4 =	vmul.f32 $2.755731880e-06, v41  }
0x3c3: {  	v25 =	vadd.f32 v25, v14;
	v14 =	vsub.f32 v53, v26;
	v53 =	vmul.f32 $2.755731880e-06, v33  }
0x3c4: {  	v51 =	vmul.f32 v0, v37;
	v60 =	vadd.f32 $8.333333770e-03, v60;
	v58 =	vadd.f32 $-1.984127010e-04, v63  }
0x3c5: {  	v63 =	vmul.f32 v47, v38;
	v26 =	vsub.f32 v55, v52;
	v25 =	vsub.f32 v25, v54  }
0x3c6: {  	v4 =	vadd.f32 $-1.984127010e-04, v4;
	v52 =	vmul.f32 $2.755731880e-06, v34;
	v55 =	vmul.f32 $2.755731880e-06, v31  }
0x3c7: {  	v46 =	vadd.f32 $-1.984127010e-04, v53;
	v54 =	vmul.f32 v49, v36;
	v53 =	vmul.f32 v50, v40  }
0x3c8: {  	v48 =	vadd.f32 $-1.984127010e-04, v57;
	v50 =	vmul.f32 v3, v32;
	v45 =	vmul.f32 v58, v30  }
0x3c9: {  	[tilespmem:$0x1FEB0] =	vst v5;
	v58 =	vadd.f32 $8.333333770e-03, v61;
	v4 =	vmul.f32 v4, v41;
	v62 =	vadd.f32 $-1.984127010e-04, v52  }
0x3ca: {  	[tilespmem:$0x1FEA0] =	vst v8;
	v57 =	vadd.f32 $8.333333770e-03, v63;
	v47 =	vadd.f32 $-1.984127010e-04, v55;
	v52 =	vmul.f32 v2, v39  }
0x3cb: {  	s19 =	simm.s32 $0x3C0;
	[tilespmem:$0x1FEC0] =	vst v9;
	v55 =	vmul.f32 v1, v35;
	v59 =	vadd.f32 $8.333333770e-03, v4;
	v49 =	vmul.f32 v62, v34  }
.LBB2_9:
0x3cc: {  	v1 =	vadd.f32 $8.333333770e-03, v56;
	v0 =	vmul.f32 v46, v33  }
0x3cd: {  	v2 =	vadd.f32 $8.333333770e-03, v54;
	v3 =	vmul.f32 v47, v31;
	v4 =	vadd.f32 $8.333333770e-03, v51  }
0x3ce: {  	v63 =	vadd.f32 $8.333333770e-03, v55;
	v54 =	vmul.f32 v48, v29;
	v51 =	vadd.f32 $8.333333770e-03, v52  }
0x3cf: {  	v52 =	vadd.f32 $8.333333770e-03, v50;
	v53 =	vadd.f32 $8.333333770e-03, v53;
	v55 =	vmul.f32 v59, v41  }
0x3d0: {  	v56 =	vmul.f32 v58, v44;
	v58 =	vadd.f32 $8.333333770e-03, v45;
	v59 =	vmul.f32 v60, v42  }
0x3d1: {  	v57 =	vmul.f32 v57, v38;
	v49 =	vadd.f32 $8.333333770e-03, v49;
	v1 =	vmul.f32 v1, v43  }
0x3d2: {  	v2 =	vmul.f32 v2, v36;
	v0 =	vadd.f32 $8.333333770e-03, v0;
	v4 =	vmul.f32 v4, v37  }
0x3d3: {  	v5 =	vld [tilespmem:s16+$0xE3B0];
	v60 =	vmul.f32 v63, v35;
	v3 =	vadd.f32 $8.333333770e-03, v3;
	v61 =	vmul.f32 v51, v39  }
0x3d4: {  	v7 =	vld [tilespmem:s16+$0xE3F0];
	v62 =	vmul.f32 v52, v32;
	v63 =	vadd.f32 $8.333333770e-03, v54;
	v8 =	vmul.f32 v53, v40  }
0x3d5: {  	v47 =	vld [tilespmem:s29+$0x10];
	v58 =	vmul.f32 v58, v30;
	v55 =	vadd.f32 $-1.666666720e-01, v55;
	v56 =	vadd.f32 $-1.666666720e-01, v56  }
0x3d6: {  	s1 =	sadd.s32 $0x40, s1;
	v48 =	vld [tilespmem:s16+$0x10400];
	v9 =	vmul.f32 v49, v34;
	v59 =	vadd.f32 $-1.666666720e-01, v59;
	v57 =	vadd.f32 $-1.666666720e-01, v57  }
0x3d7: {  	v45 =	vld [tilespmem:s1+$0x10];
	v1 =	vadd.f32 $-1.666666720e-01, v1;
	v0 =	vmul.f32 v0, v33;
	v2 =	vadd.f32 $-1.666666720e-01, v2  }
0x3d8: {  	s21 =	sshra.s32 s19, $0x2;
	v50 =	vld [tilespmem:s16+$0xE3C0];
	v3 =	vmul.f32 v3, v31;
	v4 =	vadd.f32 $-1.666666720e-01, v4;
	v60 =	vadd.f32 $-1.666666720e-01, v60  }
0x3d9: {  	v46 =	vld [tilespmem:s21+$0x103C0];
	v63 =	vmul.f32 v63, v29;
	v61 =	vadd.f32 $-1.666666720e-01, v61;
	v62 =	vadd.f32 $-1.666666720e-01, v62  }
0x3da: {  	v51 =	vld [tilespmem:s16+$0xE400];
	v55 =	vmul.f32 v55, v41;
	v8 =	vadd.f32 $-1.666666720e-01, v8;
	v42 =	vmul.f32 v59, v42  }
0x3db: {  	v52 =	vld [tilespmem:s16+$0x103F0];
	v44 =	vmul.f32 v56, v44;
	v56 =	vadd.f32 $-1.666666720e-01, v58;
	v38 =	vmul.f32 v57, v38  }
0x3dc: {  	v53 =	vld [tilespmem:s16+$0xDBC0];
	v9 =	vadd.f32 $-1.666666720e-01, v9;
	v1 =	vmul.f32 v1, v43;
	v4 =	vmul.f32 v4, v37  }
0x3dd: {  	v54 =	vld [tilespmem:s16+$0xDC00];
	v2 =	vmul.f32 v2, v36;
	v0 =	vadd.f32 $-1.666666720e-01, v0;
	v36 =	vmul.f32 v61, v39  }
0x3de: {  	v49 =	vld [tilespmem:s1+$0x0];
	v35 =	vmul.f32 v60, v35;
	v3 =	vadd.f32 $-1.666666720e-01, v3;
	v8 =	vmul.f32 v8, v40  }
0x3df: {  	v41 =	vld [tilespmem:s21+$0x103B0];
	v32 =	vmul.f32 v62, v32;
	v59 =	vadd.f32 $-1.666666720e-01, v63;
	v9 =	vmul.f32 v9, v34  }
0x3e0: {  	v43 =	vld [tilespmem:s16+$0x103E0];
	v30 =	vmul.f32 v56, v30;
	v55 =	vadd.f32 $1.000000000e+00, v55;
	v44 =	vadd.f32 $1.000000000e+00, v44  }
0x3e1: {  	v37 =	vld [tilespmem:s16+$0xDBB0];
	v42 =	vadd.f32 $1.000000000e+00, v42;
	v1 =	vadd.f32 $1.000000000e+00, v1;
	v0 =	vmul.f32 v0, v33  }
0x3e2: {  	v39 =	vld [tilespmem:s16+$0xDBF0];
	v3 =	vmul.f32 v3, v31;
	v29 =	vmul.f32 v59, v29;
	v4 =	vadd.f32 $1.000000000e+00, v4  }
0x3e3: {  	v34 =	vld [tilespmem:s16+$0xE3A0];
	v2 =	vadd.f32 $1.000000000e+00, v2;
	v9 =	vadd.f32 $1.000000000e+00, v9;
	v18 =	vmul.f32 v55, v18  }
0x3e4: {  	v61 =	vld [tilespmem:s16+$0xDB90];
	v36 =	vadd.f32 $1.000000000e+00, v36;
	v21 =	vmul.f32 v42, v21;
	v63 =	vmul.f32 v44, v11  }
0x3e5: {  	v62 =	vld [tilespmem:s16+$0xDBD0];
	v8 =	vadd.f32 $1.000000000e+00, v8;
	v1 =	vmul.f32 v1, v20;
	v3 =	vadd.f32 $1.000000000e+00, v3  }
0x3e6: {  	v20 =	vld [tilespmem:s16+$0xE3D0];
	v11 =	vadd.f32 $1.000000000e+00, v29;
	v2 =	vmul.f32 v2, v13;
	v22 =	vmul.f32 v36, v22  }
0x3e7: {  	v29 =	vld [tilespmem:s16+$0xE390];
	v0 =	vadd.f32 $1.000000000e+00, v0;
	v4 =	vmul.f32 v4, v19;
	v9 =	vmul.f32 v9, v23  }
0x3e8: {  	v60 =	vld [tilespmem:s16+$0xDBA0];
	v23 =	vadd.f32 $1.000000000e+00, v30;
	v8 =	vmul.f32 v8, v16;
	v1 =	vmul.f32 v1, v5  }
0x3e9: {  	v3 =	vmul.f32 v3, v27;
	v13 =	vmul.f32 v11, v28;
	v27 =	vld [tilespmem:s16+$0xDBE0]  }
0x3ea: {  	v31 =	vld [tilespmem:s16+$0x103D0];
	v0 =	vmul.f32 v0, v24;
	v16 =	vmul.f32 v23, v17  }
0x3eb: {  	v33 =	vld [tilespmem:s16+$0xE3E0];
	v3 =	vmul.f32 v3, v61;
	v24 =	vmul.f32 v13, v62  }
0x3ec: {  	v55 =	vld [tilespmem:$0x1FED0];
	v17 =	vadd.f32 $1.000000000e+00, v32;
	v0 =	vmul.f32 v0, v20;
	v9 =	vmul.f32 v9, v29  }
0x3ed: {  	v8 =	vmul.f32 v8, v60;
	v28 =	vld [tilespmem:$0x1FEB0];
	v60 =	vadd.f32 v41, v49;
	v3 =	vadd.f32 v24, v3  }
0x3ee: {  	s16 =	smov.u32 s21;
	v49 =	vld [tilespmem:s1+$0xFFFFFFF0];
	v15 =	vmul.f32 v17, v15;
	v0 =	vadd.f32 v0, v9;
	v9 =	vmul.f32 v16, v27  }
0x3ef: {  	v22 =	vmul.f32 v22, v34;
	v11 =	vld [tilespmem:s16+$0xC400];
	v17 =	vadd.f32 $1.000000000e+00, v35;
	v3 =	vadd.f32 v3, v31  }
0x3f0: {  	v19 =	vld [tilespmem:s16+$0xD400];
	v44 =	vadd.f32 v9, v8;
	v8 =	vmul.f32 v15, v33;
	v15 =	vadd.f32 $1.000000000e+00, v38  }
0x3f1: {  	v2 =	vmul.f32 v2, v7;
	v7 =	vld [tilespmem:s16+$0xC3B0];
	v12 =	vmul.f32 v17, v12;
	v0 =	vsub.f32 v3, v0  }
0x3f2: {  	v56 =	vld [tilespmem:s16+$0xD3A0];
	v8 =	vadd.f32 v8, v22;
	v3 =	vadd.f32 v44, v43;
	v5 =	vmul.f32 v15, v10  }
0x3f3: {  	v4 =	vmul.f32 v4, v37;
	v57 =	vld [tilespmem:s16+$0xCBA0];
	v12 =	vmul.f32 v12, v39  }
0x3f4: {  	v58 =	vld [tilespmem:s16+$0xBBE0];
	v3 =	vsub.f32 v3, v8;
	v8 =	vmul.f32 v21, v53;
	v5 =	vmul.f32 v5, v54  }
0x3f5: {  	v13 =	vld [tilespmem:s16+$0xBC00];
	v4 =	vadd.f32 v12, v4  }
0x3f6: {  	v20 =	vld [tilespmem:s16+$0xC3C0];
	v12 =	vmul.f32 v18, v50;
	v54 =	vadd.f32 v5, v8;
	v5 =	vmul.f32 v63, v51  }
0x3f7: {  	v61 =	vld [tilespmem:s16+$0xBB90]  }
0x3f8: {  	v30 =	vadd.f32 v5, v12;
	v12 =	vld [tilespmem:$0x1FEA0]  }
0x3f9: {  	v25 =	vand.u32 $0x7FFFFFFF, v25;
	v24 =	vld [tilespmem:s16+$0xD3C0];
	v0 =	vand.u32 $0x7FFFFFFF, v0  }
0x3fa: {  	v27 =	vld [tilespmem:s16+$0xCBC0];
	v0 =	vadd.f32 v0, v25  }
0x3fb: {  	v26 =	vand.u32 $0x7FFFFFFF, v26;
	s18 =	sadd.s32 $0x1, s18;
	v1 =	vadd.f32 v2, v1;
	v9 =	vld [tilespmem:s16+$0xBBC0]  }
0x3fc: {  	v18 =	vld [tilespmem:s16+$0xBBB0];
	v52 =	vadd.f32 v4, v52;
	v0 =	vadd.f32 v26, v0;
	v8 =	vmov s18  }
0x3fd: {  	v3 =	vand.u32 $0x7FFFFFFF, v3;
	v5 =	vmov v8;
	v25 =	vperm.xlane v12, v8;
	v12 =	vld [tilespmem:$0x1FEC0]  }
0x3fe: {  	v29 =	vlaneseq.u32;
	v1 =	vsub.f32 v52, v1;
	v0 =	vadd.f32 v3, v0;
	[tilespmem:$0x1FEB0] =	vst v5;
	v5 =	vld [tilespmem:s16+$0xBBA0]  }
0x3ff: {  	vm0 =	veq.s32 v28, v29;
	v10 =	vld [tilespmem:s16+$0xD3B0];
	v53 =	vand.u32 $0x7FFFFFFF, v14;
	v3 =	vsub.f32 v55, v47  }
0x400: {  	v21 =	vld [tilespmem:s16+$0xCBB0];
	v1 =	vand.u32 $0x7FFFFFFF, v1;
	v2 =	vadd.f32 v54, v48;
	v0 =	vadd.f32 v53, v0  }
0x401: {  	v17 =	vld [tilespmem:s16+$0xD3F0];
	v3 =	vand.u32 $0x7FFFFFFF, v3;
	v9 =	vmul.f32 v9, v25;
	v7 =	vmul.f32 v7, v25  }
0x402: {  	v16 =	vld [tilespmem:s16+$0xC3F0];
	v0 =	vadd.f32 v1, v0;
	v29 =	vmul.f32 v18, v25;
	v26 =	vperm.xlane v12, v8  }
0x403: {  	v22 =	vld [tilespmem:s16+$0xBBF0];
	v2 =	vsub.f32 v2, v30;
	v5 =	vmul.f32 v5, v25;
	v8 =	vmul.f32 v20, v25  }
0x404: {  	v0 =	vadd.f32 v3, v0;
	v12 =	vld [tilespmem:s16+$0xC3A0];
	v20 =	vmul.f32 v24, v26;
	v24 =	vmul.f32 v27, v26  }
0x405: {  	v62 =	vld [tilespmem:s16+$0xCBE0];
	v28 =	vmul.f32 v10, v26;
	v30 =	vmul.f32 v21, v26;
	v10 =	vadd.f32 v46, v45  }
0x406: {  	v15 =	vld [tilespmem:s16+$0xCBF0];
	v1 =	vmul.f32 v56, v26;
	v18 =	vadd.f32 v11, v8;
	v21 =	vadd.f32 v13, v9  }
0x407: {  	v14 =	vld [tilespmem:s16+$0xD3E0];
	v3 =	vmul.f32 v57, v26;
	v11 =	vadd.f32 v19, v20;
	v20 =	vadd.f32 v16, v7  }
0x408: {  	v27 =	vld [tilespmem:s16+$0xC390];
	v13 =	vadd.f32 v17, v28;
	v19 =	vadd.f32 v22, v29;
	v41 =	vmul.f32 v18, v18  }
0x409: {  	v23 =	vld [tilespmem:s16+$0xCC00];
	v16 =	vadd.f32 v58, v5;
	v42 =	vmul.f32 v21, v21;
	v59 =	vmul.f32 v12, v25  }
0x40a: {  	s29 =	sadd.s32 $0x40, s29;
	v4 =	vld [tilespmem:s16+$0xC3E0];
	v17 =	vadd.f32 v62, v3;
	v44 =	vmul.f32 v11, v11;
	v43 =	vmul.f32 v20, v20  }
0x40b: {  	v51 =	vld [tilespmem:s29+$0x0];
	v12 =	vadd.f32 v15, v30;
	v37 =	vmul.f32 v19, v19;
	v36 =	vmul.f32 v13, v13  }
0x40c: {  	[tilespmem:$0x1FED0] =	vst v10;
	v10 =	vld [tilespmem:$0x1FFC0];
	v15 =	vadd.f32 v14, v1;
	v40 =	vmul.f32 v16, v16;
	v30 =	vmul.f32 v17, v17  }
0x40d: {  	v31 =	vld [tilespmem:s16+$0xD390];
	v2 =	vand.u32 $0x7FFFFFFF, v2;
	v27 =	vmul.f32 v27, v25;
	v25 =	vmul.f32 v61, v25  }
0x40e: {  	v0 =	vadd.f32 v2, v0;
	v9 =	vld [tilespmem:s16+$0xC3D0];
	v35 =	vmul.f32 v12, v12;
	v32 =	vmul.f32 v15, v15  }
0x40f: {  	v7 =	vld [tilespmem:$0x1FFE0];
	v22 =	vadd.f32 v4, v59;
	v53 =	vmul.f32 $2.755731880e-06, v43;
	v55 =	vmul.f32 $2.755731880e-06, v37  }
0x410: {  	v5 =	vld [tilespmem:s16+$0x103A0];
	v14 =	vsub.f32 v60, v51;
	v54 =	vmul.f32 $2.755731880e-06, v36;
	v58 =	vmul.f32 $2.755731880e-06, v30  }
0x411: {  	v4 =	vld [tilespmem:s16+$0xBBD0];
	v10 =	vperm.xlane v0, v10;
	v39 =	vmul.f32 v22, v22;
	v1 =	vadd.f32 $-1.984127010e-04, v55  }
0x412: {  	v28 =	vld [tilespmem:s16+$0xD3D0];
	v56 =	vmul.f32 $2.755731880e-06, v35;
	v47 =	vadd.f32 $-1.984127010e-04, v54;
	v45 =	vadd.f32 $-1.984127010e-04, v58  }
0x413: {  	v8 =	vld [tilespmem:s16+$0xCB90];
	v0 =	vadd.f32 v0, v10;
	v10 =	vadd.f32 v23, v24;
	v24 =	vmul.f32 v31, v26  }
0x414: {  	v48 =	vld [tilespmem:$0x1FFF0];
	v23 =	vadd.f32 v9, v27;
	v9 =	vmul.f32 $2.755731880e-06, v42;
	v57 =	vmul.f32 $2.755731880e-06, v39  }
0x415: {  	v3 =	vadd.f32 v5, v49;
	v5 =	vld [tilespmem:s29+$0xFFFFFFF0];
	v51 =	vmul.f32 v1, v37;
	v54 =	vmul.f32 v47, v36  }
0x416: {  	v27 =	vadd.f32 v4, v25;
	v45 =	vmul.f32 v45, v30;
	v7 =	vperm.xlane v0, v7  }
0x417: {  	v63 =	vld [tilespmem:s16+$0xCBD0];
	v38 =	vmul.f32 v10, v10;
	v24 =	vadd.f32 v28, v24;
	v34 =	vmul.f32 v23, v23  }
0x418: {  	v50 =	vld [tilespmem:s1+$0xFFFFFFE0];
	v31 =	vmul.f32 v27, v27;
	v0 =	vadd.f32 v0, v7;
	v7 =	vmul.f32 v8, v26  }
0x419: {  	v9 =	vadd.f32 $-1.984127010e-04, v9;
	v8 =	vld [tilespmem:$0x1FFD0];
	v33 =	vmul.f32 v24, v24;
	v52 =	vmul.f32 $2.755731880e-06, v38  }
0x41a: {  	v4 =	vld [tilespmem:s16+$0x10390];
	v26 =	vsub.f32 v3, v5;
	v5 =	vmul.f32 $2.755731880e-06, v32;
	v2 =	vperm.xlane v0, v48  }
0x41b: {  	v59 =	vmul.f32 $2.755731880e-06, v34;
	v3 =	vadd.f32 $-1.984127010e-04, v56;
	v9 =	vmul.f32 v9, v42  }
0x41c: {  	v61 =	vmul.f32 $2.755731880e-06, v31;
	v28 =	vadd.f32 v63, v7;
	v0 =	vadd.f32 v0, v2  }
0x41d: {  	v7 =	vld [tilespmem:s29+$0xFFFFFFE0];
	v60 =	vmul.f32 $2.755731880e-06, v33;
	v46 =	vadd.f32 $-1.984127010e-04, v52;
	v5 =	vadd.f32 $-1.984127010e-04, v5  }
0x41e: {  	v63 =	vadd.f32 $-1.984127010e-04, v59;
	v55 =	vmul.f32 v3, v35;
	v8 =	vperm.xlane v0, v8  }
0x41f: {  	v47 =	vadd.f32 $-1.984127010e-04, v61;
	v2 =	vadd.f32 v4, v50;
	v4 =	vmul.f32 $2.755731880e-06, v41  }
0x420: {  	v29 =	vmul.f32 v28, v28;
	v50 =	vmul.f32 v5, v32;
	v0 =	vadd.f32 v0, v8  }
0x421: {  	v49 =	vmul.f32 v63, v34;
	v4 =	vadd.f32 $-1.984127010e-04, v4;
	v8 =	vmul.f32 $2.755731880e-06, v44  }
0x422: {  	v62 =	vmul.f32 $2.755731880e-06, v29;
	v25 =	vsub.f32 v2, v7;
	v0 =	vsub.f32 $0.0e+00, v0  }
0x423: {  	p0 =	sne.s32 s19, $0x1FC0;
	v7 =	vmul.f32 $2.755731880e-06, v40;
	v2 =	vadd.f32 $-1.984127010e-04, v57;
	v8 =	vadd.f32 $-1.984127010e-04, v8  }
.Ltmp3:
0x424: {  	v4 =	vmul.f32 v4, v41;
	v6 =	vsel vm0, v0, v6;
	v0 =	vadd.f32 $-1.984127010e-04, v53;
	(pc) =	sbr.rel @p0 .LBB2_9-.Ltmp3, $4  }
0x425: {  	v48 =	vadd.f32 $-1.984127010e-04, v62;
	v7 =	vadd.f32 $-1.984127010e-04, v7;
	v8 =	vmul.f32 v8, v44  }
0x426: {  	v59 =	vadd.f32 $8.333333770e-03, v4;
	v56 =	vmul.f32 v0, v43;
	v0 =	vmul.f32 v46, v38  }
0x427: {  	v52 =	vmul.f32 v2, v39;
	v46 =	vadd.f32 $-1.984127010e-04, v60;
	v58 =	vadd.f32 $8.333333770e-03, v8  }
0x428: {  	s19 =	sadd.s32 $0x200, s19;
	v53 =	vmul.f32 v7, v40;
	v60 =	vadd.f32 $8.333333770e-03, v9;
	v57 =	vadd.f32 $8.333333770e-03, v0  }
0x429: {  	v0 =	vadd.f32 $8.333333770e-03, v56;
	v1 =	vmul.f32 v59, v41  }
0x42a: {  	v3 =	vmul.f32 v58, v44;
	v4 =	vadd.f32 $8.333333770e-03, v51;
	v5 =	vadd.f32 $8.333333770e-03, v54  }
0x42b: {  	v7 =	vadd.f32 $8.333333770e-03, v52;
	v9 =	vadd.f32 $8.333333770e-03, v55;
	v58 =	vmul.f32 v46, v33  }
0x42c: {  	v59 =	vadd.f32 $8.333333770e-03, v50;
	v61 =	vmul.f32 v47, v31;
	v62 =	vmul.f32 v48, v29  }
0x42d: {  	v63 =	vadd.f32 $8.333333770e-03, v45;
	v2 =	vmul.f32 v60, v42;
	v8 =	vmul.f32 v57, v38  }
0x42e: {  	v56 =	vadd.f32 $8.333333770e-03, v53;
	v60 =	vadd.f32 $8.333333770e-03, v49;
	v0 =	vmul.f32 v0, v43  }
0x42f: {  	v1 =	vadd.f32 $-1.666666720e-01, v1;
	v4 =	vmul.f32 v4, v37;
	v5 =	vmul.f32 v5, v36  }
0x430: {  	v3 =	vadd.f32 $-1.666666720e-01, v3;
	v7 =	vmul.f32 v7, v39;
	v9 =	vmul.f32 v9, v35  }
0x431: {  	v2 =	vadd.f32 $-1.666666720e-01, v2;
	v8 =	vadd.f32 $-1.666666720e-01, v8;
	v1 =	vmul.f32 v1, v41  }
0x432: {  	v0 =	vadd.f32 $-1.666666720e-01, v0;
	v3 =	vmul.f32 v3, v44;
	v41 =	vmul.f32 v56, v40  }
0x433: {  	v4 =	vadd.f32 $-1.666666720e-01, v4;
	v5 =	vadd.f32 $-1.666666720e-01, v5;
	v2 =	vmul.f32 v2, v42  }
0x434: {  	v7 =	vadd.f32 $-1.666666720e-01, v7;
	v8 =	vmul.f32 v8, v38;
	v38 =	vmul.f32 v60, v34  }
0x435: {  	v9 =	vadd.f32 $-1.666666720e-01, v9;
	v0 =	vmul.f32 v0, v43;
	v4 =	vmul.f32 v4, v37  }
0x436: {  	v57 =	vadd.f32 $-1.666666720e-01, v41;
	v5 =	vmul.f32 v5, v36;
	v7 =	vmul.f32 v7, v39  }
0x437: {  	v9 =	vmul.f32 v9, v35;
	v36 =	vadd.f32 $8.333333770e-03, v58;
	v39 =	vadd.f32 $8.333333770e-03, v61  }
0x438: {  	v37 =	vmul.f32 v59, v32;
	v1 =	vadd.f32 $1.000000000e+00, v1;
	v3 =	vadd.f32 $1.000000000e+00, v3  }
0x439: {  	v41 =	vmul.f32 v63, v30;
	v38 =	vadd.f32 $-1.666666720e-01, v38;
	v2 =	vadd.f32 $1.000000000e+00, v2  }
0x43a: {  	v8 =	vadd.f32 $1.000000000e+00, v8;
	v35 =	vmul.f32 v57, v40;
	v40 =	vadd.f32 $8.333333770e-03, v62  }
0x43b: {  	v36 =	vmul.f32 v36, v33;
	v37 =	vadd.f32 $-1.666666720e-01, v37;
	v39 =	vmul.f32 v39, v31  }
0x43c: {  	v41 =	vadd.f32 $-1.666666720e-01, v41;
	v1 =	vmul.f32 v1, v18;
	v3 =	vmul.f32 v3, v11  }
0x43d: {  	v48 =	vld [tilespmem:s16+$0xDBB0];
	v0 =	vadd.f32 $1.000000000e+00, v0;
	v43 =	vmul.f32 v38, v34;
	v40 =	vmul.f32 v40, v29  }
0x43e: {  	v51 =	vld [tilespmem:s16+$0x103D0];
	v7 =	vadd.f32 $1.000000000e+00, v7;
	v2 =	vmul.f32 v2, v21;
	v8 =	vmul.f32 v8, v10  }
0x43f: {  	v52 =	vld [tilespmem:s16+$0xDB90];
	v42 =	vmul.f32 v37, v32;
	v45 =	vadd.f32 $-1.666666720e-01, v39;
	v46 =	vadd.f32 $-1.666666720e-01, v40  }
0x440: {  	v54 =	vld [tilespmem:s16+$0xDBD0];
	v36 =	vadd.f32 $-1.666666720e-01, v36;
	v44 =	vmul.f32 v41, v30;
	v0 =	vmul.f32 v0, v20  }
0x441: {  	v56 =	vld [tilespmem:s16+$0xE390];
	v4 =	vadd.f32 $1.000000000e+00, v4;
	v49 =	vmul.f32 v45, v31;
	v50 =	vmul.f32 v46, v29  }
0x442: {  	v60 =	vld [tilespmem:s16+$0xDBA0];
	v9 =	vadd.f32 $1.000000000e+00, v9;
	v7 =	vmul.f32 v7, v22;
	v47 =	vmul.f32 v36, v33  }
0x443: {  	v58 =	vld [tilespmem:s16+$0xE3D0];
	v4 =	vmul.f32 v4, v19;
	v53 =	vadd.f32 $1.000000000e+00, v49;
	v29 =	vadd.f32 $1.000000000e+00, v50  }
0x444: {  	v62 =	vld [tilespmem:s16+$0xDBE0];
	v9 =	vmul.f32 v9, v12;
	v55 =	vadd.f32 $1.000000000e+00, v43;
	v59 =	vadd.f32 $1.000000000e+00, v47  }
0x445: {  	v34 =	vld [tilespmem:s16+$0xE3E0];
	v61 =	vadd.f32 $1.000000000e+00, v35;
	v57 =	vmul.f32 v53, v27;
	v28 =	vmul.f32 v29, v28  }
0x446: {  	v39 =	vld [tilespmem:s16+$0xDBF0];
	v30 =	vadd.f32 $1.000000000e+00, v44;
	v23 =	vmul.f32 v55, v23;
	v24 =	vmul.f32 v59, v24  }
0x447: {  	v41 =	vld [tilespmem:s16+$0xE3B0];
	v18 =	vmul.f32 v57, v52;
	v63 =	vmul.f32 v28, v54  }
0x448: {  	v33 =	vld [tilespmem:s16+$0xE3A0];
	v16 =	vmul.f32 v61, v16;
	v35 =	vadd.f32 $1.000000000e+00, v42;
	v17 =	vmul.f32 v30, v17  }
0x449: {  	v43 =	vld [tilespmem:s16+$0x103F0];
	v38 =	vmul.f32 v23, v56;
	v21 =	vmul.f32 v24, v58;
	v18 =	vadd.f32 v63, v18  }
0x44a: {  	v40 =	vld [tilespmem:s16+$0x103E0];
	v16 =	vmul.f32 v16, v60;
	v15 =	vmul.f32 v35, v15  }
0x44b: {  	v42 =	vld [tilespmem:s16+$0xE3F0];
	v17 =	vmul.f32 v17, v62;
	v19 =	vadd.f32 v21, v38;
	v18 =	vadd.f32 v18, v51  }
0x44c: {  	v5 =	vadd.f32 $1.000000000e+00, v5;
	v4 =	vmul.f32 v4, v48;
	v44 =	vld [tilespmem:s16+$0xDBC0];
	v15 =	vmul.f32 v15, v34  }
0x44d: {  	v48 =	vld [tilespmem:s16+$0xDC00];
	v7 =	vmul.f32 v7, v33;
	v16 =	vadd.f32 v17, v16;
	v18 =	vsub.f32 v18, v19  }
0x44e: {  	v5 =	vmul.f32 v5, v13;
	v45 =	vand.u32 $0x7FFFFFFF, v25;
	v49 =	vld [tilespmem:s16+$0xE3C0];
	v9 =	vmul.f32 v9, v39  }
0x44f: {  	v50 =	vld [tilespmem:s16+$0xE400];
	v7 =	vadd.f32 v15, v7;
	v46 =	vadd.f32 v16, v40;
	v18 =	vand.u32 $0x7FFFFFFF, v18  }
0x450: {  	v0 =	vmul.f32 v0, v41;
	v56 =	vld [tilespmem:$0x1FED0];
	v4 =	vadd.f32 v9, v4;
	v47 =	vadd.f32 v18, v45  }
0x451: {  	v53 =	vld [tilespmem:s29+$0x10];
	v5 =	vmul.f32 v5, v42;
	v7 =	vsub.f32 v46, v7;
	v51 =	vand.u32 $0x7FFFFFFF, v26  }
0x452: {  	v2 =	vmul.f32 v2, v44;
	v8 =	vmul.f32 v8, v48;
	v54 =	vld [tilespmem:s16+$0x10400];
	v52 =	vadd.f32 v51, v47  }
0x453: {  	v0 =	vadd.f32 v5, v0;
	v4 =	vadd.f32 v4, v43;
	v7 =	vand.u32 $0x7FFFFFFF, v7  }
0x454: {  	v1 =	vmul.f32 v1, v49;
	v3 =	vmul.f32 v3, v50;
	v7 =	vadd.f32 v7, v52  }
0x455: {  	v55 =	vand.u32 $0x7FFFFFFF, v14;
	v2 =	vadd.f32 v8, v2;
	v0 =	vsub.f32 v4, v0  }
0x456: {  	v1 =	vadd.f32 v3, v1;
	v4 =	vadd.f32 v55, v7  }
0x457: {  	v0 =	vand.u32 $0x7FFFFFFF, v0;
	v2 =	vadd.f32 v2, v54;
	v7 =	vsub.f32 v56, v53  }
0x458: {  	v0 =	vadd.f32 v0, v4  }
0x459: {  	v58 =	vld [tilespmem:$0x1FFC0];
	v1 =	vsub.f32 v2, v1;
	v57 =	vand.u32 $0x7FFFFFFF, v7  }
0x45a: {  	v0 =	vadd.f32 v57, v0  }
0x45b: {  	v1 =	vand.u32 $0x7FFFFFFF, v1  }
0x45c: {  	v0 =	vadd.f32 v1, v0  }
0x45d: {  	v59 =	vld [tilespmem:$0x1FFE0]  }
0x45e: {  	v1 =	vperm.xlane v0, v58;
	_ =	sdelay $0x1  }
0x45f: {  	v0 =	vadd.f32 v0, v1  }
0x460: {  	v60 =	vld [tilespmem:$0x1FFF0]  }
0x461: {  	v1 =	vperm.xlane v0, v59;
	_ =	sdelay $0x1  }
0x462: {  	v0 =	vadd.f32 v0, v1  }
0x463: {  	v61 =	vld [tilespmem:$0x1FFD0]  }
0x464: {  	v1 =	vperm.xlane v0, v60;
	_ =	sdelay $0x1  }
0x465: {  	v0 =	vadd.f32 v0, v1;
	_ =	sdelay $0x1  }
0x466: {  	v63 =	vld [tilespmem:$0x1FEB0];
	v1 =	vperm.xlane v0, v61  }
0x467: {  	s3 =	sadd.s32 $0x1, s3  }
0x468: {  	p0 =	sne.s32 s3, $0x8;
	v0 =	vadd.f32 v0, v1  }
.Ltmp4:
0x469: {  	_ = 	snop;
	(pc) =	sbr.rel @p0 .LBB2_2-.Ltmp4, $4  }
0x46a: {  	v62 =	vlaneseq.u32;
	v0 =	vsub.f32 $0.0e+00, v0  }
0x46b: {  	vm0 =	veq.s32 v63, v62  }
0x46c: {  	v0 =	vsel vm0, v0, v6  }
0x46d: {  	[tilespmem:s15+$0xA00] =	vst v0  }
0x46e: {  	s15 =	simm.s32 $0x0;
	s1 =	rddreg [dreg:$0xc];
	s3 =	simm.s32 $0xA00  }
0x46f: {  	[hbm4b:s1+s15] =	stream.linear.scatter [tilespmem:s3], [sflag:$0x5], $0x200, $0x38;
	[tilespmem:$0x10C00] =	vst v63  }
0x470: {  	s3 =	simm.s32 $0x5  }
0x471: {  	_ =	swait.ge [sflag:s3], $0x200  }
0x472: {  	s16 =	rddreg [dreg:$0xe]  }
0x473: {  	s31 =	rddreg [dreg:$0xd];
	s16 =	sadd.s32 $0x1, s16  }
0x474: {  	p0 =	sne.s32 s16, s31  }
.Ltmp5:
0x475: {  	_ = 	snop;
	(pc) =	sbr.rel @p0 .LBB2_1-.Ltmp5, $3  }
0x476: {  	_ =	sdelay $0x1  }
0x477: {  	[sflag:s3] =	ssyncset.done $0x0  }
0x478: {  	[sflag:s3] =	ssyncadd.s32 $0xFFFFFE00  }
0x479: {  	_ =	sfence.sel $0x180000  }
0x47a: {  	[bflag:$0x0] =	sbarrier.arrive $0xFFFF  }
0x47b: {  	_ =	strace $0x90000047  }
0x47c: {  	s0 =	stileid.u32;
	[bflag:$0x2] =	sbarrier.arrive $0xFFFF  }
0x47d: {  	p0 =	sne.s32 s0, $0x0;
	s0 =	rddreg [dreg:$0x6]  }
0x47e: {  	s0 =	sadd.s32 @!p0 $0x100000, s0  }
0x47f: {  	[sflag:s0] =	ssyncadd.tile.s32 @!p0 $0x1;
	_ =	shalt  }
.Lfunc_end2:
_tile_overlayer_lowered:
.L_overlay_start_2:
0x480: {  	(tag) =	ssettag $0x2  }
0x481: {  	s0 =	rddreg [dreg:$0x0];
	s2 =	stileid.u32  }
0x482: {  	s1 =	rddreg [dreg:$0x1];
	p0 =	sne.s32 s2, $0x0  }
0x483: {  	s3 =	rddreg [dreg:$0x2];
	[bflag:$0x3] =	sbarrier.arrive $0xFFFF;
	s2 =	simm.s32 @!p0 $0x1C05  }
0x484: {  	[timem:s3], [sflag:s2] =	dma.local @!p0 [hbm:s0], s1  }
0x485: {  	s0 =	simm.s32 @!p0 $0x5  }
0x486: {  	_ =	swait.ge @!p0 [sflag:s0], s1  }
0x487: {  	s1 =	ssub.s32 @!p0 $0x0, s1;
	[sflag:s0] =	ssyncset.done @!p0 $0x0  }
0x488: {  	[sflag:s0] =	ssyncadd.s32 @!p0 s1  }
0x489: {  	[bflag:$0x3] =	sbarrier.arrive $0xFFFF  }
0x48a: {  	_ =	shalt  }

</sc_bundles>
